<compile_context>
chip_gen: v7x
topology: tpu7x:2x2x1
jax: 0.10.2.dev20260603
libtpu: 0.0.44.dev20260713+nightly
codegen_flags: <defaults>
</compile_context>

<pallas_src>
import functools

import numpy as np

import jax
import jax.numpy as jnp
from jax import lax
from jax.experimental import pallas as pl
from jax.experimental.pallas import tpu as pltpu
from jax.experimental.pallas import tpu_sc as plsc

EPS = 1e-3
NC = 2
NS = 16
LANES = 16


def _interleave_perm(d):
    perm = np.zeros(d, dtype=np.int32)
    for b in range(d // 32):
        for i in range(16):
            perm[32 * b + 2 * i] = 32 * b + i
            perm[32 * b + 2 * i + 1] = 32 * b + 16 + i
    return perm


def _k1_body(x_ref, w1_ref, w2_ref, p_ref, q_ref):
    x = x_ref[...]
    p_ref[...] = jnp.dot(x, w1_ref[...], preferred_element_type=jnp.float32)
    q_ref[...] = jnp.dot(x, w2_ref[...], preferred_element_type=jnp.float32)


def _make_pq(x, w1, w2):
    n, d = x.shape
    return pl.pallas_call(
        _k1_body,
        out_shape=(
            jax.ShapeDtypeStruct((n, d), jnp.float32),
            jax.ShapeDtypeStruct((n, d), jnp.float32),
        ),
    )(x, w1, w2)


def _sc_gather_sum(p, q, idx1, idx0):
    n, d = p.shape
    e = idx1.shape[0]
    nw = NC * NS
    per = e // nw
    assert per * nw == e
    chunk = 80
    nchunks = per // chunk
    assert nchunks * chunk == per
    assert nchunks % 3 == 2

    mesh = plsc.VectorSubcoreMesh(core_axis_name="c", subcore_axis_name="s")

    buf_scratch = []
    for _ in range(3):
        buf_scratch += [
            pltpu.VMEM((chunk, d), jnp.float32),
            pltpu.VMEM((chunk, d), jnp.float32),
            pltpu.SemaphoreType.DMA,
            pltpu.SemaphoreType.DMA,
            pltpu.SemaphoreType.DMA,
        ]

    @functools.partial(
        pl.kernel,
        out_type=jax.ShapeDtypeStruct((e, d), jnp.float32),
        mesh=mesh,
        scratch_types=[
            pltpu.VMEM((per,), jnp.int32),
            pltpu.VMEM((per,), jnp.int32),
        ] + buf_scratch,
    )
    def k2(p_hbm, q_hbm, i1_hbm, i0_hbm, g_hbm, i1_v, i0_v, *bufrefs):
        wid = lax.axis_index("s") * NC + lax.axis_index("c")
        base = wid * per
        bufs = [tuple(bufrefs[5 * t:5 * t + 5]) for t in range(3)]

        pltpu.sync_copy(i1_hbm.at[pl.ds(base, per)], i1_v)
        pltpu.sync_copy(i0_hbm.at[pl.ds(base, per)], i0_v)

        def issue(k, buf):
            rp, rq, sp, sq, _ = buf
            sl = pl.ds(k * chunk, chunk)
            pltpu.async_copy(p_hbm.at[i1_v.at[sl]], rp, sp)
            pltpu.async_copy(q_hbm.at[i0_v.at[sl]], rq, sq)

        def drain_write(k, buf):
            rp, _, _, _, ws = buf
            pltpu.make_async_copy(
                rp, g_hbm.at[pl.ds(base + k * chunk, chunk)], ws).wait()

        def process_add(k, buf):
            rp, rq, sp, sq, _ = buf
            sl = pl.ds(k * chunk, chunk)
            pltpu.make_async_copy(p_hbm.at[i1_v.at[sl]], rp, sp).wait()
            pltpu.make_async_copy(q_hbm.at[i0_v.at[sl]], rq, sq).wait()

            @plsc.parallel_loop(0, chunk, unroll=2)
            def _row(r):
                for j in range(d // LANES):
                    fsl = pl.ds(j * LANES, LANES)
                    rp[r, fsl] = rp[r, fsl] + rq[r, fsl]

        def write_async(k, buf):
            rp, _, _, _, ws = buf
            pltpu.async_copy(rp, g_hbm.at[pl.ds(base + k * chunk, chunk)], ws)

        issue(0, bufs[0])
        issue(1, bufs[1])

        def body3(kk, carry):
            k0 = 3 * kk
            for t in range(3):
                k = k0 + t
                b_cur = bufs[t]
                b_nxt = bufs[(t + 2) % 3]

                @pl.when(k >= 1)
                def _():
                    drain_write(k - 1, b_nxt)

                issue(k + 2, b_nxt)
                process_add(k, b_cur)
                write_async(k, b_cur)
            return carry

        lax.fori_loop(0, (nchunks - 2) // 3, body3, 0)
        for k, bi in ((nchunks - 2, 0), (nchunks - 1, 1)):
            rp = bufs[bi][0]
            process_add(k, bufs[bi])
            pltpu.sync_copy(rp, g_hbm.at[pl.ds(base + k * chunk, chunk)])
        drain_write(nchunks - 3, bufs[2])

    return k2(p, q, idx1, idx0)


def _k3a_body(nsteps, etotal, g_ref, eat_ref, w3_ref, be_ref,
              gam_ref, bet_ref, s_ref, ss_ref, a_ref, c_ref):
    i = pl.program_id(0)
    ea_term = lax.dot_general(eat_ref[...], w3_ref[...],
                              (((0,), (0,)), ((), ())),
                              preferred_element_type=jnp.float32)
    h = g_ref[...] + ea_term + be_ref[...]
    h = jnp.maximum(h, 0.0)

    @pl.when(i == 0)
    def _():
        s_ref[...] = jnp.zeros_like(s_ref)
        ss_ref[...] = jnp.zeros_like(ss_ref)

    s_ref[...] += jnp.sum(h, axis=0, keepdims=True)
    ss_ref[...] += jnp.sum(h * h, axis=0, keepdims=True)

    @pl.when(i == nsteps - 1)
    def _():
        mean = s_ref[...] / etotal
        var = ss_ref[...] / etotal - mean * mean
        a = gam_ref[...] * lax.rsqrt(var + EPS)
        a_ref[...] = a
        c_ref[...] = bet_ref[...] - mean * a


def _edge_stats(g, eat, w3, b_e, gamma_e, beta_e):
    e, d = g.shape
    de = eat.shape[0]
    blk = 6400
    nsteps = e // blk
    assert nsteps * blk == e
    body = functools.partial(_k3a_body, nsteps, float(e))
    rvec = pl.BlockSpec((1, d), lambda i: (0, 0))
    return pl.pallas_call(
        body,
        grid=(nsteps,),
        in_specs=[
            pl.BlockSpec((blk, d), lambda i: (i, 0)),
            pl.BlockSpec((de, blk), lambda i: (0, i)),
            pl.BlockSpec((de, d), lambda i: (0, 0)),
            rvec, rvec, rvec,
        ],
        out_specs=[rvec, rvec, rvec, rvec],
        out_shape=[jax.ShapeDtypeStruct((1, d), jnp.float32)] * 4,
    )(g, eat, w3, b_e.reshape(1, d), gamma_e.reshape(1, d),
      beta_e.reshape(1, d))


def _k3b_body(g_ref, eat_ref, w3_ref, be_ref, a_ref, c_ref, eu_ref):
    ea_term = lax.dot_general(eat_ref[...], w3_ref[...],
                              (((0,), (0,)), ((), ())),
                              preferred_element_type=jnp.float32)
    h = g_ref[...] + ea_term + be_ref[...]
    h = jnp.maximum(h, 0.0)
    eu_ref[...] = jnp.maximum(a_ref[...] * h + c_ref[...], 0.0)


def _edge_apply(g, eat, w3, b_e, a, c):
    e, d = g.shape
    de = eat.shape[0]
    blk = 6400
    nsteps = e // blk
    rvec = pl.BlockSpec((1, d), lambda i: (0, 0))
    return pl.pallas_call(
        _k3b_body,
        grid=(nsteps,),
        in_specs=[
            pl.BlockSpec((blk, d), lambda i: (i, 0)),
            pl.BlockSpec((de, blk), lambda i: (0, i)),
            pl.BlockSpec((de, d), lambda i: (0, 0)),
            rvec, rvec, rvec,
        ],
        out_specs=pl.BlockSpec((blk, d), lambda i: (i, 0)),
        out_shape=jax.ShapeDtypeStruct((e, d), jnp.float32),
    )(g, eat, w3, b_e.reshape(1, d), a, c)


def _sc_scatter(eu, rev0, n):
    e, d = eu.shape
    nw = NC * NS
    per = e // nw
    chunk = 80
    nchunks = per // chunk
    assert nchunks * chunk == per
    zblk = 128
    rows_per_tile = ((n + NS - 1) // NS + zblk - 1) // zblk * zblk
    npad = NS * rows_per_tile
    nz = rows_per_tile // zblk

    mesh = plsc.VectorSubcoreMesh(core_axis_name="c", subcore_axis_name="s")

    @functools.partial(
        pl.kernel,
        out_type=jax.ShapeDtypeStruct((NC, npad, d), jnp.float32),
        mesh=mesh,
        scratch_types=[
            pltpu.VMEM((zblk, d), jnp.float32),
            pltpu.VMEM_SHARED((npad, d), jnp.float32),
        ] + [
            t
            for _ in range(3)
            for t in (pltpu.VMEM((chunk,), jnp.int32),
                      pltpu.VMEM((chunk, d), jnp.float32),
                      pltpu.SemaphoreType.DMA,
                      pltpu.SemaphoreType.DMA)
        ],
    )
    def k4(eu_hbm, rev_hbm, agg_hbm, z_v, agg_sh, *bufrefs):
        cid = lax.axis_index("c")
        sid = lax.axis_index("s")
        wid = sid * NC + cid
        base = wid * per
        bufs = [tuple(bufrefs[4 * t:4 * t + 4]) for t in range(3)]

        @plsc.parallel_loop(0, zblk, unroll=2)
        def _zrow(r):
            for j in range(d // LANES):
                z_v[r, pl.ds(j * LANES, LANES)] = jnp.zeros((LANES,), jnp.float32)

        for t in range(nz):
            pltpu.sync_copy(z_v, agg_sh.at[pl.ds(sid * rows_per_tile + t * zblk, zblk)])
        plsc.subcore_barrier()

        def issue(k, buf):
            idx_v, h_v, sh, si = buf
            off = base + k * chunk
            pltpu.async_copy(eu_hbm.at[pl.ds(off, chunk)], h_v, sh)
            pltpu.async_copy(rev_hbm.at[pl.ds(off, chunk)], idx_v, si)

        def process(k, buf):
            idx_v, h_v, sh, si = buf
            off = base + k * chunk
            pltpu.make_async_copy(eu_hbm.at[pl.ds(off, chunk)], h_v, sh).wait()
            pltpu.make_async_copy(rev_hbm.at[pl.ds(off, chunk)], idx_v, si).wait()
            pltpu.sync_copy(h_v, agg_sh.at[idx_v], add=True)

        issue(0, bufs[0])
        issue(1, bufs[1])

        assert nchunks % 3 == 2
        def body3(kk, carry):
            k0 = 3 * kk
            for t in range(3):
                k = k0 + t
                issue(k + 2, bufs[(t + 2) % 3])
                process(k, bufs[t])
            return carry

        lax.fori_loop(0, (nchunks - 2) // 3, body3, 0)
        process(nchunks - 2, bufs[0])
        process(nchunks - 1, bufs[1])
        plsc.subcore_barrier()

        for t in range(nz):
            r0 = sid * rows_per_tile + t * zblk
            pltpu.sync_copy(agg_sh.at[pl.ds(r0, zblk)], z_v)
            pltpu.sync_copy(z_v, agg_hbm.at[cid, pl.ds(r0, zblk)])

    return k4(eu, rev0)


def _k5_body(x_ref, agg_ref, w1a_ref, w1b_ref, b1_ref, g1_ref, be1_ref,
             w2_ref, b2_ref, g2_ref, be2_ref, gn_ref, ben_ref,
             wn_ref, bn_ref, out_ref):
    n = x_ref.shape[0]
    ones = jnp.ones((1, n), jnp.float32)

    def bn(x, g, b):
        m = jnp.dot(ones, x, preferred_element_type=jnp.float32) / n
        xc = x - m
        v = jnp.dot(ones, xc * xc, preferred_element_type=jnp.float32) / n
        return g * xc * lax.rsqrt(v + EPS) + b

    agg = agg_ref[0] + agg_ref[1]
    h = (jnp.dot(x_ref[...], w1a_ref[...], preferred_element_type=jnp.float32)
         + jnp.dot(agg, w1b_ref[...], preferred_element_type=jnp.float32)
         + b1_ref[...])
    h = jnp.maximum(bn(h, g1_ref[...], be1_ref[...]), 0.0)
    h = jnp.dot(h, w2_ref[...], preferred_element_type=jnp.float32) + b2_ref[...]
    h = jnp.maximum(bn(h, g2_ref[...], be2_ref[...]), 0.0)
    h = bn(h, gn_ref[...], ben_ref[...])
    h = jnp.dot(h, wn_ref[...], preferred_element_type=jnp.float32) + bn_ref[...]
    out_ref[...] = jnp.maximum(h, 0.0)


def _node_mlp(x, aggp, w1a, w1b, b1, g1, be1, w2, b2, g2, be2, gn, ben, wn, bn):
    n, d = x.shape
    r = lambda v: v.reshape(1, d)
    return pl.pallas_call(
        _k5_body,
        out_shape=jax.ShapeDtypeStruct((n, d), jnp.float32),
    )(x, aggp, w1a, w1b, r(b1), r(g1), r(be1), w2, r(b2), r(g2), r(be2),
      r(gn), r(ben), wn, r(bn))


def kernel(node_attributes, edge_attributes, edge_indices, edge_indices_reverse,
           W_e, b_e, gamma_e, beta_e, W_g1, b_g1, gamma_g1, beta_g1,
           W_g2, b_g2, gamma_g2, beta_g2, gamma_n, beta_n, W_nu, b_nu):
    n, d = node_attributes.shape
    idx1 = edge_indices[:, 1].astype(jnp.int32)
    idx0 = edge_indices[:, 0].astype(jnp.int32)
    rev0 = edge_indices_reverse[:, 0].astype(jnp.int32)

    p, q = _make_pq(node_attributes, W_e[:d], W_e[d:2 * d])
    g = _sc_gather_sum(p, q, idx1, idx0)
    eat = edge_attributes.T
    w3 = W_e[2 * d:]
    _, _, a, c = _edge_stats(g, eat, w3, b_e, gamma_e, beta_e)
    eu = _edge_apply(g, eat, w3, b_e, a, c)
    aggp = _sc_scatter(eu, rev0, n)
    aggp = aggp[:, :n]
    node_final = _node_mlp(node_attributes, aggp,
                           W_g1[:d], W_g1[d:], b_g1, gamma_g1, beta_g1,
                           W_g2, b_g2, gamma_g2, beta_g2,
                           gamma_n, beta_n, W_nu, b_nu)
    return (node_final, eu)

# --- scband reference (transcript-rebuilt; emitter-appended) ---
"""Pipeline reference for scband-contrastive-dginlayer-23330262352382 (READ-ONLY COPY).

The authoritative reference and input builder live on the scoring server;
editing this copy changes nothing except your own understanding.
"""

import jax, jax.numpy as jnp
import numpy as np

N = 10000
E = 320000
D = 128
DE = 16


def _graph_batch_norm(x, gamma, beta, eps=1e-3):
    mean = jnp.mean(x, axis=0, keepdims=True)
    var = jnp.var(x, axis=0, keepdims=True)
    return gamma * (x - mean) / jnp.sqrt(var + eps) + beta


def setup_inputs(seed: int = 0):
    key = jax.random.key(seed)
    ks = jax.random.split(key, 16)
    inp = {}
    inp['node_attributes'] = jax.random.normal(ks[0], (N, D), dtype=jnp.float32)
    inp['edge_attributes'] = jax.random.normal(ks[1], (E, DE), dtype=jnp.float32)
    inp['edge_indices'] = jax.random.randint(ks[2], (E, 2), 0, N)
    inp['edge_indices_reverse'] = jax.random.randint(ks[3], (E, 2), 0, N)
    # edge_mlp: Dense(2*D + DE -> D) + relu
    fan_e = 2 * D + DE
    inp['W_e'] = jax.random.normal(ks[4], (fan_e, D), dtype=jnp.float32) / np.sqrt(fan_e)
    inp['b_e'] = jnp.zeros((D,), dtype=jnp.float32)
    inp['gamma_e'] = jnp.ones((D,), dtype=jnp.float32)
    inp['beta_e'] = jnp.zeros((D,), dtype=jnp.float32)
    # gin_mlp: two layers Dense -> graph_batch_norm -> relu
    inp['W_g1'] = jax.random.normal(ks[5], (2 * D, D), dtype=jnp.float32) / np.sqrt(2 * D)
    inp['b_g1'] = jnp.zeros((D,), dtype=jnp.float32)
    inp['gamma_g1'] = jnp.ones((D,), dtype=jnp.float32)
    inp['beta_g1'] = jnp.zeros((D,), dtype=jnp.float32)
    inp['W_g2'] = jax.random.normal(ks[6], (D, D), dtype=jnp.float32) / np.sqrt(D)
    inp['b_g2'] = jnp.zeros((D,), dtype=jnp.float32)
    inp['gamma_g2'] = jnp.ones((D,), dtype=jnp.float32)
    inp['beta_g2'] = jnp.zeros((D,), dtype=jnp.float32)
    # node_norm
    inp['gamma_n'] = jnp.ones((D,), dtype=jnp.float32)
    inp['beta_n'] = jnp.zeros((D,), dtype=jnp.float32)
    # node_update: Dense(D -> D) + relu
    inp['W_nu'] = jax.random.normal(ks[7], (D, D), dtype=jnp.float32) / np.sqrt(D)
    inp['b_nu'] = jnp.zeros((D,), dtype=jnp.float32)
    return inp


def reference(node_attributes, edge_attributes, edge_indices, edge_indices_reverse,
              W_e, b_e, gamma_e, beta_e,
              W_g1, b_g1, gamma_g1, beta_g1,
              W_g2, b_g2, gamma_g2, beta_g2,
              gamma_n, beta_n, W_nu, b_nu):
    # GatherNodesOutgoing: source nodes at index 1; GatherNodesIngoing: index 0
    edge_in = jnp.take(node_attributes, edge_indices[:, 1], axis=0)
    edge_out = jnp.take(node_attributes, edge_indices[:, 0], axis=0)
    edge_concat = jnp.concatenate([edge_in, edge_out, edge_attributes], axis=-1)
    # edge_mlp: dense + relu
    edge_updated = jax.nn.relu(edge_concat @ W_e + b_e)
    # edge_norm (graph batch normalization over all edges)
    edge_updated = _graph_batch_norm(edge_updated, gamma_e, beta_e)
    # edge_activation
    edge_updated = jax.nn.relu(edge_updated)
    # AggregateLocalEdges: scatter-sum edge features to receiving nodes (index 0 of reverse indices)
    node_aggregated = jax.ops.segment_sum(edge_updated, edge_indices_reverse[:, 0], num_segments=N)
    node_concat = jnp.concatenate([node_attributes, node_aggregated], axis=-1)
    # gin_mlp: two blocks of dense -> graph_batch_norm -> relu
    h = node_concat @ W_g1 + b_g1
    h = _graph_batch_norm(h, gamma_g1, beta_g1)
    h = jax.nn.relu(h)
    h = h @ W_g2 + b_g2
    h = _graph_batch_norm(h, gamma_g2, beta_g2)
    h = jax.nn.relu(h)
    # node_norm
    node_updated = _graph_batch_norm(h, gamma_n, beta_n)
    # node_update: dense + relu
    node_final = jax.nn.relu(node_updated @ W_nu + b_nu)
    return (node_final, edge_updated)

if __name__ == "__main__":
    import jax
    _d = setup_inputs()
    print(jax.jit(kernel)(*tuple(_d.values())))

</pallas_src>

<mosaic_0001>
#map = affine_map<(d0, d1) -> (0, 0)>
#map1 = affine_map<(d0, d1) -> (0)>
module attributes {stable_mosaic.version = 14 : i64} {
  func.func @k2(%arg0: i32, %arg1: i32, %arg2: memref<10000x128xf32, #tpu.memory_space<hbm>>, %arg3: memref<10000x128xf32, #tpu.memory_space<hbm>>, %arg4: memref<320000xi32, #tpu.memory_space<hbm>>, %arg5: memref<320000xi32, #tpu.memory_space<hbm>>, %arg6: memref<320000x128xf32, #tpu.memory_space<hbm>>, %arg7: memref<10000xi32, #tpu.memory_space<vmem>>, %arg8: memref<10000xi32, #tpu.memory_space<vmem>>, %arg9: memref<80x128xf32, #tpu.memory_space<vmem>>, %arg10: memref<80x128xf32, #tpu.memory_space<vmem>>, %arg11: memref<!tpu.dma_semaphore, #tpu.memory_space<semaphore_mem>>, %arg12: memref<!tpu.dma_semaphore, #tpu.memory_space<semaphore_mem>>, %arg13: memref<!tpu.dma_semaphore, #tpu.memory_space<semaphore_mem>>, %arg14: memref<80x128xf32, #tpu.memory_space<vmem>>, %arg15: memref<80x128xf32, #tpu.memory_space<vmem>>, %arg16: memref<!tpu.dma_semaphore, #tpu.memory_space<semaphore_mem>>, %arg17: memref<!tpu.dma_semaphore, #tpu.memory_space<semaphore_mem>>, %arg18: memref<!tpu.dma_semaphore, #tpu.memory_space<semaphore_mem>>, %arg19: memref<80x128xf32, #tpu.memory_space<vmem>>, %arg20: memref<80x128xf32, #tpu.memory_space<vmem>>, %arg21: memref<!tpu.dma_semaphore, #tpu.memory_space<semaphore_mem>>, %arg22: memref<!tpu.dma_semaphore, #tpu.memory_space<semaphore_mem>>, %arg23: memref<!tpu.dma_semaphore, #tpu.memory_space<semaphore_mem>>) attributes {dimension_semantics = [#tpu.dimension_semantics<core_parallel>, #tpu.dimension_semantics<subcore_parallel>], iteration_bounds = array<i64: 2, 16>, scalar_prefetch = 0 : i64, scratch_operands = 17 : i64, tpu.core_type = #tpu.core_type<sc_vector_subcore>, window_params = [{transform_indices = #map}, {transform_indices = #map}, {transform_indices = #map1}, {transform_indices = #map1}, {transform_indices = #map}]} {
    %mul3A = arith.constant 2 : i32
    %mul3A_0 = arith.muli %arg1, %mul3A : i32
    %add3A = arith.addi %mul3A_0, %arg0 : i32
    %mul3A_1 = arith.constant 10000 : i32
    %mul3A_2 = arith.muli %add3A, %mul3A_1 : i32
    "tpu.region"() ({
      %run_scoped3A = tpu.sem_alloc : memref<!tpu.dma_semaphore, #tpu.memory_space<semaphore_mem>>
      %dma_start3A_61 = tpu.memref_slice %arg4[%mul3A_2] : memref<320000xi32, #tpu.memory_space<hbm>> -> memref<10000xi32, #tpu.memory_space<hbm>>
      %dma_start3A_62 = tpu.memref_slice %arg4[%mul3A_2] : memref<320000xi32, #tpu.memory_space<hbm>> -> memref<10000xi32, #tpu.memory_space<hbm>>
      tpu.enqueue_dma source(%dma_start3A_62 : memref<10000xi32, #tpu.memory_space<hbm>>) target(%arg7 : memref<10000xi32, #tpu.memory_space<vmem>>) target_semaphore(%run_scoped3A : memref<!tpu.dma_semaphore, #tpu.memory_space<semaphore_mem>>)
      %dma_wait3A_63 = tpu.memref_slice %arg4[%mul3A_2] : memref<320000xi32, #tpu.memory_space<hbm>> -> memref<10000xi32, #tpu.memory_space<hbm>>
      %dma_wait3A_64 = tpu.memref_slice %arg4[%mul3A_2] : memref<320000xi32, #tpu.memory_space<hbm>> -> memref<10000xi32, #tpu.memory_space<hbm>>
      tpu.wait_dma2 semaphore(%run_scoped3A : memref<!tpu.dma_semaphore, #tpu.memory_space<semaphore_mem>>) src(%dma_wait3A_64 : memref<10000xi32, #tpu.memory_space<hbm>>) dst(%arg7 : memref<10000xi32, #tpu.memory_space<vmem>>)
      tpu.yield
    }) : () -> ()
    "tpu.region"() ({
      %run_scoped3A = tpu.sem_alloc : memref<!tpu.dma_semaphore, #tpu.memory_space<semaphore_mem>>
      %dma_start3A_61 = tpu.memref_slice %arg5[%mul3A_2] : memref<320000xi32, #tpu.memory_space<hbm>> -> memref<10000xi32, #tpu.memory_space<hbm>>
      %dma_start3A_62 = tpu.memref_slice %arg5[%mul3A_2] : memref<320000xi32, #tpu.memory_space<hbm>> -> memref<10000xi32, #tpu.memory_space<hbm>>
      tpu.enqueue_dma source(%dma_start3A_62 : memref<10000xi32, #tpu.memory_space<hbm>>) target(%arg8 : memref<10000xi32, #tpu.memory_space<vmem>>) target_semaphore(%run_scoped3A : memref<!tpu.dma_semaphore, #tpu.memory_space<semaphore_mem>>)
      %dma_wait3A_63 = tpu.memref_slice %arg5[%mul3A_2] : memref<320000xi32, #tpu.memory_space<hbm>> -> memref<10000xi32, #tpu.memory_space<hbm>>
      %dma_wait3A_64 = tpu.memref_slice %arg5[%mul3A_2] : memref<320000xi32, #tpu.memory_space<hbm>> -> memref<10000xi32, #tpu.memory_space<hbm>>
      tpu.wait_dma2 semaphore(%run_scoped3A : memref<!tpu.dma_semaphore, #tpu.memory_space<semaphore_mem>>) src(%dma_wait3A_64 : memref<10000xi32, #tpu.memory_space<hbm>>) dst(%arg8 : memref<10000xi32, #tpu.memory_space<vmem>>)
      tpu.yield
    }) : () -> ()
    %dma_start3A = arith.constant 0 : i32
    %dma_start3A_3 = tpu.memref_slice %arg7[%dma_start3A] : memref<10000xi32, #tpu.memory_space<vmem>> -> memref<80xi32, #tpu.memory_space<vmem>>
    %dma_start3A_4 = arith.constant 0 : i32
    %dma_start3A_5 = arith.constant 0 : i32
    %dma_start3A_6 = tpu.memref_slice %arg2[%dma_start3A_4, %dma_start3A_5] : memref<10000x128xf32, #tpu.memory_space<hbm>> -> memref<10000x128xf32, #tpu.memory_space<hbm>>
    tpu.enqueue_indirect_dma source(%dma_start3A_6 : memref<10000x128xf32, #tpu.memory_space<hbm>>) target(%arg9 : memref<80x128xf32, #tpu.memory_space<vmem>>) offsets(%dma_start3A_3 : memref<80xi32, #tpu.memory_space<vmem>>) semaphore(%arg11 : memref<!tpu.dma_semaphore, #tpu.memory_space<semaphore_mem>>)
    %dma_start3A_7 = arith.constant 0 : i32
    %dma_start3A_8 = tpu.memref_slice %arg8[%dma_start3A_7] : memref<10000xi32, #tpu.memory_space<vmem>> -> memref<80xi32, #tpu.memory_space<vmem>>
    %dma_start3A_9 = arith.constant 0 : i32
    %dma_start3A_10 = arith.constant 0 : i32
    %dma_start3A_11 = tpu.memref_slice %arg3[%dma_start3A_9, %dma_start3A_10] : memref<10000x128xf32, #tpu.memory_space<hbm>> -> memref<10000x128xf32, #tpu.memory_space<hbm>>
    tpu.enqueue_indirect_dma source(%dma_start3A_11 : memref<10000x128xf32, #tpu.memory_space<hbm>>) target(%arg10 : memref<80x128xf32, #tpu.memory_space<vmem>>) offsets(%dma_start3A_8 : memref<80xi32, #tpu.memory_space<vmem>>) semaphore(%arg12 : memref<!tpu.dma_semaphore, #tpu.memory_space<semaphore_mem>>)
    %dma_start3A_12 = arith.constant 80 : i32
    %dma_start3A_13 = tpu.memref_slice %arg7[%dma_start3A_12] : memref<10000xi32, #tpu.memory_space<vmem>> -> memref<80xi32, #tpu.memory_space<vmem>>
    %dma_start3A_14 = arith.constant 0 : i32
    %dma_start3A_15 = arith.constant 0 : i32
    %dma_start3A_16 = tpu.memref_slice %arg2[%dma_start3A_14, %dma_start3A_15] : memref<10000x128xf32, #tpu.memory_space<hbm>> -> memref<10000x128xf32, #tpu.memory_space<hbm>>
    tpu.enqueue_indirect_dma source(%dma_start3A_16 : memref<10000x128xf32, #tpu.memory_space<hbm>>) target(%arg14 : memref<80x128xf32, #tpu.memory_space<vmem>>) offsets(%dma_start3A_13 : memref<80xi32, #tpu.memory_space<vmem>>) semaphore(%arg16 : memref<!tpu.dma_semaphore, #tpu.memory_space<semaphore_mem>>)
    %dma_start3A_17 = arith.constant 80 : i32
    %dma_start3A_18 = tpu.memref_slice %arg8[%dma_start3A_17] : memref<10000xi32, #tpu.memory_space<vmem>> -> memref<80xi32, #tpu.memory_space<vmem>>
    %dma_start3A_19 = arith.constant 0 : i32
    %dma_start3A_20 = arith.constant 0 : i32
    %dma_start3A_21 = tpu.memref_slice %arg3[%dma_start3A_19, %dma_start3A_20] : memref<10000x128xf32, #tpu.memory_space<hbm>> -> memref<10000x128xf32, #tpu.memory_space<hbm>>
    tpu.enqueue_indirect_dma source(%dma_start3A_21 : memref<10000x128xf32, #tpu.memory_space<hbm>>) target(%arg15 : memref<80x128xf32, #tpu.memory_space<vmem>>) offsets(%dma_start3A_18 : memref<80xi32, #tpu.memory_space<vmem>>) semaphore(%arg17 : memref<!tpu.dma_semaphore, #tpu.memory_space<semaphore_mem>>)
    %scan3A = arith.constant 0 : i32
    %scan3A_22 = arith.constant 0 : i32
    %scan3A_23 = arith.constant 41 : i32
    %scan3A_24 = arith.addi %scan3A_22, %scan3A_23 : i32
    %scan3A_25 = arith.constant 1 : i32
    scf.for %scan3A_61 = %scan3A_22 to %scan3A_24 step %scan3A_25  : i32 {
      %mul3A_62 = arith.constant 3 : i32
      %mul3A_63 = arith.muli %mul3A_62, %scan3A_61 : i32
      %add3A_64 = arith.constant 0 : i32
      %add3A_65 = arith.addi %mul3A_63, %add3A_64 : i32
      %ge3A = arith.constant 1 : i32
      %ge3A_66 = arith.cmpi sge, %add3A_65, %ge3A : i32
      %convert_element_type3A = arith.extui %ge3A_66 : i1 to i32
      %cond3A = arith.constant 0 : i32
      %cond3A_67 = arith.cmpi ne, %convert_element_type3A, %cond3A : i32
      scf.if %cond3A_67 {
        %sub3A = arith.constant 1 : i32
        %sub3A_178 = arith.subi %add3A_65, %sub3A : i32
        %mul3A_179 = arith.constant 80 : i32
        %mul3A_180 = arith.muli %sub3A_178, %mul3A_179 : i32
        %add3A_181 = arith.addi %mul3A_2, %mul3A_180 : i32
        %dma_wait3A_182 = arith.constant 0 : i32
        %dma_wait3A_183 = tpu.memref_slice %arg6[%add3A_181, %dma_wait3A_182] : memref<320000x128xf32, #tpu.memory_space<hbm>> -> memref<80x128xf32, #tpu.memory_space<hbm>>
        %dma_wait3A_184 = arith.constant 0 : i32
        %dma_wait3A_185 = tpu.memref_slice %arg6[%add3A_181, %dma_wait3A_184] : memref<320000x128xf32, #tpu.memory_space<hbm>> -> memref<80x128xf32, #tpu.memory_space<hbm>>
        tpu.wait_dma2 semaphore(%arg23 : memref<!tpu.dma_semaphore, #tpu.memory_space<semaphore_mem>>) src(%arg19 : memref<80x128xf32, #tpu.memory_space<vmem>>) dst(%dma_wait3A_185 : memref<80x128xf32, #tpu.memory_space<hbm>>)
      } else {
      }
      %add3A_68 = arith.constant 2 : i32
      %add3A_69 = arith.addi %add3A_65, %add3A_68 : i32
      %mul3A_70 = arith.constant 80 : i32
      %mul3A_71 = arith.muli %add3A_69, %mul3A_70 : i32
      %dma_start3A_72 = tpu.memref_slice %arg7[%mul3A_71] : memref<10000xi32, #tpu.memory_space<vmem>> -> memref<80xi32, #tpu.memory_space<vmem>>
      %dma_start3A_73 = arith.constant 0 : i32
      %dma_start3A_74 = arith.constant 0 : i32
      %dma_start3A_75 = tpu.memref_slice %arg2[%dma_start3A_73, %dma_start3A_74] : memref<10000x128xf32, #tpu.memory_space<hbm>> -> memref<10000x128xf32, #tpu.memory_space<hbm>>
      tpu.enqueue_indirect_dma source(%dma_start3A_75 : memref<10000x128xf32, #tpu.memory_space<hbm>>) target(%arg19 : memref<80x128xf32, #tpu.memory_space<vmem>>) offsets(%dma_start3A_72 : memref<80xi32, #tpu.memory_space<vmem>>) semaphore(%arg21 : memref<!tpu.dma_semaphore, #tpu.memory_space<semaphore_mem>>)
      %dma_start3A_76 = tpu.memref_slice %arg8[%mul3A_71] : memref<10000xi32, #tpu.memory_space<vmem>> -> memref<80xi32, #tpu.memory_space<vmem>>
      %dma_start3A_77 = arith.constant 0 : i32
      %dma_start3A_78 = arith.constant 0 : i32
      %dma_start3A_79 = tpu.memref_slice %arg3[%dma_start3A_77, %dma_start3A_78] : memref<10000x128xf32, #tpu.memory_space<hbm>> -> memref<10000x128xf32, #tpu.memory_space<hbm>>
      tpu.enqueue_indirect_dma source(%dma_start3A_79 : memref<10000x128xf32, #tpu.memory_space<hbm>>) target(%arg20 : memref<80x128xf32, #tpu.memory_space<vmem>>) offsets(%dma_start3A_76 : memref<80xi32, #tpu.memory_space<vmem>>) semaphore(%arg22 : memref<!tpu.dma_semaphore, #tpu.memory_space<semaphore_mem>>)
      %mul3A_80 = arith.constant 80 : i32
      %mul3A_81 = arith.muli %add3A_65, %mul3A_80 : i32
      %dma_wait3A_82 = tpu.memref_slice %arg7[%mul3A_81] : memref<10000xi32, #tpu.memory_space<vmem>> -> memref<80xi32, #tpu.memory_space<vmem>>
      %dma_wait3A_83 = arith.constant 0 : i32
      %dma_wait3A_84 = arith.constant 0 : i32
      %dma_wait3A_85 = tpu.memref_slice %arg2[%dma_wait3A_83, %dma_wait3A_84] : memref<10000x128xf32, #tpu.memory_space<hbm>> -> memref<10000x128xf32, #tpu.memory_space<hbm>>
      tpu.wait_indirect_dma semaphore(%arg11 : memref<!tpu.dma_semaphore, #tpu.memory_space<semaphore_mem>>) src(%dma_wait3A_85 : memref<10000x128xf32, #tpu.memory_space<hbm>>) dst(%arg9 : memref<80x128xf32, #tpu.memory_space<vmem>>)
      %dma_wait3A_86 = tpu.memref_slice %arg8[%mul3A_81] : memref<10000xi32, #tpu.memory_space<vmem>> -> memref<80xi32, #tpu.memory_space<vmem>>
      %dma_wait3A_87 = arith.constant 0 : i32
      %dma_wait3A_88 = arith.constant 0 : i32
      %dma_wait3A_89 = tpu.memref_slice %arg3[%dma_wait3A_87, %dma_wait3A_88] : memref<10000x128xf32, #tpu.memory_space<hbm>> -> memref<10000x128xf32, #tpu.memory_space<hbm>>
      tpu.wait_indirect_dma semaphore(%arg12 : memref<!tpu.dma_semaphore, #tpu.memory_space<semaphore_mem>>) src(%dma_wait3A_89 : memref<10000x128xf32, #tpu.memory_space<hbm>>) dst(%arg10 : memref<80x128xf32, #tpu.memory_space<vmem>>)
      %parallel_loop3A_90 = arith.constant 0 : i32
      %parallel_loop3A_91 = arith.constant 80 : i32
      %parallel_loop3A_92 = arith.constant 1 : i32
      scf.for %parallel_loop3A_178 = %parallel_loop3A_90 to %parallel_loop3A_91 step %parallel_loop3A_92  : i32 {
        %parallel_loop3A_179 = arith.index_cast %parallel_loop3A_178 : i32 to index
        %parallel_loop3A_180 = arith.constant 0 : index
        %parallel_loop3A_181 = tpu.vector_load %arg9[%parallel_loop3A_179, %parallel_loop3A_180] {strides = array<i32>} : memref<80x128xf32, #tpu.memory_space<vmem>>, vector<1x16xf32>,
        %parallel_loop3A_182 = vector.shape_cast %parallel_loop3A_181 : vector<1x16xf32> to vector<16xf32>
        %parallel_loop3A_183 = arith.index_cast %parallel_loop3A_178 : i32 to index
        %parallel_loop3A_184 = arith.constant 0 : index
        %parallel_loop3A_185 = tpu.vector_load %arg10[%parallel_loop3A_183, %parallel_loop3A_184] {strides = array<i32>} : memref<80x128xf32, #tpu.memory_space<vmem>>, vector<1x16xf32>,
        %parallel_loop3A_186 = vector.shape_cast %parallel_loop3A_185 : vector<1x16xf32> to vector<16xf32>
        %parallel_loop3A_187 = arith.addf %parallel_loop3A_182, %parallel_loop3A_186 : vector<16xf32>
        %parallel_loop3A_188 = arith.index_cast %parallel_loop3A_178 : i32 to index
        %parallel_loop3A_189 = arith.constant 0 : index
        %parallel_loop3A_190 = tpu.vector_load %arg9[%parallel_loop3A_188, %parallel_loop3A_189] {strides = array<i32>} : memref<80x128xf32, #tpu.memory_space<vmem>>, vector<1x16xf32>,
        %parallel_loop3A_191 = vector.shape_cast %parallel_loop3A_190 : vector<1x16xf32> to vector<16xf32>
        %parallel_loop3A_192 = vector.shape_cast %parallel_loop3A_187 : vector<16xf32> to vector<1x16xf32>
        tpu.vector_store %arg9[%parallel_loop3A_188, %parallel_loop3A_189], %parallel_loop3A_192 {strides = array<i32>} : memref<80x128xf32, #tpu.memory_space<vmem>>, vector<1x16xf32>,
        %parallel_loop3A_193 = arith.index_cast %parallel_loop3A_178 : i32 to index
        %parallel_loop3A_194 = arith.constant 16 : index
        %parallel_loop3A_195 = tpu.vector_load %arg9[%parallel_loop3A_193, %parallel_loop3A_194] {strides = array<i32>} : memref<80x128xf32, #tpu.memory_space<vmem>>, vector<1x16xf32>,
        %parallel_loop3A_196 = vector.shape_cast %parallel_loop3A_195 : vector<1x16xf32> to vector<16xf32>
        %parallel_loop3A_197 = arith.index_cast %parallel_loop3A_178 : i32 to index
        %parallel_loop3A_198 = arith.constant 16 : index
        %parallel_loop3A_199 = tpu.vector_load %arg10[%parallel_loop3A_197, %parallel_loop3A_198] {strides = array<i32>} : memref<80x128xf32, #tpu.memory_space<vmem>>, vector<1x16xf32>,
        %parallel_loop3A_200 = vector.shape_cast %parallel_loop3A_199 : vector<1x16xf32> to vector<16xf32>
        %parallel_loop3A_201 = arith.addf %parallel_loop3A_196, %parallel_loop3A_200 : vector<16xf32>
        %parallel_loop3A_202 = arith.index_cast %parallel_loop3A_178 : i32 to index
        %parallel_loop3A_203 = arith.constant 16 : index
        %parallel_loop3A_204 = tpu.vector_load %arg9[%parallel_loop3A_202, %parallel_loop3A_203] {strides = array<i32>} : memref<80x128xf32, #tpu.memory_space<vmem>>, vector<1x16xf32>,
        %parallel_loop3A_205 = vector.shape_cast %parallel_loop3A_204 : vector<1x16xf32> to vector<16xf32>
        %parallel_loop3A_206 = vector.shape_cast %parallel_loop3A_201 : vector<16xf32> to vector<1x16xf32>
        tpu.vector_store %arg9[%parallel_loop3A_202, %parallel_loop3A_203], %parallel_loop3A_206 {strides = array<i32>} : memref<80x128xf32, #tpu.memory_space<vmem>>, vector<1x16xf32>,
        %parallel_loop3A_207 = arith.index_cast %parallel_loop3A_178 : i32 to index
        %parallel_loop3A_208 = arith.constant 32 : index
        %parallel_loop3A_209 = tpu.vector_load %arg9[%parallel_loop3A_207, %parallel_loop3A_208] {strides = array<i32>} : memref<80x128xf32, #tpu.memory_space<vmem>>, vector<1x16xf32>,
        %parallel_loop3A_210 = vector.shape_cast %parallel_loop3A_209 : vector<1x16xf32> to vector<16xf32>
        %parallel_loop3A_211 = arith.index_cast %parallel_loop3A_178 : i32 to index
        %parallel_loop3A_212 = arith.constant 32 : index
        %parallel_loop3A_213 = tpu.vector_load %arg10[%parallel_loop3A_211, %parallel_loop3A_212] {strides = array<i32>} : memref<80x128xf32, #tpu.memory_space<vmem>>, vector<1x16xf32>,
        %parallel_loop3A_214 = vector.shape_cast %parallel_loop3A_213 : vector<1x16xf32> to vector<16xf32>
        %parallel_loop3A_215 = arith.addf %parallel_loop3A_210, %parallel_loop3A_214 : vector<16xf32>
        %parallel_loop3A_216 = arith.index_cast %parallel_loop3A_178 : i32 to index
        %parallel_loop3A_217 = arith.constant 32 : index
        %parallel_loop3A_218 = tpu.vector_load %arg9[%parallel_loop3A_216, %parallel_loop3A_217] {strides = array<i32>} : memref<80x128xf32, #tpu.memory_space<vmem>>, vector<1x16xf32>,
        %parallel_loop3A_219 = vector.shape_cast %parallel_loop3A_218 : vector<1x16xf32> to vector<16xf32>
        %parallel_loop3A_220 = vector.shape_cast %parallel_loop3A_215 : vector<16xf32> to vector<1x16xf32>
        tpu.vector_store %arg9[%parallel_loop3A_216, %parallel_loop3A_217], %parallel_loop3A_220 {strides = array<i32>} : memref<80x128xf32, #tpu.memory_space<vmem>>, vector<1x16xf32>,
        %parallel_loop3A_221 = arith.index_cast %parallel_loop3A_178 : i32 to index
        %parallel_loop3A_222 = arith.constant 48 : index
        %parallel_loop3A_223 = tpu.vector_load %arg9[%parallel_loop3A_221, %parallel_loop3A_222] {strides = array<i32>} : memref<80x128xf32, #tpu.memory_space<vmem>>, vector<1x16xf32>,
        %parallel_loop3A_224 = vector.shape_cast %parallel_loop3A_223 : vector<1x16xf32> to vector<16xf32>
        %parallel_loop3A_225 = arith.index_cast %parallel_loop3A_178 : i32 to index
        %parallel_loop3A_226 = arith.constant 48 : index
        %parallel_loop3A_227 = tpu.vector_load %arg10[%parallel_loop3A_225, %parallel_loop3A_226] {strides = array<i32>} : memref<80x128xf32, #tpu.memory_space<vmem>>, vector<1x16xf32>,
        %parallel_loop3A_228 = vector.shape_cast %parallel_loop3A_227 : vector<1x16xf32> to vector<16xf32>
        %parallel_loop3A_229 = arith.addf %parallel_loop3A_224, %parallel_loop3A_228 : vector<16xf32>
        %parallel_loop3A_230 = arith.index_cast %parallel_loop3A_178 : i32 to index
        %parallel_loop3A_231 = arith.constant 48 : index
        %parallel_loop3A_232 = tpu.vector_load %arg9[%parallel_loop3A_230, %parallel_loop3A_231] {strides = array<i32>} : memref<80x128xf32, #tpu.memory_space<vmem>>, vector<1x16xf32>,
        %parallel_loop3A_233 = vector.shape_cast %parallel_loop3A_232 : vector<1x16xf32> to vector<16xf32>
        %parallel_loop3A_234 = vector.shape_cast %parallel_loop3A_229 : vector<16xf32> to vector<1x16xf32>
        tpu.vector_store %arg9[%parallel_loop3A_230, %parallel_loop3A_231], %parallel_loop3A_234 {strides = array<i32>} : memref<80x128xf32, #tpu.memory_space<vmem>>, vector<1x16xf32>,
        %parallel_loop3A_235 = arith.index_cast %parallel_loop3A_178 : i32 to index
        %parallel_loop3A_236 = arith.constant 64 : index
        %parallel_loop3A_237 = tpu.vector_load %arg9[%parallel_loop3A_235, %parallel_loop3A_236] {strides = array<i32>} : memref<80x128xf32, #tpu.memory_space<vmem>>, vector<1x16xf32>,
        %parallel_loop3A_238 = vector.shape_cast %parallel_loop3A_237 : vector<1x16xf32> to vector<16xf32>
        %parallel_loop3A_239 = arith.index_cast %parallel_loop3A_178 : i32 to index
        %parallel_loop3A_240 = arith.constant 64 : index
        %parallel_loop3A_241 = tpu.vector_load %arg10[%parallel_loop3A_239, %parallel_loop3A_240] {strides = array<i32>} : memref<80x128xf32, #tpu.memory_space<vmem>>, vector<1x16xf32>,
        %parallel_loop3A_242 = vector.shape_cast %parallel_loop3A_241 : vector<1x16xf32> to vector<16xf32>
        %parallel_loop3A_243 = arith.addf %parallel_loop3A_238, %parallel_loop3A_242 : vector<16xf32>
        %parallel_loop3A_244 = arith.index_cast %parallel_loop3A_178 : i32 to index
        %parallel_loop3A_245 = arith.constant 64 : index
        %parallel_loop3A_246 = tpu.vector_load %arg9[%parallel_loop3A_244, %parallel_loop3A_245] {strides = array<i32>} : memref<80x128xf32, #tpu.memory_space<vmem>>, vector<1x16xf32>,
        %parallel_loop3A_247 = vector.shape_cast %parallel_loop3A_246 : vector<1x16xf32> to vector<16xf32>
        %parallel_loop3A_248 = vector.shape_cast %parallel_loop3A_243 : vector<16xf32> to vector<1x16xf32>
        tpu.vector_store %arg9[%parallel_loop3A_244, %parallel_loop3A_245], %parallel_loop3A_248 {strides = array<i32>} : memref<80x128xf32, #tpu.memory_space<vmem>>, vector<1x16xf32>,
        %parallel_loop3A_249 = arith.index_cast %parallel_loop3A_178 : i32 to index
        %parallel_loop3A_250 = arith.constant 80 : index
        %parallel_loop3A_251 = tpu.vector_load %arg9[%parallel_loop3A_249, %parallel_loop3A_250] {strides = array<i32>} : memref<80x128xf32, #tpu.memory_space<vmem>>, vector<1x16xf32>,
        %parallel_loop3A_252 = vector.shape_cast %parallel_loop3A_251 : vector<1x16xf32> to vector<16xf32>
        %parallel_loop3A_253 = arith.index_cast %parallel_loop3A_178 : i32 to index
        %parallel_loop3A_254 = arith.constant 80 : index
        %parallel_loop3A_255 = tpu.vector_load %arg10[%parallel_loop3A_253, %parallel_loop3A_254] {strides = array<i32>} : memref<80x128xf32, #tpu.memory_space<vmem>>, vector<1x16xf32>,
        %parallel_loop3A_256 = vector.shape_cast %parallel_loop3A_255 : vector<1x16xf32> to vector<16xf32>
        %parallel_loop3A_257 = arith.addf %parallel_loop3A_252, %parallel_loop3A_256 : vector<16xf32>
        %parallel_loop3A_258 = arith.index_cast %parallel_loop3A_178 : i32 to index
        %parallel_loop3A_259 = arith.constant 80 : index
        %parallel_loop3A_260 = tpu.vector_load %arg9[%parallel_loop3A_258, %parallel_loop3A_259] {strides = array<i32>} : memref<80x128xf32, #tpu.memory_space<vmem>>, vector<1x16xf32>,
        %parallel_loop3A_261 = vector.shape_cast %parallel_loop3A_260 : vector<1x16xf32> to vector<16xf32>
        %parallel_loop3A_262 = vector.shape_cast %parallel_loop3A_257 : vector<16xf32> to vector<1x16xf32>
        tpu.vector_store %arg9[%parallel_loop3A_258, %parallel_loop3A_259], %parallel_loop3A_262 {strides = array<i32>} : memref<80x128xf32, #tpu.memory_space<vmem>>, vector<1x16xf32>,
        %parallel_loop3A_263 = arith.index_cast %parallel_loop3A_178 : i32 to index
        %parallel_loop3A_264 = arith.constant 96 : index
        %parallel_loop3A_265 = tpu.vector_load %arg9[%parallel_loop3A_263, %parallel_loop3A_264] {strides = array<i32>} : memref<80x128xf32, #tpu.memory_space<vmem>>, vector<1x16xf32>,
        %parallel_loop3A_266 = vector.shape_cast %parallel_loop3A_265 : vector<1x16xf32> to vector<16xf32>
        %parallel_loop3A_267 = arith.index_cast %parallel_loop3A_178 : i32 to index
        %parallel_loop3A_268 = arith.constant 96 : index
        %parallel_loop3A_269 = tpu.vector_load %arg10[%parallel_loop3A_267, %parallel_loop3A_268] {strides = array<i32>} : memref<80x128xf32, #tpu.memory_space<vmem>>, vector<1x16xf32>,
        %parallel_loop3A_270 = vector.shape_cast %parallel_loop3A_269 : vector<1x16xf32> to vector<16xf32>
        %parallel_loop3A_271 = arith.addf %parallel_loop3A_266, %parallel_loop3A_270 : vector<16xf32>
        %parallel_loop3A_272 = arith.index_cast %parallel_loop3A_178 : i32 to index
        %parallel_loop3A_273 = arith.constant 96 : index
        %parallel_loop3A_274 = tpu.vector_load %arg9[%parallel_loop3A_272, %parallel_loop3A_273] {strides = array<i32>} : memref<80x128xf32, #tpu.memory_space<vmem>>, vector<1x16xf32>,
        %parallel_loop3A_275 = vector.shape_cast %parallel_loop3A_274 : vector<1x16xf32> to vector<16xf32>
        %parallel_loop3A_276 = vector.shape_cast %parallel_loop3A_271 : vector<16xf32> to vector<1x16xf32>
        tpu.vector_store %arg9[%parallel_loop3A_272, %parallel_loop3A_273], %parallel_loop3A_276 {strides = array<i32>} : memref<80x128xf32, #tpu.memory_space<vmem>>, vector<1x16xf32>,
        %parallel_loop3A_277 = arith.index_cast %parallel_loop3A_178 : i32 to index
        %parallel_loop3A_278 = arith.constant 112 : index
        %parallel_loop3A_279 = tpu.vector_load %arg9[%parallel_loop3A_277, %parallel_loop3A_278] {strides = array<i32>} : memref<80x128xf32, #tpu.memory_space<vmem>>, vector<1x16xf32>,
        %parallel_loop3A_280 = vector.shape_cast %parallel_loop3A_279 : vector<1x16xf32> to vector<16xf32>
        %parallel_loop3A_281 = arith.index_cast %parallel_loop3A_178 : i32 to index
        %parallel_loop3A_282 = arith.constant 112 : index
        %parallel_loop3A_283 = tpu.vector_load %arg10[%parallel_loop3A_281, %parallel_loop3A_282] {strides = array<i32>} : memref<80x128xf32, #tpu.memory_space<vmem>>, vector<1x16xf32>,
        %parallel_loop3A_284 = vector.shape_cast %parallel_loop3A_283 : vector<1x16xf32> to vector<16xf32>
        %parallel_loop3A_285 = arith.addf %parallel_loop3A_280, %parallel_loop3A_284 : vector<16xf32>
        %parallel_loop3A_286 = arith.index_cast %parallel_loop3A_178 : i32 to index
        %parallel_loop3A_287 = arith.constant 112 : index
        %parallel_loop3A_288 = tpu.vector_load %arg9[%parallel_loop3A_286, %parallel_loop3A_287] {strides = array<i32>} : memref<80x128xf32, #tpu.memory_space<vmem>>, vector<1x16xf32>,
        %parallel_loop3A_289 = vector.shape_cast %parallel_loop3A_288 : vector<1x16xf32> to vector<16xf32>
        %parallel_loop3A_290 = vector.shape_cast %parallel_loop3A_285 : vector<16xf32> to vector<1x16xf32>
        tpu.vector_store %arg9[%parallel_loop3A_286, %parallel_loop3A_287], %parallel_loop3A_290 {strides = array<i32>} : memref<80x128xf32, #tpu.memory_space<vmem>>, vector<1x16xf32>,
      } {sc.loop_unroll_factor = 2 : i64, sc.parallel_access}
      %mul3A_93 = arith.constant 80 : i32
      %mul3A_94 = arith.muli %add3A_65, %mul3A_93 : i32
      %add3A_95 = arith.addi %mul3A_2, %mul3A_94 : i32
      %dma_start3A_96 = arith.constant 0 : i32
      %dma_start3A_97 = tpu.memref_slice %arg6[%add3A_95, %dma_start3A_96] : memref<320000x128xf32, #tpu.memory_space<hbm>> -> memref<80x128xf32, #tpu.memory_space<hbm>>
      %dma_start3A_98 = arith.constant 0 : i32
      %dma_start3A_99 = tpu.memref_slice %arg6[%add3A_95, %dma_start3A_98] : memref<320000x128xf32, #tpu.memory_space<hbm>> -> memref<80x128xf32, #tpu.memory_space<hbm>>
      tpu.enqueue_dma source(%arg9 : memref<80x128xf32, #tpu.memory_space<vmem>>) target(%dma_start3A_99 : memref<80x128xf32, #tpu.memory_space<hbm>>) target_semaphore(%arg13 : memref<!tpu.dma_semaphore, #tpu.memory_space<semaphore_mem>>)
      %add3A_100 = arith.constant 1 : i32
      %add3A_101 = arith.addi %mul3A_63, %add3A_100 : i32
      %ge3A_102 = arith.constant 1 : i32
      %ge3A_103 = arith.cmpi sge, %add3A_101, %ge3A_102 : i32
      %convert_element_type3A_104 = arith.extui %ge3A_103 : i1 to i32
      %cond3A_105 = arith.constant 0 : i32
      %cond3A_106 = arith.cmpi ne, %convert_element_type3A_104, %cond3A_105 : i32
      scf.if %cond3A_106 {
        %sub3A = arith.constant 1 : i32
        %sub3A_178 = arith.subi %add3A_101, %sub3A : i32
        %mul3A_179 = arith.constant 80 : i32
        %mul3A_180 = arith.muli %sub3A_178, %mul3A_179 : i32
        %add3A_181 = arith.addi %mul3A_2, %mul3A_180 : i32
        %dma_wait3A_182 = arith.constant 0 : i32
        %dma_wait3A_183 = tpu.memref_slice %arg6[%add3A_181, %dma_wait3A_182] : memref<320000x128xf32, #tpu.memory_space<hbm>> -> memref<80x128xf32, #tpu.memory_space<hbm>>
        %dma_wait3A_184 = arith.constant 0 : i32
        %dma_wait3A_185 = tpu.memref_slice %arg6[%add3A_181, %dma_wait3A_184] : memref<320000x128xf32, #tpu.memory_space<hbm>> -> memref<80x128xf32, #tpu.memory_space<hbm>>
        tpu.wait_dma2 semaphore(%arg13 : memref<!tpu.dma_semaphore, #tpu.memory_space<semaphore_mem>>) src(%arg9 : memref<80x128xf32, #tpu.memory_space<vmem>>) dst(%dma_wait3A_185 : memref<80x128xf32, #tpu.memory_space<hbm>>)
      } else {
      }
      %add3A_107 = arith.constant 2 : i32
      %add3A_108 = arith.addi %add3A_101, %add3A_107 : i32
      %mul3A_109 = arith.constant 80 : i32
      %mul3A_110 = arith.muli %add3A_108, %mul3A_109 : i32
      %dma_start3A_111 = tpu.memref_slice %arg7[%mul3A_110] : memref<10000xi32, #tpu.memory_space<vmem>> -> memref<80xi32, #tpu.memory_space<vmem>>
      %dma_start3A_112 = arith.constant 0 : i32
      %dma_start3A_113 = arith.constant 0 : i32
      %dma_start3A_114 = tpu.memref_slice %arg2[%dma_start3A_112, %dma_start3A_113] : memref<10000x128xf32, #tpu.memory_space<hbm>> -> memref<10000x128xf32, #tpu.memory_space<hbm>>
      tpu.enqueue_indirect_dma source(%dma_start3A_114 : memref<10000x128xf32, #tpu.memory_space<hbm>>) target(%arg9 : memref<80x128xf32, #tpu.memory_space<vmem>>) offsets(%dma_start3A_111 : memref<80xi32, #tpu.memory_space<vmem>>) semaphore(%arg11 : memref<!tpu.dma_semaphore, #tpu.memory_space<semaphore_mem>>)
      %dma_start3A_115 = tpu.memref_slice %arg8[%mul3A_110] : memref<10000xi32, #tpu.memory_space<vmem>> -> memref<80xi32, #tpu.memory_space<vmem>>
      %dma_start3A_116 = arith.constant 0 : i32
      %dma_start3A_117 = arith.constant 0 : i32
      %dma_start3A_118 = tpu.memref_slice %arg3[%dma_start3A_116, %dma_start3A_117] : memref<10000x128xf32, #tpu.memory_space<hbm>> -> memref<10000x128xf32, #tpu.memory_space<hbm>>
      tpu.enqueue_indirect_dma source(%dma_start3A_118 : memref<10000x128xf32, #tpu.memory_space<hbm>>) target(%arg10 : memref<80x128xf32, #tpu.memory_space<vmem>>) offsets(%dma_start3A_115 : memref<80xi32, #tpu.memory_space<vmem>>) semaphore(%arg12 : memref<!tpu.dma_semaphore, #tpu.memory_space<semaphore_mem>>)
      %mul3A_119 = arith.constant 80 : i32
      %mul3A_120 = arith.muli %add3A_101, %mul3A_119 : i32
      %dma_wait3A_121 = tpu.memref_slice %arg7[%mul3A_120] : memref<10000xi32, #tpu.memory_space<vmem>> -> memref<80xi32, #tpu.memory_space<vmem>>
      %dma_wait3A_122 = arith.constant 0 : i32
      %dma_wait3A_123 = arith.constant 0 : i32
      %dma_wait3A_124 = tpu.memref_slice %arg2[%dma_wait3A_122, %dma_wait3A_123] : memref<10000x128xf32, #tpu.memory_space<hbm>> -> memref<10000x128xf32, #tpu.memory_space<hbm>>
      tpu.wait_indirect_dma semaphore(%arg16 : memref<!tpu.dma_semaphore, #tpu.memory_space<semaphore_mem>>) src(%dma_wait3A_124 : memref<10000x128xf32, #tpu.memory_space<hbm>>) dst(%arg14 : memref<80x128xf32, #tpu.memory_space<vmem>>)
      %dma_wait3A_125 = tpu.memref_slice %arg8[%mul3A_120] : memref<10000xi32, #tpu.memory_space<vmem>> -> memref<80xi32, #tpu.memory_space<vmem>>
      %dma_wait3A_126 = arith.constant 0 : i32
      %dma_wait3A_127 = arith.constant 0 : i32
      %dma_wait3A_128 = tpu.memref_slice %arg3[%dma_wait3A_126, %dma_wait3A_127] : memref<10000x128xf32, #tpu.memory_space<hbm>> -> memref<10000x128xf32, #tpu.memory_space<hbm>>
      tpu.wait_indirect_dma semaphore(%arg17 : memref<!tpu.dma_semaphore, #tpu.memory_space<semaphore_mem>>) src(%dma_wait3A_128 : memref<10000x128xf32, #tpu.memory_space<hbm>>) dst(%arg15 : memref<80x128xf32, #tpu.memory_space<vmem>>)
      %parallel_loop3A_129 = arith.constant 0 : i32
      %parallel_loop3A_130 = arith.constant 80 : i32
      %parallel_loop3A_131 = arith.constant 1 : i32
      scf.for %parallel_loop3A_178 = %parallel_loop3A_129 to %parallel_loop3A_130 step %parallel_loop3A_131  : i32 {
        %parallel_loop3A_179 = arith.index_cast %parallel_loop3A_178 : i32 to index
        %parallel_loop3A_180 = arith.constant 0 : index
        %parallel_loop3A_181 = tpu.vector_load %arg14[%parallel_loop3A_179, %parallel_loop3A_180] {strides = array<i32>} : memref<80x128xf32, #tpu.memory_space<vmem>>, vector<1x16xf32>,
        %parallel_loop3A_182 = vector.shape_cast %parallel_loop3A_181 : vector<1x16xf32> to vector<16xf32>
        %parallel_loop3A_183 = arith.index_cast %parallel_loop3A_178 : i32 to index
        %parallel_loop3A_184 = arith.constant 0 : index
        %parallel_loop3A_185 = tpu.vector_load %arg15[%parallel_loop3A_183, %parallel_loop3A_184] {strides = array<i32>} : memref<80x128xf32, #tpu.memory_space<vmem>>, vector<1x16xf32>,
        %parallel_loop3A_186 = vector.shape_cast %parallel_loop3A_185 : vector<1x16xf32> to vector<16xf32>
        %parallel_loop3A_187 = arith.addf %parallel_loop3A_182, %parallel_loop3A_186 : vector<16xf32>
        %parallel_loop3A_188 = arith.index_cast %parallel_loop3A_178 : i32 to index
        %parallel_loop3A_189 = arith.constant 0 : index
        %parallel_loop3A_190 = tpu.vector_load %arg14[%parallel_loop3A_188, %parallel_loop3A_189] {strides = array<i32>} : memref<80x128xf32, #tpu.memory_space<vmem>>, vector<1x16xf32>,
        %parallel_loop3A_191 = vector.shape_cast %parallel_loop3A_190 : vector<1x16xf32> to vector<16xf32>
        %parallel_loop3A_192 = vector.shape_cast %parallel_loop3A_187 : vector<16xf32> to vector<1x16xf32>
        tpu.vector_store %arg14[%parallel_loop3A_188, %parallel_loop3A_189], %parallel_loop3A_192 {strides = array<i32>} : memref<80x128xf32, #tpu.memory_space<vmem>>, vector<1x16xf32>,
        %parallel_loop3A_193 = arith.index_cast %parallel_loop3A_178 : i32 to index
        %parallel_loop3A_194 = arith.constant 16 : index
        %parallel_loop3A_195 = tpu.vector_load %arg14[%parallel_loop3A_193, %parallel_loop3A_194] {strides = array<i32>} : memref<80x128xf32, #tpu.memory_space<vmem>>, vector<1x16xf32>,
        %parallel_loop3A_196 = vector.shape_cast %parallel_loop3A_195 : vector<1x16xf32> to vector<16xf32>
        %parallel_loop3A_197 = arith.index_cast %parallel_loop3A_178 : i32 to index
        %parallel_loop3A_198 = arith.constant 16 : index
        %parallel_loop3A_199 = tpu.vector_load %arg15[%parallel_loop3A_197, %parallel_loop3A_198] {strides = array<i32>} : memref<80x128xf32, #tpu.memory_space<vmem>>, vector<1x16xf32>,
        %parallel_loop3A_200 = vector.shape_cast %parallel_loop3A_199 : vector<1x16xf32> to vector<16xf32>
        %parallel_loop3A_201 = arith.addf %parallel_loop3A_196, %parallel_loop3A_200 : vector<16xf32>
        %parallel_loop3A_202 = arith.index_cast %parallel_loop3A_178 : i32 to index
        %parallel_loop3A_203 = arith.constant 16 : index
        %parallel_loop3A_204 = tpu.vector_load %arg14[%parallel_loop3A_202, %parallel_loop3A_203] {strides = array<i32>} : memref<80x128xf32, #tpu.memory_space<vmem>>, vector<1x16xf32>,
        %parallel_loop3A_205 = vector.shape_cast %parallel_loop3A_204 : vector<1x16xf32> to vector<16xf32>
        %parallel_loop3A_206 = vector.shape_cast %parallel_loop3A_201 : vector<16xf32> to vector<1x16xf32>
        tpu.vector_store %arg14[%parallel_loop3A_202, %parallel_loop3A_203], %parallel_loop3A_206 {strides = array<i32>} : memref<80x128xf32, #tpu.memory_space<vmem>>, vector<1x16xf32>,
        %parallel_loop3A_207 = arith.index_cast %parallel_loop3A_178 : i32 to index
        %parallel_loop3A_208 = arith.constant 32 : index
        %parallel_loop3A_209 = tpu.vector_load %arg14[%parallel_loop3A_207, %parallel_loop3A_208] {strides = array<i32>} : memref<80x128xf32, #tpu.memory_space<vmem>>, vector<1x16xf32>,
        %parallel_loop3A_210 = vector.shape_cast %parallel_loop3A_209 : vector<1x16xf32> to vector<16xf32>
        %parallel_loop3A_211 = arith.index_cast %parallel_loop3A_178 : i32 to index
        %parallel_loop3A_212 = arith.constant 32 : index
        %parallel_loop3A_213 = tpu.vector_load %arg15[%parallel_loop3A_211, %parallel_loop3A_212] {strides = array<i32>} : memref<80x128xf32, #tpu.memory_space<vmem>>, vector<1x16xf32>,
        %parallel_loop3A_214 = vector.shape_cast %parallel_loop3A_213 : vector<1x16xf32> to vector<16xf32>
        %parallel_loop3A_215 = arith.addf %parallel_loop3A_210, %parallel_loop3A_214 : vector<16xf32>
        %parallel_loop3A_216 = arith.index_cast %parallel_loop3A_178 : i32 to index
        %parallel_loop3A_217 = arith.constant 32 : index
        %parallel_loop3A_218 = tpu.vector_load %arg14[%parallel_loop3A_216, %parallel_loop3A_217] {strides = array<i32>} : memref<80x128xf32, #tpu.memory_space<vmem>>, vector<1x16xf32>,
        %parallel_loop3A_219 = vector.shape_cast %parallel_loop3A_218 : vector<1x16xf32> to vector<16xf32>
        %parallel_loop3A_220 = vector.shape_cast %parallel_loop3A_215 : vector<16xf32> to vector<1x16xf32>
        tpu.vector_store %arg14[%parallel_loop3A_216, %parallel_loop3A_217], %parallel_loop3A_220 {strides = array<i32>} : memref<80x128xf32, #tpu.memory_space<vmem>>, vector<1x16xf32>,
        %parallel_loop3A_221 = arith.index_cast %parallel_loop3A_178 : i32 to index
        %parallel_loop3A_222 = arith.constant 48 : index
        %parallel_loop3A_223 = tpu.vector_load %arg14[%parallel_loop3A_221, %parallel_loop3A_222] {strides = array<i32>} : memref<80x128xf32, #tpu.memory_space<vmem>>, vector<1x16xf32>,
        %parallel_loop3A_224 = vector.shape_cast %parallel_loop3A_223 : vector<1x16xf32> to vector<16xf32>
        %parallel_loop3A_225 = arith.index_cast %parallel_loop3A_178 : i32 to index
        %parallel_loop3A_226 = arith.constant 48 : index
        %parallel_loop3A_227 = tpu.vector_load %arg15[%parallel_loop3A_225, %parallel_loop3A_226] {strides = array<i32>} : memref<80x128xf32, #tpu.memory_space<vmem>>, vector<1x16xf32>,
        %parallel_loop3A_228 = vector.shape_cast %parallel_loop3A_227 : vector<1x16xf32> to vector<16xf32>
        %parallel_loop3A_229 = arith.addf %parallel_loop3A_224, %parallel_loop3A_228 : vector<16xf32>
        %parallel_loop3A_230 = arith.index_cast %parallel_loop3A_178 : i32 to index
        %parallel_loop3A_231 = arith.constant 48 : index
        %parallel_loop3A_232 = tpu.vector_load %arg14[%parallel_loop3A_230, %parallel_loop3A_231] {strides = array<i32>} : memref<80x128xf32, #tpu.memory_space<vmem>>, vector<1x16xf32>,
        %parallel_loop3A_233 = vector.shape_cast %parallel_loop3A_232 : vector<1x16xf32> to vector<16xf32>
        %parallel_loop3A_234 = vector.shape_cast %parallel_loop3A_229 : vector<16xf32> to vector<1x16xf32>
        tpu.vector_store %arg14[%parallel_loop3A_230, %parallel_loop3A_231], %parallel_loop3A_234 {strides = array<i32>} : memref<80x128xf32, #tpu.memory_space<vmem>>, vector<1x16xf32>,
        %parallel_loop3A_235 = arith.index_cast %parallel_loop3A_178 : i32 to index
        %parallel_loop3A_236 = arith.constant 64 : index
        %parallel_loop3A_237 = tpu.vector_load %arg14[%parallel_loop3A_235, %parallel_loop3A_236] {strides = array<i32>} : memref<80x128xf32, #tpu.memory_space<vmem>>, vector<1x16xf32>,
        %parallel_loop3A_238 = vector.shape_cast %parallel_loop3A_237 : vector<1x16xf32> to vector<16xf32>
        %parallel_loop3A_239 = arith.index_cast %parallel_loop3A_178 : i32 to index
        %parallel_loop3A_240 = arith.constant 64 : index
        %parallel_loop3A_241 = tpu.vector_load %arg15[%parallel_loop3A_239, %parallel_loop3A_240] {strides = array<i32>} : memref<80x128xf32, #tpu.memory_space<vmem>>, vector<1x16xf32>,
        %parallel_loop3A_242 = vector.shape_cast %parallel_loop3A_241 : vector<1x16xf32> to vector<16xf32>
        %parallel_loop3A_243 = arith.addf %parallel_loop3A_238, %parallel_loop3A_242 : vector<16xf32>
        %parallel_loop3A_244 = arith.index_cast %parallel_loop3A_178 : i32 to index
        %parallel_loop3A_245 = arith.constant 64 : index
        %parallel_loop3A_246 = tpu.vector_load %arg14[%parallel_loop3A_244, %parallel_loop3A_245] {strides = array<i32>} : memref<80x128xf32, #tpu.memory_space<vmem>>, vector<1x16xf32>,
        %parallel_loop3A_247 = vector.shape_cast %parallel_loop3A_246 : vector<1x16xf32> to vector<16xf32>
        %parallel_loop3A_248 = vector.shape_cast %parallel_loop3A_243 : vector<16xf32> to vector<1x16xf32>
        tpu.vector_store %arg14[%parallel_loop3A_244, %parallel_loop3A_245], %parallel_loop3A_248 {strides = array<i32>} : memref<80x128xf32, #tpu.memory_space<vmem>>, vector<1x16xf32>,
        %parallel_loop3A_249 = arith.index_cast %parallel_loop3A_178 : i32 to index
        %parallel_loop3A_250 = arith.constant 80 : index
        %parallel_loop3A_251 = tpu.vector_load %arg14[%parallel_loop3A_249, %parallel_loop3A_250] {strides = array<i32>} : memref<80x128xf32, #tpu.memory_space<vmem>>, vector<1x16xf32>,
        %parallel_loop3A_252 = vector.shape_cast %parallel_loop3A_251 : vector<1x16xf32> to vector<16xf32>
        %parallel_loop3A_253 = arith.index_cast %parallel_loop3A_178 : i32 to index
        %parallel_loop3A_254 = arith.constant 80 : index
        %parallel_loop3A_255 = tpu.vector_load %arg15[%parallel_loop3A_253, %parallel_loop3A_254] {strides = array<i32>} : memref<80x128xf32, #tpu.memory_space<vmem>>, vector<1x16xf32>,
        %parallel_loop3A_256 = vector.shape_cast %parallel_loop3A_255 : vector<1x16xf32> to vector<16xf32>
        %parallel_loop3A_257 = arith.addf %parallel_loop3A_252, %parallel_loop3A_256 : vector<16xf32>
        %parallel_loop3A_258 = arith.index_cast %parallel_loop3A_178 : i32 to index
        %parallel_loop3A_259 = arith.constant 80 : index
        %parallel_loop3A_260 = tpu.vector_load %arg14[%parallel_loop3A_258, %parallel_loop3A_259] {strides = array<i32>} : memref<80x128xf32, #tpu.memory_space<vmem>>, vector<1x16xf32>,
        %parallel_loop3A_261 = vector.shape_cast %parallel_loop3A_260 : vector<1x16xf32> to vector<16xf32>
        %parallel_loop3A_262 = vector.shape_cast %parallel_loop3A_257 : vector<16xf32> to vector<1x16xf32>
        tpu.vector_store %arg14[%parallel_loop3A_258, %parallel_loop3A_259], %parallel_loop3A_262 {strides = array<i32>} : memref<80x128xf32, #tpu.memory_space<vmem>>, vector<1x16xf32>,
        %parallel_loop3A_263 = arith.index_cast %parallel_loop3A_178 : i32 to index
        %parallel_loop3A_264 = arith.constant 96 : index
        %parallel_loop3A_265 = tpu.vector_load %arg14[%parallel_loop3A_263, %parallel_loop3A_264] {strides = array<i32>} : memref<80x128xf32, #tpu.memory_space<vmem>>, vector<1x16xf32>,
        %parallel_loop3A_266 = vector.shape_cast %parallel_loop3A_265 : vector<1x16xf32> to vector<16xf32>
        %parallel_loop3A_267 = arith.index_cast %parallel_loop3A_178 : i32 to index
        %parallel_loop3A_268 = arith.constant 96 : index
        %parallel_loop3A_269 = tpu.vector_load %arg15[%parallel_loop3A_267, %parallel_loop3A_268] {strides = array<i32>} : memref<80x128xf32, #tpu.memory_space<vmem>>, vector<1x16xf32>,
        %parallel_loop3A_270 = vector.shape_cast %parallel_loop3A_269 : vector<1x16xf32> to vector<16xf32>
        %parallel_loop3A_271 = arith.addf %parallel_loop3A_266, %parallel_loop3A_270 : vector<16xf32>
        %parallel_loop3A_272 = arith.index_cast %parallel_loop3A_178 : i32 to index
        %parallel_loop3A_273 = arith.constant 96 : index
        %parallel_loop3A_274 = tpu.vector_load %arg14[%parallel_loop3A_272, %parallel_loop3A_273] {strides = array<i32>} : memref<80x128xf32, #tpu.memory_space<vmem>>, vector<1x16xf32>,
        %parallel_loop3A_275 = vector.shape_cast %parallel_loop3A_274 : vector<1x16xf32> to vector<16xf32>
        %parallel_loop3A_276 = vector.shape_cast %parallel_loop3A_271 : vector<16xf32> to vector<1x16xf32>
        tpu.vector_store %arg14[%parallel_loop3A_272, %parallel_loop3A_273], %parallel_loop3A_276 {strides = array<i32>} : memref<80x128xf32, #tpu.memory_space<vmem>>, vector<1x16xf32>,
        %parallel_loop3A_277 = arith.index_cast %parallel_loop3A_178 : i32 to index
        %parallel_loop3A_278 = arith.constant 112 : index
        %parallel_loop3A_279 = tpu.vector_load %arg14[%parallel_loop3A_277, %parallel_loop3A_278] {strides = array<i32>} : memref<80x128xf32, #tpu.memory_space<vmem>>, vector<1x16xf32>,
        %parallel_loop3A_280 = vector.shape_cast %parallel_loop3A_279 : vector<1x16xf32> to vector<16xf32>
        %parallel_loop3A_281 = arith.index_cast %parallel_loop3A_178 : i32 to index
        %parallel_loop3A_282 = arith.constant 112 : index
        %parallel_loop3A_283 = tpu.vector_load %arg15[%parallel_loop3A_281, %parallel_loop3A_282] {strides = array<i32>} : memref<80x128xf32, #tpu.memory_space<vmem>>, vector<1x16xf32>,
        %parallel_loop3A_284 = vector.shape_cast %parallel_loop3A_283 : vector<1x16xf32> to vector<16xf32>
        %parallel_loop3A_285 = arith.addf %parallel_loop3A_280, %parallel_loop3A_284 : vector<16xf32>
        %parallel_loop3A_286 = arith.index_cast %parallel_loop3A_178 : i32 to index
        %parallel_loop3A_287 = arith.constant 112 : index
        %parallel_loop3A_288 = tpu.vector_load %arg14[%parallel_loop3A_286, %parallel_loop3A_287] {strides = array<i32>} : memref<80x128xf32, #tpu.memory_space<vmem>>, vector<1x16xf32>,
        %parallel_loop3A_289 = vector.shape_cast %parallel_loop3A_288 : vector<1x16xf32> to vector<16xf32>
        %parallel_loop3A_290 = vector.shape_cast %parallel_loop3A_285 : vector<16xf32> to vector<1x16xf32>
        tpu.vector_store %arg14[%parallel_loop3A_286, %parallel_loop3A_287], %parallel_loop3A_290 {strides = array<i32>} : memref<80x128xf32, #tpu.memory_space<vmem>>, vector<1x16xf32>,
      } {sc.loop_unroll_factor = 2 : i64, sc.parallel_access}
      %mul3A_132 = arith.constant 80 : i32
      %mul3A_133 = arith.muli %add3A_101, %mul3A_132 : i32
      %add3A_134 = arith.addi %mul3A_2, %mul3A_133 : i32
      %dma_start3A_135 = arith.constant 0 : i32
      %dma_start3A_136 = tpu.memref_slice %arg6[%add3A_134, %dma_start3A_135] : memref<320000x128xf32, #tpu.memory_space<hbm>> -> memref<80x128xf32, #tpu.memory_space<hbm>>
      %dma_start3A_137 = arith.constant 0 : i32
      %dma_start3A_138 = tpu.memref_slice %arg6[%add3A_134, %dma_start3A_137] : memref<320000x128xf32, #tpu.memory_space<hbm>> -> memref<80x128xf32, #tpu.memory_space<hbm>>
      tpu.enqueue_dma source(%arg14 : memref<80x128xf32, #tpu.memory_space<vmem>>) target(%dma_start3A_138 : memref<80x128xf32, #tpu.memory_space<hbm>>) target_semaphore(%arg18 : memref<!tpu.dma_semaphore, #tpu.memory_space<semaphore_mem>>)
      %add3A_139 = arith.constant 2 : i32
      %add3A_140 = arith.addi %mul3A_63, %add3A_139 : i32
      %ge3A_141 = arith.constant 1 : i32
      %ge3A_142 = arith.cmpi sge, %add3A_140, %ge3A_141 : i32
      %convert_element_type3A_143 = arith.extui %ge3A_142 : i1 to i32
      %cond3A_144 = arith.constant 0 : i32
      %cond3A_145 = arith.cmpi ne, %convert_element_type3A_143, %cond3A_144 : i32
      scf.if %cond3A_145 {
        %sub3A = arith.constant 1 : i32
        %sub3A_178 = arith.subi %add3A_140, %sub3A : i32
        %mul3A_179 = arith.constant 80 : i32
        %mul3A_180 = arith.muli %sub3A_178, %mul3A_179 : i32
        %add3A_181 = arith.addi %mul3A_2, %mul3A_180 : i32
        %dma_wait3A_182 = arith.constant 0 : i32
        %dma_wait3A_183 = tpu.memref_slice %arg6[%add3A_181, %dma_wait3A_182] : memref<320000x128xf32, #tpu.memory_space<hbm>> -> memref<80x128xf32, #tpu.memory_space<hbm>>
        %dma_wait3A_184 = arith.constant 0 : i32
        %dma_wait3A_185 = tpu.memref_slice %arg6[%add3A_181, %dma_wait3A_184] : memref<320000x128xf32, #tpu.memory_space<hbm>> -> memref<80x128xf32, #tpu.memory_space<hbm>>
        tpu.wait_dma2 semaphore(%arg18 : memref<!tpu.dma_semaphore, #tpu.memory_space<semaphore_mem>>) src(%arg14 : memref<80x128xf32, #tpu.memory_space<vmem>>) dst(%dma_wait3A_185 : memref<80x128xf32, #tpu.memory_space<hbm>>)
      } else {
      }
      %add3A_146 = arith.constant 2 : i32
      %add3A_147 = arith.addi %add3A_140, %add3A_146 : i32
      %mul3A_148 = arith.constant 80 : i32
      %mul3A_149 = arith.muli %add3A_147, %mul3A_148 : i32
      %dma_start3A_150 = tpu.memref_slice %arg7[%mul3A_149] : memref<10000xi32, #tpu.memory_space<vmem>> -> memref<80xi32, #tpu.memory_space<vmem>>
      %dma_start3A_151 = arith.constant 0 : i32
      %dma_start3A_152 = arith.constant 0 : i32
      %dma_start3A_153 = tpu.memref_slice %arg2[%dma_start3A_151, %dma_start3A_152] : memref<10000x128xf32, #tpu.memory_space<hbm>> -> memref<10000x128xf32, #tpu.memory_space<hbm>>
      tpu.enqueue_indirect_dma source(%dma_start3A_153 : memref<10000x128xf32, #tpu.memory_space<hbm>>) target(%arg14 : memref<80x128xf32, #tpu.memory_space<vmem>>) offsets(%dma_start3A_150 : memref<80xi32, #tpu.memory_space<vmem>>) semaphore(%arg16 : memref<!tpu.dma_semaphore, #tpu.memory_space<semaphore_mem>>)
      %dma_start3A_154 = tpu.memref_slice %arg8[%mul3A_149] : memref<10000xi32, #tpu.memory_space<vmem>> -> memref<80xi32, #tpu.memory_space<vmem>>
      %dma_start3A_155 = arith.constant 0 : i32
      %dma_start3A_156 = arith.constant 0 : i32
      %dma_start3A_157 = tpu.memref_slice %arg3[%dma_start3A_155, %dma_start3A_156] : memref<10000x128xf32, #tpu.memory_space<hbm>> -> memref<10000x128xf32, #tpu.memory_space<hbm>>
      tpu.enqueue_indirect_dma source(%dma_start3A_157 : memref<10000x128xf32, #tpu.memory_space<hbm>>) target(%arg15 : memref<80x128xf32, #tpu.memory_space<vmem>>) offsets(%dma_start3A_154 : memref<80xi32, #tpu.memory_space<vmem>>) semaphore(%arg17 : memref<!tpu.dma_semaphore, #tpu.memory_space<semaphore_mem>>)
      %mul3A_158 = arith.constant 80 : i32
      %mul3A_159 = arith.muli %add3A_140, %mul3A_158 : i32
      %dma_wait3A_160 = tpu.memref_slice %arg7[%mul3A_159] : memref<10000xi32, #tpu.memory_space<vmem>> -> memref<80xi32, #tpu.memory_space<vmem>>
      %dma_wait3A_161 = arith.constant 0 : i32
      %dma_wait3A_162 = arith.constant 0 : i32
      %dma_wait3A_163 = tpu.memref_slice %arg2[%dma_wait3A_161, %dma_wait3A_162] : memref<10000x128xf32, #tpu.memory_space<hbm>> -> memref<10000x128xf32, #tpu.memory_space<hbm>>
      tpu.wait_indirect_dma semaphore(%arg21 : memref<!tpu.dma_semaphore, #tpu.memory_space<semaphore_mem>>) src(%dma_wait3A_163 : memref<10000x128xf32, #tpu.memory_space<hbm>>) dst(%arg19 : memref<80x128xf32, #tpu.memory_space<vmem>>)
      %dma_wait3A_164 = tpu.memref_slice %arg8[%mul3A_159] : memref<10000xi32, #tpu.memory_space<vmem>> -> memref<80xi32, #tpu.memory_space<vmem>>
      %dma_wait3A_165 = arith.constant 0 : i32
      %dma_wait3A_166 = arith.constant 0 : i32
      %dma_wait3A_167 = tpu.memref_slice %arg3[%dma_wait3A_165, %dma_wait3A_166] : memref<10000x128xf32, #tpu.memory_space<hbm>> -> memref<10000x128xf32, #tpu.memory_space<hbm>>
      tpu.wait_indirect_dma semaphore(%arg22 : memref<!tpu.dma_semaphore, #tpu.memory_space<semaphore_mem>>) src(%dma_wait3A_167 : memref<10000x128xf32, #tpu.memory_space<hbm>>) dst(%arg20 : memref<80x128xf32, #tpu.memory_space<vmem>>)
      %parallel_loop3A_168 = arith.constant 0 : i32
      %parallel_loop3A_169 = arith.constant 80 : i32
      %parallel_loop3A_170 = arith.constant 1 : i32
      scf.for %parallel_loop3A_178 = %parallel_loop3A_168 to %parallel_loop3A_169 step %parallel_loop3A_170  : i32 {
        %parallel_loop3A_179 = arith.index_cast %parallel_loop3A_178 : i32 to index
        %parallel_loop3A_180 = arith.constant 0 : index
        %parallel_loop3A_181 = tpu.vector_load %arg19[%parallel_loop3A_179, %parallel_loop3A_180] {strides = array<i32>} : memref<80x128xf32, #tpu.memory_space<vmem>>, vector<1x16xf32>,
        %parallel_loop3A_182 = vector.shape_cast %parallel_loop3A_181 : vector<1x16xf32> to vector<16xf32>
        %parallel_loop3A_183 = arith.index_cast %parallel_loop3A_178 : i32 to index
        %parallel_loop3A_184 = arith.constant 0 : index
        %parallel_loop3A_185 = tpu.vector_load %arg20[%parallel_loop3A_183, %parallel_loop3A_184] {strides = array<i32>} : memref<80x128xf32, #tpu.memory_space<vmem>>, vector<1x16xf32>,
        %parallel_loop3A_186 = vector.shape_cast %parallel_loop3A_185 : vector<1x16xf32> to vector<16xf32>
        %parallel_loop3A_187 = arith.addf %parallel_loop3A_182, %parallel_loop3A_186 : vector<16xf32>
        %parallel_loop3A_188 = arith.index_cast %parallel_loop3A_178 : i32 to index
        %parallel_loop3A_189 = arith.constant 0 : index
        %parallel_loop3A_190 = tpu.vector_load %arg19[%parallel_loop3A_188, %parallel_loop3A_189] {strides = array<i32>} : memref<80x128xf32, #tpu.memory_space<vmem>>, vector<1x16xf32>,
        %parallel_loop3A_191 = vector.shape_cast %parallel_loop3A_190 : vector<1x16xf32> to vector<16xf32>
        %parallel_loop3A_192 = vector.shape_cast %parallel_loop3A_187 : vector<16xf32> to vector<1x16xf32>
        tpu.vector_store %arg19[%parallel_loop3A_188, %parallel_loop3A_189], %parallel_loop3A_192 {strides = array<i32>} : memref<80x128xf32, #tpu.memory_space<vmem>>, vector<1x16xf32>,
        %parallel_loop3A_193 = arith.index_cast %parallel_loop3A_178 : i32 to index
        %parallel_loop3A_194 = arith.constant 16 : index
        %parallel_loop3A_195 = tpu.vector_load %arg19[%parallel_loop3A_193, %parallel_loop3A_194] {strides = array<i32>} : memref<80x128xf32, #tpu.memory_space<vmem>>, vector<1x16xf32>,
        %parallel_loop3A_196 = vector.shape_cast %parallel_loop3A_195 : vector<1x16xf32> to vector<16xf32>
        %parallel_loop3A_197 = arith.index_cast %parallel_loop3A_178 : i32 to index
        %parallel_loop3A_198 = arith.constant 16 : index
        %parallel_loop3A_199 = tpu.vector_load %arg20[%parallel_loop3A_197, %parallel_loop3A_198] {strides = array<i32>} : memref<80x128xf32, #tpu.memory_space<vmem>>, vector<1x16xf32>,
        %parallel_loop3A_200 = vector.shape_cast %parallel_loop3A_199 : vector<1x16xf32> to vector<16xf32>
        %parallel_loop3A_201 = arith.addf %parallel_loop3A_196, %parallel_loop3A_200 : vector<16xf32>
        %parallel_loop3A_202 = arith.index_cast %parallel_loop3A_178 : i32 to index
        %parallel_loop3A_203 = arith.constant 16 : index
        %parallel_loop3A_204 = tpu.vector_load %arg19[%parallel_loop3A_202, %parallel_loop3A_203] {strides = array<i32>} : memref<80x128xf32, #tpu.memory_space<vmem>>, vector<1x16xf32>,
        %parallel_loop3A_205 = vector.shape_cast %parallel_loop3A_204 : vector<1x16xf32> to vector<16xf32>
        %parallel_loop3A_206 = vector.shape_cast %parallel_loop3A_201 : vector<16xf32> to vector<1x16xf32>
        tpu.vector_store %arg19[%parallel_loop3A_202, %parallel_loop3A_203], %parallel_loop3A_206 {strides = array<i32>} : memref<80x128xf32, #tpu.memory_space<vmem>>, vector<1x16xf32>,
        %parallel_loop3A_207 = arith.index_cast %parallel_loop3A_178 : i32 to index
        %parallel_loop3A_208 = arith.constant 32 : index
        %parallel_loop3A_209 = tpu.vector_load %arg19[%parallel_loop3A_207, %parallel_loop3A_208] {strides = array<i32>} : memref<80x128xf32, #tpu.memory_space<vmem>>, vector<1x16xf32>,
        %parallel_loop3A_210 = vector.shape_cast %parallel_loop3A_209 : vector<1x16xf32> to vector<16xf32>
        %parallel_loop3A_211 = arith.index_cast %parallel_loop3A_178 : i32 to index
        %parallel_loop3A_212 = arith.constant 32 : index
        %parallel_loop3A_213 = tpu.vector_load %arg20[%parallel_loop3A_211, %parallel_loop3A_212] {strides = array<i32>} : memref<80x128xf32, #tpu.memory_space<vmem>>, vector<1x16xf32>,
        %parallel_loop3A_214 = vector.shape_cast %parallel_loop3A_213 : vector<1x16xf32> to vector<16xf32>
        %parallel_loop3A_215 = arith.addf %parallel_loop3A_210, %parallel_loop3A_214 : vector<16xf32>
        %parallel_loop3A_216 = arith.index_cast %parallel_loop3A_178 : i32 to index
        %parallel_loop3A_217 = arith.constant 32 : index
        %parallel_loop3A_218 = tpu.vector_load %arg19[%parallel_loop3A_216, %parallel_loop3A_217] {strides = array<i32>} : memref<80x128xf32, #tpu.memory_space<vmem>>, vector<1x16xf32>,
        %parallel_loop3A_219 = vector.shape_cast %parallel_loop3A_218 : vector<1x16xf32> to vector<16xf32>
        %parallel_loop3A_220 = vector.shape_cast %parallel_loop3A_215 : vector<16xf32> to vector<1x16xf32>
        tpu.vector_store %arg19[%parallel_loop3A_216, %parallel_loop3A_217], %parallel_loop3A_220 {strides = array<i32>} : memref<80x128xf32, #tpu.memory_space<vmem>>, vector<1x16xf32>,
        %parallel_loop3A_221 = arith.index_cast %parallel_loop3A_178 : i32 to index
        %parallel_loop3A_222 = arith.constant 48 : index
        %parallel_loop3A_223 = tpu.vector_load %arg19[%parallel_loop3A_221, %parallel_loop3A_222] {strides = array<i32>} : memref<80x128xf32, #tpu.memory_space<vmem>>, vector<1x16xf32>,
        %parallel_loop3A_224 = vector.shape_cast %parallel_loop3A_223 : vector<1x16xf32> to vector<16xf32>
        %parallel_loop3A_225 = arith.index_cast %parallel_loop3A_178 : i32 to index
        %parallel_loop3A_226 = arith.constant 48 : index
        %parallel_loop3A_227 = tpu.vector_load %arg20[%parallel_loop3A_225, %parallel_loop3A_226] {strides = array<i32>} : memref<80x128xf32, #tpu.memory_space<vmem>>, vector<1x16xf32>,
        %parallel_loop3A_228 = vector.shape_cast %parallel_loop3A_227 : vector<1x16xf32> to vector<16xf32>
        %parallel_loop3A_229 = arith.addf %parallel_loop3A_224, %parallel_loop3A_228 : vector<16xf32>
        %parallel_loop3A_230 = arith.index_cast %parallel_loop3A_178 : i32 to index
        %parallel_loop3A_231 = arith.constant 48 : index
        %parallel_loop3A_232 = tpu.vector_load %arg19[%parallel_loop3A_230, %parallel_loop3A_231] {strides = array<i32>} : memref<80x128xf32, #tpu.memory_space<vmem>>, vector<1x16xf32>,
        %parallel_loop3A_233 = vector.shape_cast %parallel_loop3A_232 : vector<1x16xf32> to vector<16xf32>
        %parallel_loop3A_234 = vector.shape_cast %parallel_loop3A_229 : vector<16xf32> to vector<1x16xf32>
        tpu.vector_store %arg19[%parallel_loop3A_230, %parallel_loop3A_231], %parallel_loop3A_234 {strides = array<i32>} : memref<80x128xf32, #tpu.memory_space<vmem>>, vector<1x16xf32>,
        %parallel_loop3A_235 = arith.index_cast %parallel_loop3A_178 : i32 to index
        %parallel_loop3A_236 = arith.constant 64 : index
        %parallel_loop3A_237 = tpu.vector_load %arg19[%parallel_loop3A_235, %parallel_loop3A_236] {strides = array<i32>} : memref<80x128xf32, #tpu.memory_space<vmem>>, vector<1x16xf32>,
        %parallel_loop3A_238 = vector.shape_cast %parallel_loop3A_237 : vector<1x16xf32> to vector<16xf32>
        %parallel_loop3A_239 = arith.index_cast %parallel_loop3A_178 : i32 to index
        %parallel_loop3A_240 = arith.constant 64 : index
        %parallel_loop3A_241 = tpu.vector_load %arg20[%parallel_loop3A_239, %parallel_loop3A_240] {strides = array<i32>} : memref<80x128xf32, #tpu.memory_space<vmem>>, vector<1x16xf32>,
        %parallel_loop3A_242 = vector.shape_cast %parallel_loop3A_241 : vector<1x16xf32> to vector<16xf32>
        %parallel_loop3A_243 = arith.addf %parallel_loop3A_238, %parallel_loop3A_242 : vector<16xf32>
        %parallel_loop3A_244 = arith.index_cast %parallel_loop3A_178 : i32 to index
        %parallel_loop3A_245 = arith.constant 64 : index
        %parallel_loop3A_246 = tpu.vector_load %arg19[%parallel_loop3A_244, %parallel_loop3A_245] {strides = array<i32>} : memref<80x128xf32, #tpu.memory_space<vmem>>, vector<1x16xf32>,
        %parallel_loop3A_247 = vector.shape_cast %parallel_loop3A_246 : vector<1x16xf32> to vector<16xf32>
        %parallel_loop3A_248 = vector.shape_cast %parallel_loop3A_243 : vector<16xf32> to vector<1x16xf32>
        tpu.vector_store %arg19[%parallel_loop3A_244, %parallel_loop3A_245], %parallel_loop3A_248 {strides = array<i32>} : memref<80x128xf32, #tpu.memory_space<vmem>>, vector<1x16xf32>,
        %parallel_loop3A_249 = arith.index_cast %parallel_loop3A_178 : i32 to index
        %parallel_loop3A_250 = arith.constant 80 : index
        %parallel_loop3A_251 = tpu.vector_load %arg19[%parallel_loop3A_249, %parallel_loop3A_250] {strides = array<i32>} : memref<80x128xf32, #tpu.memory_space<vmem>>, vector<1x16xf32>,
        %parallel_loop3A_252 = vector.shape_cast %parallel_loop3A_251 : vector<1x16xf32> to vector<16xf32>
        %parallel_loop3A_253 = arith.index_cast %parallel_loop3A_178 : i32 to index
        %parallel_loop3A_254 = arith.constant 80 : index
        %parallel_loop3A_255 = tpu.vector_load %arg20[%parallel_loop3A_253, %parallel_loop3A_254] {strides = array<i32>} : memref<80x128xf32, #tpu.memory_space<vmem>>, vector<1x16xf32>,
        %parallel_loop3A_256 = vector.shape_cast %parallel_loop3A_255 : vector<1x16xf32> to vector<16xf32>
        %parallel_loop3A_257 = arith.addf %parallel_loop3A_252, %parallel_loop3A_256 : vector<16xf32>
        %parallel_loop3A_258 = arith.index_cast %parallel_loop3A_178 : i32 to index
        %parallel_loop3A_259 = arith.constant 80 : index
        %parallel_loop3A_260 = tpu.vector_load %arg19[%parallel_loop3A_258, %parallel_loop3A_259] {strides = array<i32>} : memref<80x128xf32, #tpu.memory_space<vmem>>, vector<1x16xf32>,
        %parallel_loop3A_261 = vector.shape_cast %parallel_loop3A_260 : vector<1x16xf32> to vector<16xf32>
        %parallel_loop3A_262 = vector.shape_cast %parallel_loop3A_257 : vector<16xf32> to vector<1x16xf32>
        tpu.vector_store %arg19[%parallel_loop3A_258, %parallel_loop3A_259], %parallel_loop3A_262 {strides = array<i32>} : memref<80x128xf32, #tpu.memory_space<vmem>>, vector<1x16xf32>,
        %parallel_loop3A_263 = arith.index_cast %parallel_loop3A_178 : i32 to index
        %parallel_loop3A_264 = arith.constant 96 : index
        %parallel_loop3A_265 = tpu.vector_load %arg19[%parallel_loop3A_263, %parallel_loop3A_264] {strides = array<i32>} : memref<80x128xf32, #tpu.memory_space<vmem>>, vector<1x16xf32>,
        %parallel_loop3A_266 = vector.shape_cast %parallel_loop3A_265 : vector<1x16xf32> to vector<16xf32>
        %parallel_loop3A_267 = arith.index_cast %parallel_loop3A_178 : i32 to index
        %parallel_loop3A_268 = arith.constant 96 : index
        %parallel_loop3A_269 = tpu.vector_load %arg20[%parallel_loop3A_267, %parallel_loop3A_268] {strides = array<i32>} : memref<80x128xf32, #tpu.memory_space<vmem>>, vector<1x16xf32>,
        %parallel_loop3A_270 = vector.shape_cast %parallel_loop3A_269 : vector<1x16xf32> to vector<16xf32>
        %parallel_loop3A_271 = arith.addf %parallel_loop3A_266, %parallel_loop3A_270 : vector<16xf32>
        %parallel_loop3A_272 = arith.index_cast %parallel_loop3A_178 : i32 to index
        %parallel_loop3A_273 = arith.constant 96 : index
        %parallel_loop3A_274 = tpu.vector_load %arg19[%parallel_loop3A_272, %parallel_loop3A_273] {strides = array<i32>} : memref<80x128xf32, #tpu.memory_space<vmem>>, vector<1x16xf32>,
        %parallel_loop3A_275 = vector.shape_cast %parallel_loop3A_274 : vector<1x16xf32> to vector<16xf32>
        %parallel_loop3A_276 = vector.shape_cast %parallel_loop3A_271 : vector<16xf32> to vector<1x16xf32>
        tpu.vector_store %arg19[%parallel_loop3A_272, %parallel_loop3A_273], %parallel_loop3A_276 {strides = array<i32>} : memref<80x128xf32, #tpu.memory_space<vmem>>, vector<1x16xf32>,
        %parallel_loop3A_277 = arith.index_cast %parallel_loop3A_178 : i32 to index
        %parallel_loop3A_278 = arith.constant 112 : index
        %parallel_loop3A_279 = tpu.vector_load %arg19[%parallel_loop3A_277, %parallel_loop3A_278] {strides = array<i32>} : memref<80x128xf32, #tpu.memory_space<vmem>>, vector<1x16xf32>,
        %parallel_loop3A_280 = vector.shape_cast %parallel_loop3A_279 : vector<1x16xf32> to vector<16xf32>
        %parallel_loop3A_281 = arith.index_cast %parallel_loop3A_178 : i32 to index
        %parallel_loop3A_282 = arith.constant 112 : index
        %parallel_loop3A_283 = tpu.vector_load %arg20[%parallel_loop3A_281, %parallel_loop3A_282] {strides = array<i32>} : memref<80x128xf32, #tpu.memory_space<vmem>>, vector<1x16xf32>,
        %parallel_loop3A_284 = vector.shape_cast %parallel_loop3A_283 : vector<1x16xf32> to vector<16xf32>
        %parallel_loop3A_285 = arith.addf %parallel_loop3A_280, %parallel_loop3A_284 : vector<16xf32>
        %parallel_loop3A_286 = arith.index_cast %parallel_loop3A_178 : i32 to index
        %parallel_loop3A_287 = arith.constant 112 : index
        %parallel_loop3A_288 = tpu.vector_load %arg19[%parallel_loop3A_286, %parallel_loop3A_287] {strides = array<i32>} : memref<80x128xf32, #tpu.memory_space<vmem>>, vector<1x16xf32>,
        %parallel_loop3A_289 = vector.shape_cast %parallel_loop3A_288 : vector<1x16xf32> to vector<16xf32>
        %parallel_loop3A_290 = vector.shape_cast %parallel_loop3A_285 : vector<16xf32> to vector<1x16xf32>
        tpu.vector_store %arg19[%parallel_loop3A_286, %parallel_loop3A_287], %parallel_loop3A_290 {strides = array<i32>} : memref<80x128xf32, #tpu.memory_space<vmem>>, vector<1x16xf32>,
      } {sc.loop_unroll_factor = 2 : i64, sc.parallel_access}
      %mul3A_171 = arith.constant 80 : i32
      %mul3A_172 = arith.muli %add3A_140, %mul3A_171 : i32
      %add3A_173 = arith.addi %mul3A_2, %mul3A_172 : i32
      %dma_start3A_174 = arith.constant 0 : i32
      %dma_start3A_175 = tpu.memref_slice %arg6[%add3A_173, %dma_start3A_174] : memref<320000x128xf32, #tpu.memory_space<hbm>> -> memref<80x128xf32, #tpu.memory_space<hbm>>
      %dma_start3A_176 = arith.constant 0 : i32
      %dma_start3A_177 = tpu.memref_slice %arg6[%add3A_173, %dma_start3A_176] : memref<320000x128xf32, #tpu.memory_space<hbm>> -> memref<80x128xf32, #tpu.memory_space<hbm>>
      tpu.enqueue_dma source(%arg19 : memref<80x128xf32, #tpu.memory_space<vmem>>) target(%dma_start3A_177 : memref<80x128xf32, #tpu.memory_space<hbm>>) target_semaphore(%arg23 : memref<!tpu.dma_semaphore, #tpu.memory_space<semaphore_mem>>)
    }
    %scan3A_26 = arith.constant 41 : i32
    %dma_wait3A = arith.constant 9840 : i32
    %dma_wait3A_27 = tpu.memref_slice %arg7[%dma_wait3A] : memref<10000xi32, #tpu.memory_space<vmem>> -> memref<80xi32, #tpu.memory_space<vmem>>
    %dma_wait3A_28 = arith.constant 0 : i32
    %dma_wait3A_29 = arith.constant 0 : i32
    %dma_wait3A_30 = tpu.memref_slice %arg2[%dma_wait3A_28, %dma_wait3A_29] : memref<10000x128xf32, #tpu.memory_space<hbm>> -> memref<10000x128xf32, #tpu.memory_space<hbm>>
    tpu.wait_indirect_dma semaphore(%arg11 : memref<!tpu.dma_semaphore, #tpu.memory_space<semaphore_mem>>) src(%dma_wait3A_30 : memref<10000x128xf32, #tpu.memory_space<hbm>>) dst(%arg9 : memref<80x128xf32, #tpu.memory_space<vmem>>)
    %dma_wait3A_31 = arith.constant 9840 : i32
    %dma_wait3A_32 = tpu.memref_slice %arg8[%dma_wait3A_31] : memref<10000xi32, #tpu.memory_space<vmem>> -> memref<80xi32, #tpu.memory_space<vmem>>
    %dma_wait3A_33 = arith.constant 0 : i32
    %dma_wait3A_34 = arith.constant 0 : i32
    %dma_wait3A_35 = tpu.memref_slice %arg3[%dma_wait3A_33, %dma_wait3A_34] : memref<10000x128xf32, #tpu.memory_space<hbm>> -> memref<10000x128xf32, #tpu.memory_space<hbm>>
    tpu.wait_indirect_dma semaphore(%arg12 : memref<!tpu.dma_semaphore, #tpu.memory_space<semaphore_mem>>) src(%dma_wait3A_35 : memref<10000x128xf32, #tpu.memory_space<hbm>>) dst(%arg10 : memref<80x128xf32, #tpu.memory_space<vmem>>)
    %parallel_loop3A = arith.constant 0 : i32
    %parallel_loop3A_36 = arith.constant 80 : i32
    %parallel_loop3A_37 = arith.constant 1 : i32
    scf.for %parallel_loop3A_61 = %parallel_loop3A to %parallel_loop3A_36 step %parallel_loop3A_37  : i32 {
      %parallel_loop3A_62 = arith.index_cast %parallel_loop3A_61 : i32 to index
      %parallel_loop3A_63 = arith.constant 0 : index
      %parallel_loop3A_64 = tpu.vector_load %arg9[%parallel_loop3A_62, %parallel_loop3A_63] {strides = array<i32>} : memref<80x128xf32, #tpu.memory_space<vmem>>, vector<1x16xf32>,
      %parallel_loop3A_65 = vector.shape_cast %parallel_loop3A_64 : vector<1x16xf32> to vector<16xf32>
      %parallel_loop3A_66 = arith.index_cast %parallel_loop3A_61 : i32 to index
      %parallel_loop3A_67 = arith.constant 0 : index
      %parallel_loop3A_68 = tpu.vector_load %arg10[%parallel_loop3A_66, %parallel_loop3A_67] {strides = array<i32>} : memref<80x128xf32, #tpu.memory_space<vmem>>, vector<1x16xf32>,
      %parallel_loop3A_69 = vector.shape_cast %parallel_loop3A_68 : vector<1x16xf32> to vector<16xf32>
      %parallel_loop3A_70 = arith.addf %parallel_loop3A_65, %parallel_loop3A_69 : vector<16xf32>
      %parallel_loop3A_71 = arith.index_cast %parallel_loop3A_61 : i32 to index
      %parallel_loop3A_72 = arith.constant 0 : index
      %parallel_loop3A_73 = tpu.vector_load %arg9[%parallel_loop3A_71, %parallel_loop3A_72] {strides = array<i32>} : memref<80x128xf32, #tpu.memory_space<vmem>>, vector<1x16xf32>,
      %parallel_loop3A_74 = vector.shape_cast %parallel_loop3A_73 : vector<1x16xf32> to vector<16xf32>
      %parallel_loop3A_75 = vector.shape_cast %parallel_loop3A_70 : vector<16xf32> to vector<1x16xf32>
      tpu.vector_store %arg9[%parallel_loop3A_71, %parallel_loop3A_72], %parallel_loop3A_75 {strides = array<i32>} : memref<80x128xf32, #tpu.memory_space<vmem>>, vector<1x16xf32>,
      %parallel_loop3A_76 = arith.index_cast %parallel_loop3A_61 : i32 to index
      %parallel_loop3A_77 = arith.constant 16 : index
      %parallel_loop3A_78 = tpu.vector_load %arg9[%parallel_loop3A_76, %parallel_loop3A_77] {strides = array<i32>} : memref<80x128xf32, #tpu.memory_space<vmem>>, vector<1x16xf32>,
      %parallel_loop3A_79 = vector.shape_cast %parallel_loop3A_78 : vector<1x16xf32> to vector<16xf32>
      %parallel_loop3A_80 = arith.index_cast %parallel_loop3A_61 : i32 to index
      %parallel_loop3A_81 = arith.constant 16 : index
      %parallel_loop3A_82 = tpu.vector_load %arg10[%parallel_loop3A_80, %parallel_loop3A_81] {strides = array<i32>} : memref<80x128xf32, #tpu.memory_space<vmem>>, vector<1x16xf32>,
      %parallel_loop3A_83 = vector.shape_cast %parallel_loop3A_82 : vector<1x16xf32> to vector<16xf32>
      %parallel_loop3A_84 = arith.addf %parallel_loop3A_79, %parallel_loop3A_83 : vector<16xf32>
      %parallel_loop3A_85 = arith.index_cast %parallel_loop3A_61 : i32 to index
      %parallel_loop3A_86 = arith.constant 16 : index
      %parallel_loop3A_87 = tpu.vector_load %arg9[%parallel_loop3A_85, %parallel_loop3A_86] {strides = array<i32>} : memref<80x128xf32, #tpu.memory_space<vmem>>, vector<1x16xf32>,
      %parallel_loop3A_88 = vector.shape_cast %parallel_loop3A_87 : vector<1x16xf32> to vector<16xf32>
      %parallel_loop3A_89 = vector.shape_cast %parallel_loop3A_84 : vector<16xf32> to vector<1x16xf32>
      tpu.vector_store %arg9[%parallel_loop3A_85, %parallel_loop3A_86], %parallel_loop3A_89 {strides = array<i32>} : memref<80x128xf32, #tpu.memory_space<vmem>>, vector<1x16xf32>,
      %parallel_loop3A_90 = arith.index_cast %parallel_loop3A_61 : i32 to index
      %parallel_loop3A_91 = arith.constant 32 : index
      %parallel_loop3A_92 = tpu.vector_load %arg9[%parallel_loop3A_90, %parallel_loop3A_91] {strides = array<i32>} : memref<80x128xf32, #tpu.memory_space<vmem>>, vector<1x16xf32>,
      %parallel_loop3A_93 = vector.shape_cast %parallel_loop3A_92 : vector<1x16xf32> to vector<16xf32>
      %parallel_loop3A_94 = arith.index_cast %parallel_loop3A_61 : i32 to index
      %parallel_loop3A_95 = arith.constant 32 : index
      %parallel_loop3A_96 = tpu.vector_load %arg10[%parallel_loop3A_94, %parallel_loop3A_95] {strides = array<i32>} : memref<80x128xf32, #tpu.memory_space<vmem>>, vector<1x16xf32>,
      %parallel_loop3A_97 = vector.shape_cast %parallel_loop3A_96 : vector<1x16xf32> to vector<16xf32>
      %parallel_loop3A_98 = arith.addf %parallel_loop3A_93, %parallel_loop3A_97 : vector<16xf32>
      %parallel_loop3A_99 = arith.index_cast %parallel_loop3A_61 : i32 to index
      %parallel_loop3A_100 = arith.constant 32 : index
      %parallel_loop3A_101 = tpu.vector_load %arg9[%parallel_loop3A_99, %parallel_loop3A_100] {strides = array<i32>} : memref<80x128xf32, #tpu.memory_space<vmem>>, vector<1x16xf32>,
      %parallel_loop3A_102 = vector.shape_cast %parallel_loop3A_101 : vector<1x16xf32> to vector<16xf32>
      %parallel_loop3A_103 = vector.shape_cast %parallel_loop3A_98 : vector<16xf32> to vector<1x16xf32>
      tpu.vector_store %arg9[%parallel_loop3A_99, %parallel_loop3A_100], %parallel_loop3A_103 {strides = array<i32>} : memref<80x128xf32, #tpu.memory_space<vmem>>, vector<1x16xf32>,
      %parallel_loop3A_104 = arith.index_cast %parallel_loop3A_61 : i32 to index
      %parallel_loop3A_105 = arith.constant 48 : index
      %parallel_loop3A_106 = tpu.vector_load %arg9[%parallel_loop3A_104, %parallel_loop3A_105] {strides = array<i32>} : memref<80x128xf32, #tpu.memory_space<vmem>>, vector<1x16xf32>,
      %parallel_loop3A_107 = vector.shape_cast %parallel_loop3A_106 : vector<1x16xf32> to vector<16xf32>
      %parallel_loop3A_108 = arith.index_cast %parallel_loop3A_61 : i32 to index
      %parallel_loop3A_109 = arith.constant 48 : index
      %parallel_loop3A_110 = tpu.vector_load %arg10[%parallel_loop3A_108, %parallel_loop3A_109] {strides = array<i32>} : memref<80x128xf32, #tpu.memory_space<vmem>>, vector<1x16xf32>,
      %parallel_loop3A_111 = vector.shape_cast %parallel_loop3A_110 : vector<1x16xf32> to vector<16xf32>
      %parallel_loop3A_112 = arith.addf %parallel_loop3A_107, %parallel_loop3A_111 : vector<16xf32>
      %parallel_loop3A_113 = arith.index_cast %parallel_loop3A_61 : i32 to index
      %parallel_loop3A_114 = arith.constant 48 : index
      %parallel_loop3A_115 = tpu.vector_load %arg9[%parallel_loop3A_113, %parallel_loop3A_114] {strides = array<i32>} : memref<80x128xf32, #tpu.memory_space<vmem>>, vector<1x16xf32>,
      %parallel_loop3A_116 = vector.shape_cast %parallel_loop3A_115 : vector<1x16xf32> to vector<16xf32>
      %parallel_loop3A_117 = vector.shape_cast %parallel_loop3A_112 : vector<16xf32> to vector<1x16xf32>
      tpu.vector_store %arg9[%parallel_loop3A_113, %parallel_loop3A_114], %parallel_loop3A_117 {strides = array<i32>} : memref<80x128xf32, #tpu.memory_space<vmem>>, vector<1x16xf32>,
      %parallel_loop3A_118 = arith.index_cast %parallel_loop3A_61 : i32 to index
      %parallel_loop3A_119 = arith.constant 64 : index
      %parallel_loop3A_120 = tpu.vector_load %arg9[%parallel_loop3A_118, %parallel_loop3A_119] {strides = array<i32>} : memref<80x128xf32, #tpu.memory_space<vmem>>, vector<1x16xf32>,
      %parallel_loop3A_121 = vector.shape_cast %parallel_loop3A_120 : vector<1x16xf32> to vector<16xf32>
      %parallel_loop3A_122 = arith.index_cast %parallel_loop3A_61 : i32 to index
      %parallel_loop3A_123 = arith.constant 64 : index
      %parallel_loop3A_124 = tpu.vector_load %arg10[%parallel_loop3A_122, %parallel_loop3A_123] {strides = array<i32>} : memref<80x128xf32, #tpu.memory_space<vmem>>, vector<1x16xf32>,
      %parallel_loop3A_125 = vector.shape_cast %parallel_loop3A_124 : vector<1x16xf32> to vector<16xf32>
      %parallel_loop3A_126 = arith.addf %parallel_loop3A_121, %parallel_loop3A_125 : vector<16xf32>
      %parallel_loop3A_127 = arith.index_cast %parallel_loop3A_61 : i32 to index
      %parallel_loop3A_128 = arith.constant 64 : index
      %parallel_loop3A_129 = tpu.vector_load %arg9[%parallel_loop3A_127, %parallel_loop3A_128] {strides = array<i32>} : memref<80x128xf32, #tpu.memory_space<vmem>>, vector<1x16xf32>,
      %parallel_loop3A_130 = vector.shape_cast %parallel_loop3A_129 : vector<1x16xf32> to vector<16xf32>
      %parallel_loop3A_131 = vector.shape_cast %parallel_loop3A_126 : vector<16xf32> to vector<1x16xf32>
      tpu.vector_store %arg9[%parallel_loop3A_127, %parallel_loop3A_128], %parallel_loop3A_131 {strides = array<i32>} : memref<80x128xf32, #tpu.memory_space<vmem>>, vector<1x16xf32>,
      %parallel_loop3A_132 = arith.index_cast %parallel_loop3A_61 : i32 to index
      %parallel_loop3A_133 = arith.constant 80 : index
      %parallel_loop3A_134 = tpu.vector_load %arg9[%parallel_loop3A_132, %parallel_loop3A_133] {strides = array<i32>} : memref<80x128xf32, #tpu.memory_space<vmem>>, vector<1x16xf32>,
      %parallel_loop3A_135 = vector.shape_cast %parallel_loop3A_134 : vector<1x16xf32> to vector<16xf32>
      %parallel_loop3A_136 = arith.index_cast %parallel_loop3A_61 : i32 to index
      %parallel_loop3A_137 = arith.constant 80 : index
      %parallel_loop3A_138 = tpu.vector_load %arg10[%parallel_loop3A_136, %parallel_loop3A_137] {strides = array<i32>} : memref<80x128xf32, #tpu.memory_space<vmem>>, vector<1x16xf32>,
      %parallel_loop3A_139 = vector.shape_cast %parallel_loop3A_138 : vector<1x16xf32> to vector<16xf32>
      %parallel_loop3A_140 = arith.addf %parallel_loop3A_135, %parallel_loop3A_139 : vector<16xf32>
      %parallel_loop3A_141 = arith.index_cast %parallel_loop3A_61 : i32 to index
      %parallel_loop3A_142 = arith.constant 80 : index
      %parallel_loop3A_143 = tpu.vector_load %arg9[%parallel_loop3A_141, %parallel_loop3A_142] {strides = array<i32>} : memref<80x128xf32, #tpu.memory_space<vmem>>, vector<1x16xf32>,
      %parallel_loop3A_144 = vector.shape_cast %parallel_loop3A_143 : vector<1x16xf32> to vector<16xf32>
      %parallel_loop3A_145 = vector.shape_cast %parallel_loop3A_140 : vector<16xf32> to vector<1x16xf32>
      tpu.vector_store %arg9[%parallel_loop3A_141, %parallel_loop3A_142], %parallel_loop3A_145 {strides = array<i32>} : memref<80x128xf32, #tpu.memory_space<vmem>>, vector<1x16xf32>,
      %parallel_loop3A_146 = arith.index_cast %parallel_loop3A_61 : i32 to index
      %parallel_loop3A_147 = arith.constant 96 : index
      %parallel_loop3A_148 = tpu.vector_load %arg9[%parallel_loop3A_146, %parallel_loop3A_147] {strides = array<i32>} : memref<80x128xf32, #tpu.memory_space<vmem>>, vector<1x16xf32>,
      %parallel_loop3A_149 = vector.shape_cast %parallel_loop3A_148 : vector<1x16xf32> to vector<16xf32>
      %parallel_loop3A_150 = arith.index_cast %parallel_loop3A_61 : i32 to index
      %parallel_loop3A_151 = arith.constant 96 : index
      %parallel_loop3A_152 = tpu.vector_load %arg10[%parallel_loop3A_150, %parallel_loop3A_151] {strides = array<i32>} : memref<80x128xf32, #tpu.memory_space<vmem>>, vector<1x16xf32>,
      %parallel_loop3A_153 = vector.shape_cast %parallel_loop3A_152 : vector<1x16xf32> to vector<16xf32>
      %parallel_loop3A_154 = arith.addf %parallel_loop3A_149, %parallel_loop3A_153 : vector<16xf32>
      %parallel_loop3A_155 = arith.index_cast %parallel_loop3A_61 : i32 to index
      %parallel_loop3A_156 = arith.constant 96 : index
      %parallel_loop3A_157 = tpu.vector_load %arg9[%parallel_loop3A_155, %parallel_loop3A_156] {strides = array<i32>} : memref<80x128xf32, #tpu.memory_space<vmem>>, vector<1x16xf32>,
      %parallel_loop3A_158 = vector.shape_cast %parallel_loop3A_157 : vector<1x16xf32> to vector<16xf32>
      %parallel_loop3A_159 = vector.shape_cast %parallel_loop3A_154 : vector<16xf32> to vector<1x16xf32>
      tpu.vector_store %arg9[%parallel_loop3A_155, %parallel_loop3A_156], %parallel_loop3A_159 {strides = array<i32>} : memref<80x128xf32, #tpu.memory_space<vmem>>, vector<1x16xf32>,
      %parallel_loop3A_160 = arith.index_cast %parallel_loop3A_61 : i32 to index
      %parallel_loop3A_161 = arith.constant 112 : index
      %parallel_loop3A_162 = tpu.vector_load %arg9[%parallel_loop3A_160, %parallel_loop3A_161] {strides = array<i32>} : memref<80x128xf32, #tpu.memory_space<vmem>>, vector<1x16xf32>,
      %parallel_loop3A_163 = vector.shape_cast %parallel_loop3A_162 : vector<1x16xf32> to vector<16xf32>
      %parallel_loop3A_164 = arith.index_cast %parallel_loop3A_61 : i32 to index
      %parallel_loop3A_165 = arith.constant 112 : index
      %parallel_loop3A_166 = tpu.vector_load %arg10[%parallel_loop3A_164, %parallel_loop3A_165] {strides = array<i32>} : memref<80x128xf32, #tpu.memory_space<vmem>>, vector<1x16xf32>,
      %parallel_loop3A_167 = vector.shape_cast %parallel_loop3A_166 : vector<1x16xf32> to vector<16xf32>
      %parallel_loop3A_168 = arith.addf %parallel_loop3A_163, %parallel_loop3A_167 : vector<16xf32>
      %parallel_loop3A_169 = arith.index_cast %parallel_loop3A_61 : i32 to index
      %parallel_loop3A_170 = arith.constant 112 : index
      %parallel_loop3A_171 = tpu.vector_load %arg9[%parallel_loop3A_169, %parallel_loop3A_170] {strides = array<i32>} : memref<80x128xf32, #tpu.memory_space<vmem>>, vector<1x16xf32>,
      %parallel_loop3A_172 = vector.shape_cast %parallel_loop3A_171 : vector<1x16xf32> to vector<16xf32>
      %parallel_loop3A_173 = vector.shape_cast %parallel_loop3A_168 : vector<16xf32> to vector<1x16xf32>
      tpu.vector_store %arg9[%parallel_loop3A_169, %parallel_loop3A_170], %parallel_loop3A_173 {strides = array<i32>} : memref<80x128xf32, #tpu.memory_space<vmem>>, vector<1x16xf32>,
    } {sc.loop_unroll_factor = 2 : i64, sc.parallel_access}
    %add3A_38 = arith.constant 9840 : i32
    %add3A_39 = arith.addi %mul3A_2, %add3A_38 : i32
    "tpu.region"() ({
      %run_scoped3A = tpu.sem_alloc : memref<!tpu.dma_semaphore, #tpu.memory_space<semaphore_mem>>
      %dma_start3A_61 = arith.constant 0 : i32
      %dma_start3A_62 = tpu.memref_slice %arg6[%add3A_39, %dma_start3A_61] : memref<320000x128xf32, #tpu.memory_space<hbm>> -> memref<80x128xf32, #tpu.memory_space<hbm>>
      %dma_start3A_63 = arith.constant 0 : i32
      %dma_start3A_64 = tpu.memref_slice %arg6[%add3A_39, %dma_start3A_63] : memref<320000x128xf32, #tpu.memory_space<hbm>> -> memref<80x128xf32, #tpu.memory_space<hbm>>
      tpu.enqueue_dma source(%arg9 : memref<80x128xf32, #tpu.memory_space<vmem>>) target(%dma_start3A_64 : memref<80x128xf32, #tpu.memory_space<hbm>>) target_semaphore(%run_scoped3A : memref<!tpu.dma_semaphore, #tpu.memory_space<semaphore_mem>>)
      %dma_wait3A_65 = arith.constant 0 : i32
      %dma_wait3A_66 = tpu.memref_slice %arg6[%add3A_39, %dma_wait3A_65] : memref<320000x128xf32, #tpu.memory_space<hbm>> -> memref<80x128xf32, #tpu.memory_space<hbm>>
      %dma_wait3A_67 = arith.constant 0 : i32
      %dma_wait3A_68 = tpu.memref_slice %arg6[%add3A_39, %dma_wait3A_67] : memref<320000x128xf32, #tpu.memory_space<hbm>> -> memref<80x128xf32, #tpu.memory_space<hbm>>
      tpu.wait_dma2 semaphore(%run_scoped3A : memref<!tpu.dma_semaphore, #tpu.memory_space<semaphore_mem>>) src(%arg9 : memref<80x128xf32, #tpu.memory_space<vmem>>) dst(%dma_wait3A_68 : memref<80x128xf32, #tpu.memory_space<hbm>>)
      tpu.yield
    }) : () -> ()
    %dma_wait3A_40 = arith.constant 9920 : i32
    %dma_wait3A_41 = tpu.memref_slice %arg7[%dma_wait3A_40] : memref<10000xi32, #tpu.memory_space<vmem>> -> memref<80xi32, #tpu.memory_space<vmem>>
    %dma_wait3A_42 = arith.constant 0 : i32
    %dma_wait3A_43 = arith.constant 0 : i32
    %dma_wait3A_44 = tpu.memref_slice %arg2[%dma_wait3A_42, %dma_wait3A_43] : memref<10000x128xf32, #tpu.memory_space<hbm>> -> memref<10000x128xf32, #tpu.memory_space<hbm>>
    tpu.wait_indirect_dma semaphore(%arg16 : memref<!tpu.dma_semaphore, #tpu.memory_space<semaphore_mem>>) src(%dma_wait3A_44 : memref<10000x128xf32, #tpu.memory_space<hbm>>) dst(%arg14 : memref<80x128xf32, #tpu.memory_space<vmem>>)
    %dma_wait3A_45 = arith.constant 9920 : i32
    %dma_wait3A_46 = tpu.memref_slice %arg8[%dma_wait3A_45] : memref<10000xi32, #tpu.memory_space<vmem>> -> memref<80xi32, #tpu.memory_space<vmem>>
    %dma_wait3A_47 = arith.constant 0 : i32
    %dma_wait3A_48 = arith.constant 0 : i32
    %dma_wait3A_49 = tpu.memref_slice %arg3[%dma_wait3A_47, %dma_wait3A_48] : memref<10000x128xf32, #tpu.memory_space<hbm>> -> memref<10000x128xf32, #tpu.memory_space<hbm>>
    tpu.wait_indirect_dma semaphore(%arg17 : memref<!tpu.dma_semaphore, #tpu.memory_space<semaphore_mem>>) src(%dma_wait3A_49 : memref<10000x128xf32, #tpu.memory_space<hbm>>) dst(%arg15 : memref<80x128xf32, #tpu.memory_space<vmem>>)
    %parallel_loop3A_50 = arith.constant 0 : i32
    %parallel_loop3A_51 = arith.constant 80 : i32
    %parallel_loop3A_52 = arith.constant 1 : i32
    scf.for %parallel_loop3A_61 = %parallel_loop3A_50 to %parallel_loop3A_51 step %parallel_loop3A_52  : i32 {
      %parallel_loop3A_62 = arith.index_cast %parallel_loop3A_61 : i32 to index
      %parallel_loop3A_63 = arith.constant 0 : index
      %parallel_loop3A_64 = tpu.vector_load %arg14[%parallel_loop3A_62, %parallel_loop3A_63] {strides = array<i32>} : memref<80x128xf32, #tpu.memory_space<vmem>>, vector<1x16xf32>,
      %parallel_loop3A_65 = vector.shape_cast %parallel_loop3A_64 : vector<1x16xf32> to vector<16xf32>
      %parallel_loop3A_66 = arith.index_cast %parallel_loop3A_61 : i32 to index
      %parallel_loop3A_67 = arith.constant 0 : index
      %parallel_loop3A_68 = tpu.vector_load %arg15[%parallel_loop3A_66, %parallel_loop3A_67] {strides = array<i32>} : memref<80x128xf32, #tpu.memory_space<vmem>>, vector<1x16xf32>,
      %parallel_loop3A_69 = vector.shape_cast %parallel_loop3A_68 : vector<1x16xf32> to vector<16xf32>
      %parallel_loop3A_70 = arith.addf %parallel_loop3A_65, %parallel_loop3A_69 : vector<16xf32>
      %parallel_loop3A_71 = arith.index_cast %parallel_loop3A_61 : i32 to index
      %parallel_loop3A_72 = arith.constant 0 : index
      %parallel_loop3A_73 = tpu.vector_load %arg14[%parallel_loop3A_71, %parallel_loop3A_72] {strides = array<i32>} : memref<80x128xf32, #tpu.memory_space<vmem>>, vector<1x16xf32>,
      %parallel_loop3A_74 = vector.shape_cast %parallel_loop3A_73 : vector<1x16xf32> to vector<16xf32>
      %parallel_loop3A_75 = vector.shape_cast %parallel_loop3A_70 : vector<16xf32> to vector<1x16xf32>
      tpu.vector_store %arg14[%parallel_loop3A_71, %parallel_loop3A_72], %parallel_loop3A_75 {strides = array<i32>} : memref<80x128xf32, #tpu.memory_space<vmem>>, vector<1x16xf32>,
      %parallel_loop3A_76 = arith.index_cast %parallel_loop3A_61 : i32 to index
      %parallel_loop3A_77 = arith.constant 16 : index
      %parallel_loop3A_78 = tpu.vector_load %arg14[%parallel_loop3A_76, %parallel_loop3A_77] {strides = array<i32>} : memref<80x128xf32, #tpu.memory_space<vmem>>, vector<1x16xf32>,
      %parallel_loop3A_79 = vector.shape_cast %parallel_loop3A_78 : vector<1x16xf32> to vector<16xf32>
      %parallel_loop3A_80 = arith.index_cast %parallel_loop3A_61 : i32 to index
      %parallel_loop3A_81 = arith.constant 16 : index
      %parallel_loop3A_82 = tpu.vector_load %arg15[%parallel_loop3A_80, %parallel_loop3A_81] {strides = array<i32>} : memref<80x128xf32, #tpu.memory_space<vmem>>, vector<1x16xf32>,
      %parallel_loop3A_83 = vector.shape_cast %parallel_loop3A_82 : vector<1x16xf32> to vector<16xf32>
      %parallel_loop3A_84 = arith.addf %parallel_loop3A_79, %parallel_loop3A_83 : vector<16xf32>
      %parallel_loop3A_85 = arith.index_cast %parallel_loop3A_61 : i32 to index
      %parallel_loop3A_86 = arith.constant 16 : index
      %parallel_loop3A_87 = tpu.vector_load %arg14[%parallel_loop3A_85, %parallel_loop3A_86] {strides = array<i32>} : memref<80x128xf32, #tpu.memory_space<vmem>>, vector<1x16xf32>,
      %parallel_loop3A_88 = vector.shape_cast %parallel_loop3A_87 : vector<1x16xf32> to vector<16xf32>
      %parallel_loop3A_89 = vector.shape_cast %parallel_loop3A_84 : vector<16xf32> to vector<1x16xf32>
      tpu.vector_store %arg14[%parallel_loop3A_85, %parallel_loop3A_86], %parallel_loop3A_89 {strides = array<i32>} : memref<80x128xf32, #tpu.memory_space<vmem>>, vector<1x16xf32>,
      %parallel_loop3A_90 = arith.index_cast %parallel_loop3A_61 : i32 to index
      %parallel_loop3A_91 = arith.constant 32 : index
      %parallel_loop3A_92 = tpu.vector_load %arg14[%parallel_loop3A_90, %parallel_loop3A_91] {strides = array<i32>} : memref<80x128xf32, #tpu.memory_space<vmem>>, vector<1x16xf32>,
      %parallel_loop3A_93 = vector.shape_cast %parallel_loop3A_92 : vector<1x16xf32> to vector<16xf32>
      %parallel_loop3A_94 = arith.index_cast %parallel_loop3A_61 : i32 to index
      %parallel_loop3A_95 = arith.constant 32 : index
      %parallel_loop3A_96 = tpu.vector_load %arg15[%parallel_loop3A_94, %parallel_loop3A_95] {strides = array<i32>} : memref<80x128xf32, #tpu.memory_space<vmem>>, vector<1x16xf32>,
      %parallel_loop3A_97 = vector.shape_cast %parallel_loop3A_96 : vector<1x16xf32> to vector<16xf32>
      %parallel_loop3A_98 = arith.addf %parallel_loop3A_93, %parallel_loop3A_97 : vector<16xf32>
      %parallel_loop3A_99 = arith.index_cast %parallel_loop3A_61 : i32 to index
      %parallel_loop3A_100 = arith.constant 32 : index
      %parallel_loop3A_101 = tpu.vector_load %arg14[%parallel_loop3A_99, %parallel_loop3A_100] {strides = array<i32>} : memref<80x128xf32, #tpu.memory_space<vmem>>, vector<1x16xf32>,
      %parallel_loop3A_102 = vector.shape_cast %parallel_loop3A_101 : vector<1x16xf32> to vector<16xf32>
      %parallel_loop3A_103 = vector.shape_cast %parallel_loop3A_98 : vector<16xf32> to vector<1x16xf32>
      tpu.vector_store %arg14[%parallel_loop3A_99, %parallel_loop3A_100], %parallel_loop3A_103 {strides = array<i32>} : memref<80x128xf32, #tpu.memory_space<vmem>>, vector<1x16xf32>,
      %parallel_loop3A_104 = arith.index_cast %parallel_loop3A_61 : i32 to index
      %parallel_loop3A_105 = arith.constant 48 : index
      %parallel_loop3A_106 = tpu.vector_load %arg14[%parallel_loop3A_104, %parallel_loop3A_105] {strides = array<i32>} : memref<80x128xf32, #tpu.memory_space<vmem>>, vector<1x16xf32>,
      %parallel_loop3A_107 = vector.shape_cast %parallel_loop3A_106 : vector<1x16xf32> to vector<16xf32>
      %parallel_loop3A_108 = arith.index_cast %parallel_loop3A_61 : i32 to index
      %parallel_loop3A_109 = arith.constant 48 : index
      %parallel_loop3A_110 = tpu.vector_load %arg15[%parallel_loop3A_108, %parallel_loop3A_109] {strides = array<i32>} : memref<80x128xf32, #tpu.memory_space<vmem>>, vector<1x16xf32>,
      %parallel_loop3A_111 = vector.shape_cast %parallel_loop3A_110 : vector<1x16xf32> to vector<16xf32>
      %parallel_loop3A_112 = arith.addf %parallel_loop3A_107, %parallel_loop3A_111 : vector<16xf32>
      %parallel_loop3A_113 = arith.index_cast %parallel_loop3A_61 : i32 to index
      %parallel_loop3A_114 = arith.constant 48 : index
      %parallel_loop3A_115 = tpu.vector_load %arg14[%parallel_loop3A_113, %parallel_loop3A_114] {strides = array<i32>} : memref<80x128xf32, #tpu.memory_space<vmem>>, vector<1x16xf32>,
      %parallel_loop3A_116 = vector.shape_cast %parallel_loop3A_115 : vector<1x16xf32> to vector<16xf32>
      %parallel_loop3A_117 = vector.shape_cast %parallel_loop3A_112 : vector<16xf32> to vector<1x16xf32>
      tpu.vector_store %arg14[%parallel_loop3A_113, %parallel_loop3A_114], %parallel_loop3A_117 {strides = array<i32>} : memref<80x128xf32, #tpu.memory_space<vmem>>, vector<1x16xf32>,
      %parallel_loop3A_118 = arith.index_cast %parallel_loop3A_61 : i32 to index
      %parallel_loop3A_119 = arith.constant 64 : index
      %parallel_loop3A_120 = tpu.vector_load %arg14[%parallel_loop3A_118, %parallel_loop3A_119] {strides = array<i32>} : memref<80x128xf32, #tpu.memory_space<vmem>>, vector<1x16xf32>,
      %parallel_loop3A_121 = vector.shape_cast %parallel_loop3A_120 : vector<1x16xf32> to vector<16xf32>
      %parallel_loop3A_122 = arith.index_cast %parallel_loop3A_61 : i32 to index
      %parallel_loop3A_123 = arith.constant 64 : index
      %parallel_loop3A_124 = tpu.vector_load %arg15[%parallel_loop3A_122, %parallel_loop3A_123] {strides = array<i32>} : memref<80x128xf32, #tpu.memory_space<vmem>>, vector<1x16xf32>,
      %parallel_loop3A_125 = vector.shape_cast %parallel_loop3A_124 : vector<1x16xf32> to vector<16xf32>
      %parallel_loop3A_126 = arith.addf %parallel_loop3A_121, %parallel_loop3A_125 : vector<16xf32>
      %parallel_loop3A_127 = arith.index_cast %parallel_loop3A_61 : i32 to index
      %parallel_loop3A_128 = arith.constant 64 : index
      %parallel_loop3A_129 = tpu.vector_load %arg14[%parallel_loop3A_127, %parallel_loop3A_128] {strides = array<i32>} : memref<80x128xf32, #tpu.memory_space<vmem>>, vector<1x16xf32>,
      %parallel_loop3A_130 = vector.shape_cast %parallel_loop3A_129 : vector<1x16xf32> to vector<16xf32>
      %parallel_loop3A_131 = vector.shape_cast %parallel_loop3A_126 : vector<16xf32> to vector<1x16xf32>
      tpu.vector_store %arg14[%parallel_loop3A_127, %parallel_loop3A_128], %parallel_loop3A_131 {strides = array<i32>} : memref<80x128xf32, #tpu.memory_space<vmem>>, vector<1x16xf32>,
      %parallel_loop3A_132 = arith.index_cast %parallel_loop3A_61 : i32 to index
      %parallel_loop3A_133 = arith.constant 80 : index
      %parallel_loop3A_134 = tpu.vector_load %arg14[%parallel_loop3A_132, %parallel_loop3A_133] {strides = array<i32>} : memref<80x128xf32, #tpu.memory_space<vmem>>, vector<1x16xf32>,
      %parallel_loop3A_135 = vector.shape_cast %parallel_loop3A_134 : vector<1x16xf32> to vector<16xf32>
      %parallel_loop3A_136 = arith.index_cast %parallel_loop3A_61 : i32 to index
      %parallel_loop3A_137 = arith.constant 80 : index
      %parallel_loop3A_138 = tpu.vector_load %arg15[%parallel_loop3A_136, %parallel_loop3A_137] {strides = array<i32>} : memref<80x128xf32, #tpu.memory_space<vmem>>, vector<1x16xf32>,
      %parallel_loop3A_139 = vector.shape_cast %parallel_loop3A_138 : vector<1x16xf32> to vector<16xf32>
      %parallel_loop3A_140 = arith.addf %parallel_loop3A_135, %parallel_loop3A_139 : vector<16xf32>
      %parallel_loop3A_141 = arith.index_cast %parallel_loop3A_61 : i32 to index
      %parallel_loop3A_142 = arith.constant 80 : index
      %parallel_loop3A_143 = tpu.vector_load %arg14[%parallel_loop3A_141, %parallel_loop3A_142] {strides = array<i32>} : memref<80x128xf32, #tpu.memory_space<vmem>>, vector<1x16xf32>,
      %parallel_loop3A_144 = vector.shape_cast %parallel_loop3A_143 : vector<1x16xf32> to vector<16xf32>
      %parallel_loop3A_145 = vector.shape_cast %parallel_loop3A_140 : vector<16xf32> to vector<1x16xf32>
      tpu.vector_store %arg14[%parallel_loop3A_141, %parallel_loop3A_142], %parallel_loop3A_145 {strides = array<i32>} : memref<80x128xf32, #tpu.memory_space<vmem>>, vector<1x16xf32>,
      %parallel_loop3A_146 = arith.index_cast %parallel_loop3A_61 : i32 to index
      %parallel_loop3A_147 = arith.constant 96 : index
      %parallel_loop3A_148 = tpu.vector_load %arg14[%parallel_loop3A_146, %parallel_loop3A_147] {strides = array<i32>} : memref<80x128xf32, #tpu.memory_space<vmem>>, vector<1x16xf32>,
      %parallel_loop3A_149 = vector.shape_cast %parallel_loop3A_148 : vector<1x16xf32> to vector<16xf32>
      %parallel_loop3A_150 = arith.index_cast %parallel_loop3A_61 : i32 to index
      %parallel_loop3A_151 = arith.constant 96 : index
      %parallel_loop3A_152 = tpu.vector_load %arg15[%parallel_loop3A_150, %parallel_loop3A_151] {strides = array<i32>} : memref<80x128xf32, #tpu.memory_space<vmem>>, vector<1x16xf32>,
      %parallel_loop3A_153 = vector.shape_cast %parallel_loop3A_152 : vector<1x16xf32> to vector<16xf32>
      %parallel_loop3A_154 = arith.addf %parallel_loop3A_149, %parallel_loop3A_153 : vector<16xf32>
      %parallel_loop3A_155 = arith.index_cast %parallel_loop3A_61 : i32 to index
      %parallel_loop3A_156 = arith.constant 96 : index
      %parallel_loop3A_157 = tpu.vector_load %arg14[%parallel_loop3A_155, %parallel_loop3A_156] {strides = array<i32>} : memref<80x128xf32, #tpu.memory_space<vmem>>, vector<1x16xf32>,
      %parallel_loop3A_158 = vector.shape_cast %parallel_loop3A_157 : vector<1x16xf32> to vector<16xf32>
      %parallel_loop3A_159 = vector.shape_cast %parallel_loop3A_154 : vector<16xf32> to vector<1x16xf32>
      tpu.vector_store %arg14[%parallel_loop3A_155, %parallel_loop3A_156], %parallel_loop3A_159 {strides = array<i32>} : memref<80x128xf32, #tpu.memory_space<vmem>>, vector<1x16xf32>,
      %parallel_loop3A_160 = arith.index_cast %parallel_loop3A_61 : i32 to index
      %parallel_loop3A_161 = arith.constant 112 : index
      %parallel_loop3A_162 = tpu.vector_load %arg14[%parallel_loop3A_160, %parallel_loop3A_161] {strides = array<i32>} : memref<80x128xf32, #tpu.memory_space<vmem>>, vector<1x16xf32>,
      %parallel_loop3A_163 = vector.shape_cast %parallel_loop3A_162 : vector<1x16xf32> to vector<16xf32>
      %parallel_loop3A_164 = arith.index_cast %parallel_loop3A_61 : i32 to index
      %parallel_loop3A_165 = arith.constant 112 : index
      %parallel_loop3A_166 = tpu.vector_load %arg15[%parallel_loop3A_164, %parallel_loop3A_165] {strides = array<i32>} : memref<80x128xf32, #tpu.memory_space<vmem>>, vector<1x16xf32>,
      %parallel_loop3A_167 = vector.shape_cast %parallel_loop3A_166 : vector<1x16xf32> to vector<16xf32>
      %parallel_loop3A_168 = arith.addf %parallel_loop3A_163, %parallel_loop3A_167 : vector<16xf32>
      %parallel_loop3A_169 = arith.index_cast %parallel_loop3A_61 : i32 to index
      %parallel_loop3A_170 = arith.constant 112 : index
      %parallel_loop3A_171 = tpu.vector_load %arg14[%parallel_loop3A_169, %parallel_loop3A_170] {strides = array<i32>} : memref<80x128xf32, #tpu.memory_space<vmem>>, vector<1x16xf32>,
      %parallel_loop3A_172 = vector.shape_cast %parallel_loop3A_171 : vector<1x16xf32> to vector<16xf32>
      %parallel_loop3A_173 = vector.shape_cast %parallel_loop3A_168 : vector<16xf32> to vector<1x16xf32>
      tpu.vector_store %arg14[%parallel_loop3A_169, %parallel_loop3A_170], %parallel_loop3A_173 {strides = array<i32>} : memref<80x128xf32, #tpu.memory_space<vmem>>, vector<1x16xf32>,
    } {sc.loop_unroll_factor = 2 : i64, sc.parallel_access}
    %add3A_53 = arith.constant 9920 : i32
    %add3A_54 = arith.addi %mul3A_2, %add3A_53 : i32
    "tpu.region"() ({
      %run_scoped3A = tpu.sem_alloc : memref<!tpu.dma_semaphore, #tpu.memory_space<semaphore_mem>>
      %dma_start3A_61 = arith.constant 0 : i32
      %dma_start3A_62 = tpu.memref_slice %arg6[%add3A_54, %dma_start3A_61] : memref<320000x128xf32, #tpu.memory_space<hbm>> -> memref<80x128xf32, #tpu.memory_space<hbm>>
      %dma_start3A_63 = arith.constant 0 : i32
      %dma_start3A_64 = tpu.memref_slice %arg6[%add3A_54, %dma_start3A_63] : memref<320000x128xf32, #tpu.memory_space<hbm>> -> memref<80x128xf32, #tpu.memory_space<hbm>>
      tpu.enqueue_dma source(%arg14 : memref<80x128xf32, #tpu.memory_space<vmem>>) target(%dma_start3A_64 : memref<80x128xf32, #tpu.memory_space<hbm>>) target_semaphore(%run_scoped3A : memref<!tpu.dma_semaphore, #tpu.memory_space<semaphore_mem>>)
      %dma_wait3A_65 = arith.constant 0 : i32
      %dma_wait3A_66 = tpu.memref_slice %arg6[%add3A_54, %dma_wait3A_65] : memref<320000x128xf32, #tpu.memory_space<hbm>> -> memref<80x128xf32, #tpu.memory_space<hbm>>
      %dma_wait3A_67 = arith.constant 0 : i32
      %dma_wait3A_68 = tpu.memref_slice %arg6[%add3A_54, %dma_wait3A_67] : memref<320000x128xf32, #tpu.memory_space<hbm>> -> memref<80x128xf32, #tpu.memory_space<hbm>>
      tpu.wait_dma2 semaphore(%run_scoped3A : memref<!tpu.dma_semaphore, #tpu.memory_space<semaphore_mem>>) src(%arg14 : memref<80x128xf32, #tpu.memory_space<vmem>>) dst(%dma_wait3A_68 : memref<80x128xf32, #tpu.memory_space<hbm>>)
      tpu.yield
    }) : () -> ()
    %add3A_55 = arith.constant 9760 : i32
    %add3A_56 = arith.addi %mul3A_2, %add3A_55 : i32
    %dma_wait3A_57 = arith.constant 0 : i32
    %dma_wait3A_58 = tpu.memref_slice %arg6[%add3A_56, %dma_wait3A_57] : memref<320000x128xf32, #tpu.memory_space<hbm>> -> memref<80x128xf32, #tpu.memory_space<hbm>>
    %dma_wait3A_59 = arith.constant 0 : i32
    %dma_wait3A_60 = tpu.memref_slice %arg6[%add3A_56, %dma_wait3A_59] : memref<320000x128xf32, #tpu.memory_space<hbm>> -> memref<80x128xf32, #tpu.memory_space<hbm>>
    tpu.wait_dma2 semaphore(%arg23 : memref<!tpu.dma_semaphore, #tpu.memory_space<semaphore_mem>>) src(%arg19 : memref<80x128xf32, #tpu.memory_space<vmem>>) dst(%dma_wait3A_60 : memref<80x128xf32, #tpu.memory_space<hbm>>)
    return
  }
}

#map = affine_map<(d0, d1) -> (0, 0)>
#map1 = affine_map<(d0, d1) -> (0)>
#map2 = affine_map<(d0, d1) -> (0, 0, 0)>
module attributes {stable_mosaic.version = 14 : i64} {
  func.func @k4(%arg0: i32, %arg1: i32, %arg2: memref<320000x128xf32, #tpu.memory_space<hbm>>, %arg3: memref<320000xi32, #tpu.memory_space<hbm>>, %arg4: memref<2x10240x128xf32, #tpu.memory_space<hbm>>, %arg5: memref<128x128xf32, #tpu.memory_space<vmem>>, %arg6: memref<10240x128xf32, #tpu.memory_space<vmem_shared>>, %arg7: memref<80xi32, #tpu.memory_space<vmem>>, %arg8: memref<80x128xf32, #tpu.memory_space<vmem>>, %arg9: memref<!tpu.dma_semaphore, #tpu.memory_space<semaphore_mem>>, %arg10: memref<!tpu.dma_semaphore, #tpu.memory_space<semaphore_mem>>, %arg11: memref<80xi32, #tpu.memory_space<vmem>>, %arg12: memref<80x128xf32, #tpu.memory_space<vmem>>, %arg13: memref<!tpu.dma_semaphore, #tpu.memory_space<semaphore_mem>>, %arg14: memref<!tpu.dma_semaphore, #tpu.memory_space<semaphore_mem>>, %arg15: memref<80xi32, #tpu.memory_space<vmem>>, %arg16: memref<80x128xf32, #tpu.memory_space<vmem>>, %arg17: memref<!tpu.dma_semaphore, #tpu.memory_space<semaphore_mem>>, %arg18: memref<!tpu.dma_semaphore, #tpu.memory_space<semaphore_mem>>) attributes {dimension_semantics = [#tpu.dimension_semantics<core_parallel>, #tpu.dimension_semantics<subcore_parallel>], iteration_bounds = array<i64: 2, 16>, scalar_prefetch = 0 : i64, scratch_operands = 14 : i64, tpu.core_type = #tpu.core_type<sc_vector_subcore>, window_params = [{transform_indices = #map}, {transform_indices = #map1}, {transform_indices = #map2}]} {
    %mul3A = arith.constant 2 : i32
    %mul3A_0 = arith.muli %arg1, %mul3A : i32
    %add3A = arith.addi %mul3A_0, %arg0 : i32
    %mul3A_1 = arith.constant 10000 : i32
    %mul3A_2 = arith.muli %add3A, %mul3A_1 : i32
    %parallel_loop3A = arith.constant 0 : i32
    %parallel_loop3A_3 = arith.constant 128 : i32
    %parallel_loop3A_4 = arith.constant 1 : i32
    scf.for %parallel_loop3A_81 = %parallel_loop3A to %parallel_loop3A_3 step %parallel_loop3A_4  : i32 {
      %parallel_loop3A_82 = arith.constant 0.000000e+00 : f32
      %parallel_loop3A_83 = vector.broadcast %parallel_loop3A_82 : f32 to vector<16xf32>
      %parallel_loop3A_84 = arith.index_cast %parallel_loop3A_81 : i32 to index
      %parallel_loop3A_85 = arith.constant 0 : index
      %parallel_loop3A_86 = tpu.vector_load %arg5[%parallel_loop3A_84, %parallel_loop3A_85] {strides = array<i32>} : memref<128x128xf32, #tpu.memory_space<vmem>>, vector<1x16xf32>,
      %parallel_loop3A_87 = vector.shape_cast %parallel_loop3A_86 : vector<1x16xf32> to vector<16xf32>
      %parallel_loop3A_88 = vector.shape_cast %parallel_loop3A_83 : vector<16xf32> to vector<1x16xf32>
      tpu.vector_store %arg5[%parallel_loop3A_84, %parallel_loop3A_85], %parallel_loop3A_88 {strides = array<i32>} : memref<128x128xf32, #tpu.memory_space<vmem>>, vector<1x16xf32>,
      %parallel_loop3A_89 = arith.constant 0.000000e+00 : f32
      %parallel_loop3A_90 = vector.broadcast %parallel_loop3A_89 : f32 to vector<16xf32>
      %parallel_loop3A_91 = arith.index_cast %parallel_loop3A_81 : i32 to index
      %parallel_loop3A_92 = arith.constant 16 : index
      %parallel_loop3A_93 = tpu.vector_load %arg5[%parallel_loop3A_91, %parallel_loop3A_92] {strides = array<i32>} : memref<128x128xf32, #tpu.memory_space<vmem>>, vector<1x16xf32>,
      %parallel_loop3A_94 = vector.shape_cast %parallel_loop3A_93 : vector<1x16xf32> to vector<16xf32>
      %parallel_loop3A_95 = vector.shape_cast %parallel_loop3A_90 : vector<16xf32> to vector<1x16xf32>
      tpu.vector_store %arg5[%parallel_loop3A_91, %parallel_loop3A_92], %parallel_loop3A_95 {strides = array<i32>} : memref<128x128xf32, #tpu.memory_space<vmem>>, vector<1x16xf32>,
      %parallel_loop3A_96 = arith.constant 0.000000e+00 : f32
      %parallel_loop3A_97 = vector.broadcast %parallel_loop3A_96 : f32 to vector<16xf32>
      %parallel_loop3A_98 = arith.index_cast %parallel_loop3A_81 : i32 to index
      %parallel_loop3A_99 = arith.constant 32 : index
      %parallel_loop3A_100 = tpu.vector_load %arg5[%parallel_loop3A_98, %parallel_loop3A_99] {strides = array<i32>} : memref<128x128xf32, #tpu.memory_space<vmem>>, vector<1x16xf32>,
      %parallel_loop3A_101 = vector.shape_cast %parallel_loop3A_100 : vector<1x16xf32> to vector<16xf32>
      %parallel_loop3A_102 = vector.shape_cast %parallel_loop3A_97 : vector<16xf32> to vector<1x16xf32>
      tpu.vector_store %arg5[%parallel_loop3A_98, %parallel_loop3A_99], %parallel_loop3A_102 {strides = array<i32>} : memref<128x128xf32, #tpu.memory_space<vmem>>, vector<1x16xf32>,
      %parallel_loop3A_103 = arith.constant 0.000000e+00 : f32
      %parallel_loop3A_104 = vector.broadcast %parallel_loop3A_103 : f32 to vector<16xf32>
      %parallel_loop3A_105 = arith.index_cast %parallel_loop3A_81 : i32 to index
      %parallel_loop3A_106 = arith.constant 48 : index
      %parallel_loop3A_107 = tpu.vector_load %arg5[%parallel_loop3A_105, %parallel_loop3A_106] {strides = array<i32>} : memref<128x128xf32, #tpu.memory_space<vmem>>, vector<1x16xf32>,
      %parallel_loop3A_108 = vector.shape_cast %parallel_loop3A_107 : vector<1x16xf32> to vector<16xf32>
      %parallel_loop3A_109 = vector.shape_cast %parallel_loop3A_104 : vector<16xf32> to vector<1x16xf32>
      tpu.vector_store %arg5[%parallel_loop3A_105, %parallel_loop3A_106], %parallel_loop3A_109 {strides = array<i32>} : memref<128x128xf32, #tpu.memory_space<vmem>>, vector<1x16xf32>,
      %parallel_loop3A_110 = arith.constant 0.000000e+00 : f32
      %parallel_loop3A_111 = vector.broadcast %parallel_loop3A_110 : f32 to vector<16xf32>
      %parallel_loop3A_112 = arith.index_cast %parallel_loop3A_81 : i32 to index
      %parallel_loop3A_113 = arith.constant 64 : index
      %parallel_loop3A_114 = tpu.vector_load %arg5[%parallel_loop3A_112, %parallel_loop3A_113] {strides = array<i32>} : memref<128x128xf32, #tpu.memory_space<vmem>>, vector<1x16xf32>,
      %parallel_loop3A_115 = vector.shape_cast %parallel_loop3A_114 : vector<1x16xf32> to vector<16xf32>
      %parallel_loop3A_116 = vector.shape_cast %parallel_loop3A_111 : vector<16xf32> to vector<1x16xf32>
      tpu.vector_store %arg5[%parallel_loop3A_112, %parallel_loop3A_113], %parallel_loop3A_116 {strides = array<i32>} : memref<128x128xf32, #tpu.memory_space<vmem>>, vector<1x16xf32>,
      %parallel_loop3A_117 = arith.constant 0.000000e+00 : f32
      %parallel_loop3A_118 = vector.broadcast %parallel_loop3A_117 : f32 to vector<16xf32>
      %parallel_loop3A_119 = arith.index_cast %parallel_loop3A_81 : i32 to index
      %parallel_loop3A_120 = arith.constant 80 : index
      %parallel_loop3A_121 = tpu.vector_load %arg5[%parallel_loop3A_119, %parallel_loop3A_120] {strides = array<i32>} : memref<128x128xf32, #tpu.memory_space<vmem>>, vector<1x16xf32>,
      %parallel_loop3A_122 = vector.shape_cast %parallel_loop3A_121 : vector<1x16xf32> to vector<16xf32>
      %parallel_loop3A_123 = vector.shape_cast %parallel_loop3A_118 : vector<16xf32> to vector<1x16xf32>
      tpu.vector_store %arg5[%parallel_loop3A_119, %parallel_loop3A_120], %parallel_loop3A_123 {strides = array<i32>} : memref<128x128xf32, #tpu.memory_space<vmem>>, vector<1x16xf32>,
      %parallel_loop3A_124 = arith.constant 0.000000e+00 : f32
      %parallel_loop3A_125 = vector.broadcast %parallel_loop3A_124 : f32 to vector<16xf32>
      %parallel_loop3A_126 = arith.index_cast %parallel_loop3A_81 : i32 to index
      %parallel_loop3A_127 = arith.constant 96 : index
      %parallel_loop3A_128 = tpu.vector_load %arg5[%parallel_loop3A_126, %parallel_loop3A_127] {strides = array<i32>} : memref<128x128xf32, #tpu.memory_space<vmem>>, vector<1x16xf32>,
      %parallel_loop3A_129 = vector.shape_cast %parallel_loop3A_128 : vector<1x16xf32> to vector<16xf32>
      %parallel_loop3A_130 = vector.shape_cast %parallel_loop3A_125 : vector<16xf32> to vector<1x16xf32>
      tpu.vector_store %arg5[%parallel_loop3A_126, %parallel_loop3A_127], %parallel_loop3A_130 {strides = array<i32>} : memref<128x128xf32, #tpu.memory_space<vmem>>, vector<1x16xf32>,
      %parallel_loop3A_131 = arith.constant 0.000000e+00 : f32
      %parallel_loop3A_132 = vector.broadcast %parallel_loop3A_131 : f32 to vector<16xf32>
      %parallel_loop3A_133 = arith.index_cast %parallel_loop3A_81 : i32 to index
      %parallel_loop3A_134 = arith.constant 112 : index
      %parallel_loop3A_135 = tpu.vector_load %arg5[%parallel_loop3A_133, %parallel_loop3A_134] {strides = array<i32>} : memref<128x128xf32, #tpu.memory_space<vmem>>, vector<1x16xf32>,
      %parallel_loop3A_136 = vector.shape_cast %parallel_loop3A_135 : vector<1x16xf32> to vector<16xf32>
      %parallel_loop3A_137 = vector.shape_cast %parallel_loop3A_132 : vector<16xf32> to vector<1x16xf32>
      tpu.vector_store %arg5[%parallel_loop3A_133, %parallel_loop3A_134], %parallel_loop3A_137 {strides = array<i32>} : memref<128x128xf32, #tpu.memory_space<vmem>>, vector<1x16xf32>,
    } {sc.loop_unroll_factor = 2 : i64, sc.parallel_access}
    %mul3A_5 = arith.constant 640 : i32
    %mul3A_6 = arith.muli %arg1, %mul3A_5 : i32
    %add3A_7 = arith.constant 0 : i32
    %add3A_8 = arith.addi %mul3A_6, %add3A_7 : i32
    "tpu.region"() ({
      %run_scoped3A = tpu.sem_alloc : memref<!tpu.dma_semaphore, #tpu.memory_space<semaphore_mem>>
      %dma_start3A_81 = arith.constant 0 : i32
      %dma_start3A_82 = tpu.memref_slice %arg6[%add3A_8, %dma_start3A_81] : memref<10240x128xf32, #tpu.memory_space<vmem_shared>> -> memref<128x128xf32, #tpu.memory_space<vmem_shared>>
      %dma_start3A_83 = arith.constant 0 : i32
      %dma_start3A_84 = tpu.memref_slice %arg6[%add3A_8, %dma_start3A_83] : memref<10240x128xf32, #tpu.memory_space<vmem_shared>> -> memref<128x128xf32, #tpu.memory_space<vmem_shared>>
      tpu.enqueue_dma source(%arg5 : memref<128x128xf32, #tpu.memory_space<vmem>>) target(%dma_start3A_84 : memref<128x128xf32, #tpu.memory_space<vmem_shared>>) target_semaphore(%run_scoped3A : memref<!tpu.dma_semaphore, #tpu.memory_space<semaphore_mem>>)
      %dma_wait3A_85 = arith.constant 0 : i32
      %dma_wait3A_86 = tpu.memref_slice %arg6[%add3A_8, %dma_wait3A_85] : memref<10240x128xf32, #tpu.memory_space<vmem_shared>> -> memref<128x128xf32, #tpu.memory_space<vmem_shared>>
      %dma_wait3A_87 = arith.constant 0 : i32
      %dma_wait3A_88 = tpu.memref_slice %arg6[%add3A_8, %dma_wait3A_87] : memref<10240x128xf32, #tpu.memory_space<vmem_shared>> -> memref<128x128xf32, #tpu.memory_space<vmem_shared>>
      tpu.wait_dma2 semaphore(%run_scoped3A : memref<!tpu.dma_semaphore, #tpu.memory_space<semaphore_mem>>) src(%arg5 : memref<128x128xf32, #tpu.memory_space<vmem>>) dst(%dma_wait3A_88 : memref<128x128xf32, #tpu.memory_space<vmem_shared>>)
      tpu.yield
    }) : () -> ()
    %mul3A_9 = arith.constant 640 : i32
    %mul3A_10 = arith.muli %arg1, %mul3A_9 : i32
    %add3A_11 = arith.constant 128 : i32
    %add3A_12 = arith.addi %mul3A_10, %add3A_11 : i32
    "tpu.region"() ({
      %run_scoped3A = tpu.sem_alloc : memref<!tpu.dma_semaphore, #tpu.memory_space<semaphore_mem>>
      %dma_start3A_81 = arith.constant 0 : i32
      %dma_start3A_82 = tpu.memref_slice %arg6[%add3A_12, %dma_start3A_81] : memref<10240x128xf32, #tpu.memory_space<vmem_shared>> -> memref<128x128xf32, #tpu.memory_space<vmem_shared>>
      %dma_start3A_83 = arith.constant 0 : i32
      %dma_start3A_84 = tpu.memref_slice %arg6[%add3A_12, %dma_start3A_83] : memref<10240x128xf32, #tpu.memory_space<vmem_shared>> -> memref<128x128xf32, #tpu.memory_space<vmem_shared>>
      tpu.enqueue_dma source(%arg5 : memref<128x128xf32, #tpu.memory_space<vmem>>) target(%dma_start3A_84 : memref<128x128xf32, #tpu.memory_space<vmem_shared>>) target_semaphore(%run_scoped3A : memref<!tpu.dma_semaphore, #tpu.memory_space<semaphore_mem>>)
      %dma_wait3A_85 = arith.constant 0 : i32
      %dma_wait3A_86 = tpu.memref_slice %arg6[%add3A_12, %dma_wait3A_85] : memref<10240x128xf32, #tpu.memory_space<vmem_shared>> -> memref<128x128xf32, #tpu.memory_space<vmem_shared>>
      %dma_wait3A_87 = arith.constant 0 : i32
      %dma_wait3A_88 = tpu.memref_slice %arg6[%add3A_12, %dma_wait3A_87] : memref<10240x128xf32, #tpu.memory_space<vmem_shared>> -> memref<128x128xf32, #tpu.memory_space<vmem_shared>>
      tpu.wait_dma2 semaphore(%run_scoped3A : memref<!tpu.dma_semaphore, #tpu.memory_space<semaphore_mem>>) src(%arg5 : memref<128x128xf32, #tpu.memory_space<vmem>>) dst(%dma_wait3A_88 : memref<128x128xf32, #tpu.memory_space<vmem_shared>>)
      tpu.yield
    }) : () -> ()
    %mul3A_13 = arith.constant 640 : i32
    %mul3A_14 = arith.muli %arg1, %mul3A_13 : i32
    %add3A_15 = arith.constant 256 : i32
    %add3A_16 = arith.addi %mul3A_14, %add3A_15 : i32
    "tpu.region"() ({
      %run_scoped3A = tpu.sem_alloc : memref<!tpu.dma_semaphore, #tpu.memory_space<semaphore_mem>>
      %dma_start3A_81 = arith.constant 0 : i32
      %dma_start3A_82 = tpu.memref_slice %arg6[%add3A_16, %dma_start3A_81] : memref<10240x128xf32, #tpu.memory_space<vmem_shared>> -> memref<128x128xf32, #tpu.memory_space<vmem_shared>>
      %dma_start3A_83 = arith.constant 0 : i32
      %dma_start3A_84 = tpu.memref_slice %arg6[%add3A_16, %dma_start3A_83] : memref<10240x128xf32, #tpu.memory_space<vmem_shared>> -> memref<128x128xf32, #tpu.memory_space<vmem_shared>>
      tpu.enqueue_dma source(%arg5 : memref<128x128xf32, #tpu.memory_space<vmem>>) target(%dma_start3A_84 : memref<128x128xf32, #tpu.memory_space<vmem_shared>>) target_semaphore(%run_scoped3A : memref<!tpu.dma_semaphore, #tpu.memory_space<semaphore_mem>>)
      %dma_wait3A_85 = arith.constant 0 : i32
      %dma_wait3A_86 = tpu.memref_slice %arg6[%add3A_16, %dma_wait3A_85] : memref<10240x128xf32, #tpu.memory_space<vmem_shared>> -> memref<128x128xf32, #tpu.memory_space<vmem_shared>>
      %dma_wait3A_87 = arith.constant 0 : i32
      %dma_wait3A_88 = tpu.memref_slice %arg6[%add3A_16, %dma_wait3A_87] : memref<10240x128xf32, #tpu.memory_space<vmem_shared>> -> memref<128x128xf32, #tpu.memory_space<vmem_shared>>
      tpu.wait_dma2 semaphore(%run_scoped3A : memref<!tpu.dma_semaphore, #tpu.memory_space<semaphore_mem>>) src(%arg5 : memref<128x128xf32, #tpu.memory_space<vmem>>) dst(%dma_wait3A_88 : memref<128x128xf32, #tpu.memory_space<vmem_shared>>)
      tpu.yield
    }) : () -> ()
    %mul3A_17 = arith.constant 640 : i32
    %mul3A_18 = arith.muli %arg1, %mul3A_17 : i32
    %add3A_19 = arith.constant 384 : i32
    %add3A_20 = arith.addi %mul3A_18, %add3A_19 : i32
    "tpu.region"() ({
      %run_scoped3A = tpu.sem_alloc : memref<!tpu.dma_semaphore, #tpu.memory_space<semaphore_mem>>
      %dma_start3A_81 = arith.constant 0 : i32
      %dma_start3A_82 = tpu.memref_slice %arg6[%add3A_20, %dma_start3A_81] : memref<10240x128xf32, #tpu.memory_space<vmem_shared>> -> memref<128x128xf32, #tpu.memory_space<vmem_shared>>
      %dma_start3A_83 = arith.constant 0 : i32
      %dma_start3A_84 = tpu.memref_slice %arg6[%add3A_20, %dma_start3A_83] : memref<10240x128xf32, #tpu.memory_space<vmem_shared>> -> memref<128x128xf32, #tpu.memory_space<vmem_shared>>
      tpu.enqueue_dma source(%arg5 : memref<128x128xf32, #tpu.memory_space<vmem>>) target(%dma_start3A_84 : memref<128x128xf32, #tpu.memory_space<vmem_shared>>) target_semaphore(%run_scoped3A : memref<!tpu.dma_semaphore, #tpu.memory_space<semaphore_mem>>)
      %dma_wait3A_85 = arith.constant 0 : i32
      %dma_wait3A_86 = tpu.memref_slice %arg6[%add3A_20, %dma_wait3A_85] : memref<10240x128xf32, #tpu.memory_space<vmem_shared>> -> memref<128x128xf32, #tpu.memory_space<vmem_shared>>
      %dma_wait3A_87 = arith.constant 0 : i32
      %dma_wait3A_88 = tpu.memref_slice %arg6[%add3A_20, %dma_wait3A_87] : memref<10240x128xf32, #tpu.memory_space<vmem_shared>> -> memref<128x128xf32, #tpu.memory_space<vmem_shared>>
      tpu.wait_dma2 semaphore(%run_scoped3A : memref<!tpu.dma_semaphore, #tpu.memory_space<semaphore_mem>>) src(%arg5 : memref<128x128xf32, #tpu.memory_space<vmem>>) dst(%dma_wait3A_88 : memref<128x128xf32, #tpu.memory_space<vmem_shared>>)
      tpu.yield
    }) : () -> ()
    %mul3A_21 = arith.constant 640 : i32
    %mul3A_22 = arith.muli %arg1, %mul3A_21 : i32
    %add3A_23 = arith.constant 512 : i32
    %add3A_24 = arith.addi %mul3A_22, %add3A_23 : i32
    "tpu.region"() ({
      %run_scoped3A = tpu.sem_alloc : memref<!tpu.dma_semaphore, #tpu.memory_space<semaphore_mem>>
      %dma_start3A_81 = arith.constant 0 : i32
      %dma_start3A_82 = tpu.memref_slice %arg6[%add3A_24, %dma_start3A_81] : memref<10240x128xf32, #tpu.memory_space<vmem_shared>> -> memref<128x128xf32, #tpu.memory_space<vmem_shared>>
      %dma_start3A_83 = arith.constant 0 : i32
      %dma_start3A_84 = tpu.memref_slice %arg6[%add3A_24, %dma_start3A_83] : memref<10240x128xf32, #tpu.memory_space<vmem_shared>> -> memref<128x128xf32, #tpu.memory_space<vmem_shared>>
      tpu.enqueue_dma source(%arg5 : memref<128x128xf32, #tpu.memory_space<vmem>>) target(%dma_start3A_84 : memref<128x128xf32, #tpu.memory_space<vmem_shared>>) target_semaphore(%run_scoped3A : memref<!tpu.dma_semaphore, #tpu.memory_space<semaphore_mem>>)
      %dma_wait3A_85 = arith.constant 0 : i32
      %dma_wait3A_86 = tpu.memref_slice %arg6[%add3A_24, %dma_wait3A_85] : memref<10240x128xf32, #tpu.memory_space<vmem_shared>> -> memref<128x128xf32, #tpu.memory_space<vmem_shared>>
      %dma_wait3A_87 = arith.constant 0 : i32
      %dma_wait3A_88 = tpu.memref_slice %arg6[%add3A_24, %dma_wait3A_87] : memref<10240x128xf32, #tpu.memory_space<vmem_shared>> -> memref<128x128xf32, #tpu.memory_space<vmem_shared>>
      tpu.wait_dma2 semaphore(%run_scoped3A : memref<!tpu.dma_semaphore, #tpu.memory_space<semaphore_mem>>) src(%arg5 : memref<128x128xf32, #tpu.memory_space<vmem>>) dst(%dma_wait3A_88 : memref<128x128xf32, #tpu.memory_space<vmem_shared>>)
      tpu.yield
    }) : () -> ()
    %barrier3A = arith.constant 0 : index
    tpu.barrier barrier_id(%barrier3A)
    %add3A_25 = arith.constant 0 : i32
    %add3A_26 = arith.addi %mul3A_2, %add3A_25 : i32
    %dma_start3A = arith.constant 0 : i32
    %dma_start3A_27 = tpu.memref_slice %arg2[%add3A_26, %dma_start3A] : memref<320000x128xf32, #tpu.memory_space<hbm>> -> memref<80x128xf32, #tpu.memory_space<hbm>>
    %dma_start3A_28 = arith.constant 0 : i32
    %dma_start3A_29 = tpu.memref_slice %arg2[%add3A_26, %dma_start3A_28] : memref<320000x128xf32, #tpu.memory_space<hbm>> -> memref<80x128xf32, #tpu.memory_space<hbm>>
    tpu.enqueue_dma source(%dma_start3A_29 : memref<80x128xf32, #tpu.memory_space<hbm>>) target(%arg8 : memref<80x128xf32, #tpu.memory_space<vmem>>) target_semaphore(%arg9 : memref<!tpu.dma_semaphore, #tpu.memory_space<semaphore_mem>>)
    %dma_start3A_30 = tpu.memref_slice %arg3[%add3A_26] : memref<320000xi32, #tpu.memory_space<hbm>> -> memref<80xi32, #tpu.memory_space<hbm>>
    %dma_start3A_31 = tpu.memref_slice %arg3[%add3A_26] : memref<320000xi32, #tpu.memory_space<hbm>> -> memref<80xi32, #tpu.memory_space<hbm>>
    tpu.enqueue_dma source(%dma_start3A_31 : memref<80xi32, #tpu.memory_space<hbm>>) target(%arg7 : memref<80xi32, #tpu.memory_space<vmem>>) target_semaphore(%arg10 : memref<!tpu.dma_semaphore, #tpu.memory_space<semaphore_mem>>)
    %add3A_32 = arith.constant 80 : i32
    %add3A_33 = arith.addi %mul3A_2, %add3A_32 : i32
    %dma_start3A_34 = arith.constant 0 : i32
    %dma_start3A_35 = tpu.memref_slice %arg2[%add3A_33, %dma_start3A_34] : memref<320000x128xf32, #tpu.memory_space<hbm>> -> memref<80x128xf32, #tpu.memory_space<hbm>>
    %dma_start3A_36 = arith.constant 0 : i32
    %dma_start3A_37 = tpu.memref_slice %arg2[%add3A_33, %dma_start3A_36] : memref<320000x128xf32, #tpu.memory_space<hbm>> -> memref<80x128xf32, #tpu.memory_space<hbm>>
    tpu.enqueue_dma source(%dma_start3A_37 : memref<80x128xf32, #tpu.memory_space<hbm>>) target(%arg12 : memref<80x128xf32, #tpu.memory_space<vmem>>) target_semaphore(%arg13 : memref<!tpu.dma_semaphore, #tpu.memory_space<semaphore_mem>>)
    %dma_start3A_38 = tpu.memref_slice %arg3[%add3A_33] : memref<320000xi32, #tpu.memory_space<hbm>> -> memref<80xi32, #tpu.memory_space<hbm>>
    %dma_start3A_39 = tpu.memref_slice %arg3[%add3A_33] : memref<320000xi32, #tpu.memory_space<hbm>> -> memref<80xi32, #tpu.memory_space<hbm>>
    tpu.enqueue_dma source(%dma_start3A_39 : memref<80xi32, #tpu.memory_space<hbm>>) target(%arg11 : memref<80xi32, #tpu.memory_space<vmem>>) target_semaphore(%arg14 : memref<!tpu.dma_semaphore, #tpu.memory_space<semaphore_mem>>)
    %scan3A = arith.constant 0 : i32
    %scan3A_40 = arith.constant 0 : i32
    %scan3A_41 = arith.constant 41 : i32
    %scan3A_42 = arith.addi %scan3A_40, %scan3A_41 : i32
    %scan3A_43 = arith.constant 1 : i32
    scf.for %scan3A_81 = %scan3A_40 to %scan3A_42 step %scan3A_43  : i32 {
      %mul3A_82 = arith.constant 3 : i32
      %mul3A_83 = arith.muli %mul3A_82, %scan3A_81 : i32
      %add3A_84 = arith.constant 0 : i32
      %add3A_85 = arith.addi %mul3A_83, %add3A_84 : i32
      %add3A_86 = arith.constant 2 : i32
      %add3A_87 = arith.addi %add3A_85, %add3A_86 : i32
      %mul3A_88 = arith.constant 80 : i32
      %mul3A_89 = arith.muli %add3A_87, %mul3A_88 : i32
      %add3A_90 = arith.addi %mul3A_2, %mul3A_89 : i32
      %dma_start3A_91 = arith.constant 0 : i32
      %dma_start3A_92 = tpu.memref_slice %arg2[%add3A_90, %dma_start3A_91] : memref<320000x128xf32, #tpu.memory_space<hbm>> -> memref<80x128xf32, #tpu.memory_space<hbm>>
      %dma_start3A_93 = arith.constant 0 : i32
      %dma_start3A_94 = tpu.memref_slice %arg2[%add3A_90, %dma_start3A_93] : memref<320000x128xf32, #tpu.memory_space<hbm>> -> memref<80x128xf32, #tpu.memory_space<hbm>>
      tpu.enqueue_dma source(%dma_start3A_94 : memref<80x128xf32, #tpu.memory_space<hbm>>) target(%arg16 : memref<80x128xf32, #tpu.memory_space<vmem>>) target_semaphore(%arg17 : memref<!tpu.dma_semaphore, #tpu.memory_space<semaphore_mem>>)
      %dma_start3A_95 = tpu.memref_slice %arg3[%add3A_90] : memref<320000xi32, #tpu.memory_space<hbm>> -> memref<80xi32, #tpu.memory_space<hbm>>
      %dma_start3A_96 = tpu.memref_slice %arg3[%add3A_90] : memref<320000xi32, #tpu.memory_space<hbm>> -> memref<80xi32, #tpu.memory_space<hbm>>
      tpu.enqueue_dma source(%dma_start3A_96 : memref<80xi32, #tpu.memory_space<hbm>>) target(%arg15 : memref<80xi32, #tpu.memory_space<vmem>>) target_semaphore(%arg18 : memref<!tpu.dma_semaphore, #tpu.memory_space<semaphore_mem>>)
      %mul3A_97 = arith.constant 80 : i32
      %mul3A_98 = arith.muli %add3A_85, %mul3A_97 : i32
      %add3A_99 = arith.addi %mul3A_2, %mul3A_98 : i32
      %dma_wait3A_100 = arith.constant 0 : i32
      %dma_wait3A_101 = tpu.memref_slice %arg2[%add3A_99, %dma_wait3A_100] : memref<320000x128xf32, #tpu.memory_space<hbm>> -> memref<80x128xf32, #tpu.memory_space<hbm>>
      %dma_wait3A_102 = arith.constant 0 : i32
      %dma_wait3A_103 = tpu.memref_slice %arg2[%add3A_99, %dma_wait3A_102] : memref<320000x128xf32, #tpu.memory_space<hbm>> -> memref<80x128xf32, #tpu.memory_space<hbm>>
      tpu.wait_dma2 semaphore(%arg9 : memref<!tpu.dma_semaphore, #tpu.memory_space<semaphore_mem>>) src(%dma_wait3A_103 : memref<80x128xf32, #tpu.memory_space<hbm>>) dst(%arg8 : memref<80x128xf32, #tpu.memory_space<vmem>>)
      %dma_wait3A_104 = tpu.memref_slice %arg3[%add3A_99] : memref<320000xi32, #tpu.memory_space<hbm>> -> memref<80xi32, #tpu.memory_space<hbm>>
      %dma_wait3A_105 = tpu.memref_slice %arg3[%add3A_99] : memref<320000xi32, #tpu.memory_space<hbm>> -> memref<80xi32, #tpu.memory_space<hbm>>
      tpu.wait_dma2 semaphore(%arg10 : memref<!tpu.dma_semaphore, #tpu.memory_space<semaphore_mem>>) src(%dma_wait3A_105 : memref<80xi32, #tpu.memory_space<hbm>>) dst(%arg7 : memref<80xi32, #tpu.memory_space<vmem>>)
      "tpu.region"() ({
        %run_scoped3A = tpu.sem_alloc : memref<!tpu.dma_semaphore, #tpu.memory_space<semaphore_mem>>
        %dma_start3A_150 = arith.constant 0 : i32
        %dma_start3A_151 = arith.constant 0 : i32
        %dma_start3A_152 = tpu.memref_slice %arg6[%dma_start3A_150, %dma_start3A_151] : memref<10240x128xf32, #tpu.memory_space<vmem_shared>> -> memref<10240x128xf32, #tpu.memory_space<vmem_shared>>
        tpu.enqueue_indirect_dma source(%arg8 : memref<80x128xf32, #tpu.memory_space<vmem>>) target(%dma_start3A_152 : memref<10240x128xf32, #tpu.memory_space<vmem_shared>>) offsets(%arg7 : memref<80xi32, #tpu.memory_space<vmem>>) semaphore(%run_scoped3A : memref<!tpu.dma_semaphore, #tpu.memory_space<semaphore_mem>>) {add = true}
        %dma_wait3A_153 = arith.constant 0 : i32
        %dma_wait3A_154 = arith.constant 0 : i32
        %dma_wait3A_155 = tpu.memref_slice %arg6[%dma_wait3A_153, %dma_wait3A_154] : memref<10240x128xf32, #tpu.memory_space<vmem_shared>> -> memref<10240x128xf32, #tpu.memory_space<vmem_shared>>
        tpu.wait_indirect_dma semaphore(%run_scoped3A : memref<!tpu.dma_semaphore, #tpu.memory_space<semaphore_mem>>) src(%arg8 : memref<80x128xf32, #tpu.memory_space<vmem>>) dst(%dma_wait3A_155 : memref<10240x128xf32, #tpu.memory_space<vmem_shared>>)
        tpu.yield
      }) : () -> ()
      %add3A_106 = arith.constant 1 : i32
      %add3A_107 = arith.addi %mul3A_83, %add3A_106 : i32
      %add3A_108 = arith.constant 2 : i32
      %add3A_109 = arith.addi %add3A_107, %add3A_108 : i32
      %mul3A_110 = arith.constant 80 : i32
      %mul3A_111 = arith.muli %add3A_109, %mul3A_110 : i32
      %add3A_112 = arith.addi %mul3A_2, %mul3A_111 : i32
      %dma_start3A_113 = arith.constant 0 : i32
      %dma_start3A_114 = tpu.memref_slice %arg2[%add3A_112, %dma_start3A_113] : memref<320000x128xf32, #tpu.memory_space<hbm>> -> memref<80x128xf32, #tpu.memory_space<hbm>>
      %dma_start3A_115 = arith.constant 0 : i32
      %dma_start3A_116 = tpu.memref_slice %arg2[%add3A_112, %dma_start3A_115] : memref<320000x128xf32, #tpu.memory_space<hbm>> -> memref<80x128xf32, #tpu.memory_space<hbm>>
      tpu.enqueue_dma source(%dma_start3A_116 : memref<80x128xf32, #tpu.memory_space<hbm>>) target(%arg8 : memref<80x128xf32, #tpu.memory_space<vmem>>) target_semaphore(%arg9 : memref<!tpu.dma_semaphore, #tpu.memory_space<semaphore_mem>>)
      %dma_start3A_117 = tpu.memref_slice %arg3[%add3A_112] : memref<320000xi32, #tpu.memory_space<hbm>> -> memref<80xi32, #tpu.memory_space<hbm>>
      %dma_start3A_118 = tpu.memref_slice %arg3[%add3A_112] : memref<320000xi32, #tpu.memory_space<hbm>> -> memref<80xi32, #tpu.memory_space<hbm>>
      tpu.enqueue_dma source(%dma_start3A_118 : memref<80xi32, #tpu.memory_space<hbm>>) target(%arg7 : memref<80xi32, #tpu.memory_space<vmem>>) target_semaphore(%arg10 : memref<!tpu.dma_semaphore, #tpu.memory_space<semaphore_mem>>)
      %mul3A_119 = arith.constant 80 : i32
      %mul3A_120 = arith.muli %add3A_107, %mul3A_119 : i32
      %add3A_121 = arith.addi %mul3A_2, %mul3A_120 : i32
      %dma_wait3A_122 = arith.constant 0 : i32
      %dma_wait3A_123 = tpu.memref_slice %arg2[%add3A_121, %dma_wait3A_122] : memref<320000x128xf32, #tpu.memory_space<hbm>> -> memref<80x128xf32, #tpu.memory_space<hbm>>
      %dma_wait3A_124 = arith.constant 0 : i32
      %dma_wait3A_125 = tpu.memref_slice %arg2[%add3A_121, %dma_wait3A_124] : memref<320000x128xf32, #tpu.memory_space<hbm>> -> memref<80x128xf32, #tpu.memory_space<hbm>>
      tpu.wait_dma2 semaphore(%arg13 : memref<!tpu.dma_semaphore, #tpu.memory_space<semaphore_mem>>) src(%dma_wait3A_125 : memref<80x128xf32, #tpu.memory_space<hbm>>) dst(%arg12 : memref<80x128xf32, #tpu.memory_space<vmem>>)
      %dma_wait3A_126 = tpu.memref_slice %arg3[%add3A_121] : memref<320000xi32, #tpu.memory_space<hbm>> -> memref<80xi32, #tpu.memory_space<hbm>>
      %dma_wait3A_127 = tpu.memref_slice %arg3[%add3A_121] : memref<320000xi32, #tpu.memory_space<hbm>> -> memref<80xi32, #tpu.memory_space<hbm>>
      tpu.wait_dma2 semaphore(%arg14 : memref<!tpu.dma_semaphore, #tpu.memory_space<semaphore_mem>>) src(%dma_wait3A_127 : memref<80xi32, #tpu.memory_space<hbm>>) dst(%arg11 : memref<80xi32, #tpu.memory_space<vmem>>)
      "tpu.region"() ({
        %run_scoped3A = tpu.sem_alloc : memref<!tpu.dma_semaphore, #tpu.memory_space<semaphore_mem>>
        %dma_start3A_150 = arith.constant 0 : i32
        %dma_start3A_151 = arith.constant 0 : i32
        %dma_start3A_152 = tpu.memref_slice %arg6[%dma_start3A_150, %dma_start3A_151] : memref<10240x128xf32, #tpu.memory_space<vmem_shared>> -> memref<10240x128xf32, #tpu.memory_space<vmem_shared>>
        tpu.enqueue_indirect_dma source(%arg12 : memref<80x128xf32, #tpu.memory_space<vmem>>) target(%dma_start3A_152 : memref<10240x128xf32, #tpu.memory_space<vmem_shared>>) offsets(%arg11 : memref<80xi32, #tpu.memory_space<vmem>>) semaphore(%run_scoped3A : memref<!tpu.dma_semaphore, #tpu.memory_space<semaphore_mem>>) {add = true}
        %dma_wait3A_153 = arith.constant 0 : i32
        %dma_wait3A_154 = arith.constant 0 : i32
        %dma_wait3A_155 = tpu.memref_slice %arg6[%dma_wait3A_153, %dma_wait3A_154] : memref<10240x128xf32, #tpu.memory_space<vmem_shared>> -> memref<10240x128xf32, #tpu.memory_space<vmem_shared>>
        tpu.wait_indirect_dma semaphore(%run_scoped3A : memref<!tpu.dma_semaphore, #tpu.memory_space<semaphore_mem>>) src(%arg12 : memref<80x128xf32, #tpu.memory_space<vmem>>) dst(%dma_wait3A_155 : memref<10240x128xf32, #tpu.memory_space<vmem_shared>>)
        tpu.yield
      }) : () -> ()
      %add3A_128 = arith.constant 2 : i32
      %add3A_129 = arith.addi %mul3A_83, %add3A_128 : i32
      %add3A_130 = arith.constant 2 : i32
      %add3A_131 = arith.addi %add3A_129, %add3A_130 : i32
      %mul3A_132 = arith.constant 80 : i32
      %mul3A_133 = arith.muli %add3A_131, %mul3A_132 : i32
      %add3A_134 = arith.addi %mul3A_2, %mul3A_133 : i32
      %dma_start3A_135 = arith.constant 0 : i32
      %dma_start3A_136 = tpu.memref_slice %arg2[%add3A_134, %dma_start3A_135] : memref<320000x128xf32, #tpu.memory_space<hbm>> -> memref<80x128xf32, #tpu.memory_space<hbm>>
      %dma_start3A_137 = arith.constant 0 : i32
      %dma_start3A_138 = tpu.memref_slice %arg2[%add3A_134, %dma_start3A_137] : memref<320000x128xf32, #tpu.memory_space<hbm>> -> memref<80x128xf32, #tpu.memory_space<hbm>>
      tpu.enqueue_dma source(%dma_start3A_138 : memref<80x128xf32, #tpu.memory_space<hbm>>) target(%arg12 : memref<80x128xf32, #tpu.memory_space<vmem>>) target_semaphore(%arg13 : memref<!tpu.dma_semaphore, #tpu.memory_space<semaphore_mem>>)
      %dma_start3A_139 = tpu.memref_slice %arg3[%add3A_134] : memref<320000xi32, #tpu.memory_space<hbm>> -> memref<80xi32, #tpu.memory_space<hbm>>
      %dma_start3A_140 = tpu.memref_slice %arg3[%add3A_134] : memref<320000xi32, #tpu.memory_space<hbm>> -> memref<80xi32, #tpu.memory_space<hbm>>
      tpu.enqueue_dma source(%dma_start3A_140 : memref<80xi32, #tpu.memory_space<hbm>>) target(%arg11 : memref<80xi32, #tpu.memory_space<vmem>>) target_semaphore(%arg14 : memref<!tpu.dma_semaphore, #tpu.memory_space<semaphore_mem>>)
      %mul3A_141 = arith.constant 80 : i32
      %mul3A_142 = arith.muli %add3A_129, %mul3A_141 : i32
      %add3A_143 = arith.addi %mul3A_2, %mul3A_142 : i32
      %dma_wait3A_144 = arith.constant 0 : i32
      %dma_wait3A_145 = tpu.memref_slice %arg2[%add3A_143, %dma_wait3A_144] : memref<320000x128xf32, #tpu.memory_space<hbm>> -> memref<80x128xf32, #tpu.memory_space<hbm>>
      %dma_wait3A_146 = arith.constant 0 : i32
      %dma_wait3A_147 = tpu.memref_slice %arg2[%add3A_143, %dma_wait3A_146] : memref<320000x128xf32, #tpu.memory_space<hbm>> -> memref<80x128xf32, #tpu.memory_space<hbm>>
      tpu.wait_dma2 semaphore(%arg17 : memref<!tpu.dma_semaphore, #tpu.memory_space<semaphore_mem>>) src(%dma_wait3A_147 : memref<80x128xf32, #tpu.memory_space<hbm>>) dst(%arg16 : memref<80x128xf32, #tpu.memory_space<vmem>>)
      %dma_wait3A_148 = tpu.memref_slice %arg3[%add3A_143] : memref<320000xi32, #tpu.memory_space<hbm>> -> memref<80xi32, #tpu.memory_space<hbm>>
      %dma_wait3A_149 = tpu.memref_slice %arg3[%add3A_143] : memref<320000xi32, #tpu.memory_space<hbm>> -> memref<80xi32, #tpu.memory_space<hbm>>
      tpu.wait_dma2 semaphore(%arg18 : memref<!tpu.dma_semaphore, #tpu.memory_space<semaphore_mem>>) src(%dma_wait3A_149 : memref<80xi32, #tpu.memory_space<hbm>>) dst(%arg15 : memref<80xi32, #tpu.memory_space<vmem>>)
      "tpu.region"() ({
        %run_scoped3A = tpu.sem_alloc : memref<!tpu.dma_semaphore, #tpu.memory_space<semaphore_mem>>
        %dma_start3A_150 = arith.constant 0 : i32
        %dma_start3A_151 = arith.constant 0 : i32
        %dma_start3A_152 = tpu.memref_slice %arg6[%dma_start3A_150, %dma_start3A_151] : memref<10240x128xf32, #tpu.memory_space<vmem_shared>> -> memref<10240x128xf32, #tpu.memory_space<vmem_shared>>
        tpu.enqueue_indirect_dma source(%arg16 : memref<80x128xf32, #tpu.memory_space<vmem>>) target(%dma_start3A_152 : memref<10240x128xf32, #tpu.memory_space<vmem_shared>>) offsets(%arg15 : memref<80xi32, #tpu.memory_space<vmem>>) semaphore(%run_scoped3A : memref<!tpu.dma_semaphore, #tpu.memory_space<semaphore_mem>>) {add = true}
        %dma_wait3A_153 = arith.constant 0 : i32
        %dma_wait3A_154 = arith.constant 0 : i32
        %dma_wait3A_155 = tpu.memref_slice %arg6[%dma_wait3A_153, %dma_wait3A_154] : memref<10240x128xf32, #tpu.memory_space<vmem_shared>> -> memref<10240x128xf32, #tpu.memory_space<vmem_shared>>
        tpu.wait_indirect_dma semaphore(%run_scoped3A : memref<!tpu.dma_semaphore, #tpu.memory_space<semaphore_mem>>) src(%arg16 : memref<80x128xf32, #tpu.memory_space<vmem>>) dst(%dma_wait3A_155 : memref<10240x128xf32, #tpu.memory_space<vmem_shared>>)
        tpu.yield
      }) : () -> ()
    }
    %scan3A_44 = arith.constant 41 : i32
    %add3A_45 = arith.constant 9840 : i32
    %add3A_46 = arith.addi %mul3A_2, %add3A_45 : i32
    %dma_wait3A = arith.constant 0 : i32
    %dma_wait3A_47 = tpu.memref_slice %arg2[%add3A_46, %dma_wait3A] : memref<320000x128xf32, #tpu.memory_space<hbm>> -> memref<80x128xf32, #tpu.memory_space<hbm>>
    %dma_wait3A_48 = arith.constant 0 : i32
    %dma_wait3A_49 = tpu.memref_slice %arg2[%add3A_46, %dma_wait3A_48] : memref<320000x128xf32, #tpu.memory_space<hbm>> -> memref<80x128xf32, #tpu.memory_space<hbm>>
    tpu.wait_dma2 semaphore(%arg9 : memref<!tpu.dma_semaphore, #tpu.memory_space<semaphore_mem>>) src(%dma_wait3A_49 : memref<80x128xf32, #tpu.memory_space<hbm>>) dst(%arg8 : memref<80x128xf32, #tpu.memory_space<vmem>>)
    %dma_wait3A_50 = tpu.memref_slice %arg3[%add3A_46] : memref<320000xi32, #tpu.memory_space<hbm>> -> memref<80xi32, #tpu.memory_space<hbm>>
    %dma_wait3A_51 = tpu.memref_slice %arg3[%add3A_46] : memref<320000xi32, #tpu.memory_space<hbm>> -> memref<80xi32, #tpu.memory_space<hbm>>
    tpu.wait_dma2 semaphore(%arg10 : memref<!tpu.dma_semaphore, #tpu.memory_space<semaphore_mem>>) src(%dma_wait3A_51 : memref<80xi32, #tpu.memory_space<hbm>>) dst(%arg7 : memref<80xi32, #tpu.memory_space<vmem>>)
    "tpu.region"() ({
      %run_scoped3A = tpu.sem_alloc : memref<!tpu.dma_semaphore, #tpu.memory_space<semaphore_mem>>
      %dma_start3A_81 = arith.constant 0 : i32
      %dma_start3A_82 = arith.constant 0 : i32
      %dma_start3A_83 = tpu.memref_slice %arg6[%dma_start3A_81, %dma_start3A_82] : memref<10240x128xf32, #tpu.memory_space<vmem_shared>> -> memref<10240x128xf32, #tpu.memory_space<vmem_shared>>
      tpu.enqueue_indirect_dma source(%arg8 : memref<80x128xf32, #tpu.memory_space<vmem>>) target(%dma_start3A_83 : memref<10240x128xf32, #tpu.memory_space<vmem_shared>>) offsets(%arg7 : memref<80xi32, #tpu.memory_space<vmem>>) semaphore(%run_scoped3A : memref<!tpu.dma_semaphore, #tpu.memory_space<semaphore_mem>>) {add = true}
      %dma_wait3A_84 = arith.constant 0 : i32
      %dma_wait3A_85 = arith.constant 0 : i32
      %dma_wait3A_86 = tpu.memref_slice %arg6[%dma_wait3A_84, %dma_wait3A_85] : memref<10240x128xf32, #tpu.memory_space<vmem_shared>> -> memref<10240x128xf32, #tpu.memory_space<vmem_shared>>
      tpu.wait_indirect_dma semaphore(%run_scoped3A : memref<!tpu.dma_semaphore, #tpu.memory_space<semaphore_mem>>) src(%arg8 : memref<80x128xf32, #tpu.memory_space<vmem>>) dst(%dma_wait3A_86 : memref<10240x128xf32, #tpu.memory_space<vmem_shared>>)
      tpu.yield
    }) : () -> ()
    %add3A_52 = arith.constant 9920 : i32
    %add3A_53 = arith.addi %mul3A_2, %add3A_52 : i32
    %dma_wait3A_54 = arith.constant 0 : i32
    %dma_wait3A_55 = tpu.memref_slice %arg2[%add3A_53, %dma_wait3A_54] : memref<320000x128xf32, #tpu.memory_space<hbm>> -> memref<80x128xf32, #tpu.memory_space<hbm>>
    %dma_wait3A_56 = arith.constant 0 : i32
    %dma_wait3A_57 = tpu.memref_slice %arg2[%add3A_53, %dma_wait3A_56] : memref<320000x128xf32, #tpu.memory_space<hbm>> -> memref<80x128xf32, #tpu.memory_space<hbm>>
    tpu.wait_dma2 semaphore(%arg13 : memref<!tpu.dma_semaphore, #tpu.memory_space<semaphore_mem>>) src(%dma_wait3A_57 : memref<80x128xf32, #tpu.memory_space<hbm>>) dst(%arg12 : memref<80x128xf32, #tpu.memory_space<vmem>>)
    %dma_wait3A_58 = tpu.memref_slice %arg3[%add3A_53] : memref<320000xi32, #tpu.memory_space<hbm>> -> memref<80xi32, #tpu.memory_space<hbm>>
    %dma_wait3A_59 = tpu.memref_slice %arg3[%add3A_53] : memref<320000xi32, #tpu.memory_space<hbm>> -> memref<80xi32, #tpu.memory_space<hbm>>
    tpu.wait_dma2 semaphore(%arg14 : memref<!tpu.dma_semaphore, #tpu.memory_space<semaphore_mem>>) src(%dma_wait3A_59 : memref<80xi32, #tpu.memory_space<hbm>>) dst(%arg11 : memref<80xi32, #tpu.memory_space<vmem>>)
    "tpu.region"() ({
      %run_scoped3A = tpu.sem_alloc : memref<!tpu.dma_semaphore, #tpu.memory_space<semaphore_mem>>
      %dma_start3A_81 = arith.constant 0 : i32
      %dma_start3A_82 = arith.constant 0 : i32
      %dma_start3A_83 = tpu.memref_slice %arg6[%dma_start3A_81, %dma_start3A_82] : memref<10240x128xf32, #tpu.memory_space<vmem_shared>> -> memref<10240x128xf32, #tpu.memory_space<vmem_shared>>
      tpu.enqueue_indirect_dma source(%arg12 : memref<80x128xf32, #tpu.memory_space<vmem>>) target(%dma_start3A_83 : memref<10240x128xf32, #tpu.memory_space<vmem_shared>>) offsets(%arg11 : memref<80xi32, #tpu.memory_space<vmem>>) semaphore(%run_scoped3A : memref<!tpu.dma_semaphore, #tpu.memory_space<semaphore_mem>>) {add = true}
      %dma_wait3A_84 = arith.constant 0 : i32
      %dma_wait3A_85 = arith.constant 0 : i32
      %dma_wait3A_86 = tpu.memref_slice %arg6[%dma_wait3A_84, %dma_wait3A_85] : memref<10240x128xf32, #tpu.memory_space<vmem_shared>> -> memref<10240x128xf32, #tpu.memory_space<vmem_shared>>
      tpu.wait_indirect_dma semaphore(%run_scoped3A : memref<!tpu.dma_semaphore, #tpu.memory_space<semaphore_mem>>) src(%arg12 : memref<80x128xf32, #tpu.memory_space<vmem>>) dst(%dma_wait3A_86 : memref<10240x128xf32, #tpu.memory_space<vmem_shared>>)
      tpu.yield
    }) : () -> ()
    %barrier3A_60 = arith.constant 0 : index
    tpu.barrier barrier_id(%barrier3A_60)
    %mul3A_61 = arith.constant 640 : i32
    %mul3A_62 = arith.muli %arg1, %mul3A_61 : i32
    %add3A_63 = arith.constant 0 : i32
    %add3A_64 = arith.addi %mul3A_62, %add3A_63 : i32
    "tpu.region"() ({
      %run_scoped3A = tpu.sem_alloc : memref<!tpu.dma_semaphore, #tpu.memory_space<semaphore_mem>>
      %dma_start3A_81 = arith.constant 0 : i32
      %dma_start3A_82 = tpu.memref_slice %arg6[%add3A_64, %dma_start3A_81] : memref<10240x128xf32, #tpu.memory_space<vmem_shared>> -> memref<128x128xf32, #tpu.memory_space<vmem_shared>>
      %dma_start3A_83 = arith.constant 0 : i32
      %dma_start3A_84 = tpu.memref_slice %arg6[%add3A_64, %dma_start3A_83] : memref<10240x128xf32, #tpu.memory_space<vmem_shared>> -> memref<128x128xf32, #tpu.memory_space<vmem_shared>>
      tpu.enqueue_dma source(%dma_start3A_84 : memref<128x128xf32, #tpu.memory_space<vmem_shared>>) target(%arg5 : memref<128x128xf32, #tpu.memory_space<vmem>>) target_semaphore(%run_scoped3A : memref<!tpu.dma_semaphore, #tpu.memory_space<semaphore_mem>>)
      %dma_wait3A_85 = arith.constant 0 : i32
      %dma_wait3A_86 = tpu.memref_slice %arg6[%add3A_64, %dma_wait3A_85] : memref<10240x128xf32, #tpu.memory_space<vmem_shared>> -> memref<128x128xf32, #tpu.memory_space<vmem_shared>>
      %dma_wait3A_87 = arith.constant 0 : i32
      %dma_wait3A_88 = tpu.memref_slice %arg6[%add3A_64, %dma_wait3A_87] : memref<10240x128xf32, #tpu.memory_space<vmem_shared>> -> memref<128x128xf32, #tpu.memory_space<vmem_shared>>
      tpu.wait_dma2 semaphore(%run_scoped3A : memref<!tpu.dma_semaphore, #tpu.memory_space<semaphore_mem>>) src(%dma_wait3A_88 : memref<128x128xf32, #tpu.memory_space<vmem_shared>>) dst(%arg5 : memref<128x128xf32, #tpu.memory_space<vmem>>)
      tpu.yield
    }) : () -> ()
    "tpu.region"() ({
      %run_scoped3A = tpu.sem_alloc : memref<!tpu.dma_semaphore, #tpu.memory_space<semaphore_mem>>
      %dma_start3A_81 = arith.constant 0 : i32
      %dma_start3A_82 = tpu.memref_slice %arg4[%arg0, %add3A_64, %dma_start3A_81] : memref<2x10240x128xf32, #tpu.memory_space<hbm>> -> memref<1x128x128xf32, #tpu.memory_space<hbm>>
      %dma_start3A_83 = tpu.memref_squeeze %dma_start3A_82 : memref<1x128x128xf32, #tpu.memory_space<hbm>> -> memref<128x128xf32, #tpu.memory_space<hbm>>
      %dma_start3A_84 = arith.constant 0 : i32
      %dma_start3A_85 = tpu.memref_slice %arg4[%arg0, %add3A_64, %dma_start3A_84] : memref<2x10240x128xf32, #tpu.memory_space<hbm>> -> memref<1x128x128xf32, #tpu.memory_space<hbm>>
      %dma_start3A_86 = tpu.memref_squeeze %dma_start3A_85 : memref<1x128x128xf32, #tpu.memory_space<hbm>> -> memref<128x128xf32, #tpu.memory_space<hbm>>
      tpu.enqueue_dma source(%arg5 : memref<128x128xf32, #tpu.memory_space<vmem>>) target(%dma_start3A_86 : memref<128x128xf32, #tpu.memory_space<hbm>>) target_semaphore(%run_scoped3A : memref<!tpu.dma_semaphore, #tpu.memory_space<semaphore_mem>>)
      %dma_wait3A_87 = arith.constant 0 : i32
      %dma_wait3A_88 = tpu.memref_slice %arg4[%arg0, %add3A_64, %dma_wait3A_87] : memref<2x10240x128xf32, #tpu.memory_space<hbm>> -> memref<1x128x128xf32, #tpu.memory_space<hbm>>
      %dma_wait3A_89 = tpu.memref_squeeze %dma_wait3A_88 : memref<1x128x128xf32, #tpu.memory_space<hbm>> -> memref<128x128xf32, #tpu.memory_space<hbm>>
      %dma_wait3A_90 = arith.constant 0 : i32
      %dma_wait3A_91 = tpu.memref_slice %arg4[%arg0, %add3A_64, %dma_wait3A_90] : memref<2x10240x128xf32, #tpu.memory_space<hbm>> -> memref<1x128x128xf32, #tpu.memory_space<hbm>>
      %dma_wait3A_92 = tpu.memref_squeeze %dma_wait3A_91 : memref<1x128x128xf32, #tpu.memory_space<hbm>> -> memref<128x128xf32, #tpu.memory_space<hbm>>
      tpu.wait_dma2 semaphore(%run_scoped3A : memref<!tpu.dma_semaphore, #tpu.memory_space<semaphore_mem>>) src(%arg5 : memref<128x128xf32, #tpu.memory_space<vmem>>) dst(%dma_wait3A_92 : memref<128x128xf32, #tpu.memory_space<hbm>>)
      tpu.yield
    }) : () -> ()
    %mul3A_65 = arith.constant 640 : i32
    %mul3A_66 = arith.muli %arg1, %mul3A_65 : i32
    %add3A_67 = arith.constant 128 : i32
    %add3A_68 = arith.addi %mul3A_66, %add3A_67 : i32
    "tpu.region"() ({
      %run_scoped3A = tpu.sem_alloc : memref<!tpu.dma_semaphore, #tpu.memory_space<semaphore_mem>>
      %dma_start3A_81 = arith.constant 0 : i32
      %dma_start3A_82 = tpu.memref_slice %arg6[%add3A_68, %dma_start3A_81] : memref<10240x128xf32, #tpu.memory_space<vmem_shared>> -> memref<128x128xf32, #tpu.memory_space<vmem_shared>>
      %dma_start3A_83 = arith.constant 0 : i32
      %dma_start3A_84 = tpu.memref_slice %arg6[%add3A_68, %dma_start3A_83] : memref<10240x128xf32, #tpu.memory_space<vmem_shared>> -> memref<128x128xf32, #tpu.memory_space<vmem_shared>>
      tpu.enqueue_dma source(%dma_start3A_84 : memref<128x128xf32, #tpu.memory_space<vmem_shared>>) target(%arg5 : memref<128x128xf32, #tpu.memory_space<vmem>>) target_semaphore(%run_scoped3A : memref<!tpu.dma_semaphore, #tpu.memory_space<semaphore_mem>>)
      %dma_wait3A_85 = arith.constant 0 : i32
      %dma_wait3A_86 = tpu.memref_slice %arg6[%add3A_68, %dma_wait3A_85] : memref<10240x128xf32, #tpu.memory_space<vmem_shared>> -> memref<128x128xf32, #tpu.memory_space<vmem_shared>>
      %dma_wait3A_87 = arith.constant 0 : i32
      %dma_wait3A_88 = tpu.memref_slice %arg6[%add3A_68, %dma_wait3A_87] : memref<10240x128xf32, #tpu.memory_space<vmem_shared>> -> memref<128x128xf32, #tpu.memory_space<vmem_shared>>
      tpu.wait_dma2 semaphore(%run_scoped3A : memref<!tpu.dma_semaphore, #tpu.memory_space<semaphore_mem>>) src(%dma_wait3A_88 : memref<128x128xf32, #tpu.memory_space<vmem_shared>>) dst(%arg5 : memref<128x128xf32, #tpu.memory_space<vmem>>)
      tpu.yield
    }) : () -> ()
    "tpu.region"() ({
      %run_scoped3A = tpu.sem_alloc : memref<!tpu.dma_semaphore, #tpu.memory_space<semaphore_mem>>
      %dma_start3A_81 = arith.constant 0 : i32
      %dma_start3A_82 = tpu.memref_slice %arg4[%arg0, %add3A_68, %dma_start3A_81] : memref<2x10240x128xf32, #tpu.memory_space<hbm>> -> memref<1x128x128xf32, #tpu.memory_space<hbm>>
      %dma_start3A_83 = tpu.memref_squeeze %dma_start3A_82 : memref<1x128x128xf32, #tpu.memory_space<hbm>> -> memref<128x128xf32, #tpu.memory_space<hbm>>
      %dma_start3A_84 = arith.constant 0 : i32
      %dma_start3A_85 = tpu.memref_slice %arg4[%arg0, %add3A_68, %dma_start3A_84] : memref<2x10240x128xf32, #tpu.memory_space<hbm>> -> memref<1x128x128xf32, #tpu.memory_space<hbm>>
      %dma_start3A_86 = tpu.memref_squeeze %dma_start3A_85 : memref<1x128x128xf32, #tpu.memory_space<hbm>> -> memref<128x128xf32, #tpu.memory_space<hbm>>
      tpu.enqueue_dma source(%arg5 : memref<128x128xf32, #tpu.memory_space<vmem>>) target(%dma_start3A_86 : memref<128x128xf32, #tpu.memory_space<hbm>>) target_semaphore(%run_scoped3A : memref<!tpu.dma_semaphore, #tpu.memory_space<semaphore_mem>>)
      %dma_wait3A_87 = arith.constant 0 : i32
      %dma_wait3A_88 = tpu.memref_slice %arg4[%arg0, %add3A_68, %dma_wait3A_87] : memref<2x10240x128xf32, #tpu.memory_space<hbm>> -> memref<1x128x128xf32, #tpu.memory_space<hbm>>
      %dma_wait3A_89 = tpu.memref_squeeze %dma_wait3A_88 : memref<1x128x128xf32, #tpu.memory_space<hbm>> -> memref<128x128xf32, #tpu.memory_space<hbm>>
      %dma_wait3A_90 = arith.constant 0 : i32
      %dma_wait3A_91 = tpu.memref_slice %arg4[%arg0, %add3A_68, %dma_wait3A_90] : memref<2x10240x128xf32, #tpu.memory_space<hbm>> -> memref<1x128x128xf32, #tpu.memory_space<hbm>>
      %dma_wait3A_92 = tpu.memref_squeeze %dma_wait3A_91 : memref<1x128x128xf32, #tpu.memory_space<hbm>> -> memref<128x128xf32, #tpu.memory_space<hbm>>
      tpu.wait_dma2 semaphore(%run_scoped3A : memref<!tpu.dma_semaphore, #tpu.memory_space<semaphore_mem>>) src(%arg5 : memref<128x128xf32, #tpu.memory_space<vmem>>) dst(%dma_wait3A_92 : memref<128x128xf32, #tpu.memory_space<hbm>>)
      tpu.yield
    }) : () -> ()
    %mul3A_69 = arith.constant 640 : i32
    %mul3A_70 = arith.muli %arg1, %mul3A_69 : i32
    %add3A_71 = arith.constant 256 : i32
    %add3A_72 = arith.addi %mul3A_70, %add3A_71 : i32
    "tpu.region"() ({
      %run_scoped3A = tpu.sem_alloc : memref<!tpu.dma_semaphore, #tpu.memory_space<semaphore_mem>>
      %dma_start3A_81 = arith.constant 0 : i32
      %dma_start3A_82 = tpu.memref_slice %arg6[%add3A_72, %dma_start3A_81] : memref<10240x128xf32, #tpu.memory_space<vmem_shared>> -> memref<128x128xf32, #tpu.memory_space<vmem_shared>>
      %dma_start3A_83 = arith.constant 0 : i32
      %dma_start3A_84 = tpu.memref_slice %arg6[%add3A_72, %dma_start3A_83] : memref<10240x128xf32, #tpu.memory_space<vmem_shared>> -> memref<128x128xf32, #tpu.memory_space<vmem_shared>>
      tpu.enqueue_dma source(%dma_start3A_84 : memref<128x128xf32, #tpu.memory_space<vmem_shared>>) target(%arg5 : memref<128x128xf32, #tpu.memory_space<vmem>>) target_semaphore(%run_scoped3A : memref<!tpu.dma_semaphore, #tpu.memory_space<semaphore_mem>>)
      %dma_wait3A_85 = arith.constant 0 : i32
      %dma_wait3A_86 = tpu.memref_slice %arg6[%add3A_72, %dma_wait3A_85] : memref<10240x128xf32, #tpu.memory_space<vmem_shared>> -> memref<128x128xf32, #tpu.memory_space<vmem_shared>>
      %dma_wait3A_87 = arith.constant 0 : i32
      %dma_wait3A_88 = tpu.memref_slice %arg6[%add3A_72, %dma_wait3A_87] : memref<10240x128xf32, #tpu.memory_space<vmem_shared>> -> memref<128x128xf32, #tpu.memory_space<vmem_shared>>
      tpu.wait_dma2 semaphore(%run_scoped3A : memref<!tpu.dma_semaphore, #tpu.memory_space<semaphore_mem>>) src(%dma_wait3A_88 : memref<128x128xf32, #tpu.memory_space<vmem_shared>>) dst(%arg5 : memref<128x128xf32, #tpu.memory_space<vmem>>)
      tpu.yield
    }) : () -> ()
    "tpu.region"() ({
      %run_scoped3A = tpu.sem_alloc : memref<!tpu.dma_semaphore, #tpu.memory_space<semaphore_mem>>
      %dma_start3A_81 = arith.constant 0 : i32
      %dma_start3A_82 = tpu.memref_slice %arg4[%arg0, %add3A_72, %dma_start3A_81] : memref<2x10240x128xf32, #tpu.memory_space<hbm>> -> memref<1x128x128xf32, #tpu.memory_space<hbm>>
      %dma_start3A_83 = tpu.memref_squeeze %dma_start3A_82 : memref<1x128x128xf32, #tpu.memory_space<hbm>> -> memref<128x128xf32, #tpu.memory_space<hbm>>
      %dma_start3A_84 = arith.constant 0 : i32
      %dma_start3A_85 = tpu.memref_slice %arg4[%arg0, %add3A_72, %dma_start3A_84] : memref<2x10240x128xf32, #tpu.memory_space<hbm>> -> memref<1x128x128xf32, #tpu.memory_space<hbm>>
      %dma_start3A_86 = tpu.memref_squeeze %dma_start3A_85 : memref<1x128x128xf32, #tpu.memory_space<hbm>> -> memref<128x128xf32, #tpu.memory_space<hbm>>
      tpu.enqueue_dma source(%arg5 : memref<128x128xf32, #tpu.memory_space<vmem>>) target(%dma_start3A_86 : memref<128x128xf32, #tpu.memory_space<hbm>>) target_semaphore(%run_scoped3A : memref<!tpu.dma_semaphore, #tpu.memory_space<semaphore_mem>>)
      %dma_wait3A_87 = arith.constant 0 : i32
      %dma_wait3A_88 = tpu.memref_slice %arg4[%arg0, %add3A_72, %dma_wait3A_87] : memref<2x10240x128xf32, #tpu.memory_space<hbm>> -> memref<1x128x128xf32, #tpu.memory_space<hbm>>
      %dma_wait3A_89 = tpu.memref_squeeze %dma_wait3A_88 : memref<1x128x128xf32, #tpu.memory_space<hbm>> -> memref<128x128xf32, #tpu.memory_space<hbm>>
      %dma_wait3A_90 = arith.constant 0 : i32
      %dma_wait3A_91 = tpu.memref_slice %arg4[%arg0, %add3A_72, %dma_wait3A_90] : memref<2x10240x128xf32, #tpu.memory_space<hbm>> -> memref<1x128x128xf32, #tpu.memory_space<hbm>>
      %dma_wait3A_92 = tpu.memref_squeeze %dma_wait3A_91 : memref<1x128x128xf32, #tpu.memory_space<hbm>> -> memref<128x128xf32, #tpu.memory_space<hbm>>
      tpu.wait_dma2 semaphore(%run_scoped3A : memref<!tpu.dma_semaphore, #tpu.memory_space<semaphore_mem>>) src(%arg5 : memref<128x128xf32, #tpu.memory_space<vmem>>) dst(%dma_wait3A_92 : memref<128x128xf32, #tpu.memory_space<hbm>>)
      tpu.yield
    }) : () -> ()
    %mul3A_73 = arith.constant 640 : i32
    %mul3A_74 = arith.muli %arg1, %mul3A_73 : i32
    %add3A_75 = arith.constant 384 : i32
    %add3A_76 = arith.addi %mul3A_74, %add3A_75 : i32
    "tpu.region"() ({
      %run_scoped3A = tpu.sem_alloc : memref<!tpu.dma_semaphore, #tpu.memory_space<semaphore_mem>>
      %dma_start3A_81 = arith.constant 0 : i32
      %dma_start3A_82 = tpu.memref_slice %arg6[%add3A_76, %dma_start3A_81] : memref<10240x128xf32, #tpu.memory_space<vmem_shared>> -> memref<128x128xf32, #tpu.memory_space<vmem_shared>>
      %dma_start3A_83 = arith.constant 0 : i32
      %dma_start3A_84 = tpu.memref_slice %arg6[%add3A_76, %dma_start3A_83] : memref<10240x128xf32, #tpu.memory_space<vmem_shared>> -> memref<128x128xf32, #tpu.memory_space<vmem_shared>>
      tpu.enqueue_dma source(%dma_start3A_84 : memref<128x128xf32, #tpu.memory_space<vmem_shared>>) target(%arg5 : memref<128x128xf32, #tpu.memory_space<vmem>>) target_semaphore(%run_scoped3A : memref<!tpu.dma_semaphore, #tpu.memory_space<semaphore_mem>>)
      %dma_wait3A_85 = arith.constant 0 : i32
      %dma_wait3A_86 = tpu.memref_slice %arg6[%add3A_76, %dma_wait3A_85] : memref<10240x128xf32, #tpu.memory_space<vmem_shared>> -> memref<128x128xf32, #tpu.memory_space<vmem_shared>>
      %dma_wait3A_87 = arith.constant 0 : i32
      %dma_wait3A_88 = tpu.memref_slice %arg6[%add3A_76, %dma_wait3A_87] : memref<10240x128xf32, #tpu.memory_space<vmem_shared>> -> memref<128x128xf32, #tpu.memory_space<vmem_shared>>
      tpu.wait_dma2 semaphore(%run_scoped3A : memref<!tpu.dma_semaphore, #tpu.memory_space<semaphore_mem>>) src(%dma_wait3A_88 : memref<128x128xf32, #tpu.memory_space<vmem_shared>>) dst(%arg5 : memref<128x128xf32, #tpu.memory_space<vmem>>)
      tpu.yield
    }) : () -> ()
    "tpu.region"() ({
      %run_scoped3A = tpu.sem_alloc : memref<!tpu.dma_semaphore, #tpu.memory_space<semaphore_mem>>
      %dma_start3A_81 = arith.constant 0 : i32
      %dma_start3A_82 = tpu.memref_slice %arg4[%arg0, %add3A_76, %dma_start3A_81] : memref<2x10240x128xf32, #tpu.memory_space<hbm>> -> memref<1x128x128xf32, #tpu.memory_space<hbm>>
      %dma_start3A_83 = tpu.memref_squeeze %dma_start3A_82 : memref<1x128x128xf32, #tpu.memory_space<hbm>> -> memref<128x128xf32, #tpu.memory_space<hbm>>
      %dma_start3A_84 = arith.constant 0 : i32
      %dma_start3A_85 = tpu.memref_slice %arg4[%arg0, %add3A_76, %dma_start3A_84] : memref<2x10240x128xf32, #tpu.memory_space<hbm>> -> memref<1x128x128xf32, #tpu.memory_space<hbm>>
      %dma_start3A_86 = tpu.memref_squeeze %dma_start3A_85 : memref<1x128x128xf32, #tpu.memory_space<hbm>> -> memref<128x128xf32, #tpu.memory_space<hbm>>
      tpu.enqueue_dma source(%arg5 : memref<128x128xf32, #tpu.memory_space<vmem>>) target(%dma_start3A_86 : memref<128x128xf32, #tpu.memory_space<hbm>>) target_semaphore(%run_scoped3A : memref<!tpu.dma_semaphore, #tpu.memory_space<semaphore_mem>>)
      %dma_wait3A_87 = arith.constant 0 : i32
      %dma_wait3A_88 = tpu.memref_slice %arg4[%arg0, %add3A_76, %dma_wait3A_87] : memref<2x10240x128xf32, #tpu.memory_space<hbm>> -> memref<1x128x128xf32, #tpu.memory_space<hbm>>
      %dma_wait3A_89 = tpu.memref_squeeze %dma_wait3A_88 : memref<1x128x128xf32, #tpu.memory_space<hbm>> -> memref<128x128xf32, #tpu.memory_space<hbm>>
      %dma_wait3A_90 = arith.constant 0 : i32
      %dma_wait3A_91 = tpu.memref_slice %arg4[%arg0, %add3A_76, %dma_wait3A_90] : memref<2x10240x128xf32, #tpu.memory_space<hbm>> -> memref<1x128x128xf32, #tpu.memory_space<hbm>>
      %dma_wait3A_92 = tpu.memref_squeeze %dma_wait3A_91 : memref<1x128x128xf32, #tpu.memory_space<hbm>> -> memref<128x128xf32, #tpu.memory_space<hbm>>
      tpu.wait_dma2 semaphore(%run_scoped3A : memref<!tpu.dma_semaphore, #tpu.memory_space<semaphore_mem>>) src(%arg5 : memref<128x128xf32, #tpu.memory_space<vmem>>) dst(%dma_wait3A_92 : memref<128x128xf32, #tpu.memory_space<hbm>>)
      tpu.yield
    }) : () -> ()
    %mul3A_77 = arith.constant 640 : i32
    %mul3A_78 = arith.muli %arg1, %mul3A_77 : i32
    %add3A_79 = arith.constant 512 : i32
    %add3A_80 = arith.addi %mul3A_78, %add3A_79 : i32
    "tpu.region"() ({
      %run_scoped3A = tpu.sem_alloc : memref<!tpu.dma_semaphore, #tpu.memory_space<semaphore_mem>>
      %dma_start3A_81 = arith.constant 0 : i32
      %dma_start3A_82 = tpu.memref_slice %arg6[%add3A_80, %dma_start3A_81] : memref<10240x128xf32, #tpu.memory_space<vmem_shared>> -> memref<128x128xf32, #tpu.memory_space<vmem_shared>>
      %dma_start3A_83 = arith.constant 0 : i32
      %dma_start3A_84 = tpu.memref_slice %arg6[%add3A_80, %dma_start3A_83] : memref<10240x128xf32, #tpu.memory_space<vmem_shared>> -> memref<128x128xf32, #tpu.memory_space<vmem_shared>>
      tpu.enqueue_dma source(%dma_start3A_84 : memref<128x128xf32, #tpu.memory_space<vmem_shared>>) target(%arg5 : memref<128x128xf32, #tpu.memory_space<vmem>>) target_semaphore(%run_scoped3A : memref<!tpu.dma_semaphore, #tpu.memory_space<semaphore_mem>>)
      %dma_wait3A_85 = arith.constant 0 : i32
      %dma_wait3A_86 = tpu.memref_slice %arg6[%add3A_80, %dma_wait3A_85] : memref<10240x128xf32, #tpu.memory_space<vmem_shared>> -> memref<128x128xf32, #tpu.memory_space<vmem_shared>>
      %dma_wait3A_87 = arith.constant 0 : i32
      %dma_wait3A_88 = tpu.memref_slice %arg6[%add3A_80, %dma_wait3A_87] : memref<10240x128xf32, #tpu.memory_space<vmem_shared>> -> memref<128x128xf32, #tpu.memory_space<vmem_shared>>
      tpu.wait_dma2 semaphore(%run_scoped3A : memref<!tpu.dma_semaphore, #tpu.memory_space<semaphore_mem>>) src(%dma_wait3A_88 : memref<128x128xf32, #tpu.memory_space<vmem_shared>>) dst(%arg5 : memref<128x128xf32, #tpu.memory_space<vmem>>)
      tpu.yield
    }) : () -> ()
    "tpu.region"() ({
      %run_scoped3A = tpu.sem_alloc : memref<!tpu.dma_semaphore, #tpu.memory_space<semaphore_mem>>
      %dma_start3A_81 = arith.constant 0 : i32
      %dma_start3A_82 = tpu.memref_slice %arg4[%arg0, %add3A_80, %dma_start3A_81] : memref<2x10240x128xf32, #tpu.memory_space<hbm>> -> memref<1x128x128xf32, #tpu.memory_space<hbm>>
      %dma_start3A_83 = tpu.memref_squeeze %dma_start3A_82 : memref<1x128x128xf32, #tpu.memory_space<hbm>> -> memref<128x128xf32, #tpu.memory_space<hbm>>
      %dma_start3A_84 = arith.constant 0 : i32
      %dma_start3A_85 = tpu.memref_slice %arg4[%arg0, %add3A_80, %dma_start3A_84] : memref<2x10240x128xf32, #tpu.memory_space<hbm>> -> memref<1x128x128xf32, #tpu.memory_space<hbm>>
      %dma_start3A_86 = tpu.memref_squeeze %dma_start3A_85 : memref<1x128x128xf32, #tpu.memory_space<hbm>> -> memref<128x128xf32, #tpu.memory_space<hbm>>
      tpu.enqueue_dma source(%arg5 : memref<128x128xf32, #tpu.memory_space<vmem>>) target(%dma_start3A_86 : memref<128x128xf32, #tpu.memory_space<hbm>>) target_semaphore(%run_scoped3A : memref<!tpu.dma_semaphore, #tpu.memory_space<semaphore_mem>>)
      %dma_wait3A_87 = arith.constant 0 : i32
      %dma_wait3A_88 = tpu.memref_slice %arg4[%arg0, %add3A_80, %dma_wait3A_87] : memref<2x10240x128xf32, #tpu.memory_space<hbm>> -> memref<1x128x128xf32, #tpu.memory_space<hbm>>
      %dma_wait3A_89 = tpu.memref_squeeze %dma_wait3A_88 : memref<1x128x128xf32, #tpu.memory_space<hbm>> -> memref<128x128xf32, #tpu.memory_space<hbm>>
      %dma_wait3A_90 = arith.constant 0 : i32
      %dma_wait3A_91 = tpu.memref_slice %arg4[%arg0, %add3A_80, %dma_wait3A_90] : memref<2x10240x128xf32, #tpu.memory_space<hbm>> -> memref<1x128x128xf32, #tpu.memory_space<hbm>>
      %dma_wait3A_92 = tpu.memref_squeeze %dma_wait3A_91 : memref<1x128x128xf32, #tpu.memory_space<hbm>> -> memref<128x128xf32, #tpu.memory_space<hbm>>
      tpu.wait_dma2 semaphore(%run_scoped3A : memref<!tpu.dma_semaphore, #tpu.memory_space<semaphore_mem>>) src(%arg5 : memref<128x128xf32, #tpu.memory_space<vmem>>) dst(%dma_wait3A_92 : memref<128x128xf32, #tpu.memory_space<hbm>>)
      tpu.yield
    }) : () -> ()
    return
  }
}

module attributes {stable_mosaic.version = 14 : i64} {
  func.func @_k1_body(%arg0: memref<10000x128xf32, #tpu.memory_space<vmem>>, %arg1: memref<128x128xf32, #tpu.memory_space<vmem>>, %arg2: memref<128x128xf32, #tpu.memory_space<vmem>>, %arg3: memref<10000x128xf32, #tpu.memory_space<vmem>>, %arg4: memref<10000x128xf32, #tpu.memory_space<vmem>>) attributes {dimension_semantics = [], scalar_prefetch = 0 : i64, scratch_operands = 0 : i64, tpu.core_type = #tpu.core_type<tc>} {
    %get3A = arith.constant 0 : index
    %get3A_0 = arith.constant 0 : index
    %get3A_1 = vector.load %arg0[%get3A, %get3A_0] : memref<10000x128xf32, #tpu.memory_space<vmem>>, vector<10000x128xf32>
    %get3A_2 = arith.constant 0 : index
    %get3A_3 = arith.constant 0 : index
    %get3A_4 = vector.load %arg1[%get3A_2, %get3A_3] : memref<128x128xf32, #tpu.memory_space<vmem>>, vector<128x128xf32>
    %dot_general3A = arith.constant dense<0.000000e+00> : vector<10000x128xf32>
    %dot_general3A_5 = tpu.matmul %get3A_1, %get3A_4, %dot_general3A {dimension_numbers = #tpu.dot_dimension_numbers<[1], [0], [0], [1], [0, 0, 1, 1], [], []>, transpose_lhs_hint = false} : vector<10000x128xf32>, vector<128x128xf32>, vector<10000x128xf32> -> vector<10000x128xf32>
    %swap3A = arith.constant 0 : index
    %swap3A_6 = arith.constant 0 : index
    %swap3A_7 = vector.load %arg3[%swap3A, %swap3A_6] : memref<10000x128xf32, #tpu.memory_space<vmem>>, vector<10000x128xf32>
    tpu.vector_store %arg3[%swap3A, %swap3A_6], %dot_general3A_5 {strides = array<i32>} : memref<10000x128xf32, #tpu.memory_space<vmem>>, vector<10000x128xf32>,
    %get3A_8 = arith.constant 0 : index
    %get3A_9 = arith.constant 0 : index
    %get3A_10 = vector.load %arg2[%get3A_8, %get3A_9] : memref<128x128xf32, #tpu.memory_space<vmem>>, vector<128x128xf32>
    %dot_general3A_11 = arith.constant dense<0.000000e+00> : vector<10000x128xf32>
    %dot_general3A_12 = tpu.matmul %get3A_1, %get3A_10, %dot_general3A_11 {dimension_numbers = #tpu.dot_dimension_numbers<[1], [0], [0], [1], [0, 0, 1, 1], [], []>, transpose_lhs_hint = false} : vector<10000x128xf32>, vector<128x128xf32>, vector<10000x128xf32> -> vector<10000x128xf32>
    %swap3A_13 = arith.constant 0 : index
    %swap3A_14 = arith.constant 0 : index
    %swap3A_15 = vector.load %arg4[%swap3A_13, %swap3A_14] : memref<10000x128xf32, #tpu.memory_space<vmem>>, vector<10000x128xf32>
    tpu.vector_store %arg4[%swap3A_13, %swap3A_14], %dot_general3A_12 {strides = array<i32>} : memref<10000x128xf32, #tpu.memory_space<vmem>>, vector<10000x128xf32>,
    return
  }
}

module attributes {stable_mosaic.version = 14 : i64} {
  func.func @_k3a_body(%arg0: i32, %arg1: memref<6400x128xf32, #tpu.memory_space<vmem>>, %arg2: memref<16x6400xf32, #tpu.memory_space<vmem>>, %arg3: memref<16x128xf32, #tpu.memory_space<vmem>>, %arg4: memref<1x128xf32, #tpu.memory_space<vmem>>, %arg5: memref<1x128xf32, #tpu.memory_space<vmem>>, %arg6: memref<1x128xf32, #tpu.memory_space<vmem>>, %arg7: memref<1x128xf32, #tpu.memory_space<vmem>>, %arg8: memref<1x128xf32, #tpu.memory_space<vmem>>, %arg9: memref<1x128xf32, #tpu.memory_space<vmem>>, %arg10: memref<1x128xf32, #tpu.memory_space<vmem>>) attributes {dimension_semantics = [#tpu.dimension_semantics<arbitrary>], iteration_bounds = array<i64: 50>, scalar_prefetch = 0 : i64, scratch_operands = 0 : i64, tpu.core_type = #tpu.core_type<tc>, window_params = [{transform_indices = @transform_0, window_bounds = array<i64: 6400, 128>}, {transform_indices = @transform_1, window_bounds = array<i64: 16, 6400>}, {pipeline_mode = #tpu.pipeline_mode<synchronous>, transform_indices = @transform_2, window_bounds = array<i64: 16, 128>}, {pipeline_mode = #tpu.pipeline_mode<synchronous>, transform_indices = @transform_3, window_bounds = array<i64: 1, 128>}, {pipeline_mode = #tpu.pipeline_mode<synchronous>, transform_indices = @transform_4, window_bounds = array<i64: 1, 128>}, {pipeline_mode = #tpu.pipeline_mode<synchronous>, transform_indices = @transform_5, window_bounds = array<i64: 1, 128>}, {pipeline_mode = #tpu.pipeline_mode<synchronous>, transform_indices = @transform_6, window_bounds = array<i64: 1, 128>}, {pipeline_mode = #tpu.pipeline_mode<synchronous>, transform_indices = @transform_7, window_bounds = array<i64: 1, 128>}, {pipeline_mode = #tpu.pipeline_mode<synchronous>, transform_indices = @transform_8, window_bounds = array<i64: 1, 128>}, {pipeline_mode = #tpu.pipeline_mode<synchronous>, transform_indices = @transform_9, window_bounds = array<i64: 1, 128>}]} {
    %get3A = arith.constant 0 : index
    %get3A_0 = arith.constant 0 : index
    %get3A_1 = vector.load %arg2[%get3A, %get3A_0] : memref<16x6400xf32, #tpu.memory_space<vmem>>, vector<16x6400xf32>
    %get3A_2 = arith.constant 0 : index
    %get3A_3 = arith.constant 0 : index
    %get3A_4 = vector.load %arg3[%get3A_2, %get3A_3] : memref<16x128xf32, #tpu.memory_space<vmem>>, vector<16x128xf32>
    %dot_general3A = arith.constant dense<0.000000e+00> : vector<6400x128xf32>
    %dot_general3A_5 = tpu.matmul %get3A_1, %get3A_4, %dot_general3A {dimension_numbers = #tpu.dot_dimension_numbers<[0], [0], [1], [1], [0, 1, 1, 1], [], []>, transpose_lhs_hint = false} : vector<16x6400xf32>, vector<16x128xf32>, vector<6400x128xf32> -> vector<6400x128xf32>
    %get3A_6 = arith.constant 0 : index
    %get3A_7 = arith.constant 0 : index
    %get3A_8 = vector.load %arg1[%get3A_6, %get3A_7] : memref<6400x128xf32, #tpu.memory_space<vmem>>, vector<6400x128xf32>
    %add3A = arith.addf %get3A_8, %dot_general3A_5 : vector<6400x128xf32>
    %get3A_9 = arith.constant 0 : index
    %get3A_10 = arith.constant 0 : index
    %get3A_11 = vector.load %arg4[%get3A_9, %get3A_10] : memref<1x128xf32, #tpu.memory_space<vmem>>, vector<1x128xf32>
    %add3A_12 = vector.broadcast %get3A_11 : vector<1x128xf32> to vector<6400x128xf32>
    %add3A_13 = arith.addf %add3A, %add3A_12 : vector<6400x128xf32>
    %max3A = arith.constant 0.000000e+00 : f32
    %max3A_14 = vector.broadcast %max3A : f32 to vector<6400x128xf32>
    %max3A_15 = arith.maximumf %add3A_13, %max3A_14 : vector<6400x128xf32>
    %eq3A = arith.constant 0 : i32
    %eq3A_16 = arith.cmpi eq, %arg0, %eq3A : i32
    %convert_element_type3A = arith.extui %eq3A_16 : i1 to i32
    %cond3A = arith.constant 0 : i32
    %cond3A_17 = arith.cmpi ne, %convert_element_type3A, %cond3A : i32
    scf.if %cond3A_17 {
      %broadcast_in_dim3A_40 = arith.constant 0.000000e+00 : f32
      %broadcast_in_dim3A_41 = vector.broadcast %broadcast_in_dim3A_40 : f32 to vector<1x128xf32>
      %swap3A_42 = arith.constant 0 : index
      %swap3A_43 = arith.constant 0 : index
      %swap3A_44 = vector.load %arg7[%swap3A_42, %swap3A_43] : memref<1x128xf32, #tpu.memory_space<vmem>>, vector<1x128xf32>
      tpu.vector_store %arg7[%swap3A_42, %swap3A_43], %broadcast_in_dim3A_41 {strides = array<i32>} : memref<1x128xf32, #tpu.memory_space<vmem>>, vector<1x128xf32>,
      %broadcast_in_dim3A_45 = arith.constant 0.000000e+00 : f32
      %broadcast_in_dim3A_46 = vector.broadcast %broadcast_in_dim3A_45 : f32 to vector<1x128xf32>
      %swap3A_47 = arith.constant 0 : index
      %swap3A_48 = arith.constant 0 : index
      %swap3A_49 = vector.load %arg8[%swap3A_47, %swap3A_48] : memref<1x128xf32, #tpu.memory_space<vmem>>, vector<1x128xf32>
      tpu.vector_store %arg8[%swap3A_47, %swap3A_48], %broadcast_in_dim3A_46 {strides = array<i32>} : memref<1x128xf32, #tpu.memory_space<vmem>>, vector<1x128xf32>,
    } else {
    }
    %get3A_18 = arith.constant 0 : index
    %get3A_19 = arith.constant 0 : index
    %get3A_20 = vector.load %arg7[%get3A_18, %get3A_19] : memref<1x128xf32, #tpu.memory_space<vmem>>, vector<1x128xf32>
    %reduce_sum3A = arith.constant dense<0.000000e+00> : vector<128xf32>
    %reduce_sum3A_21 = vector.multi_reduction <add>, %max3A_15, %reduce_sum3A [0] : vector<6400x128xf32> to vector<128xf32>
    %broadcast_in_dim3A = vector.shape_cast %reduce_sum3A_21 : vector<128xf32> to vector<1x128xf32>
    %add3A_22 = arith.addf %get3A_20, %broadcast_in_dim3A : vector<1x128xf32>
    %swap3A = arith.constant 0 : index
    %swap3A_23 = arith.constant 0 : index
    %swap3A_24 = vector.load %arg7[%swap3A, %swap3A_23] : memref<1x128xf32, #tpu.memory_space<vmem>>, vector<1x128xf32>
    tpu.vector_store %arg7[%swap3A, %swap3A_23], %add3A_22 {strides = array<i32>} : memref<1x128xf32, #tpu.memory_space<vmem>>, vector<1x128xf32>,
    %get3A_25 = arith.constant 0 : index
    %get3A_26 = arith.constant 0 : index
    %get3A_27 = vector.load %arg8[%get3A_25, %get3A_26] : memref<1x128xf32, #tpu.memory_space<vmem>>, vector<1x128xf32>
    %mul3A = arith.mulf %max3A_15, %max3A_15 : vector<6400x128xf32>
    %reduce_sum3A_28 = arith.constant dense<0.000000e+00> : vector<128xf32>
    %reduce_sum3A_29 = vector.multi_reduction <add>, %mul3A, %reduce_sum3A_28 [0] : vector<6400x128xf32> to vector<128xf32>
    %broadcast_in_dim3A_30 = vector.shape_cast %reduce_sum3A_29 : vector<128xf32> to vector<1x128xf32>
    %add3A_31 = arith.addf %get3A_27, %broadcast_in_dim3A_30 : vector<1x128xf32>
    %swap3A_32 = arith.constant 0 : index
    %swap3A_33 = arith.constant 0 : index
    %swap3A_34 = vector.load %arg8[%swap3A_32, %swap3A_33] : memref<1x128xf32, #tpu.memory_space<vmem>>, vector<1x128xf32>
    tpu.vector_store %arg8[%swap3A_32, %swap3A_33], %add3A_31 {strides = array<i32>} : memref<1x128xf32, #tpu.memory_space<vmem>>, vector<1x128xf32>,
    %eq3A_35 = arith.constant 49 : i32
    %eq3A_36 = arith.cmpi eq, %arg0, %eq3A_35 : i32
    %convert_element_type3A_37 = arith.extui %eq3A_36 : i1 to i32
    %cond3A_38 = arith.constant 0 : i32
    %cond3A_39 = arith.cmpi ne, %convert_element_type3A_37, %cond3A_38 : i32
    scf.if %cond3A_39 {
      %get3A_40 = arith.constant 0 : index
      %get3A_41 = arith.constant 0 : index
      %get3A_42 = vector.load %arg7[%get3A_40, %get3A_41] : memref<1x128xf32, #tpu.memory_space<vmem>>, vector<1x128xf32>
      %div3A = arith.constant 3.200000e+05 : f32
      %div3A_43 = vector.broadcast %div3A : f32 to vector<1x128xf32>
      %div3A_44 = arith.divf %get3A_42, %div3A_43 : vector<1x128xf32>
      %get3A_45 = arith.constant 0 : index
      %get3A_46 = arith.constant 0 : index
      %get3A_47 = vector.load %arg8[%get3A_45, %get3A_46] : memref<1x128xf32, #tpu.memory_space<vmem>>, vector<1x128xf32>
      %div3A_48 = arith.constant 3.200000e+05 : f32
      %div3A_49 = vector.broadcast %div3A_48 : f32 to vector<1x128xf32>
      %div3A_50 = arith.divf %get3A_47, %div3A_49 : vector<1x128xf32>
      %mul3A_51 = arith.mulf %div3A_44, %div3A_44 : vector<1x128xf32>
      %sub3A = arith.subf %div3A_50, %mul3A_51 : vector<1x128xf32>
      %get3A_52 = arith.constant 0 : index
      %get3A_53 = arith.constant 0 : index
      %get3A_54 = vector.load %arg5[%get3A_52, %get3A_53] : memref<1x128xf32, #tpu.memory_space<vmem>>, vector<1x128xf32>
      %add3A_55 = arith.constant 1.000000e-03 : f32
      %add3A_56 = vector.broadcast %add3A_55 : f32 to vector<1x128xf32>
      %add3A_57 = arith.addf %sub3A, %add3A_56 : vector<1x128xf32>
      %rsqrt3A = math.rsqrt %add3A_57 : vector<1x128xf32>
      %mul3A_58 = arith.mulf %get3A_54, %rsqrt3A : vector<1x128xf32>
      %swap3A_59 = arith.constant 0 : index
      %swap3A_60 = arith.constant 0 : index
      %swap3A_61 = vector.load %arg9[%swap3A_59, %swap3A_60] : memref<1x128xf32, #tpu.memory_space<vmem>>, vector<1x128xf32>
      tpu.vector_store %arg9[%swap3A_59, %swap3A_60], %mul3A_58 {strides = array<i32>} : memref<1x128xf32, #tpu.memory_space<vmem>>, vector<1x128xf32>,
      %get3A_62 = arith.constant 0 : index
      %get3A_63 = arith.constant 0 : index
      %get3A_64 = vector.load %arg6[%get3A_62, %get3A_63] : memref<1x128xf32, #tpu.memory_space<vmem>>, vector<1x128xf32>
      %mul3A_65 = arith.mulf %div3A_44, %mul3A_58 : vector<1x128xf32>
      %sub3A_66 = arith.subf %get3A_64, %mul3A_65 : vector<1x128xf32>
      %swap3A_67 = arith.constant 0 : index
      %swap3A_68 = arith.constant 0 : index
      %swap3A_69 = vector.load %arg10[%swap3A_67, %swap3A_68] : memref<1x128xf32, #tpu.memory_space<vmem>>, vector<1x128xf32>
      tpu.vector_store %arg10[%swap3A_67, %swap3A_68], %sub3A_66 {strides = array<i32>} : memref<1x128xf32, #tpu.memory_space<vmem>>, vector<1x128xf32>,
    } else {
    }
    return
  }
  func.func @transform_0(%arg0: i32) -> (i32, i32) {
    %c0_i32 = arith.constant 0 : i32
    %c0_i32_0 = arith.constant 0 : i32
    return %arg0, %c0_i32 : i32, i32
  }
  func.func @transform_1(%arg0: i32) -> (i32, i32) {
    %c0_i32 = arith.constant 0 : i32
    %c0_i32_0 = arith.constant 0 : i32
    return %c0_i32, %arg0 : i32, i32
  }
  func.func @transform_2(%arg0: i32) -> (i32, i32) {
    %c0_i32 = arith.constant 0 : i32
    %c0_i32_0 = arith.constant 0 : i32
    %c0_i32_1 = arith.constant 0 : i32
    return %c0_i32, %c0_i32_0 : i32, i32
  }
  func.func @transform_3(%arg0: i32) -> (i32, i32) {
    %c0_i32 = arith.constant 0 : i32
    %c0_i32_0 = arith.constant 0 : i32
    %c0_i32_1 = arith.constant 0 : i32
    return %c0_i32, %c0_i32_0 : i32, i32
  }
  func.func @transform_4(%arg0: i32) -> (i32, i32) {
    %c0_i32 = arith.constant 0 : i32
    %c0_i32_0 = arith.constant 0 : i32
    %c0_i32_1 = arith.constant 0 : i32
    return %c0_i32, %c0_i32_0 : i32, i32
  }
  func.func @transform_5(%arg0: i32) -> (i32, i32) {
    %c0_i32 = arith.constant 0 : i32
    %c0_i32_0 = arith.constant 0 : i32
    %c0_i32_1 = arith.constant 0 : i32
    return %c0_i32, %c0_i32_0 : i32, i32
  }
  func.func @transform_6(%arg0: i32) -> (i32, i32) {
    %c0_i32 = arith.constant 0 : i32
    %c0_i32_0 = arith.constant 0 : i32
    %c0_i32_1 = arith.constant 0 : i32
    return %c0_i32, %c0_i32_0 : i32, i32
  }
  func.func @transform_7(%arg0: i32) -> (i32, i32) {
    %c0_i32 = arith.constant 0 : i32
    %c0_i32_0 = arith.constant 0 : i32
    %c0_i32_1 = arith.constant 0 : i32
    return %c0_i32, %c0_i32_0 : i32, i32
  }
  func.func @transform_8(%arg0: i32) -> (i32, i32) {
    %c0_i32 = arith.constant 0 : i32
    %c0_i32_0 = arith.constant 0 : i32
    %c0_i32_1 = arith.constant 0 : i32
    return %c0_i32, %c0_i32_0 : i32, i32
  }
  func.func @transform_9(%arg0: i32) -> (i32, i32) {
    %c0_i32 = arith.constant 0 : i32
    %c0_i32_0 = arith.constant 0 : i32
    %c0_i32_1 = arith.constant 0 : i32
    return %c0_i32, %c0_i32_0 : i32, i32
  }
}

module attributes {stable_mosaic.version = 14 : i64} {
  func.func @_k3b_body(%arg0: i32, %arg1: memref<6400x128xf32, #tpu.memory_space<vmem>>, %arg2: memref<16x6400xf32, #tpu.memory_space<vmem>>, %arg3: memref<16x128xf32, #tpu.memory_space<vmem>>, %arg4: memref<1x128xf32, #tpu.memory_space<vmem>>, %arg5: memref<1x128xf32, #tpu.memory_space<vmem>>, %arg6: memref<1x128xf32, #tpu.memory_space<vmem>>, %arg7: memref<6400x128xf32, #tpu.memory_space<vmem>>) attributes {dimension_semantics = [#tpu.dimension_semantics<arbitrary>], iteration_bounds = array<i64: 50>, scalar_prefetch = 0 : i64, scratch_operands = 0 : i64, tpu.core_type = #tpu.core_type<tc>, window_params = [{transform_indices = @transform_0, window_bounds = array<i64: 6400, 128>}, {transform_indices = @transform_1, window_bounds = array<i64: 16, 6400>}, {pipeline_mode = #tpu.pipeline_mode<synchronous>, transform_indices = @transform_2, window_bounds = array<i64: 16, 128>}, {pipeline_mode = #tpu.pipeline_mode<synchronous>, transform_indices = @transform_3, window_bounds = array<i64: 1, 128>}, {pipeline_mode = #tpu.pipeline_mode<synchronous>, transform_indices = @transform_4, window_bounds = array<i64: 1, 128>}, {pipeline_mode = #tpu.pipeline_mode<synchronous>, transform_indices = @transform_5, window_bounds = array<i64: 1, 128>}, {transform_indices = @transform_6, window_bounds = array<i64: 6400, 128>}]} {
    %get3A = arith.constant 0 : index
    %get3A_0 = arith.constant 0 : index
    %get3A_1 = vector.load %arg2[%get3A, %get3A_0] : memref<16x6400xf32, #tpu.memory_space<vmem>>, vector<16x6400xf32>
    %get3A_2 = arith.constant 0 : index
    %get3A_3 = arith.constant 0 : index
    %get3A_4 = vector.load %arg3[%get3A_2, %get3A_3] : memref<16x128xf32, #tpu.memory_space<vmem>>, vector<16x128xf32>
    %dot_general3A = arith.constant dense<0.000000e+00> : vector<6400x128xf32>
    %dot_general3A_5 = tpu.matmul %get3A_1, %get3A_4, %dot_general3A {dimension_numbers = #tpu.dot_dimension_numbers<[0], [0], [1], [1], [0, 1, 1, 1], [], []>, transpose_lhs_hint = false} : vector<16x6400xf32>, vector<16x128xf32>, vector<6400x128xf32> -> vector<6400x128xf32>
    %get3A_6 = arith.constant 0 : index
    %get3A_7 = arith.constant 0 : index
    %get3A_8 = vector.load %arg1[%get3A_6, %get3A_7] : memref<6400x128xf32, #tpu.memory_space<vmem>>, vector<6400x128xf32>
    %add3A = arith.addf %get3A_8, %dot_general3A_5 : vector<6400x128xf32>
    %get3A_9 = arith.constant 0 : index
    %get3A_10 = arith.constant 0 : index
    %get3A_11 = vector.load %arg4[%get3A_9, %get3A_10] : memref<1x128xf32, #tpu.memory_space<vmem>>, vector<1x128xf32>
    %add3A_12 = vector.broadcast %get3A_11 : vector<1x128xf32> to vector<6400x128xf32>
    %add3A_13 = arith.addf %add3A, %add3A_12 : vector<6400x128xf32>
    %max3A = arith.constant 0.000000e+00 : f32
    %max3A_14 = vector.broadcast %max3A : f32 to vector<6400x128xf32>
    %max3A_15 = arith.maximumf %add3A_13, %max3A_14 : vector<6400x128xf32>
    %get3A_16 = arith.constant 0 : index
    %get3A_17 = arith.constant 0 : index
    %get3A_18 = vector.load %arg5[%get3A_16, %get3A_17] : memref<1x128xf32, #tpu.memory_space<vmem>>, vector<1x128xf32>
    %mul3A = vector.broadcast %get3A_18 : vector<1x128xf32> to vector<6400x128xf32>
    %mul3A_19 = arith.mulf %mul3A, %max3A_15 : vector<6400x128xf32>
    %get3A_20 = arith.constant 0 : index
    %get3A_21 = arith.constant 0 : index
    %get3A_22 = vector.load %arg6[%get3A_20, %get3A_21] : memref<1x128xf32, #tpu.memory_space<vmem>>, vector<1x128xf32>
    %add3A_23 = vector.broadcast %get3A_22 : vector<1x128xf32> to vector<6400x128xf32>
    %add3A_24 = arith.addf %mul3A_19, %add3A_23 : vector<6400x128xf32>
    %max3A_25 = arith.constant 0.000000e+00 : f32
    %max3A_26 = vector.broadcast %max3A_25 : f32 to vector<6400x128xf32>
    %max3A_27 = arith.maximumf %add3A_24, %max3A_26 : vector<6400x128xf32>
    %swap3A = arith.constant 0 : index
    %swap3A_28 = arith.constant 0 : index
    %swap3A_29 = vector.load %arg7[%swap3A, %swap3A_28] : memref<6400x128xf32, #tpu.memory_space<vmem>>, vector<6400x128xf32>
    tpu.vector_store %arg7[%swap3A, %swap3A_28], %max3A_27 {strides = array<i32>} : memref<6400x128xf32, #tpu.memory_space<vmem>>, vector<6400x128xf32>,
    return
  }
  func.func @transform_0(%arg0: i32) -> (i32, i32) {
    %c0_i32 = arith.constant 0 : i32
    %c0_i32_0 = arith.constant 0 : i32
    return %arg0, %c0_i32 : i32, i32
  }
  func.func @transform_1(%arg0: i32) -> (i32, i32) {
    %c0_i32 = arith.constant 0 : i32
    %c0_i32_0 = arith.constant 0 : i32
    return %c0_i32, %arg0 : i32, i32
  }
  func.func @transform_2(%arg0: i32) -> (i32, i32) {
    %c0_i32 = arith.constant 0 : i32
    %c0_i32_0 = arith.constant 0 : i32
    %c0_i32_1 = arith.constant 0 : i32
    return %c0_i32, %c0_i32_0 : i32, i32
  }
  func.func @transform_3(%arg0: i32) -> (i32, i32) {
    %c0_i32 = arith.constant 0 : i32
    %c0_i32_0 = arith.constant 0 : i32
    %c0_i32_1 = arith.constant 0 : i32
    return %c0_i32, %c0_i32_0 : i32, i32
  }
  func.func @transform_4(%arg0: i32) -> (i32, i32) {
    %c0_i32 = arith.constant 0 : i32
    %c0_i32_0 = arith.constant 0 : i32
    %c0_i32_1 = arith.constant 0 : i32
    return %c0_i32, %c0_i32_0 : i32, i32
  }
  func.func @transform_5(%arg0: i32) -> (i32, i32) {
    %c0_i32 = arith.constant 0 : i32
    %c0_i32_0 = arith.constant 0 : i32
    %c0_i32_1 = arith.constant 0 : i32
    return %c0_i32, %c0_i32_0 : i32, i32
  }
  func.func @transform_6(%arg0: i32) -> (i32, i32) {
    %c0_i32 = arith.constant 0 : i32
    %c0_i32_0 = arith.constant 0 : i32
    return %arg0, %c0_i32 : i32, i32
  }
}

module attributes {stable_mosaic.version = 14 : i64} {
  func.func @_k5_body(%arg0: memref<10000x128xf32, #tpu.memory_space<vmem>>, %arg1: memref<2x10000x128xf32, #tpu.memory_space<vmem>>, %arg2: memref<128x128xf32, #tpu.memory_space<vmem>>, %arg3: memref<128x128xf32, #tpu.memory_space<vmem>>, %arg4: memref<1x128xf32, #tpu.memory_space<vmem>>, %arg5: memref<1x128xf32, #tpu.memory_space<vmem>>, %arg6: memref<1x128xf32, #tpu.memory_space<vmem>>, %arg7: memref<128x128xf32, #tpu.memory_space<vmem>>, %arg8: memref<1x128xf32, #tpu.memory_space<vmem>>, %arg9: memref<1x128xf32, #tpu.memory_space<vmem>>, %arg10: memref<1x128xf32, #tpu.memory_space<vmem>>, %arg11: memref<1x128xf32, #tpu.memory_space<vmem>>, %arg12: memref<1x128xf32, #tpu.memory_space<vmem>>, %arg13: memref<128x128xf32, #tpu.memory_space<vmem>>, %arg14: memref<1x128xf32, #tpu.memory_space<vmem>>, %arg15: memref<10000x128xf32, #tpu.memory_space<vmem>>) attributes {dimension_semantics = [], scalar_prefetch = 0 : i64, scratch_operands = 0 : i64, tpu.core_type = #tpu.core_type<tc>} {
    %broadcast_in_dim3A = arith.constant 1.000000e+00 : f32
    %broadcast_in_dim3A_0 = vector.broadcast %broadcast_in_dim3A : f32 to vector<1x10000xf32>
    %get3A = arith.constant 0 : index
    %get3A_1 = arith.constant 0 : index
    %get3A_2 = arith.constant 0 : index
    %get3A_3 = vector.load %arg1[%get3A, %get3A_1, %get3A_2] : memref<2x10000x128xf32, #tpu.memory_space<vmem>>, vector<1x10000x128xf32>
    %get3A_4 = vector.shape_cast %get3A_3 : vector<1x10000x128xf32> to vector<10000x128xf32>
    %get3A_5 = arith.constant 1 : index
    %get3A_6 = arith.constant 0 : index
    %get3A_7 = arith.constant 0 : index
    %get3A_8 = vector.load %arg1[%get3A_5, %get3A_6, %get3A_7] : memref<2x10000x128xf32, #tpu.memory_space<vmem>>, vector<1x10000x128xf32>
    %get3A_9 = vector.shape_cast %get3A_8 : vector<1x10000x128xf32> to vector<10000x128xf32>
    %add3A = arith.addf %get3A_4, %get3A_9 : vector<10000x128xf32>
    %get3A_10 = arith.constant 0 : index
    %get3A_11 = arith.constant 0 : index
    %get3A_12 = vector.load %arg0[%get3A_10, %get3A_11] : memref<10000x128xf32, #tpu.memory_space<vmem>>, vector<10000x128xf32>
    %get3A_13 = arith.constant 0 : index
    %get3A_14 = arith.constant 0 : index
    %get3A_15 = vector.load %arg2[%get3A_13, %get3A_14] : memref<128x128xf32, #tpu.memory_space<vmem>>, vector<128x128xf32>
    %dot_general3A = arith.constant dense<0.000000e+00> : vector<10000x128xf32>
    %dot_general3A_16 = tpu.matmul %get3A_12, %get3A_15, %dot_general3A {dimension_numbers = #tpu.dot_dimension_numbers<[1], [0], [0], [1], [0, 0, 1, 1], [], []>, transpose_lhs_hint = false} : vector<10000x128xf32>, vector<128x128xf32>, vector<10000x128xf32> -> vector<10000x128xf32>
    %get3A_17 = arith.constant 0 : index
    %get3A_18 = arith.constant 0 : index
    %get3A_19 = vector.load %arg3[%get3A_17, %get3A_18] : memref<128x128xf32, #tpu.memory_space<vmem>>, vector<128x128xf32>
    %dot_general3A_20 = arith.constant dense<0.000000e+00> : vector<10000x128xf32>
    %dot_general3A_21 = tpu.matmul %add3A, %get3A_19, %dot_general3A_20 {dimension_numbers = #tpu.dot_dimension_numbers<[1], [0], [0], [1], [0, 0, 1, 1], [], []>, transpose_lhs_hint = false} : vector<10000x128xf32>, vector<128x128xf32>, vector<10000x128xf32> -> vector<10000x128xf32>
    %add3A_22 = arith.addf %dot_general3A_16, %dot_general3A_21 : vector<10000x128xf32>
    %get3A_23 = arith.constant 0 : index
    %get3A_24 = arith.constant 0 : index
    %get3A_25 = vector.load %arg4[%get3A_23, %get3A_24] : memref<1x128xf32, #tpu.memory_space<vmem>>, vector<1x128xf32>
    %add3A_26 = vector.broadcast %get3A_25 : vector<1x128xf32> to vector<10000x128xf32>
    %add3A_27 = arith.addf %add3A_22, %add3A_26 : vector<10000x128xf32>
    %get3A_28 = arith.constant 0 : index
    %get3A_29 = arith.constant 0 : index
    %get3A_30 = vector.load %arg5[%get3A_28, %get3A_29] : memref<1x128xf32, #tpu.memory_space<vmem>>, vector<1x128xf32>
    %get3A_31 = arith.constant 0 : index
    %get3A_32 = arith.constant 0 : index
    %get3A_33 = vector.load %arg6[%get3A_31, %get3A_32] : memref<1x128xf32, #tpu.memory_space<vmem>>, vector<1x128xf32>
    %dot_general3A_34 = arith.constant dense<0.000000e+00> : vector<1x128xf32>
    %dot_general3A_35 = tpu.matmul %broadcast_in_dim3A_0, %add3A_27, %dot_general3A_34 {dimension_numbers = #tpu.dot_dimension_numbers<[1], [0], [0], [1], [0, 0, 1, 1], [], []>, transpose_lhs_hint = false} : vector<1x10000xf32>, vector<10000x128xf32>, vector<1x128xf32> -> vector<1x128xf32>
    %div3A = arith.constant 1.000000e+04 : f32
    %div3A_36 = vector.broadcast %div3A : f32 to vector<1x128xf32>
    %div3A_37 = arith.divf %dot_general3A_35, %div3A_36 : vector<1x128xf32>
    %sub3A = vector.broadcast %div3A_37 : vector<1x128xf32> to vector<10000x128xf32>
    %sub3A_38 = arith.subf %add3A_27, %sub3A : vector<10000x128xf32>
    %mul3A = arith.mulf %sub3A_38, %sub3A_38 : vector<10000x128xf32>
    %dot_general3A_39 = arith.constant dense<0.000000e+00> : vector<1x128xf32>
    %dot_general3A_40 = tpu.matmul %broadcast_in_dim3A_0, %mul3A, %dot_general3A_39 {dimension_numbers = #tpu.dot_dimension_numbers<[1], [0], [0], [1], [0, 0, 1, 1], [], []>, transpose_lhs_hint = false} : vector<1x10000xf32>, vector<10000x128xf32>, vector<1x128xf32> -> vector<1x128xf32>
    %div3A_41 = arith.constant 1.000000e+04 : f32
    %div3A_42 = vector.broadcast %div3A_41 : f32 to vector<1x128xf32>
    %div3A_43 = arith.divf %dot_general3A_40, %div3A_42 : vector<1x128xf32>
    %mul3A_44 = vector.broadcast %get3A_30 : vector<1x128xf32> to vector<10000x128xf32>
    %mul3A_45 = arith.mulf %mul3A_44, %sub3A_38 : vector<10000x128xf32>
    %add3A_46 = arith.constant 1.000000e-03 : f32
    %add3A_47 = vector.broadcast %add3A_46 : f32 to vector<1x128xf32>
    %add3A_48 = arith.addf %div3A_43, %add3A_47 : vector<1x128xf32>
    %rsqrt3A = math.rsqrt %add3A_48 : vector<1x128xf32>
    %mul3A_49 = vector.broadcast %rsqrt3A : vector<1x128xf32> to vector<10000x128xf32>
    %mul3A_50 = arith.mulf %mul3A_45, %mul3A_49 : vector<10000x128xf32>
    %add3A_51 = vector.broadcast %get3A_33 : vector<1x128xf32> to vector<10000x128xf32>
    %add3A_52 = arith.addf %mul3A_50, %add3A_51 : vector<10000x128xf32>
    %max3A = arith.constant 0.000000e+00 : f32
    %max3A_53 = vector.broadcast %max3A : f32 to vector<10000x128xf32>
    %max3A_54 = arith.maximumf %add3A_52, %max3A_53 : vector<10000x128xf32>
    %get3A_55 = arith.constant 0 : index
    %get3A_56 = arith.constant 0 : index
    %get3A_57 = vector.load %arg7[%get3A_55, %get3A_56] : memref<128x128xf32, #tpu.memory_space<vmem>>, vector<128x128xf32>
    %dot_general3A_58 = arith.constant dense<0.000000e+00> : vector<10000x128xf32>
    %dot_general3A_59 = tpu.matmul %max3A_54, %get3A_57, %dot_general3A_58 {dimension_numbers = #tpu.dot_dimension_numbers<[1], [0], [0], [1], [0, 0, 1, 1], [], []>, transpose_lhs_hint = false} : vector<10000x128xf32>, vector<128x128xf32>, vector<10000x128xf32> -> vector<10000x128xf32>
    %get3A_60 = arith.constant 0 : index
    %get3A_61 = arith.constant 0 : index
    %get3A_62 = vector.load %arg8[%get3A_60, %get3A_61] : memref<1x128xf32, #tpu.memory_space<vmem>>, vector<1x128xf32>
    %add3A_63 = vector.broadcast %get3A_62 : vector<1x128xf32> to vector<10000x128xf32>
    %add3A_64 = arith.addf %dot_general3A_59, %add3A_63 : vector<10000x128xf32>
    %get3A_65 = arith.constant 0 : index
    %get3A_66 = arith.constant 0 : index
    %get3A_67 = vector.load %arg9[%get3A_65, %get3A_66] : memref<1x128xf32, #tpu.memory_space<vmem>>, vector<1x128xf32>
    %get3A_68 = arith.constant 0 : index
    %get3A_69 = arith.constant 0 : index
    %get3A_70 = vector.load %arg10[%get3A_68, %get3A_69] : memref<1x128xf32, #tpu.memory_space<vmem>>, vector<1x128xf32>
    %dot_general3A_71 = arith.constant dense<0.000000e+00> : vector<1x128xf32>
    %dot_general3A_72 = tpu.matmul %broadcast_in_dim3A_0, %add3A_64, %dot_general3A_71 {dimension_numbers = #tpu.dot_dimension_numbers<[1], [0], [0], [1], [0, 0, 1, 1], [], []>, transpose_lhs_hint = false} : vector<1x10000xf32>, vector<10000x128xf32>, vector<1x128xf32> -> vector<1x128xf32>
    %div3A_73 = arith.constant 1.000000e+04 : f32
    %div3A_74 = vector.broadcast %div3A_73 : f32 to vector<1x128xf32>
    %div3A_75 = arith.divf %dot_general3A_72, %div3A_74 : vector<1x128xf32>
    %sub3A_76 = vector.broadcast %div3A_75 : vector<1x128xf32> to vector<10000x128xf32>
    %sub3A_77 = arith.subf %add3A_64, %sub3A_76 : vector<10000x128xf32>
    %mul3A_78 = arith.mulf %sub3A_77, %sub3A_77 : vector<10000x128xf32>
    %dot_general3A_79 = arith.constant dense<0.000000e+00> : vector<1x128xf32>
    %dot_general3A_80 = tpu.matmul %broadcast_in_dim3A_0, %mul3A_78, %dot_general3A_79 {dimension_numbers = #tpu.dot_dimension_numbers<[1], [0], [0], [1], [0, 0, 1, 1], [], []>, transpose_lhs_hint = false} : vector<1x10000xf32>, vector<10000x128xf32>, vector<1x128xf32> -> vector<1x128xf32>
    %div3A_81 = arith.constant 1.000000e+04 : f32
    %div3A_82 = vector.broadcast %div3A_81 : f32 to vector<1x128xf32>
    %div3A_83 = arith.divf %dot_general3A_80, %div3A_82 : vector<1x128xf32>
    %mul3A_84 = vector.broadcast %get3A_67 : vector<1x128xf32> to vector<10000x128xf32>
    %mul3A_85 = arith.mulf %mul3A_84, %sub3A_77 : vector<10000x128xf32>
    %add3A_86 = arith.constant 1.000000e-03 : f32
    %add3A_87 = vector.broadcast %add3A_86 : f32 to vector<1x128xf32>
    %add3A_88 = arith.addf %div3A_83, %add3A_87 : vector<1x128xf32>
    %rsqrt3A_89 = math.rsqrt %add3A_88 : vector<1x128xf32>
    %mul3A_90 = vector.broadcast %rsqrt3A_89 : vector<1x128xf32> to vector<10000x128xf32>
    %mul3A_91 = arith.mulf %mul3A_85, %mul3A_90 : vector<10000x128xf32>
    %add3A_92 = vector.broadcast %get3A_70 : vector<1x128xf32> to vector<10000x128xf32>
    %add3A_93 = arith.addf %mul3A_91, %add3A_92 : vector<10000x128xf32>
    %max3A_94 = arith.constant 0.000000e+00 : f32
    %max3A_95 = vector.broadcast %max3A_94 : f32 to vector<10000x128xf32>
    %max3A_96 = arith.maximumf %add3A_93, %max3A_95 : vector<10000x128xf32>
    %get3A_97 = arith.constant 0 : index
    %get3A_98 = arith.constant 0 : index
    %get3A_99 = vector.load %arg11[%get3A_97, %get3A_98] : memref<1x128xf32, #tpu.memory_space<vmem>>, vector<1x128xf32>
    %get3A_100 = arith.constant 0 : index
    %get3A_101 = arith.constant 0 : index
    %get3A_102 = vector.load %arg12[%get3A_100, %get3A_101] : memref<1x128xf32, #tpu.memory_space<vmem>>, vector<1x128xf32>
    %dot_general3A_103 = arith.constant dense<0.000000e+00> : vector<1x128xf32>
    %dot_general3A_104 = tpu.matmul %broadcast_in_dim3A_0, %max3A_96, %dot_general3A_103 {dimension_numbers = #tpu.dot_dimension_numbers<[1], [0], [0], [1], [0, 0, 1, 1], [], []>, transpose_lhs_hint = false} : vector<1x10000xf32>, vector<10000x128xf32>, vector<1x128xf32> -> vector<1x128xf32>
    %div3A_105 = arith.constant 1.000000e+04 : f32
    %div3A_106 = vector.broadcast %div3A_105 : f32 to vector<1x128xf32>
    %div3A_107 = arith.divf %dot_general3A_104, %div3A_106 : vector<1x128xf32>
    %sub3A_108 = vector.broadcast %div3A_107 : vector<1x128xf32> to vector<10000x128xf32>
    %sub3A_109 = arith.subf %max3A_96, %sub3A_108 : vector<10000x128xf32>
    %mul3A_110 = arith.mulf %sub3A_109, %sub3A_109 : vector<10000x128xf32>
    %dot_general3A_111 = arith.constant dense<0.000000e+00> : vector<1x128xf32>
    %dot_general3A_112 = tpu.matmul %broadcast_in_dim3A_0, %mul3A_110, %dot_general3A_111 {dimension_numbers = #tpu.dot_dimension_numbers<[1], [0], [0], [1], [0, 0, 1, 1], [], []>, transpose_lhs_hint = false} : vector<1x10000xf32>, vector<10000x128xf32>, vector<1x128xf32> -> vector<1x128xf32>
    %div3A_113 = arith.constant 1.000000e+04 : f32
    %div3A_114 = vector.broadcast %div3A_113 : f32 to vector<1x128xf32>
    %div3A_115 = arith.divf %dot_general3A_112, %div3A_114 : vector<1x128xf32>
    %mul3A_116 = vector.broadcast %get3A_99 : vector<1x128xf32> to vector<10000x128xf32>
    %mul3A_117 = arith.mulf %mul3A_116, %sub3A_109 : vector<10000x128xf32>
    %add3A_118 = arith.constant 1.000000e-03 : f32
    %add3A_119 = vector.broadcast %add3A_118 : f32 to vector<1x128xf32>
    %add3A_120 = arith.addf %div3A_115, %add3A_119 : vector<1x128xf32>
    %rsqrt3A_121 = math.rsqrt %add3A_120 : vector<1x128xf32>
    %mul3A_122 = vector.broadcast %rsqrt3A_121 : vector<1x128xf32> to vector<10000x128xf32>
    %mul3A_123 = arith.mulf %mul3A_117, %mul3A_122 : vector<10000x128xf32>
    %add3A_124 = vector.broadcast %get3A_102 : vector<1x128xf32> to vector<10000x128xf32>
    %add3A_125 = arith.addf %mul3A_123, %add3A_124 : vector<10000x128xf32>
    %get3A_126 = arith.constant 0 : index
    %get3A_127 = arith.constant 0 : index
    %get3A_128 = vector.load %arg13[%get3A_126, %get3A_127] : memref<128x128xf32, #tpu.memory_space<vmem>>, vector<128x128xf32>
    %dot_general3A_129 = arith.constant dense<0.000000e+00> : vector<10000x128xf32>
    %dot_general3A_130 = tpu.matmul %add3A_125, %get3A_128, %dot_general3A_129 {dimension_numbers = #tpu.dot_dimension_numbers<[1], [0], [0], [1], [0, 0, 1, 1], [], []>, transpose_lhs_hint = false} : vector<10000x128xf32>, vector<128x128xf32>, vector<10000x128xf32> -> vector<10000x128xf32>
    %get3A_131 = arith.constant 0 : index
    %get3A_132 = arith.constant 0 : index
    %get3A_133 = vector.load %arg14[%get3A_131, %get3A_132] : memref<1x128xf32, #tpu.memory_space<vmem>>, vector<1x128xf32>
    %add3A_134 = vector.broadcast %get3A_133 : vector<1x128xf32> to vector<10000x128xf32>
    %add3A_135 = arith.addf %dot_general3A_130, %add3A_134 : vector<10000x128xf32>
    %max3A_136 = arith.constant 0.000000e+00 : f32
    %max3A_137 = vector.broadcast %max3A_136 : f32 to vector<10000x128xf32>
    %max3A_138 = arith.maximumf %add3A_135, %max3A_137 : vector<10000x128xf32>
    %swap3A = arith.constant 0 : index
    %swap3A_139 = arith.constant 0 : index
    %swap3A_140 = vector.load %arg15[%swap3A, %swap3A_139] : memref<10000x128xf32, #tpu.memory_space<vmem>>, vector<10000x128xf32>
    tpu.vector_store %arg15[%swap3A, %swap3A_139], %max3A_138 {strides = array<i32>} : memref<10000x128xf32, #tpu.memory_space<vmem>>, vector<10000x128xf32>,
    return
  }
}

</mosaic_0001>

<sc_bundles>
// kernel: kernel.11.cloned.1.call-start
scs
__scs_entry_jumppad:
0x0: {  	(pc) =	sbr.rel $0x88, $3  }
0x1: {  	(tag) =	ssettag $0x0;
	lr =	simm.s32 $0x1  }
0x2: {  	[smem:$0x3F8D] =	sst lr;
	_ =	strace $0xD0000000  }
0x3: {  	_ = 	snop  }
0x4: {  	_ = 	snop  }
0x5: {  	_ = 	snop  }
0x6: {  	_ = 	snop  }
0x7: {  	_ = 	snop  }
__scs_overlays_trampoline_lowered:
0x8: {  	[smem:$0x3F9C] =	sst s0  }
0x9: {  	[smem:$0x3F9D] =	sst s1  }
0xa: {  	[smem:$0x3F9E] =	sst s2  }
0xb: {  	[smem:$0x3F9F] =	sst s3  }
0xc: {  	[smem:$0x3FA0] =	sst s4  }
0xd: {  	[smem:$0x3FA1] =	sst s5  }
0xe: {  	[smem:$0x3FA2] =	sst s6  }
0xf: {  	[smem:$0x3FA3] =	sst s7  }
0x10: {  	[smem:$0x3FA4] =	sst s8  }
0x11: {  	[smem:$0x3FA5] =	sst s9;
	s0 =	simm.s32 @!p0 $0x0  }
0x12: {  	s1 =	sld [smem:$0x3F8B];
	s0 =	simm.s32 @p0 $0x1  }
0x13: {  	[smem:$0x3FA6] =	sst s0;
	s0 =	simm.s32 @!p1 $0x0  }
0x14: {  	s2 =	sld [smem:$0x3F8A];
	s0 =	simm.s32 @p1 $0x1  }
0x15: {  	[smem:$0x3FA7] =	sst s0;
	s0 =	simm.s32 @!p2 $0x0  }
0x16: {  	s3 =	sld [smem:$0x3FDB];
	s0 =	simm.s32 @p2 $0x1  }
0x17: {  	s4 =	simm.s32 $0x1BF5;
	[smem:$0x3FA9] =	sst s0  }
0x18: {  	s0 =	sld [smem:$0x3F8C];
	_ =	swait.ge [sflag:s4], $0x0  }
0x19: {  	s7 =	sld [smem:$0x3F8D]  }
0x1a: {  	s8 =	sadd.s32 $0xFFFFE003, lr  }
0x1b: {  	s9 =	sadd.s32 $0xFFFFFEF7, lr;
	s5 =	simm.s32 $0xFFFFFFFF;
	p2 =	slt.u32 s8, $0xFFFFF086  }
0x1c: {  	p1 =	slt.u32 s9, $0xF7A;
	s5 =	simm.s32 @!p2 $0x0  }
0x1d: {  	s5 =	simm.s32 @p1 $0x1;
	p0 =	seq.s32 s7, s2  }
0x1e: {  	s7 =	smul.u32 @!p0 $0xF7A, s2;
	p2 =	seq.s32 @!p0 s5, $0x0  }
0x1f: {  	s9 =	smul.u32 $0xF7A, s1;
	s8 =	simm.s32 @!p0 $0x1BF5;
	p2 =	por !p2, p0  }
0x20: {  	[sflag:s8] =	ssyncset.s32 @!p0 $0xFFFFF086;
	s6 =	sadd.s32 @!p0 s3, s7;
	s7 =	simm.s32 @!p0 $0x108  }
0x21: {  	s3 =	sadd.s32 s3, s9;
	s6 =	sadd.s32 @!p0 $0x88, s6;
	s7 =	simm.s32 @p2 $0x1082  }
0x22: {  	[simem:s7], [sflag:s8] =	dma.local @!p0 [hbm:s6], $0xF7A  }
0x23: {  	s9 =	sor.u32 $0xD0000000, s2;
	s6 =	simm.s32 $0x108;
	_ =	swait.ge @!p0 [sflag:s8], $0x0  }
0x24: {  	s3 =	sadd.s32 $0x88, s3;
	s6 =	simm.s32 @!p1 $0x1082;
	[sflag:s4] =	ssyncset.s32 $0xFFFFF086  }
0x25: {  	[simem:s6], [sflag:s4] =	dma.local [hbm:s3], $0xF7A  }
0x26: {  	[smem:$0x3F8D] =	sst s1;
	(tag) =	ssettag s2;
	_ =	strace s9  }
0x27: {  	s1 =	sld [smem:$0x3F9D]  }
0x28: {  	s2 =	sld [smem:$0x3F9E]  }
0x29: {  	s4 =	sld [smem:$0x3FA0]  }
0x2a: {  	p0 =	seq.s32 s5, $0x0;
	s5 =	sld [smem:$0x3FA1]  }
0x2b: {  	s6 =	sld [smem:$0x3FA2]  }
0x2c: {  	s7 =	sld [smem:$0x3FA3]  }
0x2d: {  	s3 =	simm.s32 $0x108;
	s8 =	sld [smem:$0x3FA4]  }
0x2e: {  	s3 =	simm.s32 @!p0 $0x1082;
	s9 =	sld [smem:$0x3FA5]  }
0x2f: {  	lr =	sadd.s32 s0, s3;
	s0 =	sld [smem:$0x3F9C]  }
0x30: {  	s3 =	sld [smem:$0x3F9F]  }
0x31: {  	[smem:$0x3FA8] =	sst s10  }
0x32: {  	s10 =	sld [smem:$0x3FA6];
	_ =	sdelay $0x3  }
0x33: {  	p0 =	seq.s32 s10, $0x1;
	s10 =	sld [smem:$0x3FA8];
	_ =	sdelay $0x3  }
0x34: {  	[smem:$0x3FA8] =	sst s10  }
0x35: {  	s10 =	sld [smem:$0x3FA7];
	_ =	sdelay $0x3  }
0x36: {  	p1 =	seq.s32 s10, $0x1;
	s10 =	sld [smem:$0x3FA8];
	_ =	sdelay $0x3  }
0x37: {  	[smem:$0x3FA8] =	sst s10  }
0x38: {  	s10 =	sld [smem:$0x3FA9]  }
0x39: {  	_ = 	snop;
	(pc) =	sbr.ind lr, $3  }
0x3a: {  	_ = 	snop  }
0x3b: {  	_ = 	snop  }
0x3c: {  	p2 =	seq.s32 s10, $0x1;
	s10 =	sld [smem:$0x3FA8]  }
0x3d: {  	_ =	shalt  }
0x3e: {  	_ =	shalt  }
0x3f: {  	_ =	shalt  }
0x40: {  	_ =	shalt  }
0x41: {  	_ =	shalt  }
0x42: {  	_ =	shalt  }
0x43: {  	_ =	shalt  }
0x44: {  	_ =	shalt  }
0x45: {  	_ =	shalt  }
0x46: {  	_ =	shalt  }
0x47: {  	_ =	shalt  }
0x48: {  	_ =	shalt  }
0x49: {  	_ =	shalt  }
0x4a: {  	_ =	shalt  }
0x4b: {  	_ =	shalt  }
0x4c: {  	_ =	shalt  }
0x4d: {  	_ =	shalt  }
0x4e: {  	_ =	shalt  }
0x4f: {  	_ =	shalt  }
0x50: {  	_ =	shalt  }
0x51: {  	_ =	shalt  }
0x52: {  	_ =	shalt  }
0x53: {  	_ =	shalt  }
0x54: {  	_ =	shalt  }
0x55: {  	_ =	shalt  }
0x56: {  	_ =	shalt  }
0x57: {  	_ =	shalt  }
0x58: {  	_ =	shalt  }
0x59: {  	_ =	shalt  }
0x5a: {  	_ =	shalt  }
0x5b: {  	_ =	shalt  }
0x5c: {  	_ =	shalt  }
0x5d: {  	_ =	shalt  }
0x5e: {  	_ =	shalt  }
0x5f: {  	_ =	shalt  }
0x60: {  	_ =	shalt  }
0x61: {  	_ =	shalt  }
0x62: {  	_ =	shalt  }
0x63: {  	_ =	shalt  }
0x64: {  	_ =	shalt  }
0x65: {  	_ =	shalt  }
0x66: {  	_ =	shalt  }
0x67: {  	_ =	shalt  }
0x68: {  	_ =	shalt  }
0x69: {  	_ =	shalt  }
0x6a: {  	_ =	shalt  }
0x6b: {  	_ =	shalt  }
0x6c: {  	_ =	shalt  }
0x6d: {  	_ =	shalt  }
0x6e: {  	_ =	shalt  }
0x6f: {  	_ =	shalt  }
0x70: {  	_ =	shalt  }
0x71: {  	_ =	shalt  }
0x72: {  	_ =	shalt  }
0x73: {  	_ =	shalt  }
0x74: {  	_ =	shalt  }
0x75: {  	_ =	shalt  }
0x76: {  	_ =	shalt  }
0x77: {  	_ =	shalt  }
0x78: {  	_ =	shalt  }
0x79: {  	_ =	shalt  }
0x7a: {  	_ =	shalt  }
0x7b: {  	_ =	shalt  }
0x7c: {  	_ =	shalt  }
0x7d: {  	_ =	shalt  }
0x7e: {  	_ =	shalt  }
0x7f: {  	_ =	shalt  }
0x80: {  	_ =	shalt  }
0x81: {  	_ =	shalt  }
0x82: {  	_ =	shalt  }
0x83: {  	_ =	shalt  }
0x84: {  	_ =	shalt  }
0x85: {  	_ =	shalt  }
0x86: {  	_ =	shalt  }
0x87: {  	_ =	shalt  }
.Lfunc_end0:
.L_simem_size_0:
called_computation.1_lowered:
.L_overlay_start_0:
0x88: {  	s2 =	sld [smem:$0x3FD9]  }
0x89: {  	s3 =	sld [smem:$0x3FFE];
	_ =	sdelay $0x1  }
0x8a: {  	s1 =	srdreg.scid  }
0x8b: {  	s0 =	sand.u32 $0x1, s1  }
0x8c: {  	s14 =	sshll.u32 s0, $0xA;
	s2 =	sadd.s32 s3, s2  }
0x8d: {  	s2 =	sadd.s32 s2, s14  }
0x8e: {  	[smem:$0x3FB4] =	sst s2  }
0x8f: {  	_ = 	snop  }
0x90: {  	s2 =	sld [smem:$0x3FD0];
	_ =	sdelay $0x2  }
0x91: {  	s15 =	simm.s32 $0xA;
	s4 =	simm.s32 $0x10  }
0x92: {  	[smem:s4], [sflag:s15] =	dma.local [hbm:s2], $0x1  }
0x93: {  	_ =	swait.eq [sflag:s15], $0x1  }
0x94: {  	[sflag:s15] =	ssyncset.done $0x0  }
0x95: {  	[sflag:s15] =	ssyncadd.s32 $0xFFFFFFFF  }
0x96: {  	s16 =	sld [smem:$0x11];
	(tm) =	ssettm $0x1  }
0x97: {  	s17 =	sld [smem:$0x3FFB];
	_ =	sdelay $0x3  }
0x98: {  	_ =	strace s17  }
0x99: {  	s3 =	sld [smem:$0x3FFC];
	_ =	sdelay $0x3  }
0x9a: {  	_ =	strace s3  }
0x9b: {  	s3 =	sld [smem:$0x3FFD];
	_ =	sdelay $0x3  }
0x9c: {  	_ =	strace s3  }
0x9d: {  	_ =	strace $0x8FFFFFFF  }
0x9e: {  	s18 =	sld [smem:$0x3FDB];
	_ =	sdelay $0x1  }
0x9f: {  	s19 =	simm.s32 $_scs_section_size  }
0xa0: {  	s5 =	simm.s32 $_size__tile_overlayer_lowered;
	s6 =	simm.s32 $_tile_overlayer_lowered  }
0xa1: {  	s22 =	simm.s32 $0x1BFF;
	s21 =	sshll.u32 s6, $0x1;
	s3 =	sadd.s32 s19, s18  }
0xa2: {  	s7 =	simm.s32 $0x0;
	s20 =	sshll.u32 s5, $0x1;
	s5 =	sadd.s32 s21, s3  }
0xa3: {  	[timem:s7], [sflag:s22] =	dma.local [hbm:s5], s20  }
0xa4: {  	_ =	swait.ge [sflag:s22], s20  }
0xa5: {  	s4 =	ssub.s32 $0x0, s20;
	[sflag:s22] =	ssyncset.done $0x0  }
0xa6: {  	[sflag:s22] =	ssyncadd.s32 s4;
	_ =	sdelay $0x1  }
0xa7: {  	s23 =	simm.s32 $0x1B8B  }
0xa8: {  	_ =	swait.ge [sflag:s23], $0x1  }
0xa9: {  	[sflag:s23] =	ssyncset.done $0x0  }
0xaa: {  	s25 =	simm.s32 $0x1B8E;
	s24 =	sld [smem:$0x3FFE];
	[sflag:s23] =	ssyncadd.s32 $0xFFFFFFFF  }
0xab: {  	s26 =	simm.s32 $execute0_lowered;
	[smem:$0x3FD2] =	sst s25  }
0xac: {  	s5 =	sshll.u32 s26, $0x1;
	_ =	strace $0x80000049;
	[dreg:$0x1] =	wrdreg $0xFFFFFFFF  }
0xad: {  	s28 =	simm.s32 $_size_execute0_lowered;
	s3 =	sadd.s32 s3, s5;
	[dreg:$0x0] =	wrdreg $0x0  }
0xae: {  	s5 =	sshll.u32 s28, $0x1;
	[dreg:$0x2] =	wrdreg s3  }
0xaf: {  	[dreg:$0x3] =	wrdreg s5  }
0xb0: {  	[dreg:$0x4] =	wrdreg $0xC0  }
0xb1: {  	_ =	task [dreg:s7], $0x5FFFF  }
0xb2: {  	[dreg:$0x1] =	wrdreg $0xFFFFFFFF  }
0xb3: {  	[dreg:$0x0] =	wrdreg $0x60  }
0xb4: {  	[dreg:$0x2] =	wrdreg s16  }
0xb5: {  	[dreg:$0x3] =	wrdreg s24  }
0xb6: {  	[dreg:$0x4] =	wrdreg $0x40000  }
0xb7: {  	[dreg:$0x5] =	wrdreg $0x9  }
0xb8: {  	_ =	task.clear_ibuf [dreg:s7], $0x6FFFF;
	_ =	strace $0x90000049  }
0xb9: {  	s29 =	simm.s32 $0x9;
	_ =	strace $0x8000004B  }
0xba: {  	_ =	swait.ge [sflag:s29], $0x1  }
0xbb: {  	[sflag:s29] =	ssyncadd.s32 $0xFFFFFFFF  }
0xbc: {  	_ =	strace $0x9000004B  }
0xbd: {  	_ =	sfence  }
0xbe: {  	s30 =	sld [smem:$0x0];
	_ =	sdelay $0x2  }
0xbf: {  	s31 =	sshll.u32 s1, $0xD;
	s1 =	sshrl.u32 s1, $0x2  }
0xc0: {  	s3 =	sand.u32 $0x4000, s31;
	s1 =	sadd.s32 s1, s30  }
0xc1: {  	s0 =	sor.u32 s3, s0;
	s1 =	sshll.u32 s1, $0x11  }
0xc2: {  	s0 =	sor.u32 s1, s0  }
0xc3: {  	s0 =	sadd.s32 $0x8F2B, s0  }
0xc4: {  	[sflag:s0] =	ssyncadd.remote.s32 $0x1  }
0xc5: {  	_ =	sfence.sel $0xFFFF  }
0xc6: {  	[dreg:$0x0] =	wrdreg $0xFFFFFFFF;
	(pc) =	sbr.abs _section_cstart, $3  }
0xc7: {  	[dreg:$0x1] =	wrdreg $0xFFFFFFFF  }
0xc8: {  	_ =	task.clear_ibuf [dreg:s7], $0x2FFFF;
	_ =	strace $0x9FFFFFFF  }
0xc9: {  	(tm) =	ssettm $0x7FFFFFFF  }
tec
execute0_lowered:
.L_overlay_start_1:
0x0: {  	(tag) =	ssettag $0x1  }
0x1: {  	s0 =	rddreg [dreg:$0x0]  }
0x2: {  	s2 =	rddreg [dreg:$0x1]  }
0x3: {  	s1 =	rddreg [dreg:$0x2];
	s3 =	simm.s32 $0x0;
	s4 =	srdreg.scid  }
0x4: {  	s18 =	stileid.u32;
	s28 =	simm.s32 $0x1A900;
	s29 =	simm.s32 $0x1A880  }
0x5: {  	s30 =	simm.s32 $0x1D180;
	s31 =	simm.s32 $0x1D100;
	[smem:$0x7FF] =	sst s3  }
0x6: {  	s5 =	sand.u32 $0x1, s4;
	s4 =	sadd.s32 $0x4F8E00, s2;
	s7 =	smul.u32 $0x50000, s18  }
0x7: {  	s9 =	sshll.u32 s18, $0x1;
	s10 =	smul.u32 $0x14000, s18;
	s2 =	sadd.s32 $0x3200, s2  }
0x8: {  	_ =	strace $0x8000004A;
	s6 =	ssub.s32 $0x2, s5;
	s16 =	sor.u32 s5, s9  }
0x9: {  	s8 =	sshrl.u32 s6, $0x1;
	s11 =	smul.u32 $0x2710, s16;
	s7 =	sshrl.u32 s7, $0x2  }
0xa: {  	s12 =	sadd.s32 $0x4000, s10;
	s13 =	sadd.s32 $0xC000, s10;
	s14 =	sadd.s32 $0x10000, s10  }
0xb: {  	s15 =	smul.u32 $0x27100, s16;
	s6 =	ssub.s32 s6, s8;
	s17 =	sadd.s32 s12, s1  }
0xc: {  	s19 =	sadd.s32 s7, s1;
	s20 =	sadd.s32 s13, s1;
	[dreg:$0x4] =	wrdreg s17  }
0xd: {  	s7 =	sadd.s32 $0x8000, s10;
	s21 =	sadd.s32 s14, s1;
	[dreg:$0x5] =	wrdreg s20  }
0xe: {  	s8 =	sadd.s32 s7, s1;
	[dreg:$0x6] =	wrdreg s21;
	s17 =	smul.u32 $0x140000, s5  }
0xf: {  	s22 =	sadd.s32 s0, s15;
	s23 =	sshrl.u32 s11, $0x3;
	s20 =	smul.u32 $0x2710, s5  }
0x10: {  	s11 =	sadd.s32 $0x50, s11;
	s21 =	smul.u32 $0x4E200, s18;
	s6 =	smax.u32 s6, $0x1  }
0x11: {  	s5 =	smul.u32 $0x27100, s5;
	[dreg:$0x7] =	wrdreg s22;
	s16 =	sshll.u32 s11, $0x4  }
0x12: {  	s11 =	sshrl.u32 s11, $0x3;
	s24 =	sadd.s32 s4, s23;
	[dreg:$0x10] =	wrdreg s6  }
0x13: {  	[dreg:$0x8] =	wrdreg s24;
	s25 =	sadd.s32 s0, s16;
	s26 =	sadd.s32 s4, s11  }
0x14: {  	s10 =	sadd.s32 s10, s17;
	s9 =	sadd.s32 s17, s12;
	s7 =	sadd.s32 s17, s7  }
0x15: {  	s15 =	sadd.s32 s17, s13;
	s16 =	sadd.s32 s17, s14;
	s17 =	smul.u32 $0x4E20, s18  }
0x16: {  	s0 =	sadd.s32 s21, s0;
	s13 =	simm.s32 $0x5;
	[dreg:$0x9] =	wrdreg s25  }
0x17: {  	s14 =	simm.s32 $0x6;
	[dreg:$0xa] =	wrdreg s26;
	s10 =	sshrl.u32 s10, $0x3  }
0x18: {  	s11 =	sshrl.u32 s9, $0x3;
	s7 =	sshrl.u32 s7, $0x3;
	s10 =	sadd.s32 s2, s10  }
0x19: {  	s12 =	sadd.s32 s2, s11;
	s7 =	sadd.s32 s2, s7;
	[dreg:$0xb] =	wrdreg s10  }
0x1a: {  	s22 =	sadd.s32 s20, s17;
	s20 =	sadd.s32 s5, s0;
	[dreg:$0xc] =	wrdreg s12  }
0x1b: {  	s11 =	simm.s32 $0x3;
	[dreg:$0xd] =	wrdreg s7;
	s7 =	sshrl.u32 s15, $0x3  }
0x1c: {  	s10 =	sshrl.u32 s16, $0x3;
	s23 =	sadd.s32 $0x140, s22;
	s24 =	sadd.s32 $0xA0, s22  }
0x1d: {  	s22 =	sadd.s32 $0xF0, s22;
	s12 =	simm.s32 $0x4;
	s15 =	simm.s32 $0x0  }
0x1e: {  	s7 =	sadd.s32 s2, s7;
	s2 =	sadd.s32 s2, s10;
	s25 =	sshrl.u32 s23, $0x3  }
0x1f: {  	s26 =	sshrl.u32 s24, $0x3;
	s24 =	simm.s32 $0x7;
	[dreg:$0xe] =	wrdreg s7  }
0x20: {  	s10 =	simm.s32 $0x50;
	[dreg:$0xf] =	wrdreg s2;
	s0 =	sadd.s32 s25, s4  }
0x21: {  	s23 =	sadd.s32 s26, s4;
	s25 =	simm.s32 $0x18080;
	s26 =	simm.s32 $0x18000  }
0x22: {  	v0 =	vimm.f32 $0.0e+00;
	s2 =	simm.s32 $0x2;
	[dreg:$0x11] =	wrdreg s0;
	s0 =	simm.s32 $0x1  }
.LBB2_1:
0x23: {  	s5 =	simm.s32 $0x80  }
0x24: {  	[tilespmem:s5+$0xFFFFFF80] =	vst v0  }
0x25: {  	[tilespmem:s5+$0x70] =	vst v0  }
0x26: {  	[tilespmem:s5+$0x60] =	vst v0  }
0x27: {  	[tilespmem:s5+$0x50] =	vst v0  }
0x28: {  	[tilespmem:s5+$0x40] =	vst v0  }
0x29: {  	[tilespmem:s5+$0x30] =	vst v0  }
0x2a: {  	[tilespmem:s5+$0x20] =	vst v0  }
0x2b: {  	[tilespmem:s5+$0x10] =	vst v0  }
0x2c: {  	[tilespmem:s5+$0x0] =	vst v0  }
0x2d: {  	[tilespmem:s5+$0xFFFFFFF0] =	vst v0  }
0x2e: {  	[tilespmem:s5+$0xFFFFFFE0] =	vst v0  }
0x2f: {  	[tilespmem:s5+$0xFFFFFFD0] =	vst v0  }
0x30: {  	[tilespmem:s5+$0xFFFFFFC0] =	vst v0  }
0x31: {  	[tilespmem:s5+$0xFFFFFFB0] =	vst v0  }
0x32: {  	s6 =	simm.s32 $0x0;
	[tilespmem:s5+$0xFFFFFFA0] =	vst v0  }
.LBB2_2:
0x33: {  	s6 =	sadd.s32 $0x2, s6;
	[tilespmem:s5+$0xFFFFFF90] =	vst v0;
	s5 =	sadd.s32 $0x100, s5  }
0x34: {  	[tilespmem:s5+$0xFFFFFF80] =	vst v0;
	p0 =	slt.u32 s6, $0x7E  }
0x35: {  	[tilespmem:s5+$0x70] =	vst v0  }
0x36: {  	[tilespmem:s5+$0x60] =	vst v0  }
0x37: {  	[tilespmem:s5+$0x50] =	vst v0  }
0x38: {  	[tilespmem:s5+$0x40] =	vst v0  }
0x39: {  	[tilespmem:s5+$0x30] =	vst v0  }
0x3a: {  	[tilespmem:s5+$0x20] =	vst v0  }
0x3b: {  	[tilespmem:s5+$0x10] =	vst v0  }
0x3c: {  	[tilespmem:s5+$0x0] =	vst v0  }
0x3d: {  	[tilespmem:s5+$0xFFFFFFF0] =	vst v0  }
.Ltmp0:
0x3e: {  	[tilespmem:s5+$0xFFFFFFE0] =	vst v0;
	(pc) =	sbr.rel @p0 .LBB2_2-.Ltmp0, $4  }
0x3f: {  	[tilespmem:s5+$0xFFFFFFD0] =	vst v0  }
0x40: {  	[tilespmem:s5+$0xFFFFFFC0] =	vst v0  }
0x41: {  	[tilespmem:s5+$0xFFFFFFB0] =	vst v0  }
0x42: {  	[tilespmem:s5+$0xFFFFFFA0] =	vst v0  }
0x43: {  	[tilespmem:s5+$0xFFFFFF90] =	vst v0;
	s5 =	simm.s32 $0x0  }
0x44: {  	[spmem:s19] =	stream.linear.scatter [tilespmem:s5], [sflag:$0x7], $0x4000, $0x38;
	[tilespmem:$0x1F980] =	vst v63  }
0x45: {  	_ =	swait.ge [sflag:s24], $0x4000  }
0x46: {  	[sflag:s24] =	ssyncset.done $0x0  }
0x47: {  	s6 =	rddreg [dreg:$0x4];
	[sflag:s24] =	ssyncadd.s32 $0xFFFFC000  }
0x48: {  	[spmem:s6] =	stream.linear.scatter [tilespmem:s5], [sflag:$0x7], $0x4000, $0x38;
	[tilespmem:$0x1F980] =	vst v63  }
0x49: {  	_ =	swait.ge [sflag:s24], $0x4000  }
0x4a: {  	[sflag:s24] =	ssyncset.done $0x0  }
0x4b: {  	[sflag:s24] =	ssyncadd.s32 $0xFFFFC000  }
0x4c: {  	[spmem:s8] =	stream.linear.scatter [tilespmem:s5], [sflag:$0x7], $0x4000, $0x38;
	[tilespmem:$0x1F980] =	vst v63  }
0x4d: {  	_ =	swait.ge [sflag:s24], $0x4000  }
0x4e: {  	[sflag:s24] =	ssyncset.done $0x0  }
0x4f: {  	s17 =	rddreg [dreg:$0x5];
	[sflag:s24] =	ssyncadd.s32 $0xFFFFC000  }
0x50: {  	[spmem:s17] =	stream.linear.scatter [tilespmem:s5], [sflag:$0x7], $0x4000, $0x38;
	[tilespmem:$0x1F980] =	vst v63  }
0x51: {  	_ =	swait.ge [sflag:s24], $0x4000  }
0x52: {  	[sflag:s24] =	ssyncset.done $0x0  }
0x53: {  	s18 =	rddreg [dreg:$0x6];
	[sflag:s24] =	ssyncadd.s32 $0xFFFFC000  }
0x54: {  	[spmem:s18] =	stream.linear.scatter [tilespmem:s5], [sflag:$0x7], $0x4000, $0x38;
	[tilespmem:$0x1F980] =	vst v63  }
0x55: {  	_ =	swait.ge [sflag:s24], $0x4000  }
0x56: {  	[sflag:s24] =	ssyncset.done $0x0  }
0x57: {  	[sflag:s24] =	ssyncadd.s32 $0xFFFFC000  }
0x58: {  	[bflag:$0x0] =	sbarrier.arrive $0xFFFF  }
0x59: {  	s9 =	smov.u32 s19;
	s19 =	rddreg [dreg:$0x7]  }
0x5a: {  	[tilespmem:s25], [sflag:$0x1] =	stream.linear.gather [hbm4b:s19+s5], $0x2800, $0x38;
	[tilespmem:$0x1F980] =	vst v63  }
0x5b: {  	s7 =	rddreg [dreg:$0x8]  }
0x5c: {  	[tilespmem:s26], [sflag:$0x2] =	stream.linear.gather [hbm4b:s7+s5], $0x50, $0x38;
	[tilespmem:$0x1F980] =	vst v63  }
0x5d: {  	s21 =	smov.u32 s8;
	s8 =	rddreg [dreg:$0x9]  }
0x5e: {  	[tilespmem:s28], [sflag:$0x3] =	stream.linear.gather [hbm4b:s8+s5], $0x2800, $0x38;
	[tilespmem:$0x1F980] =	vst v63  }
0x5f: {  	s17 =	sadd.s32 $0x0, s20;
	s16 =	rddreg [dreg:$0xa]  }
0x60: {  	[tilespmem:s29], [sflag:$0x4] =	stream.linear.gather [hbm4b:s16+s5], $0x50, $0x38;
	[tilespmem:$0x1F980] =	vst v63  }
0x61: {  	s18 =	sadd.s32 $0xA00, s17  }
0x62: {  	[tilespmem:s30], [sflag:$0x5] =	stream.linear.gather [hbm4b:s18+s3], $0x2800, $0x38;
	[tilespmem:$0x1F980] =	vst v63  }
0x63: {  	_ = 	snop  }
0x64: {  	[tilespmem:s31], [sflag:$0x6] =	stream.linear.gather [hbm4b:s23+s3], $0x50, $0x38;
	[tilespmem:$0x1F980] =	vst v63  }
0x65: {  	_ =	swait.ge [sflag:s0], $0x2800  }
0x66: {  	[sflag:s0] =	ssyncset.done $0x0  }
0x67: {  	[sflag:s0] =	ssyncadd.s32 $0xFFFFD800  }
0x68: {  	_ =	swait.ge [sflag:s2], $0x50  }
0x69: {  	[sflag:s2] =	ssyncset.done $0x0  }
0x6a: {  	[sflag:s2] =	ssyncadd.s32 $0xFFFFFFB0  }
0x6b: {  	[spmem:s1] =	stream.indirect.scatter.add.f32 [tilespmem:s25], [sflag:$0x7], $0x80, s26, s10, $0xb8;
	[tilespmem:$0x1F980] =	vst v63  }
0x6c: {  	_ =	swait.ge [sflag:s24], $0x2800  }
0x6d: {  	[sflag:s24] =	ssyncset.done $0x0  }
0x6e: {  	s19 =	sadd.s32 $0xF00, s17;
	s7 =	sshrl.u32 s22, $0x3;
	[sflag:s24] =	ssyncadd.s32 $0xFFFFD800  }
0x6f: {  	[tilespmem:s25], [sflag:$0x1] =	stream.linear.gather [hbm4b:s19+s3], $0x2800, $0x38;
	[tilespmem:$0x1F980] =	vst v63  }
0x70: {  	s8 =	sadd.s32 s4, s7  }
0x71: {  	[tilespmem:s26], [sflag:$0x2] =	stream.linear.gather [hbm4b:s8+s3], $0x50, $0x38;
	[tilespmem:$0x1F980] =	vst v63  }
0x72: {  	_ =	swait.ge [sflag:s11], $0x2800  }
0x73: {  	[sflag:s11] =	ssyncset.done $0x0  }
0x74: {  	[sflag:s11] =	ssyncadd.s32 $0xFFFFD800  }
0x75: {  	_ =	swait.ge [sflag:s12], $0x50  }
0x76: {  	[sflag:s12] =	ssyncset.done $0x0  }
0x77: {  	[sflag:s12] =	ssyncadd.s32 $0xFFFFFFB0  }
0x78: {  	[spmem:s1] =	stream.indirect.scatter.add.f32 [tilespmem:s28], [sflag:$0x7], $0x80, s29, s10, $0xb8;
	[tilespmem:$0x1F980] =	vst v63  }
0x79: {  	_ =	swait.ge [sflag:s24], $0x2800  }
0x7a: {  	[sflag:s24] =	ssyncset.done $0x0  }
0x7b: {  	s5 =	sadd.s32 $0x1400, s17;
	[sflag:s24] =	ssyncadd.s32 $0xFFFFD800  }
0x7c: {  	[tilespmem:s28], [sflag:$0x3] =	stream.linear.gather [hbm4b:s5+s3], $0x2800, $0x38;
	[tilespmem:$0x1F980] =	vst v63  }
0x7d: {  	s16 =	rddreg [dreg:$0x11]  }
0x7e: {  	[tilespmem:s29], [sflag:$0x4] =	stream.linear.gather [hbm4b:s16+s3], $0x50, $0x38;
	[tilespmem:$0x1F980] =	vst v63  }
0x7f: {  	_ =	swait.ge [sflag:s13], $0x2800  }
0x80: {  	[sflag:s13] =	ssyncset.done $0x0  }
0x81: {  	[sflag:s13] =	ssyncadd.s32 $0xFFFFD800  }
0x82: {  	_ =	swait.ge [sflag:s14], $0x50  }
0x83: {  	[sflag:s14] =	ssyncset.done $0x0  }
0x84: {  	s17 =	sadd.s32 $0xF0, s22;
	[sflag:s14] =	ssyncadd.s32 $0xFFFFFFB0  }
0x85: {  	[spmem:s1] =	stream.indirect.scatter.add.f32 [tilespmem:s30], [sflag:$0x7], $0x80, s31, s10, $0xb8;
	[tilespmem:$0x1F980] =	vst v63  }
0x86: {  	s18 =	sadd.s32 $0xF00, s20;
	s19 =	sadd.s32 $0x1E, s23;
	_ =	swait.ge [sflag:s24], $0x2800  }
0x87: {  	s5 =	simm.s32 $0x1E00;
	s16 =	sadd.s32 $0x1E, s16;
	[sflag:s24] =	ssyncset.done $0x0  }
.LBB2_4:
0x88: {  	s8 =	sadd.s32 $0xA00, s18  }
0x89: {  	[sflag:s24] =	ssyncadd.s32 $0xFFFFD800;
	s6 =	smov.u32 s5;
	s7 =	sadd.s32 $0xF00, s5  }
0x8a: {  	[tilespmem:s30], [sflag:$0x5] =	stream.linear.gather [hbm4b:s8+s3], $0x2800, $0x38;
	[tilespmem:$0x1F980] =	vst v63  }
0x8b: {  	p0 =	sne.s32 s5, $0x25800  }
0x8c: {  	[tilespmem:s31], [sflag:$0x6] =	stream.linear.gather [hbm4b:s19+s3], $0x50, $0x38;
	[tilespmem:$0x1F980] =	vst v63  }
0x8d: {  	_ =	swait.ge [sflag:s0], $0x2800  }
0x8e: {  	[sflag:s0] =	ssyncset.done $0x0  }
0x8f: {  	[sflag:s0] =	ssyncadd.s32 $0xFFFFD800  }
0x90: {  	_ =	swait.ge [sflag:s2], $0x50  }
0x91: {  	[sflag:s2] =	ssyncset.done $0x0  }
0x92: {  	[sflag:s2] =	ssyncadd.s32 $0xFFFFFFB0  }
0x93: {  	[spmem:s1] =	stream.indirect.scatter.add.f32 [tilespmem:s25], [sflag:$0x7], $0x80, s26, s10, $0xb8;
	[tilespmem:$0x1F980] =	vst v63  }
0x94: {  	_ =	swait.ge [sflag:s24], $0x2800  }
0x95: {  	[sflag:s24] =	ssyncset.done $0x0  }
0x96: {  	s5 =	sadd.s32 $0xF00, s18;
	s8 =	sshrl.u32 s17, $0x3;
	[sflag:s24] =	ssyncadd.s32 $0xFFFFD800  }
0x97: {  	[tilespmem:s25], [sflag:$0x1] =	stream.linear.gather [hbm4b:s5+s3], $0x2800, $0x38;
	[tilespmem:$0x1F980] =	vst v63  }
0x98: {  	s5 =	sadd.s32 s4, s8  }
0x99: {  	[tilespmem:s26], [sflag:$0x2] =	stream.linear.gather [hbm4b:s5+s3], $0x50, $0x38;
	[tilespmem:$0x1F980] =	vst v63  }
0x9a: {  	_ =	swait.ge [sflag:s11], $0x2800  }
0x9b: {  	[sflag:s11] =	ssyncset.done $0x0  }
0x9c: {  	[sflag:s11] =	ssyncadd.s32 $0xFFFFD800  }
0x9d: {  	_ =	swait.ge [sflag:s12], $0x50  }
0x9e: {  	[sflag:s12] =	ssyncset.done $0x0  }
0x9f: {  	[sflag:s12] =	ssyncadd.s32 $0xFFFFFFB0  }
0xa0: {  	[spmem:s1] =	stream.indirect.scatter.add.f32 [tilespmem:s28], [sflag:$0x7], $0x80, s29, s10, $0xb8;
	[tilespmem:$0x1F980] =	vst v63  }
0xa1: {  	_ =	swait.ge [sflag:s24], $0x2800  }
0xa2: {  	[sflag:s24] =	ssyncset.done $0x0  }
0xa3: {  	s5 =	sadd.s32 $0x1400, s18;
	[sflag:s24] =	ssyncadd.s32 $0xFFFFD800  }
0xa4: {  	[tilespmem:s28], [sflag:$0x3] =	stream.linear.gather [hbm4b:s5+s3], $0x2800, $0x38;
	[tilespmem:$0x1F980] =	vst v63  }
0xa5: {  	_ = 	snop  }
0xa6: {  	[tilespmem:s29], [sflag:$0x4] =	stream.linear.gather [hbm4b:s16+s3], $0x50, $0x38;
	[tilespmem:$0x1F980] =	vst v63  }
0xa7: {  	_ =	swait.ge [sflag:s13], $0x2800  }
0xa8: {  	[sflag:s13] =	ssyncset.done $0x0  }
0xa9: {  	[sflag:s13] =	ssyncadd.s32 $0xFFFFD800  }
0xaa: {  	_ =	swait.ge [sflag:s14], $0x50  }
.Ltmp1:
0xab: {  	[sflag:s14] =	ssyncset.done $0x0;
	(pc) =	sbr.rel @p0 .LBB2_4-.Ltmp1, $4  }
0xac: {  	s17 =	sadd.s32 $0xF0, s17;
	[sflag:s14] =	ssyncadd.s32 $0xFFFFFFB0  }
0xad: {  	[spmem:s1] =	stream.indirect.scatter.add.f32 [tilespmem:s30], [sflag:$0x7], $0x80, s31, s10, $0xb8;
	[tilespmem:$0x1F980] =	vst v63  }
0xae: {  	s19 =	sadd.s32 $0x1E, s19;
	s18 =	sadd.s32 s6, s20;
	_ =	swait.ge [sflag:s24], $0x2800  }
0xaf: {  	s5 =	smov.u32 s7;
	s16 =	sadd.s32 $0x1E, s16;
	[sflag:s24] =	ssyncset.done $0x0  }
0xb0: {  	s5 =	sadd.s32 $0xA00, s18;
	[sflag:s24] =	ssyncadd.s32 $0xFFFFD800  }
0xb1: {  	[tilespmem:s30], [sflag:$0x5] =	stream.linear.gather [hbm4b:s5+s3], $0x2800, $0x38;
	[tilespmem:$0x1F980] =	vst v63  }
0xb2: {  	_ = 	snop  }
0xb3: {  	[tilespmem:s31], [sflag:$0x6] =	stream.linear.gather [hbm4b:s19+s3], $0x50, $0x38;
	[tilespmem:$0x1F980] =	vst v63  }
0xb4: {  	_ =	swait.ge [sflag:s0], $0x2800  }
0xb5: {  	[sflag:s0] =	ssyncset.done $0x0  }
0xb6: {  	[sflag:s0] =	ssyncadd.s32 $0xFFFFD800  }
0xb7: {  	_ =	swait.ge [sflag:s2], $0x50  }
0xb8: {  	[sflag:s2] =	ssyncset.done $0x0  }
0xb9: {  	[sflag:s2] =	ssyncadd.s32 $0xFFFFFFB0  }
0xba: {  	[spmem:s1] =	stream.indirect.scatter.add.f32 [tilespmem:s25], [sflag:$0x7], $0x80, s26, s10, $0xb8;
	[tilespmem:$0x1F980] =	vst v63  }
0xbb: {  	_ =	swait.ge [sflag:s24], $0x2800  }
0xbc: {  	[sflag:s24] =	ssyncset.done $0x0  }
0xbd: {  	s6 =	sadd.s32 $0xF00, s18;
	s7 =	sshrl.u32 s17, $0x3;
	[sflag:s24] =	ssyncadd.s32 $0xFFFFD800  }
0xbe: {  	[tilespmem:s25], [sflag:$0x1] =	stream.linear.gather [hbm4b:s6+s3], $0x2800, $0x38;
	[tilespmem:$0x1F980] =	vst v63  }
0xbf: {  	s5 =	sadd.s32 s4, s7  }
0xc0: {  	[tilespmem:s26], [sflag:$0x2] =	stream.linear.gather [hbm4b:s5+s3], $0x50, $0x38;
	[tilespmem:$0x1F980] =	vst v63  }
0xc1: {  	_ =	swait.ge [sflag:s11], $0x2800  }
0xc2: {  	[sflag:s11] =	ssyncset.done $0x0  }
0xc3: {  	[sflag:s11] =	ssyncadd.s32 $0xFFFFD800  }
0xc4: {  	_ =	swait.ge [sflag:s12], $0x50  }
0xc5: {  	[sflag:s12] =	ssyncset.done $0x0  }
0xc6: {  	[sflag:s12] =	ssyncadd.s32 $0xFFFFFFB0  }
0xc7: {  	[spmem:s1] =	stream.indirect.scatter.add.f32 [tilespmem:s28], [sflag:$0x7], $0x80, s29, s10, $0xb8;
	[tilespmem:$0x1F980] =	vst v63  }
0xc8: {  	_ =	swait.ge [sflag:s24], $0x2800  }
0xc9: {  	[sflag:s24] =	ssyncset.done $0x0  }
0xca: {  	s8 =	sadd.s32 $0x1400, s18;
	[sflag:s24] =	ssyncadd.s32 $0xFFFFD800  }
0xcb: {  	[tilespmem:s28], [sflag:$0x3] =	stream.linear.gather [hbm4b:s8+s3], $0x2800, $0x38;
	[tilespmem:$0x1F980] =	vst v63  }
0xcc: {  	_ = 	snop  }
0xcd: {  	[tilespmem:s29], [sflag:$0x4] =	stream.linear.gather [hbm4b:s16+s3], $0x50, $0x38;
	[tilespmem:$0x1F980] =	vst v63  }
0xce: {  	_ =	swait.ge [sflag:s13], $0x2800  }
0xcf: {  	[sflag:s13] =	ssyncset.done $0x0  }
0xd0: {  	[sflag:s13] =	ssyncadd.s32 $0xFFFFD800  }
0xd1: {  	_ =	swait.ge [sflag:s14], $0x50  }
0xd2: {  	[sflag:s14] =	ssyncset.done $0x0  }
0xd3: {  	[sflag:s14] =	ssyncadd.s32 $0xFFFFFFB0  }
0xd4: {  	[spmem:s1] =	stream.indirect.scatter.add.f32 [tilespmem:s30], [sflag:$0x7], $0x80, s31, s10, $0xb8;
	[tilespmem:$0x1F980] =	vst v63  }
0xd5: {  	_ =	swait.ge [sflag:s24], $0x2800  }
0xd6: {  	[sflag:s24] =	ssyncset.done $0x0  }
0xd7: {  	[sflag:s24] =	ssyncadd.s32 $0xFFFFD800  }
0xd8: {  	_ =	swait.ge [sflag:s0], $0x2800  }
0xd9: {  	[sflag:s0] =	ssyncset.done $0x0  }
0xda: {  	[sflag:s0] =	ssyncadd.s32 $0xFFFFD800  }
0xdb: {  	_ =	swait.ge [sflag:s2], $0x50  }
0xdc: {  	[sflag:s2] =	ssyncset.done $0x0  }
0xdd: {  	[sflag:s2] =	ssyncadd.s32 $0xFFFFFFB0  }
0xde: {  	[spmem:s1] =	stream.indirect.scatter.add.f32 [tilespmem:s25], [sflag:$0x7], $0x80, s26, s10, $0xb8;
	[tilespmem:$0x1F980] =	vst v63  }
0xdf: {  	_ =	swait.ge [sflag:s24], $0x2800  }
0xe0: {  	[sflag:s24] =	ssyncset.done $0x0  }
0xe1: {  	[sflag:s24] =	ssyncadd.s32 $0xFFFFD800  }
0xe2: {  	_ =	swait.ge [sflag:s11], $0x2800  }
0xe3: {  	[sflag:s11] =	ssyncset.done $0x0  }
0xe4: {  	[sflag:s11] =	ssyncadd.s32 $0xFFFFD800  }
0xe5: {  	_ =	swait.ge [sflag:s12], $0x50  }
0xe6: {  	[sflag:s12] =	ssyncset.done $0x0  }
0xe7: {  	[sflag:s12] =	ssyncadd.s32 $0xFFFFFFB0  }
0xe8: {  	[spmem:s1] =	stream.indirect.scatter.add.f32 [tilespmem:s28], [sflag:$0x7], $0x80, s29, s10, $0xb8;
	[tilespmem:$0x1F980] =	vst v63  }
0xe9: {  	_ =	swait.ge [sflag:s24], $0x2800  }
0xea: {  	[sflag:s24] =	ssyncset.done $0x0  }
0xeb: {  	[sflag:s24] =	ssyncadd.s32 $0xFFFFD800  }
0xec: {  	[bflag:$0x0] =	sbarrier.arrive $0xFFFF  }
0xed: {  	[tilespmem:s3], [sflag:$0x7] =	stream.linear.gather [spmem:s9], $0x4000, $0x38;
	[tilespmem:$0x1F980] =	vst v63  }
0xee: {  	_ =	swait.ge [sflag:s24], $0x4000  }
0xef: {  	[sflag:s24] =	ssyncset.done $0x0  }
0xf0: {  	s17 =	rddreg [dreg:$0xb];
	[sflag:s24] =	ssyncadd.s32 $0xFFFFC000  }
0xf1: {  	[hbm4b:s17+s3] =	stream.linear.scatter [tilespmem:s3], [sflag:$0x7], $0x4000, $0x38;
	[tilespmem:$0x1F980] =	vst v63  }
0xf2: {  	_ =	swait.ge [sflag:s24], $0x4000  }
0xf3: {  	[sflag:s24] =	ssyncset.done $0x0  }
0xf4: {  	s18 =	rddreg [dreg:$0x4];
	[sflag:s24] =	ssyncadd.s32 $0xFFFFC000  }
0xf5: {  	[tilespmem:s3], [sflag:$0x7] =	stream.linear.gather [spmem:s18], $0x4000, $0x38;
	[tilespmem:$0x1F980] =	vst v63  }
0xf6: {  	_ =	swait.ge [sflag:s24], $0x4000  }
0xf7: {  	[sflag:s24] =	ssyncset.done $0x0  }
0xf8: {  	s6 =	rddreg [dreg:$0xc];
	[sflag:s24] =	ssyncadd.s32 $0xFFFFC000  }
0xf9: {  	[hbm4b:s6+s3] =	stream.linear.scatter [tilespmem:s3], [sflag:$0x7], $0x4000, $0x38;
	[tilespmem:$0x1F980] =	vst v63  }
0xfa: {  	_ =	swait.ge [sflag:s24], $0x4000  }
0xfb: {  	[sflag:s24] =	ssyncset.done $0x0  }
0xfc: {  	[sflag:s24] =	ssyncadd.s32 $0xFFFFC000  }
0xfd: {  	[tilespmem:s3], [sflag:$0x7] =	stream.linear.gather [spmem:s21], $0x4000, $0x38;
	[tilespmem:$0x1F980] =	vst v63  }
0xfe: {  	_ =	swait.ge [sflag:s24], $0x4000  }
0xff: {  	[sflag:s24] =	ssyncset.done $0x0  }
0x100: {  	s7 =	rddreg [dreg:$0xd];
	[sflag:s24] =	ssyncadd.s32 $0xFFFFC000  }
0x101: {  	[hbm4b:s7+s3] =	stream.linear.scatter [tilespmem:s3], [sflag:$0x7], $0x4000, $0x38;
	[tilespmem:$0x1F980] =	vst v63  }
0x102: {  	_ =	swait.ge [sflag:s24], $0x4000  }
0x103: {  	[sflag:s24] =	ssyncset.done $0x0  }
0x104: {  	s19 =	smov.u32 s9;
	s9 =	rddreg [dreg:$0x5];
	[sflag:s24] =	ssyncadd.s32 $0xFFFFC000  }
0x105: {  	[tilespmem:s3], [sflag:$0x7] =	stream.linear.gather [spmem:s9], $0x4000, $0x38;
	[tilespmem:$0x1F980] =	vst v63  }
0x106: {  	_ =	swait.ge [sflag:s24], $0x4000  }
0x107: {  	[sflag:s24] =	ssyncset.done $0x0  }
0x108: {  	s16 =	rddreg [dreg:$0xe];
	[sflag:s24] =	ssyncadd.s32 $0xFFFFC000  }
0x109: {  	[hbm4b:s16+s3] =	stream.linear.scatter [tilespmem:s3], [sflag:$0x7], $0x4000, $0x38;
	[tilespmem:$0x1F980] =	vst v63  }
0x10a: {  	_ =	swait.ge [sflag:s24], $0x4000  }
0x10b: {  	[sflag:s24] =	ssyncset.done $0x0  }
0x10c: {  	s17 =	rddreg [dreg:$0x6];
	[sflag:s24] =	ssyncadd.s32 $0xFFFFC000  }
0x10d: {  	[tilespmem:s3], [sflag:$0x7] =	stream.linear.gather [spmem:s17], $0x4000, $0x38;
	[tilespmem:$0x1F980] =	vst v63  }
0x10e: {  	_ =	swait.ge [sflag:s24], $0x4000  }
0x10f: {  	[sflag:s24] =	ssyncset.done $0x0  }
0x110: {  	s18 =	rddreg [dreg:$0xf];
	[sflag:s24] =	ssyncadd.s32 $0xFFFFC000  }
0x111: {  	[hbm4b:s18+s3] =	stream.linear.scatter [tilespmem:s3], [sflag:$0x7], $0x4000, $0x38;
	[tilespmem:$0x1F980] =	vst v63  }
0x112: {  	_ =	swait.ge [sflag:s24], $0x4000  }
0x113: {  	s15 =	sadd.s32 $0x1, s15;
	s8 =	smov.u32 s21;
	s21 =	rddreg [dreg:$0x10]  }
0x114: {  	p0 =	sne.s32 s15, s21  }
.Ltmp2:
0x115: {  	_ = 	snop;
	(pc) =	sbr.rel @p0 .LBB2_1-.Ltmp2, $3  }
0x116: {  	_ =	sdelay $0x1  }
0x117: {  	[sflag:s24] =	ssyncset.done $0x0  }
0x118: {  	[sflag:s24] =	ssyncadd.s32 $0xFFFFC000  }
0x119: {  	_ =	sfence.sel $0x180000  }
0x11a: {  	[bflag:$0x0] =	sbarrier.arrive $0xFFFF  }
0x11b: {  	_ =	strace $0x9000004A  }
0x11c: {  	s0 =	stileid.u32;
	[bflag:$0x2] =	sbarrier.arrive $0xFFFF  }
0x11d: {  	p0 =	sne.s32 s0, $0x0;
	s0 =	rddreg [dreg:$0x3]  }
0x11e: {  	s0 =	sadd.s32 @!p0 $0x100000, s0  }
0x11f: {  	[sflag:s0] =	ssyncadd.tile.s32 @!p0 $0x1;
	_ =	shalt  }
.Lfunc_end2:
_tile_overlayer_lowered:
.L_overlay_start_2:
0x120: {  	(tag) =	ssettag $0x2  }
0x121: {  	s0 =	rddreg [dreg:$0x0];
	s2 =	stileid.u32  }
0x122: {  	s1 =	rddreg [dreg:$0x1];
	p0 =	sne.s32 s2, $0x0  }
0x123: {  	s3 =	rddreg [dreg:$0x2];
	[bflag:$0x3] =	sbarrier.arrive $0xFFFF;
	s2 =	simm.s32 @!p0 $0x1C07  }
0x124: {  	[timem:s3], [sflag:s2] =	dma.local @!p0 [hbm:s0], s1  }
0x125: {  	s0 =	simm.s32 @!p0 $0x7  }
0x126: {  	_ =	swait.ge @!p0 [sflag:s0], s1  }
0x127: {  	s1 =	ssub.s32 @!p0 $0x0, s1;
	[sflag:s0] =	ssyncset.done @!p0 $0x0  }
0x128: {  	[sflag:s0] =	ssyncadd.s32 @!p0 s1  }
0x129: {  	[bflag:$0x3] =	sbarrier.arrive $0xFFFF  }
0x12a: {  	_ =	shalt  }

// kernel: kernel.8.cloned.1.call-start
scs
__scs_entry_jumppad:
0x0: {  	(pc) =	sbr.rel $0x88, $3  }
0x1: {  	(tag) =	ssettag $0x0;
	lr =	simm.s32 $0x1  }
0x2: {  	[smem:$0x3F8D] =	sst lr;
	_ =	strace $0xD0000000  }
0x3: {  	_ = 	snop  }
0x4: {  	_ = 	snop  }
0x5: {  	_ = 	snop  }
0x6: {  	_ = 	snop  }
0x7: {  	_ = 	snop  }
__scs_overlays_trampoline_lowered:
0x8: {  	[smem:$0x3F9C] =	sst s0  }
0x9: {  	[smem:$0x3F9D] =	sst s1  }
0xa: {  	[smem:$0x3F9E] =	sst s2  }
0xb: {  	[smem:$0x3F9F] =	sst s3  }
0xc: {  	[smem:$0x3FA0] =	sst s4  }
0xd: {  	[smem:$0x3FA1] =	sst s5  }
0xe: {  	[smem:$0x3FA2] =	sst s6  }
0xf: {  	[smem:$0x3FA3] =	sst s7  }
0x10: {  	[smem:$0x3FA4] =	sst s8  }
0x11: {  	[smem:$0x3FA5] =	sst s9;
	s0 =	simm.s32 @!p0 $0x0  }
0x12: {  	s1 =	sld [smem:$0x3F8B];
	s0 =	simm.s32 @p0 $0x1  }
0x13: {  	[smem:$0x3FA6] =	sst s0;
	s0 =	simm.s32 @!p1 $0x0  }
0x14: {  	s2 =	sld [smem:$0x3F8A];
	s0 =	simm.s32 @p1 $0x1  }
0x15: {  	[smem:$0x3FA7] =	sst s0;
	s0 =	simm.s32 @!p2 $0x0  }
0x16: {  	s3 =	sld [smem:$0x3FDB];
	s0 =	simm.s32 @p2 $0x1  }
0x17: {  	s4 =	simm.s32 $0x1BF5;
	[smem:$0x3FA9] =	sst s0  }
0x18: {  	s0 =	sld [smem:$0x3F8C];
	_ =	swait.ge [sflag:s4], $0x0  }
0x19: {  	s7 =	sld [smem:$0x3F8D]  }
0x1a: {  	s8 =	sadd.s32 $0xFFFFE003, lr  }
0x1b: {  	s9 =	sadd.s32 $0xFFFFFEF7, lr;
	s5 =	simm.s32 $0xFFFFFFFF;
	p2 =	slt.u32 s8, $0xFFFFF086  }
0x1c: {  	p1 =	slt.u32 s9, $0xF7A;
	s5 =	simm.s32 @!p2 $0x0  }
0x1d: {  	s5 =	simm.s32 @p1 $0x1;
	p0 =	seq.s32 s7, s2  }
0x1e: {  	s7 =	smul.u32 @!p0 $0xF7A, s2;
	p2 =	seq.s32 @!p0 s5, $0x0  }
0x1f: {  	s9 =	smul.u32 $0xF7A, s1;
	s8 =	simm.s32 @!p0 $0x1BF5;
	p2 =	por !p2, p0  }
0x20: {  	[sflag:s8] =	ssyncset.s32 @!p0 $0xFFFFF086;
	s6 =	sadd.s32 @!p0 s3, s7;
	s7 =	simm.s32 @!p0 $0x108  }
0x21: {  	s3 =	sadd.s32 s3, s9;
	s6 =	sadd.s32 @!p0 $0x88, s6;
	s7 =	simm.s32 @p2 $0x1082  }
0x22: {  	[simem:s7], [sflag:s8] =	dma.local @!p0 [hbm:s6], $0xF7A  }
0x23: {  	s9 =	sor.u32 $0xD0000000, s2;
	s6 =	simm.s32 $0x108;
	_ =	swait.ge @!p0 [sflag:s8], $0x0  }
0x24: {  	s3 =	sadd.s32 $0x88, s3;
	s6 =	simm.s32 @!p1 $0x1082;
	[sflag:s4] =	ssyncset.s32 $0xFFFFF086  }
0x25: {  	[simem:s6], [sflag:s4] =	dma.local [hbm:s3], $0xF7A  }
0x26: {  	[smem:$0x3F8D] =	sst s1;
	(tag) =	ssettag s2;
	_ =	strace s9  }
0x27: {  	s1 =	sld [smem:$0x3F9D]  }
0x28: {  	s2 =	sld [smem:$0x3F9E]  }
0x29: {  	s4 =	sld [smem:$0x3FA0]  }
0x2a: {  	p0 =	seq.s32 s5, $0x0;
	s5 =	sld [smem:$0x3FA1]  }
0x2b: {  	s6 =	sld [smem:$0x3FA2]  }
0x2c: {  	s7 =	sld [smem:$0x3FA3]  }
0x2d: {  	s3 =	simm.s32 $0x108;
	s8 =	sld [smem:$0x3FA4]  }
0x2e: {  	s3 =	simm.s32 @!p0 $0x1082;
	s9 =	sld [smem:$0x3FA5]  }
0x2f: {  	lr =	sadd.s32 s0, s3;
	s0 =	sld [smem:$0x3F9C]  }
0x30: {  	s3 =	sld [smem:$0x3F9F]  }
0x31: {  	[smem:$0x3FA8] =	sst s10  }
0x32: {  	s10 =	sld [smem:$0x3FA6];
	_ =	sdelay $0x3  }
0x33: {  	p0 =	seq.s32 s10, $0x1;
	s10 =	sld [smem:$0x3FA8];
	_ =	sdelay $0x3  }
0x34: {  	[smem:$0x3FA8] =	sst s10  }
0x35: {  	s10 =	sld [smem:$0x3FA7];
	_ =	sdelay $0x3  }
0x36: {  	p1 =	seq.s32 s10, $0x1;
	s10 =	sld [smem:$0x3FA8];
	_ =	sdelay $0x3  }
0x37: {  	[smem:$0x3FA8] =	sst s10  }
0x38: {  	s10 =	sld [smem:$0x3FA9]  }
0x39: {  	_ = 	snop;
	(pc) =	sbr.ind lr, $3  }
0x3a: {  	_ = 	snop  }
0x3b: {  	_ = 	snop  }
0x3c: {  	p2 =	seq.s32 s10, $0x1;
	s10 =	sld [smem:$0x3FA8]  }
0x3d: {  	_ =	shalt  }
0x3e: {  	_ =	shalt  }
0x3f: {  	_ =	shalt  }
0x40: {  	_ =	shalt  }
0x41: {  	_ =	shalt  }
0x42: {  	_ =	shalt  }
0x43: {  	_ =	shalt  }
0x44: {  	_ =	shalt  }
0x45: {  	_ =	shalt  }
0x46: {  	_ =	shalt  }
0x47: {  	_ =	shalt  }
0x48: {  	_ =	shalt  }
0x49: {  	_ =	shalt  }
0x4a: {  	_ =	shalt  }
0x4b: {  	_ =	shalt  }
0x4c: {  	_ =	shalt  }
0x4d: {  	_ =	shalt  }
0x4e: {  	_ =	shalt  }
0x4f: {  	_ =	shalt  }
0x50: {  	_ =	shalt  }
0x51: {  	_ =	shalt  }
0x52: {  	_ =	shalt  }
0x53: {  	_ =	shalt  }
0x54: {  	_ =	shalt  }
0x55: {  	_ =	shalt  }
0x56: {  	_ =	shalt  }
0x57: {  	_ =	shalt  }
0x58: {  	_ =	shalt  }
0x59: {  	_ =	shalt  }
0x5a: {  	_ =	shalt  }
0x5b: {  	_ =	shalt  }
0x5c: {  	_ =	shalt  }
0x5d: {  	_ =	shalt  }
0x5e: {  	_ =	shalt  }
0x5f: {  	_ =	shalt  }
0x60: {  	_ =	shalt  }
0x61: {  	_ =	shalt  }
0x62: {  	_ =	shalt  }
0x63: {  	_ =	shalt  }
0x64: {  	_ =	shalt  }
0x65: {  	_ =	shalt  }
0x66: {  	_ =	shalt  }
0x67: {  	_ =	shalt  }
0x68: {  	_ =	shalt  }
0x69: {  	_ =	shalt  }
0x6a: {  	_ =	shalt  }
0x6b: {  	_ =	shalt  }
0x6c: {  	_ =	shalt  }
0x6d: {  	_ =	shalt  }
0x6e: {  	_ =	shalt  }
0x6f: {  	_ =	shalt  }
0x70: {  	_ =	shalt  }
0x71: {  	_ =	shalt  }
0x72: {  	_ =	shalt  }
0x73: {  	_ =	shalt  }
0x74: {  	_ =	shalt  }
0x75: {  	_ =	shalt  }
0x76: {  	_ =	shalt  }
0x77: {  	_ =	shalt  }
0x78: {  	_ =	shalt  }
0x79: {  	_ =	shalt  }
0x7a: {  	_ =	shalt  }
0x7b: {  	_ =	shalt  }
0x7c: {  	_ =	shalt  }
0x7d: {  	_ =	shalt  }
0x7e: {  	_ =	shalt  }
0x7f: {  	_ =	shalt  }
0x80: {  	_ =	shalt  }
0x81: {  	_ =	shalt  }
0x82: {  	_ =	shalt  }
0x83: {  	_ =	shalt  }
0x84: {  	_ =	shalt  }
0x85: {  	_ =	shalt  }
0x86: {  	_ =	shalt  }
0x87: {  	_ =	shalt  }
.Lfunc_end0:
.L_simem_size_0:
called_computation_lowered:
.L_overlay_start_0:
0x88: {  	s2 =	sld [smem:$0x3FD9]  }
0x89: {  	s3 =	sld [smem:$0x3FFE];
	_ =	sdelay $0x1  }
0x8a: {  	s1 =	srdreg.scid  }
0x8b: {  	s0 =	sand.u32 $0x1, s1  }
0x8c: {  	s14 =	sshll.u32 s0, $0xA;
	s2 =	sadd.s32 s3, s2  }
0x8d: {  	s2 =	sadd.s32 s2, s14  }
0x8e: {  	[smem:$0x3FB4] =	sst s2  }
0x8f: {  	_ = 	snop  }
0x90: {  	s2 =	sld [smem:$0x3FD0];
	_ =	sdelay $0x2  }
0x91: {  	s15 =	simm.s32 $0xA;
	s4 =	simm.s32 $0x10  }
0x92: {  	[smem:s4], [sflag:s15] =	dma.local [hbm:s2], $0x1  }
0x93: {  	_ =	swait.eq [sflag:s15], $0x1  }
0x94: {  	[sflag:s15] =	ssyncset.done $0x0  }
0x95: {  	s16 =	sld [smem:$0x10];
	[sflag:s15] =	ssyncadd.s32 $0xFFFFFFFF  }
0x96: {  	s17 =	sld [smem:$0x11];
	(tm) =	ssettm $0x1  }
0x97: {  	s18 =	sld [smem:$0x3FFB];
	_ =	sdelay $0x3  }
0x98: {  	_ =	strace s18  }
0x99: {  	s4 =	sld [smem:$0x3FFC];
	_ =	sdelay $0x3  }
0x9a: {  	_ =	strace s4  }
0x9b: {  	s4 =	sld [smem:$0x3FFD];
	_ =	sdelay $0x3  }
0x9c: {  	_ =	strace s4  }
0x9d: {  	_ =	strace $0x8FFFFFFF  }
0x9e: {  	s19 =	sld [smem:$0x3FDB];
	_ =	sdelay $0x1  }
0x9f: {  	s5 =	simm.s32 $_scs_section_size  }
0xa0: {  	s6 =	simm.s32 $_size__tile_overlayer_lowered;
	s7 =	simm.s32 $_tile_overlayer_lowered  }
0xa1: {  	s22 =	simm.s32 $0x1BFF;
	s21 =	sshll.u32 s7, $0x1;
	s4 =	sadd.s32 s5, s19  }
0xa2: {  	s8 =	simm.s32 $0x0;
	s20 =	sshll.u32 s6, $0x1;
	s6 =	sadd.s32 s21, s4  }
0xa3: {  	[timem:s8], [sflag:s22] =	dma.local [hbm:s6], s20  }
0xa4: {  	_ =	swait.ge [sflag:s22], s20  }
0xa5: {  	s5 =	ssub.s32 $0x0, s20;
	[sflag:s22] =	ssyncset.done $0x0  }
0xa6: {  	[sflag:s22] =	ssyncadd.s32 s5;
	_ =	sdelay $0x1  }
0xa7: {  	s23 =	simm.s32 $0x1B8B  }
0xa8: {  	_ =	swait.ge [sflag:s23], $0x1  }
0xa9: {  	[sflag:s23] =	ssyncset.done $0x0  }
0xaa: {  	s25 =	simm.s32 $0x1B8E;
	s24 =	sld [smem:$0x3FFE];
	[sflag:s23] =	ssyncadd.s32 $0xFFFFFFFF  }
0xab: {  	s26 =	simm.s32 $execute0_lowered;
	[smem:$0x3FD2] =	sst s25  }
0xac: {  	s6 =	sshll.u32 s26, $0x1;
	_ =	strace $0x80000046;
	[dreg:$0x1] =	wrdreg $0xFFFFFFFF  }
0xad: {  	s28 =	simm.s32 $_size_execute0_lowered;
	s4 =	sadd.s32 s4, s6;
	[dreg:$0x0] =	wrdreg $0x0  }
0xae: {  	s6 =	sshll.u32 s28, $0x1;
	[dreg:$0x2] =	wrdreg s4  }
0xaf: {  	[dreg:$0x3] =	wrdreg s6  }
0xb0: {  	[dreg:$0x4] =	wrdreg $0xC0  }
0xb1: {  	_ =	task [dreg:s8], $0x5FFFF  }
0xb2: {  	[dreg:$0x1] =	wrdreg $0xFFFFFFFF  }
0xb3: {  	[dreg:$0x0] =	wrdreg $0x60  }
0xb4: {  	[dreg:$0x2] =	wrdreg s16  }
0xb5: {  	[dreg:$0x3] =	wrdreg s17  }
0xb6: {  	[dreg:$0x4] =	wrdreg s24  }
0xb7: {  	[dreg:$0x5] =	wrdreg $0x9  }
0xb8: {  	_ =	task.clear_ibuf [dreg:s8], $0x6FFFF;
	_ =	strace $0x90000046  }
0xb9: {  	s29 =	simm.s32 $0x9;
	_ =	strace $0x80000048  }
0xba: {  	_ =	swait.ge [sflag:s29], $0x1  }
0xbb: {  	[sflag:s29] =	ssyncadd.s32 $0xFFFFFFFF  }
0xbc: {  	_ =	strace $0x90000048  }
0xbd: {  	_ =	sfence  }
0xbe: {  	s30 =	sld [smem:$0x0];
	_ =	sdelay $0x2  }
0xbf: {  	s31 =	sshll.u32 s1, $0xD;
	s1 =	sshrl.u32 s1, $0x2  }
0xc0: {  	s3 =	sand.u32 $0x4000, s31;
	s1 =	sadd.s32 s1, s30  }
0xc1: {  	s0 =	sor.u32 s3, s0;
	s1 =	sshll.u32 s1, $0x11  }
0xc2: {  	s0 =	sor.u32 s1, s0  }
0xc3: {  	s0 =	sadd.s32 $0x8F2B, s0  }
0xc4: {  	[sflag:s0] =	ssyncadd.remote.s32 $0x1  }
0xc5: {  	_ =	sfence.sel $0xFFFF  }
0xc6: {  	[dreg:$0x0] =	wrdreg $0xFFFFFFFF;
	(pc) =	sbr.abs _section_cstart, $3  }
0xc7: {  	[dreg:$0x1] =	wrdreg $0xFFFFFFFF  }
0xc8: {  	_ =	task.clear_ibuf [dreg:s8], $0x2FFFF;
	_ =	strace $0x9FFFFFFF  }
0xc9: {  	(tm) =	ssettm $0x7FFFFFFF  }
tec
execute0_lowered:
.L_overlay_start_1:
0x0: {  	(tag) =	ssettag $0x1  }
0x1: {  	s1 =	rddreg [dreg:$0x0]  }
0x2: {  	s0 =	srdreg.scid;
	s3 =	rddreg [dreg:$0x1]  }
0x3: {  	s2 =	stileid.u32;
	s6 =	rddreg [dreg:$0x2];
	s4 =	simm.s32 $0x0  }
0x4: {  	s14 =	simm.s32 $0xA;
	s15 =	simm.s32 $0x50;
	s16 =	simm.s32 $0x4F00  }
0x5: {  	s17 =	simm.s32 $0x7700;
	s18 =	simm.s32 $0x9F00;
	s20 =	simm.s32 $0xC700  }
0x6: {  	s21 =	simm.s32 $0xEF00;
	s23 =	simm.s32 $0x1;
	s24 =	simm.s32 $0x2  }
0x7: {  	s28 =	simm.s32 $0x5;
	s0 =	sand.u32 $0x1, s0;
	s2 =	sshll.u32 s2, $0x1  }
0x8: {  	s29 =	simm.s32 $0x6;
	s30 =	simm.s32 $0x7;
	s2 =	sor.u32 s0, s2  }
0x9: {  	s31 =	simm.s32 $0x8;
	s0 =	ssub.s32 $0x2, s0;
	s5 =	smul.u32 $0x2710, s2  }
0xa: {  	[smem:$0x7FF] =	sst s4;
	s2 =	smul.u32 $0x138800, s2;
	s8 =	sshrl.u32 s0, $0x1  }
0xb: {  	_ =	strace $0x80000047;
	s0 =	ssub.s32 s0, s8;
	s7 =	sshrl.u32 s5, $0x3  }
0xc: {  	s2 =	sshrl.u32 s2, $0x3;
	s0 =	smax.u32 s0, $0x1;
	s7 =	sadd.s32 s7, s6  }
0xd: {  	s6 =	sadd.s32 $0x16E00, s6;
	[dreg:$0x8] =	wrdreg s0;
	s25 =	sadd.s32 $0xD000, s7  }
0xe: {  	s7 =	sadd.s32 $0x3200, s7;
	s2 =	sadd.s32 s6, s2;
	[dreg:$0x4] =	wrdreg s25  }
0xf: {  	s9 =	sadd.s32 $0x50, s5;
	[dreg:$0x5] =	wrdreg s7;
	s26 =	sadd.s32 $0x26700, s2  }
0x10: {  	s2 =	sadd.s32 $0x26C00, s2;
	s25 =	simm.s32 $0x3;
	[dreg:$0x6] =	wrdreg s26  }
0x11: {  	s7 =	simm.s32 $0x0;
	[dreg:$0x7] =	wrdreg s2;
	s26 =	simm.s32 $0x4  }
.LBB2_1:
0x12: {  	[dreg:$0x9] =	wrdreg s7  }
0x13: {  	s0 =	rddreg [dreg:$0x4]  }
0x14: {  	[tilespmem:s4], [sflag:$0xA] =	stream.linear.gather [hbm4b:s0+s4], $0x2710, $0x38;
	[tilespmem:$0x13F00] =	vst v63  }
0x15: {  	_ =	swait.ge [sflag:s14], $0x2710  }
0x16: {  	[sflag:s14] =	ssyncset.done $0x0  }
0x17: {  	s2 =	simm.s32 $0x2780;
	s19 =	rddreg [dreg:$0x5];
	[sflag:s14] =	ssyncadd.s32 $0xFFFFD8F0  }
0x18: {  	[tilespmem:s2], [sflag:$0xA] =	stream.linear.gather [hbm4b:s19+s4], $0x2710, $0x38;
	[tilespmem:$0x13F00] =	vst v63  }
0x19: {  	_ =	swait.ge [sflag:s14], $0x2710  }
0x1a: {  	[sflag:s14] =	ssyncset.done $0x0  }
0x1b: {  	[sflag:s14] =	ssyncadd.s32 $0xFFFFD8F0  }
0x1c: {  	[tilespmem:s16], [sflag:$0x1] =	stream.indirect.gather [hbm4b:s1+s15], $0x80, s4, s15, $0xb8;
	[tilespmem:$0x13F00] =	vst v63  }
0x1d: {  	_ = 	snop  }
0x1e: {  	[tilespmem:s17], [sflag:$0x2] =	stream.indirect.gather [hbm4b:s3+s15], $0x80, s2, s15, $0xb8;
	[tilespmem:$0x13F00] =	vst v63  }
0x1f: {  	_ = 	snop  }
0x20: {  	[tilespmem:s18], [sflag:$0x4] =	stream.indirect.gather [hbm4b:s1+s15], $0x80, s15, s15, $0xb8;
	[tilespmem:$0x13F00] =	vst v63  }
0x21: {  	s22 =	simm.s32 $0x27D0;
	s19 =	simm.s32 $0x0  }
0x22: {  	[tilespmem:s20], [sflag:$0x5] =	stream.indirect.gather [hbm4b:s3+s15], $0x80, s22, s15, $0xb8;
	[tilespmem:$0x13F00] =	vst v63  }
.LBB2_2:
0x23: {  	p0 =	seq.s32 s19, $0x0  }
0x24: {  	s0 =	simm.s32 @!p0 $0x9  }
0x25: {  	s7 =	smul.u32 $0xF0, s19;
	_ =	swait.ge @!p0 [sflag:s0], $0x2800  }
0x26: {  	[sflag:s0] =	ssyncset.done @!p0 $0x0  }
0x27: {  	s14 =	sadd.s32 $0xA0, s7;
	[sflag:s0] =	ssyncadd.s32 @!p0 $0xFFFFD800  }
0x28: {  	[tilespmem:s21], [sflag:$0x7] =	stream.indirect.gather [hbm4b:s1+s15], $0x80, s14, s15, $0xb8;
	[tilespmem:$0x13F00] =	vst v63  }
0x29: {  	s2 =	simm.s32 $0x11700;
	s22 =	sadd.s32 $0x2820, s7  }
0x2a: {  	[tilespmem:s2], [sflag:$0x8] =	stream.indirect.gather [hbm4b:s3+s15], $0x80, s22, s15, $0xb8;
	[tilespmem:$0x13F00] =	vst v63  }
0x2b: {  	_ =	swait.ge [sflag:s23], $0x2800  }
0x2c: {  	[sflag:s23] =	ssyncset.done $0x0  }
0x2d: {  	[sflag:s23] =	ssyncadd.s32 $0xFFFFD800  }
0x2e: {  	_ =	swait.ge [sflag:s24], $0x2800  }
0x2f: {  	[sflag:s24] =	ssyncset.done $0x0  }
0x30: {  	s8 =	simm.s32 $0x4F80;
	[sflag:s24] =	ssyncadd.s32 $0xFFFFD800  }
0x31: {  	s13 =	simm.s32 $0x7780;
	v0 =	vld [tilespmem:s8+$0x0]  }
0x32: {  	v1 =	vld [tilespmem:s13+$0x0];
	_ =	sdelay $0x3  }
0x33: {  	v2 =	vld [tilespmem:s8+$0xFFFFFF80]  }
0x34: {  	v0 =	vadd.f32 v1, v0;
	v1 =	vld [tilespmem:s13+$0xFFFFFF80];
	_ =	sdelay $0x1  }
0x35: {  	[tilespmem:s8+$0x0] =	vst v0;
	v0 =	vld [tilespmem:s8+$0x10]  }
0x36: {  	v3 =	vld [tilespmem:s13+$0x10];
	_ =	sdelay $0x1  }
0x37: {  	v1 =	vadd.f32 v1, v2;
	_ =	sdelay $0x1  }
0x38: {  	v4 =	vld [tilespmem:s8+$0xFFFFFF90];
	[tilespmem:s8+$0xFFFFFF80] =	vst v1  }
0x39: {  	v0 =	vadd.f32 v3, v0;
	v1 =	vld [tilespmem:s13+$0xFFFFFF90];
	_ =	sdelay $0x1  }
0x3a: {  	[tilespmem:s8+$0x10] =	vst v0;
	v0 =	vld [tilespmem:s8+$0x20]  }
0x3b: {  	v3 =	vld [tilespmem:s13+$0x20]  }
0x3c: {  	v5 =	vld [tilespmem:s8+$0xFFFFFFB0]  }
0x3d: {  	s10 =	simm.s32 $0x5080;
	v6 =	vld [tilespmem:s8+$0xFFFFFFD0];
	v1 =	vadd.f32 v1, v4  }
0x3e: {  	v7 =	vld [tilespmem:s10+$0x0]  }
0x3f: {  	v2 =	vld [tilespmem:s8+$0xFFFFFFA0];
	[tilespmem:s8+$0xFFFFFF90] =	vst v1  }
0x40: {  	v0 =	vadd.f32 v3, v0;
	v1 =	vld [tilespmem:s13+$0xFFFFFFA0]  }
0x41: {  	v8 =	vld [tilespmem:s8+$0xFFFFFFE0]  }
0x42: {  	[tilespmem:s8+$0x20] =	vst v0;
	v0 =	vld [tilespmem:s8+$0x30]  }
0x43: {  	s11 =	simm.s32 $0x7880;
	v3 =	vld [tilespmem:s13+$0x30]  }
0x44: {  	v10 =	vld [tilespmem:s11+$0xFFFFFF80]  }
0x45: {  	v1 =	vadd.f32 v1, v2;
	v2 =	vld [tilespmem:s11+$0x0]  }
0x46: {  	v12 =	vld [tilespmem:s10+$0xFFFFFF90]  }
0x47: {  	s2 =	simm.s32 $0x7980;
	v13 =	vld [tilespmem:s10+$0xFFFFFFD0]  }
0x48: {  	v15 =	vld [tilespmem:s2+$0xFFFFFF80];
	v0 =	vadd.f32 v3, v0  }
0x49: {  	[tilespmem:s8+$0xFFFFFFA0] =	vst v1;
	v1 =	vld [tilespmem:s8+$0x40]  }
0x4a: {  	[tilespmem:s8+$0x30] =	vst v0;
	v2 =	vadd.f32 v2, v7;
	v7 =	vld [tilespmem:s10+$0xFFFFFF80]  }
0x4b: {  	s12 =	simm.s32 $0x5180;
	v9 =	vld [tilespmem:s13+$0x40]  }
0x4c: {  	v16 =	vld [tilespmem:s12+$0xFFFFFF80]  }
0x4d: {  	v3 =	vld [tilespmem:s13+$0xFFFFFFB0]  }
0x4e: {  	v17 =	vld [tilespmem:s10+$0x50]  }
0x4f: {  	[tilespmem:s10+$0x0] =	vst v2;
	v2 =	vld [tilespmem:s10+$0x10];
	v7 =	vadd.f32 v10, v7  }
0x50: {  	v11 =	vld [tilespmem:s11+$0x10];
	v1 =	vadd.f32 v9, v1  }
0x51: {  	v9 =	vld [tilespmem:s8+$0x50];
	[tilespmem:s10+$0xFFFFFF80] =	vst v7  }
0x52: {  	[tilespmem:s8+$0x40] =	vst v1;
	v1 =	vadd.f32 v3, v5;
	v5 =	vld [tilespmem:s11+$0xFFFFFF90]  }
0x53: {  	v3 =	vld [tilespmem:s13+$0x50]  }
0x54: {  	v60 =	vld [tilespmem:s12+$0xFFFFFFA0]  }
0x55: {  	v4 =	vld [tilespmem:s8+$0xFFFFFFC0];
	v2 =	vadd.f32 v11, v2;
	[tilespmem:s8+$0xFFFFFFB0] =	vst v1  }
0x56: {  	v1 =	vld [tilespmem:s13+$0xFFFFFFC0]  }
0x57: {  	[tilespmem:s10+$0x10] =	vst v2;
	v2 =	vld [tilespmem:s10+$0x20]  }
0x58: {  	v5 =	vadd.f32 v5, v12;
	v3 =	vadd.f32 v3, v9;
	v9 =	vld [tilespmem:s11+$0x20]  }
0x59: {  	v18 =	vld [tilespmem:s10+$0x60];
	v15 =	vadd.f32 v15, v16  }
0x5a: {  	v10 =	vld [tilespmem:s10+$0xFFFFFFA0];
	[tilespmem:s10+$0xFFFFFF90] =	vst v5  }
0x5b: {  	[tilespmem:s12+$0xFFFFFF80] =	vst v15;
	v1 =	vadd.f32 v1, v4;
	v4 =	vld [tilespmem:s11+$0xFFFFFFA0]  }
0x5c: {  	v15 =	vld [tilespmem:s2+$0xFFFFFF90]  }
0x5d: {  	v0 =	vld [tilespmem:s8+$0xFFFFFFF0];
	[tilespmem:s8+$0xFFFFFFC0] =	vst v1;
	v1 =	vadd.f32 v9, v2  }
0x5e: {  	v7 =	vld [tilespmem:s10+$0xFFFFFFB0]  }
0x5f: {  	v5 =	vld [tilespmem:s10+$0x30];
	[tilespmem:s10+$0x20] =	vst v1  }
0x60: {  	v4 =	vadd.f32 v4, v10;
	v10 =	vld [tilespmem:s11+$0x30]  }
0x61: {  	v2 =	vld [tilespmem:s13+$0xFFFFFFD0]  }
0x62: {  	v11 =	vld [tilespmem:s8+$0x60]  }
0x63: {  	v12 =	vld [tilespmem:s10+$0xFFFFFFC0];
	[tilespmem:s8+$0x50] =	vst v3  }
0x64: {  	v3 =	vld [tilespmem:s13+$0x60]  }
0x65: {  	[tilespmem:s10+$0xFFFFFFA0] =	vst v4;
	v4 =	vld [tilespmem:s12+$0x0];
	v5 =	vadd.f32 v10, v5  }
0x66: {  	v2 =	vadd.f32 v2, v6;
	v6 =	vld [tilespmem:s2+$0x0]  }
0x67: {  	v10 =	vld [tilespmem:s10+$0x40];
	[tilespmem:s10+$0x30] =	vst v5  }
0x68: {  	v5 =	vld [tilespmem:s11+$0x40]  }
0x69: {  	v9 =	vld [tilespmem:s8+$0x70];
	v3 =	vadd.f32 v3, v11  }
0x6a: {  	v1 =	vld [tilespmem:s10+$0xFFFFFFE0]  }
0x6b: {  	[tilespmem:s8+$0x60] =	vst v3;
	v3 =	vld [tilespmem:s11+$0xFFFFFFB0];
	v4 =	vadd.f32 v6, v4  }
0x6c: {  	v6 =	vld [tilespmem:s12+$0xFFFFFF90]  }
0x6d: {  	[tilespmem:s12+$0x0] =	vst v4;
	v4 =	vld [tilespmem:s12+$0x10];
	v5 =	vadd.f32 v5, v10  }
0x6e: {  	v10 =	vld [tilespmem:s2+$0x10]  }
0x6f: {  	v11 =	vld [tilespmem:s13+$0x70];
	[tilespmem:s10+$0x40] =	vst v5  }
0x70: {  	v3 =	vadd.f32 v3, v7;
	v7 =	vld [tilespmem:s11+$0x50]  }
0x71: {  	[tilespmem:s8+$0xFFFFFFD0] =	vst v2;
	v2 =	vld [tilespmem:s10+$0xFFFFFFF0]  }
0x72: {  	v14 =	vld [tilespmem:s13+$0xFFFFFFE0];
	[tilespmem:s10+$0xFFFFFFB0] =	vst v3;
	v6 =	vadd.f32 v15, v6  }
0x73: {  	v3 =	vadd.f32 v10, v4;
	v10 =	vld [tilespmem:s11+$0xFFFFFFC0]  }
0x74: {  	[tilespmem:s12+$0xFFFFFF90] =	vst v6;
	v6 =	vld [tilespmem:s12+$0xFFFFFFE0]  }
0x75: {  	v5 =	vld [tilespmem:s12+$0xFFFFFFB0];
	[tilespmem:s12+$0x10] =	vst v3;
	v3 =	vadd.f32 v7, v17  }
0x76: {  	v7 =	vld [tilespmem:s12+$0x20]  }
0x77: {  	v15 =	vld [tilespmem:s2+$0x20];
	[tilespmem:s10+$0x50] =	vst v3  }
0x78: {  	v10 =	vadd.f32 v10, v12;
	v12 =	vld [tilespmem:s11+$0x60]  }
0x79: {  	v61 =	vld [tilespmem:s2+$0xFFFFFFA0]  }
0x7a: {  	v4 =	vld [tilespmem:s12+$0xFFFFFFC0];
	[tilespmem:s10+$0xFFFFFFC0] =	vst v10  }
0x7b: {  	v10 =	vld [tilespmem:s11+$0xFFFFFFD0]  }
0x7c: {  	v3 =	vld [tilespmem:s12+$0xFFFFFFD0];
	v7 =	vadd.f32 v15, v7  }
0x7d: {  	v15 =	vld [tilespmem:s10+$0x70];
	v12 =	vadd.f32 v12, v18  }
0x7e: {  	[tilespmem:s12+$0x20] =	vst v7;
	v7 =	vadd.f32 v14, v8;
	v14 =	vld [tilespmem:s12+$0x30]  }
0x7f: {  	v8 =	vadd.f32 v61, v60;
	v62 =	vld [tilespmem:s2+$0x30];
	[tilespmem:s10+$0x60] =	vst v12  }
0x80: {  	[tilespmem:s8+$0xFFFFFFE0] =	vst v7;
	v7 =	vadd.f32 v10, v13;
	v63 =	vld [tilespmem:s11+$0x70]  }
0x81: {  	[tilespmem:s12+$0xFFFFFFA0] =	vst v8;
	v8 =	vld [tilespmem:s13+$0xFFFFFFF0]  }
0x82: {  	v12 =	vld [tilespmem:s2+$0xFFFFFFB0];
	[tilespmem:s10+$0xFFFFFFD0] =	vst v7  }
0x83: {  	v10 =	vadd.f32 v11, v9;
	v9 =	vld [tilespmem:s11+$0xFFFFFFE0]  }
0x84: {  	v7 =	vld [tilespmem:s12+$0xFFFFFFF0];
	v13 =	vadd.f32 v62, v14  }
0x85: {  	s0 =	simm.s32 $0x4;
	s22 =	simm.s32 $0x5280;
	s13 =	simm.s32 $0x7980;
	[tilespmem:s8+$0x70] =	vst v10;
	v10 =	vld [tilespmem:s12+$0x40];
	v11 =	vadd.f32 v63, v15  }
.LBB2_3:
0x86: {  	v14 =	vld [tilespmem:s22+$0x0];
	[tilespmem:s12+$0x30] =	vst v13;
	s2 =	sadd.s32 $0x100, s2;
	v8 =	vadd.f32 v8, v0;
	v0 =	vmov v2  }
0x87: {  	v13 =	vld [tilespmem:s2+$0x0];
	v12 =	vadd.f32 v12, v5;
	[tilespmem:s10+$0x70] =	vst v11  }
0x88: {  	s0 =	sadd.s32 $0x2, s0;
	v5 =	vld [tilespmem:s13+$0x40];
	v9 =	vadd.f32 v9, v1;
	[tilespmem:s8+$0xFFFFFFF0] =	vst v8;
	v1 =	vmov v6;
	s8 =	smov.u32 s10;
	s10 =	smov.u32 s12  }
0x89: {  	p0 =	slt.u32 s0, $0x4E;
	s12 =	smov.u32 s22;
	v6 =	vld [tilespmem:s2+$0xFFFFFF80];
	[tilespmem:s10+$0xFFFFFFB0] =	vst v12;
	v2 =	vmov v7  }
0x8a: {  	v7 =	vld [tilespmem:s22+$0xFFFFFF80];
	[tilespmem:s8+$0xFFFFFFE0] =	vst v9  }
0x8b: {  	v8 =	vld [tilespmem:s22+$0xFFFFFF90]  }
0x8c: {  	v9 =	vld [tilespmem:s22+$0xFFFFFFA0];
	v11 =	vadd.f32 v13, v14  }
0x8d: {  	v5 =	vadd.f32 v5, v10;
	v10 =	vld [tilespmem:s10+$0x50]  }
0x8e: {  	[tilespmem:s22+$0x0] =	vst v11;
	v11 =	vld [tilespmem:s22+$0x10]  }
0x8f: {  	v6 =	vadd.f32 v6, v7;
	v7 =	vld [tilespmem:s2+$0x10];
	[tilespmem:s10+$0x40] =	vst v5  }
0x90: {  	v12 =	vld [tilespmem:s13+$0x50]  }
0x91: {  	[tilespmem:s22+$0xFFFFFF80] =	vst v6;
	v5 =	vld [tilespmem:s22+$0xFFFFFFB0]  }
0x92: {  	v6 =	vld [tilespmem:s2+$0xFFFFFF90]  }
0x93: {  	v13 =	vld [tilespmem:s13+$0xFFFFFFC0]  }
0x94: {  	v14 =	vld [tilespmem:s22+$0xFFFFFFC0];
	v7 =	vadd.f32 v7, v11  }
0x95: {  	v10 =	vadd.f32 v12, v10;
	v11 =	vld [tilespmem:s10+$0x60]  }
0x96: {  	[tilespmem:s22+$0x10] =	vst v7;
	v7 =	vld [tilespmem:s22+$0x20]  }
0x97: {  	v6 =	vadd.f32 v6, v8;
	v8 =	vld [tilespmem:s2+$0x20];
	[tilespmem:s10+$0x50] =	vst v10  }
0x98: {  	v10 =	vadd.f32 v13, v4;
	v12 =	vld [tilespmem:s13+$0x60]  }
0x99: {  	[tilespmem:s22+$0xFFFFFF90] =	vst v6;
	v13 =	vld [tilespmem:s22+$0xFFFFFFD0];
	v4 =	vmov v14  }
0x9a: {  	v14 =	vld [tilespmem:s2+$0xFFFFFFA0];
	[tilespmem:s10+$0xFFFFFFC0] =	vst v10  }
0x9b: {  	v10 =	vld [tilespmem:s13+$0xFFFFFFD0]  }
0x9c: {  	v6 =	vld [tilespmem:s22+$0xFFFFFFE0];
	v7 =	vadd.f32 v8, v7  }
0x9d: {  	v8 =	vadd.f32 v12, v11;
	v11 =	vld [tilespmem:s10+$0x70]  }
0x9e: {  	[tilespmem:s22+$0x20] =	vst v7;
	v15 =	vld [tilespmem:s22+$0x30]  }
0x9f: {  	v7 =	vadd.f32 v14, v9;
	v14 =	vld [tilespmem:s2+$0x30];
	[tilespmem:s10+$0x60] =	vst v8  }
0xa0: {  	v9 =	vadd.f32 v10, v3;
	v16 =	vld [tilespmem:s13+$0x70];
	v3 =	vmov v13  }
.Ltmp0:
0xa1: {  	[tilespmem:s22+$0xFFFFFFA0] =	vst v7;
	v8 =	vld [tilespmem:s11+$0xFFFFFFF0];
	s11 =	smov.u32 s13;
	s13 =	smov.u32 s2;
	(pc) =	sbr.rel @p0 .LBB2_3-.Ltmp0, $4  }
0xa2: {  	v12 =	vld [tilespmem:s2+$0xFFFFFFB0];
	[tilespmem:s10+$0xFFFFFFD0] =	vst v9  }
0xa3: {  	v9 =	vld [tilespmem:s11+$0xFFFFFFE0]  }
0xa4: {  	v7 =	vld [tilespmem:s22+$0xFFFFFFF0];
	v13 =	vadd.f32 v14, v15  }
0xa5: {  	s22 =	sadd.s32 $0x100, s22;
	v10 =	vld [tilespmem:s12+$0x40];
	v11 =	vadd.f32 v16, v11  }
0xa6: {  	_ = 	snop  }
0xa7: {  	[tilespmem:s12+$0x30] =	vst v13;
	v5 =	vadd.f32 v12, v5  }
0xa8: {  	v12 =	vld [tilespmem:s13+$0x40]  }
0xa9: {  	[tilespmem:s12+$0xFFFFFFB0] =	vst v5  }
0xaa: {  	v5 =	vld [tilespmem:s13+$0xFFFFFFC0];
	_ =	sdelay $0x2  }
0xab: {  	v10 =	vadd.f32 v12, v10;
	_ =	sdelay $0x1  }
0xac: {  	v12 =	vld [tilespmem:s12+$0x50];
	[tilespmem:s12+$0x40] =	vst v10;
	v4 =	vadd.f32 v5, v4  }
0xad: {  	v5 =	vld [tilespmem:s13+$0x50]  }
0xae: {  	[tilespmem:s12+$0xFFFFFFC0] =	vst v4  }
0xaf: {  	v4 =	vld [tilespmem:s13+$0xFFFFFFD0];
	_ =	sdelay $0x2  }
0xb0: {  	v5 =	vadd.f32 v5, v12;
	_ =	sdelay $0x1  }
0xb1: {  	v10 =	vld [tilespmem:s12+$0x60];
	[tilespmem:s12+$0x50] =	vst v5;
	v3 =	vadd.f32 v4, v3  }
0xb2: {  	v4 =	vld [tilespmem:s13+$0x60]  }
0xb3: {  	[tilespmem:s12+$0xFFFFFFD0] =	vst v3  }
0xb4: {  	v3 =	vld [tilespmem:s13+$0xFFFFFFE0];
	_ =	sdelay $0x2  }
0xb5: {  	v4 =	vadd.f32 v4, v10  }
0xb6: {  	v1 =	vadd.f32 v9, v1  }
0xb7: {  	v5 =	vld [tilespmem:s12+$0x70];
	[tilespmem:s12+$0x60] =	vst v4;
	v3 =	vadd.f32 v3, v6  }
0xb8: {  	[tilespmem:s10+$0xFFFFFFE0] =	vst v1;
	v1 =	vld [tilespmem:s13+$0x70]  }
0xb9: {  	v4 =	vld [tilespmem:s11+$0xFFFFFFF0];
	[tilespmem:s12+$0xFFFFFFE0] =	vst v3  }
0xba: {  	v3 =	vld [tilespmem:s13+$0xFFFFFFF0];
	_ =	sdelay $0x1  }
0xbb: {  	v0 =	vadd.f32 v8, v0  }
0xbc: {  	[tilespmem:s10+$0x70] =	vst v11;
	v1 =	vadd.f32 v1, v5  }
0xbd: {  	[tilespmem:s8+$0xFFFFFFF0] =	vst v0;
	v0 =	vadd.f32 v4, v2  }
0xbe: {  	s0 =	sadd.s32 s5, s7;
	[tilespmem:s12+$0x70] =	vst v1;
	v1 =	vadd.f32 v3, v7  }
0xbf: {  	s0 =	sshll.u32 s0, $0x4;
	[tilespmem:s10+$0xFFFFFFF0] =	vst v0  }
0xc0: {  	s0 =	sadd.s32 s6, s0;
	[tilespmem:s12+$0xFFFFFFF0] =	vst v1  }
0xc1: {  	[hbm4b:s0+s4] =	stream.linear.scatter [tilespmem:s16], [sflag:$0x3], $0x2800, $0x38;
	[tilespmem:$0x13F00] =	vst v63  }
0xc2: {  	_ =	swait.ge [sflag:s25], $0x2800  }
0xc3: {  	[sflag:s25] =	ssyncset.done $0x0  }
0xc4: {  	s12 =	sadd.s32 $0xF0, s7;
	[sflag:s25] =	ssyncadd.s32 $0xFFFFD800  }
0xc5: {  	[tilespmem:s16], [sflag:$0x1] =	stream.indirect.gather [hbm4b:s1+s15], $0x80, s12, s15, $0xb8;
	[tilespmem:$0x13F00] =	vst v63  }
0xc6: {  	s13 =	sadd.s32 $0x2870, s7  }
0xc7: {  	[tilespmem:s17], [sflag:$0x2] =	stream.indirect.gather [hbm4b:s3+s15], $0x80, s13, s15, $0xb8;
	[tilespmem:$0x13F00] =	vst v63  }
0xc8: {  	_ =	swait.ge [sflag:s26], $0x2800  }
0xc9: {  	[sflag:s26] =	ssyncset.done $0x0  }
0xca: {  	[sflag:s26] =	ssyncadd.s32 $0xFFFFD800  }
0xcb: {  	_ =	swait.ge [sflag:s28], $0x2800  }
0xcc: {  	[sflag:s28] =	ssyncset.done $0x0  }
0xcd: {  	s8 =	simm.s32 $0x9F80;
	[sflag:s28] =	ssyncadd.s32 $0xFFFFD800  }
0xce: {  	s22 =	simm.s32 $0xC780;
	v0 =	vld [tilespmem:s8+$0x0]  }
0xcf: {  	v1 =	vld [tilespmem:s22+$0x0];
	_ =	sdelay $0x3  }
0xd0: {  	v2 =	vld [tilespmem:s8+$0xFFFFFF80]  }
0xd1: {  	v0 =	vadd.f32 v1, v0;
	v1 =	vld [tilespmem:s22+$0xFFFFFF80];
	_ =	sdelay $0x1  }
0xd2: {  	[tilespmem:s8+$0x0] =	vst v0;
	v0 =	vld [tilespmem:s8+$0x10]  }
0xd3: {  	v3 =	vld [tilespmem:s22+$0x10];
	_ =	sdelay $0x1  }
0xd4: {  	v1 =	vadd.f32 v1, v2;
	_ =	sdelay $0x1  }
0xd5: {  	v4 =	vld [tilespmem:s8+$0xFFFFFF90];
	[tilespmem:s8+$0xFFFFFF80] =	vst v1  }
0xd6: {  	v0 =	vadd.f32 v3, v0;
	v1 =	vld [tilespmem:s22+$0xFFFFFF90];
	_ =	sdelay $0x1  }
0xd7: {  	[tilespmem:s8+$0x10] =	vst v0;
	v0 =	vld [tilespmem:s8+$0x20]  }
0xd8: {  	v3 =	vld [tilespmem:s22+$0x20]  }
0xd9: {  	v5 =	vld [tilespmem:s8+$0xFFFFFFB0]  }
0xda: {  	s10 =	simm.s32 $0xA080;
	v6 =	vld [tilespmem:s8+$0xFFFFFFD0];
	v1 =	vadd.f32 v1, v4  }
0xdb: {  	v7 =	vld [tilespmem:s10+$0x0]  }
0xdc: {  	v2 =	vld [tilespmem:s8+$0xFFFFFFA0];
	[tilespmem:s8+$0xFFFFFF90] =	vst v1  }
0xdd: {  	v0 =	vadd.f32 v3, v0;
	v1 =	vld [tilespmem:s22+$0xFFFFFFA0]  }
0xde: {  	v8 =	vld [tilespmem:s8+$0xFFFFFFE0]  }
0xdf: {  	[tilespmem:s8+$0x20] =	vst v0;
	v0 =	vld [tilespmem:s8+$0x30]  }
0xe0: {  	s11 =	simm.s32 $0xC880;
	v3 =	vld [tilespmem:s22+$0x30]  }
0xe1: {  	v10 =	vld [tilespmem:s11+$0xFFFFFF80]  }
0xe2: {  	v1 =	vadd.f32 v1, v2;
	v2 =	vld [tilespmem:s11+$0x0]  }
0xe3: {  	v12 =	vld [tilespmem:s10+$0xFFFFFF90]  }
0xe4: {  	s2 =	simm.s32 $0xC980;
	v13 =	vld [tilespmem:s10+$0xFFFFFFD0]  }
0xe5: {  	v15 =	vld [tilespmem:s2+$0xFFFFFF80];
	v0 =	vadd.f32 v3, v0  }
0xe6: {  	[tilespmem:s8+$0xFFFFFFA0] =	vst v1;
	v1 =	vld [tilespmem:s8+$0x40]  }
0xe7: {  	[tilespmem:s8+$0x30] =	vst v0;
	v2 =	vadd.f32 v2, v7;
	v7 =	vld [tilespmem:s10+$0xFFFFFF80]  }
0xe8: {  	s12 =	simm.s32 $0xA180;
	v9 =	vld [tilespmem:s22+$0x40]  }
0xe9: {  	v16 =	vld [tilespmem:s12+$0xFFFFFF80]  }
0xea: {  	v3 =	vld [tilespmem:s22+$0xFFFFFFB0]  }
0xeb: {  	v17 =	vld [tilespmem:s10+$0x50]  }
0xec: {  	[tilespmem:s10+$0x0] =	vst v2;
	v2 =	vld [tilespmem:s10+$0x10];
	v7 =	vadd.f32 v10, v7  }
0xed: {  	v11 =	vld [tilespmem:s11+$0x10];
	v1 =	vadd.f32 v9, v1  }
0xee: {  	v9 =	vld [tilespmem:s8+$0x50];
	[tilespmem:s10+$0xFFFFFF80] =	vst v7  }
0xef: {  	[tilespmem:s8+$0x40] =	vst v1;
	v1 =	vadd.f32 v3, v5;
	v5 =	vld [tilespmem:s11+$0xFFFFFF90]  }
0xf0: {  	v3 =	vld [tilespmem:s22+$0x50]  }
0xf1: {  	v60 =	vld [tilespmem:s12+$0xFFFFFFA0]  }
0xf2: {  	v4 =	vld [tilespmem:s8+$0xFFFFFFC0];
	v2 =	vadd.f32 v11, v2;
	[tilespmem:s8+$0xFFFFFFB0] =	vst v1  }
0xf3: {  	v1 =	vld [tilespmem:s22+$0xFFFFFFC0]  }
0xf4: {  	[tilespmem:s10+$0x10] =	vst v2;
	v2 =	vld [tilespmem:s10+$0x20]  }
0xf5: {  	v5 =	vadd.f32 v5, v12;
	v3 =	vadd.f32 v3, v9;
	v9 =	vld [tilespmem:s11+$0x20]  }
0xf6: {  	v18 =	vld [tilespmem:s10+$0x60];
	v15 =	vadd.f32 v15, v16  }
0xf7: {  	v10 =	vld [tilespmem:s10+$0xFFFFFFA0];
	[tilespmem:s10+$0xFFFFFF90] =	vst v5  }
0xf8: {  	[tilespmem:s12+$0xFFFFFF80] =	vst v15;
	v1 =	vadd.f32 v1, v4;
	v4 =	vld [tilespmem:s11+$0xFFFFFFA0]  }
0xf9: {  	v15 =	vld [tilespmem:s2+$0xFFFFFF90]  }
0xfa: {  	v0 =	vld [tilespmem:s8+$0xFFFFFFF0];
	[tilespmem:s8+$0xFFFFFFC0] =	vst v1;
	v1 =	vadd.f32 v9, v2  }
0xfb: {  	v7 =	vld [tilespmem:s10+$0xFFFFFFB0]  }
0xfc: {  	v5 =	vld [tilespmem:s10+$0x30];
	[tilespmem:s10+$0x20] =	vst v1  }
0xfd: {  	v4 =	vadd.f32 v4, v10;
	v10 =	vld [tilespmem:s11+$0x30]  }
0xfe: {  	v2 =	vld [tilespmem:s22+$0xFFFFFFD0]  }
0xff: {  	v11 =	vld [tilespmem:s8+$0x60]  }
0x100: {  	v12 =	vld [tilespmem:s10+$0xFFFFFFC0];
	[tilespmem:s8+$0x50] =	vst v3  }
0x101: {  	v3 =	vld [tilespmem:s22+$0x60]  }
0x102: {  	[tilespmem:s10+$0xFFFFFFA0] =	vst v4;
	v4 =	vld [tilespmem:s12+$0x0];
	v5 =	vadd.f32 v10, v5  }
0x103: {  	v2 =	vadd.f32 v2, v6;
	v6 =	vld [tilespmem:s2+$0x0]  }
0x104: {  	v10 =	vld [tilespmem:s10+$0x40];
	[tilespmem:s10+$0x30] =	vst v5  }
0x105: {  	v5 =	vld [tilespmem:s11+$0x40]  }
0x106: {  	v9 =	vld [tilespmem:s8+$0x70];
	v3 =	vadd.f32 v3, v11  }
0x107: {  	v1 =	vld [tilespmem:s10+$0xFFFFFFE0]  }
0x108: {  	[tilespmem:s8+$0x60] =	vst v3;
	v3 =	vld [tilespmem:s11+$0xFFFFFFB0];
	v4 =	vadd.f32 v6, v4  }
0x109: {  	v6 =	vld [tilespmem:s12+$0xFFFFFF90]  }
0x10a: {  	[tilespmem:s12+$0x0] =	vst v4;
	v4 =	vld [tilespmem:s12+$0x10];
	v5 =	vadd.f32 v5, v10  }
0x10b: {  	v10 =	vld [tilespmem:s2+$0x10]  }
0x10c: {  	v11 =	vld [tilespmem:s22+$0x70];
	[tilespmem:s10+$0x40] =	vst v5  }
0x10d: {  	v3 =	vadd.f32 v3, v7;
	v7 =	vld [tilespmem:s11+$0x50]  }
0x10e: {  	[tilespmem:s8+$0xFFFFFFD0] =	vst v2;
	v2 =	vld [tilespmem:s10+$0xFFFFFFF0]  }
0x10f: {  	v14 =	vld [tilespmem:s22+$0xFFFFFFE0];
	[tilespmem:s10+$0xFFFFFFB0] =	vst v3;
	v6 =	vadd.f32 v15, v6  }
0x110: {  	v3 =	vadd.f32 v10, v4;
	v10 =	vld [tilespmem:s11+$0xFFFFFFC0]  }
0x111: {  	[tilespmem:s12+$0xFFFFFF90] =	vst v6;
	v6 =	vld [tilespmem:s12+$0xFFFFFFE0]  }
0x112: {  	v5 =	vld [tilespmem:s12+$0xFFFFFFB0];
	[tilespmem:s12+$0x10] =	vst v3;
	v3 =	vadd.f32 v7, v17  }
0x113: {  	v7 =	vld [tilespmem:s12+$0x20]  }
0x114: {  	v15 =	vld [tilespmem:s2+$0x20];
	[tilespmem:s10+$0x50] =	vst v3  }
0x115: {  	v10 =	vadd.f32 v10, v12;
	v12 =	vld [tilespmem:s11+$0x60]  }
0x116: {  	v61 =	vld [tilespmem:s2+$0xFFFFFFA0]  }
0x117: {  	v4 =	vld [tilespmem:s12+$0xFFFFFFC0];
	[tilespmem:s10+$0xFFFFFFC0] =	vst v10  }
0x118: {  	v10 =	vld [tilespmem:s11+$0xFFFFFFD0]  }
0x119: {  	v3 =	vld [tilespmem:s12+$0xFFFFFFD0];
	v7 =	vadd.f32 v15, v7  }
0x11a: {  	v15 =	vld [tilespmem:s10+$0x70];
	v12 =	vadd.f32 v12, v18  }
0x11b: {  	[tilespmem:s12+$0x20] =	vst v7;
	v7 =	vadd.f32 v14, v8;
	v14 =	vld [tilespmem:s12+$0x30]  }
0x11c: {  	v8 =	vadd.f32 v61, v60;
	v62 =	vld [tilespmem:s2+$0x30];
	[tilespmem:s10+$0x60] =	vst v12  }
0x11d: {  	[tilespmem:s8+$0xFFFFFFE0] =	vst v7;
	v7 =	vadd.f32 v10, v13;
	v63 =	vld [tilespmem:s11+$0x70]  }
0x11e: {  	[tilespmem:s12+$0xFFFFFFA0] =	vst v8;
	v8 =	vld [tilespmem:s22+$0xFFFFFFF0]  }
0x11f: {  	v12 =	vld [tilespmem:s2+$0xFFFFFFB0];
	[tilespmem:s10+$0xFFFFFFD0] =	vst v7  }
0x120: {  	v10 =	vadd.f32 v11, v9;
	v9 =	vld [tilespmem:s11+$0xFFFFFFE0]  }
0x121: {  	v7 =	vld [tilespmem:s12+$0xFFFFFFF0];
	v13 =	vadd.f32 v62, v14  }
0x122: {  	s0 =	simm.s32 $0x4;
	s13 =	simm.s32 $0xC980;
	s22 =	simm.s32 $0xA280;
	[tilespmem:s8+$0x70] =	vst v10;
	v10 =	vld [tilespmem:s12+$0x40];
	v11 =	vadd.f32 v63, v15  }
.LBB2_5:
0x123: {  	v14 =	vld [tilespmem:s22+$0x0];
	[tilespmem:s12+$0x30] =	vst v13;
	s2 =	sadd.s32 $0x100, s2;
	v8 =	vadd.f32 v8, v0;
	v0 =	vmov v2  }
0x124: {  	v13 =	vld [tilespmem:s2+$0x0];
	v12 =	vadd.f32 v12, v5;
	[tilespmem:s10+$0x70] =	vst v11  }
0x125: {  	s0 =	sadd.s32 $0x2, s0;
	v5 =	vld [tilespmem:s13+$0x40];
	v9 =	vadd.f32 v9, v1;
	[tilespmem:s8+$0xFFFFFFF0] =	vst v8;
	v1 =	vmov v6;
	s8 =	smov.u32 s10;
	s10 =	smov.u32 s12  }
0x126: {  	p0 =	slt.u32 s0, $0x4E;
	s12 =	smov.u32 s22;
	v6 =	vld [tilespmem:s2+$0xFFFFFF80];
	[tilespmem:s10+$0xFFFFFFB0] =	vst v12;
	v2 =	vmov v7  }
0x127: {  	v7 =	vld [tilespmem:s22+$0xFFFFFF80];
	[tilespmem:s8+$0xFFFFFFE0] =	vst v9  }
0x128: {  	v8 =	vld [tilespmem:s22+$0xFFFFFF90]  }
0x129: {  	v9 =	vld [tilespmem:s22+$0xFFFFFFA0];
	v11 =	vadd.f32 v13, v14  }
0x12a: {  	v5 =	vadd.f32 v5, v10;
	v10 =	vld [tilespmem:s10+$0x50]  }
0x12b: {  	[tilespmem:s22+$0x0] =	vst v11;
	v11 =	vld [tilespmem:s22+$0x10]  }
0x12c: {  	v6 =	vadd.f32 v6, v7;
	v7 =	vld [tilespmem:s2+$0x10];
	[tilespmem:s10+$0x40] =	vst v5  }
0x12d: {  	v12 =	vld [tilespmem:s13+$0x50]  }
0x12e: {  	[tilespmem:s22+$0xFFFFFF80] =	vst v6;
	v5 =	vld [tilespmem:s22+$0xFFFFFFB0]  }
0x12f: {  	v6 =	vld [tilespmem:s2+$0xFFFFFF90]  }
0x130: {  	v13 =	vld [tilespmem:s13+$0xFFFFFFC0]  }
0x131: {  	v14 =	vld [tilespmem:s22+$0xFFFFFFC0];
	v7 =	vadd.f32 v7, v11  }
0x132: {  	v10 =	vadd.f32 v12, v10;
	v11 =	vld [tilespmem:s10+$0x60]  }
0x133: {  	[tilespmem:s22+$0x10] =	vst v7;
	v7 =	vld [tilespmem:s22+$0x20]  }
0x134: {  	v6 =	vadd.f32 v6, v8;
	v8 =	vld [tilespmem:s2+$0x20];
	[tilespmem:s10+$0x50] =	vst v10  }
0x135: {  	v10 =	vadd.f32 v13, v4;
	v12 =	vld [tilespmem:s13+$0x60]  }
0x136: {  	[tilespmem:s22+$0xFFFFFF90] =	vst v6;
	v13 =	vld [tilespmem:s22+$0xFFFFFFD0];
	v4 =	vmov v14  }
0x137: {  	v14 =	vld [tilespmem:s2+$0xFFFFFFA0];
	[tilespmem:s10+$0xFFFFFFC0] =	vst v10  }
0x138: {  	v10 =	vld [tilespmem:s13+$0xFFFFFFD0]  }
0x139: {  	v6 =	vld [tilespmem:s22+$0xFFFFFFE0];
	v7 =	vadd.f32 v8, v7  }
0x13a: {  	v8 =	vadd.f32 v12, v11;
	v11 =	vld [tilespmem:s10+$0x70]  }
0x13b: {  	[tilespmem:s22+$0x20] =	vst v7;
	v15 =	vld [tilespmem:s22+$0x30]  }
0x13c: {  	v7 =	vadd.f32 v14, v9;
	v14 =	vld [tilespmem:s2+$0x30];
	[tilespmem:s10+$0x60] =	vst v8  }
0x13d: {  	v9 =	vadd.f32 v10, v3;
	v16 =	vld [tilespmem:s13+$0x70];
	v3 =	vmov v13  }
.Ltmp1:
0x13e: {  	[tilespmem:s22+$0xFFFFFFA0] =	vst v7;
	v8 =	vld [tilespmem:s11+$0xFFFFFFF0];
	s11 =	smov.u32 s13;
	s13 =	smov.u32 s2;
	(pc) =	sbr.rel @p0 .LBB2_5-.Ltmp1, $4  }
0x13f: {  	v12 =	vld [tilespmem:s2+$0xFFFFFFB0];
	[tilespmem:s10+$0xFFFFFFD0] =	vst v9  }
0x140: {  	v9 =	vld [tilespmem:s11+$0xFFFFFFE0]  }
0x141: {  	v7 =	vld [tilespmem:s22+$0xFFFFFFF0];
	v13 =	vadd.f32 v14, v15  }
0x142: {  	s22 =	sadd.s32 $0x100, s22;
	v10 =	vld [tilespmem:s12+$0x40];
	v11 =	vadd.f32 v16, v11  }
0x143: {  	_ = 	snop  }
0x144: {  	[tilespmem:s12+$0x30] =	vst v13;
	v5 =	vadd.f32 v12, v5  }
0x145: {  	v12 =	vld [tilespmem:s13+$0x40]  }
0x146: {  	[tilespmem:s12+$0xFFFFFFB0] =	vst v5  }
0x147: {  	v5 =	vld [tilespmem:s13+$0xFFFFFFC0];
	_ =	sdelay $0x2  }
0x148: {  	v10 =	vadd.f32 v12, v10;
	_ =	sdelay $0x1  }
0x149: {  	v12 =	vld [tilespmem:s12+$0x50];
	[tilespmem:s12+$0x40] =	vst v10;
	v4 =	vadd.f32 v5, v4  }
0x14a: {  	v5 =	vld [tilespmem:s13+$0x50]  }
0x14b: {  	[tilespmem:s12+$0xFFFFFFC0] =	vst v4  }
0x14c: {  	v4 =	vld [tilespmem:s13+$0xFFFFFFD0];
	_ =	sdelay $0x2  }
0x14d: {  	v5 =	vadd.f32 v5, v12;
	_ =	sdelay $0x1  }
0x14e: {  	v10 =	vld [tilespmem:s12+$0x60];
	[tilespmem:s12+$0x50] =	vst v5;
	v3 =	vadd.f32 v4, v3  }
0x14f: {  	v4 =	vld [tilespmem:s13+$0x60]  }
0x150: {  	[tilespmem:s12+$0xFFFFFFD0] =	vst v3  }
0x151: {  	v3 =	vld [tilespmem:s13+$0xFFFFFFE0];
	_ =	sdelay $0x2  }
0x152: {  	v4 =	vadd.f32 v4, v10  }
0x153: {  	v1 =	vadd.f32 v9, v1  }
0x154: {  	v5 =	vld [tilespmem:s12+$0x70];
	[tilespmem:s12+$0x60] =	vst v4;
	v3 =	vadd.f32 v3, v6  }
0x155: {  	[tilespmem:s10+$0xFFFFFFE0] =	vst v1;
	v1 =	vld [tilespmem:s13+$0x70]  }
0x156: {  	v4 =	vld [tilespmem:s11+$0xFFFFFFF0];
	[tilespmem:s12+$0xFFFFFFE0] =	vst v3  }
0x157: {  	v3 =	vld [tilespmem:s13+$0xFFFFFFF0];
	_ =	sdelay $0x1  }
0x158: {  	v0 =	vadd.f32 v8, v0  }
0x159: {  	[tilespmem:s10+$0x70] =	vst v11;
	v1 =	vadd.f32 v1, v5  }
0x15a: {  	[tilespmem:s8+$0xFFFFFFF0] =	vst v0;
	v0 =	vadd.f32 v4, v2  }
0x15b: {  	s0 =	sadd.s32 s7, s9;
	[tilespmem:s12+$0x70] =	vst v1;
	v1 =	vadd.f32 v3, v7  }
0x15c: {  	s0 =	sshll.u32 s0, $0x4;
	[tilespmem:s10+$0xFFFFFFF0] =	vst v0  }
0x15d: {  	s0 =	sadd.s32 s6, s0;
	[tilespmem:s12+$0xFFFFFFF0] =	vst v1  }
0x15e: {  	[hbm4b:s0+s4] =	stream.linear.scatter [tilespmem:s18], [sflag:$0x6], $0x2800, $0x38;
	[tilespmem:$0x13F00] =	vst v63  }
0x15f: {  	_ =	swait.ge [sflag:s29], $0x2800  }
0x160: {  	[sflag:s29] =	ssyncset.done $0x0  }
0x161: {  	s12 =	sadd.s32 $0x140, s7;
	[sflag:s29] =	ssyncadd.s32 $0xFFFFD800  }
0x162: {  	[tilespmem:s18], [sflag:$0x4] =	stream.indirect.gather [hbm4b:s1+s15], $0x80, s12, s15, $0xb8;
	[tilespmem:$0x13F00] =	vst v63  }
0x163: {  	s13 =	sadd.s32 $0x28C0, s7  }
0x164: {  	[tilespmem:s20], [sflag:$0x5] =	stream.indirect.gather [hbm4b:s3+s15], $0x80, s13, s15, $0xb8;
	[tilespmem:$0x13F00] =	vst v63  }
0x165: {  	_ =	swait.ge [sflag:s30], $0x2800  }
0x166: {  	[sflag:s30] =	ssyncset.done $0x0  }
0x167: {  	[sflag:s30] =	ssyncadd.s32 $0xFFFFD800  }
0x168: {  	_ =	swait.ge [sflag:s31], $0x2800  }
0x169: {  	[sflag:s31] =	ssyncset.done $0x0  }
0x16a: {  	s7 =	simm.s32 $0xEF80;
	[sflag:s31] =	ssyncadd.s32 $0xFFFFD800  }
0x16b: {  	s22 =	simm.s32 $0x11780;
	v0 =	vld [tilespmem:s7+$0x0]  }
0x16c: {  	v1 =	vld [tilespmem:s22+$0x0];
	_ =	sdelay $0x3  }
0x16d: {  	v2 =	vld [tilespmem:s7+$0xFFFFFF80]  }
0x16e: {  	v0 =	vadd.f32 v1, v0;
	v1 =	vld [tilespmem:s22+$0xFFFFFF80];
	_ =	sdelay $0x1  }
0x16f: {  	[tilespmem:s7+$0x0] =	vst v0;
	v0 =	vld [tilespmem:s7+$0x10]  }
0x170: {  	v3 =	vld [tilespmem:s22+$0x10];
	_ =	sdelay $0x1  }
0x171: {  	v1 =	vadd.f32 v1, v2;
	_ =	sdelay $0x1  }
0x172: {  	v4 =	vld [tilespmem:s7+$0xFFFFFF90];
	[tilespmem:s7+$0xFFFFFF80] =	vst v1  }
0x173: {  	v0 =	vadd.f32 v3, v0;
	v1 =	vld [tilespmem:s22+$0xFFFFFF90];
	_ =	sdelay $0x1  }
0x174: {  	[tilespmem:s7+$0x10] =	vst v0;
	v0 =	vld [tilespmem:s7+$0x20]  }
0x175: {  	v3 =	vld [tilespmem:s22+$0x20]  }
0x176: {  	v5 =	vld [tilespmem:s7+$0xFFFFFFB0]  }
0x177: {  	s8 =	simm.s32 $0xF080;
	v6 =	vld [tilespmem:s7+$0xFFFFFFD0];
	v1 =	vadd.f32 v1, v4  }
0x178: {  	v7 =	vld [tilespmem:s8+$0x0]  }
0x179: {  	v2 =	vld [tilespmem:s7+$0xFFFFFFA0];
	[tilespmem:s7+$0xFFFFFF90] =	vst v1  }
0x17a: {  	v0 =	vadd.f32 v3, v0;
	v1 =	vld [tilespmem:s22+$0xFFFFFFA0]  }
0x17b: {  	v8 =	vld [tilespmem:s7+$0xFFFFFFE0]  }
0x17c: {  	[tilespmem:s7+$0x20] =	vst v0;
	v0 =	vld [tilespmem:s7+$0x30]  }
0x17d: {  	s10 =	simm.s32 $0x11880;
	v3 =	vld [tilespmem:s22+$0x30]  }
0x17e: {  	v10 =	vld [tilespmem:s10+$0xFFFFFF80]  }
0x17f: {  	v1 =	vadd.f32 v1, v2;
	v2 =	vld [tilespmem:s10+$0x0]  }
0x180: {  	v12 =	vld [tilespmem:s8+$0xFFFFFF90]  }
0x181: {  	s2 =	simm.s32 $0x11980;
	v13 =	vld [tilespmem:s8+$0xFFFFFFD0]  }
0x182: {  	v15 =	vld [tilespmem:s2+$0xFFFFFF80];
	v0 =	vadd.f32 v3, v0  }
0x183: {  	[tilespmem:s7+$0xFFFFFFA0] =	vst v1;
	v1 =	vld [tilespmem:s7+$0x40]  }
0x184: {  	[tilespmem:s7+$0x30] =	vst v0;
	v2 =	vadd.f32 v2, v7;
	v7 =	vld [tilespmem:s8+$0xFFFFFF80]  }
0x185: {  	s11 =	simm.s32 $0xF180;
	v9 =	vld [tilespmem:s22+$0x40]  }
0x186: {  	v16 =	vld [tilespmem:s11+$0xFFFFFF80]  }
0x187: {  	v3 =	vld [tilespmem:s22+$0xFFFFFFB0]  }
0x188: {  	v17 =	vld [tilespmem:s8+$0x50]  }
0x189: {  	[tilespmem:s8+$0x0] =	vst v2;
	v2 =	vld [tilespmem:s8+$0x10];
	v7 =	vadd.f32 v10, v7  }
0x18a: {  	v11 =	vld [tilespmem:s10+$0x10];
	v1 =	vadd.f32 v9, v1  }
0x18b: {  	v9 =	vld [tilespmem:s7+$0x50];
	[tilespmem:s8+$0xFFFFFF80] =	vst v7  }
0x18c: {  	[tilespmem:s7+$0x40] =	vst v1;
	v1 =	vadd.f32 v3, v5;
	v5 =	vld [tilespmem:s10+$0xFFFFFF90]  }
0x18d: {  	v3 =	vld [tilespmem:s22+$0x50]  }
0x18e: {  	v60 =	vld [tilespmem:s11+$0xFFFFFFA0]  }
0x18f: {  	v4 =	vld [tilespmem:s7+$0xFFFFFFC0];
	v2 =	vadd.f32 v11, v2;
	[tilespmem:s7+$0xFFFFFFB0] =	vst v1  }
0x190: {  	v1 =	vld [tilespmem:s22+$0xFFFFFFC0]  }
0x191: {  	[tilespmem:s8+$0x10] =	vst v2;
	v2 =	vld [tilespmem:s8+$0x20]  }
0x192: {  	v5 =	vadd.f32 v5, v12;
	v3 =	vadd.f32 v3, v9;
	v9 =	vld [tilespmem:s10+$0x20]  }
0x193: {  	v18 =	vld [tilespmem:s8+$0x60];
	v15 =	vadd.f32 v15, v16  }
0x194: {  	v10 =	vld [tilespmem:s8+$0xFFFFFFA0];
	[tilespmem:s8+$0xFFFFFF90] =	vst v5  }
0x195: {  	[tilespmem:s11+$0xFFFFFF80] =	vst v15;
	v1 =	vadd.f32 v1, v4;
	v4 =	vld [tilespmem:s10+$0xFFFFFFA0]  }
0x196: {  	v15 =	vld [tilespmem:s2+$0xFFFFFF90]  }
0x197: {  	v0 =	vld [tilespmem:s7+$0xFFFFFFF0];
	[tilespmem:s7+$0xFFFFFFC0] =	vst v1;
	v1 =	vadd.f32 v9, v2  }
0x198: {  	v7 =	vld [tilespmem:s8+$0xFFFFFFB0]  }
0x199: {  	v5 =	vld [tilespmem:s8+$0x30];
	[tilespmem:s8+$0x20] =	vst v1  }
0x19a: {  	v4 =	vadd.f32 v4, v10;
	v10 =	vld [tilespmem:s10+$0x30]  }
0x19b: {  	v2 =	vld [tilespmem:s22+$0xFFFFFFD0]  }
0x19c: {  	v11 =	vld [tilespmem:s7+$0x60]  }
0x19d: {  	v12 =	vld [tilespmem:s8+$0xFFFFFFC0];
	[tilespmem:s7+$0x50] =	vst v3  }
0x19e: {  	v3 =	vld [tilespmem:s22+$0x60]  }
0x19f: {  	[tilespmem:s8+$0xFFFFFFA0] =	vst v4;
	v4 =	vld [tilespmem:s11+$0x0];
	v5 =	vadd.f32 v10, v5  }
0x1a0: {  	v2 =	vadd.f32 v2, v6;
	v6 =	vld [tilespmem:s2+$0x0]  }
0x1a1: {  	v10 =	vld [tilespmem:s8+$0x40];
	[tilespmem:s8+$0x30] =	vst v5  }
0x1a2: {  	v5 =	vld [tilespmem:s10+$0x40]  }
0x1a3: {  	v9 =	vld [tilespmem:s7+$0x70];
	v3 =	vadd.f32 v3, v11  }
0x1a4: {  	v1 =	vld [tilespmem:s8+$0xFFFFFFE0]  }
0x1a5: {  	[tilespmem:s7+$0x60] =	vst v3;
	v3 =	vld [tilespmem:s10+$0xFFFFFFB0];
	v4 =	vadd.f32 v6, v4  }
0x1a6: {  	v6 =	vld [tilespmem:s11+$0xFFFFFF90]  }
0x1a7: {  	[tilespmem:s11+$0x0] =	vst v4;
	v4 =	vld [tilespmem:s11+$0x10];
	v5 =	vadd.f32 v5, v10  }
0x1a8: {  	v10 =	vld [tilespmem:s2+$0x10]  }
0x1a9: {  	v11 =	vld [tilespmem:s22+$0x70];
	[tilespmem:s8+$0x40] =	vst v5  }
0x1aa: {  	v3 =	vadd.f32 v3, v7;
	v7 =	vld [tilespmem:s10+$0x50]  }
0x1ab: {  	[tilespmem:s7+$0xFFFFFFD0] =	vst v2;
	v2 =	vld [tilespmem:s8+$0xFFFFFFF0]  }
0x1ac: {  	v14 =	vld [tilespmem:s22+$0xFFFFFFE0];
	[tilespmem:s8+$0xFFFFFFB0] =	vst v3;
	v6 =	vadd.f32 v15, v6  }
0x1ad: {  	v3 =	vadd.f32 v10, v4;
	v10 =	vld [tilespmem:s10+$0xFFFFFFC0]  }
0x1ae: {  	[tilespmem:s11+$0xFFFFFF90] =	vst v6;
	v6 =	vld [tilespmem:s11+$0xFFFFFFE0]  }
0x1af: {  	v5 =	vld [tilespmem:s11+$0xFFFFFFB0];
	[tilespmem:s11+$0x10] =	vst v3;
	v3 =	vadd.f32 v7, v17  }
0x1b0: {  	v7 =	vld [tilespmem:s11+$0x20]  }
0x1b1: {  	v15 =	vld [tilespmem:s2+$0x20];
	[tilespmem:s8+$0x50] =	vst v3  }
0x1b2: {  	v10 =	vadd.f32 v10, v12;
	v12 =	vld [tilespmem:s10+$0x60]  }
0x1b3: {  	v61 =	vld [tilespmem:s2+$0xFFFFFFA0]  }
0x1b4: {  	v4 =	vld [tilespmem:s11+$0xFFFFFFC0];
	[tilespmem:s8+$0xFFFFFFC0] =	vst v10  }
0x1b5: {  	v10 =	vld [tilespmem:s10+$0xFFFFFFD0]  }
0x1b6: {  	v3 =	vld [tilespmem:s11+$0xFFFFFFD0];
	v7 =	vadd.f32 v15, v7  }
0x1b7: {  	v15 =	vld [tilespmem:s8+$0x70];
	v12 =	vadd.f32 v12, v18  }
0x1b8: {  	[tilespmem:s11+$0x20] =	vst v7;
	v7 =	vadd.f32 v14, v8;
	v14 =	vld [tilespmem:s11+$0x30]  }
0x1b9: {  	v8 =	vadd.f32 v61, v60;
	v62 =	vld [tilespmem:s2+$0x30];
	[tilespmem:s8+$0x60] =	vst v12  }
0x1ba: {  	[tilespmem:s7+$0xFFFFFFE0] =	vst v7;
	v7 =	vadd.f32 v10, v13;
	v63 =	vld [tilespmem:s10+$0x70]  }
0x1bb: {  	[tilespmem:s11+$0xFFFFFFA0] =	vst v8;
	v8 =	vld [tilespmem:s22+$0xFFFFFFF0]  }
0x1bc: {  	v12 =	vld [tilespmem:s2+$0xFFFFFFB0];
	[tilespmem:s8+$0xFFFFFFD0] =	vst v7  }
0x1bd: {  	v10 =	vadd.f32 v11, v9;
	v9 =	vld [tilespmem:s10+$0xFFFFFFE0]  }
0x1be: {  	v7 =	vld [tilespmem:s11+$0xFFFFFFF0];
	v13 =	vadd.f32 v62, v14  }
0x1bf: {  	s0 =	simm.s32 $0x4;
	s12 =	simm.s32 $0x11980;
	s13 =	simm.s32 $0xF280;
	[tilespmem:s7+$0x70] =	vst v10;
	v10 =	vld [tilespmem:s11+$0x40];
	v11 =	vadd.f32 v63, v15  }
.LBB2_7:
0x1c0: {  	v14 =	vld [tilespmem:s13+$0x0];
	[tilespmem:s11+$0x30] =	vst v13;
	s2 =	sadd.s32 $0x100, s2;
	v8 =	vadd.f32 v8, v0;
	v0 =	vmov v2  }
0x1c1: {  	v13 =	vld [tilespmem:s2+$0x0];
	v12 =	vadd.f32 v12, v5;
	[tilespmem:s8+$0x70] =	vst v11  }
0x1c2: {  	s0 =	sadd.s32 $0x2, s0;
	v5 =	vld [tilespmem:s12+$0x40];
	v9 =	vadd.f32 v9, v1;
	[tilespmem:s7+$0xFFFFFFF0] =	vst v8;
	v1 =	vmov v6;
	s7 =	smov.u32 s8;
	s8 =	smov.u32 s11  }
0x1c3: {  	p0 =	slt.u32 s0, $0x4E;
	s11 =	smov.u32 s13;
	v6 =	vld [tilespmem:s2+$0xFFFFFF80];
	[tilespmem:s8+$0xFFFFFFB0] =	vst v12;
	v2 =	vmov v7  }
0x1c4: {  	v7 =	vld [tilespmem:s13+$0xFFFFFF80];
	[tilespmem:s7+$0xFFFFFFE0] =	vst v9  }
0x1c5: {  	v8 =	vld [tilespmem:s13+$0xFFFFFF90]  }
0x1c6: {  	v9 =	vld [tilespmem:s13+$0xFFFFFFA0];
	v11 =	vadd.f32 v13, v14  }
0x1c7: {  	v5 =	vadd.f32 v5, v10;
	v10 =	vld [tilespmem:s8+$0x50]  }
0x1c8: {  	[tilespmem:s13+$0x0] =	vst v11;
	v11 =	vld [tilespmem:s13+$0x10]  }
0x1c9: {  	v6 =	vadd.f32 v6, v7;
	v7 =	vld [tilespmem:s2+$0x10];
	[tilespmem:s8+$0x40] =	vst v5  }
0x1ca: {  	v12 =	vld [tilespmem:s12+$0x50]  }
0x1cb: {  	[tilespmem:s13+$0xFFFFFF80] =	vst v6;
	v5 =	vld [tilespmem:s13+$0xFFFFFFB0]  }
0x1cc: {  	v6 =	vld [tilespmem:s2+$0xFFFFFF90]  }
0x1cd: {  	v13 =	vld [tilespmem:s12+$0xFFFFFFC0]  }
0x1ce: {  	v14 =	vld [tilespmem:s13+$0xFFFFFFC0];
	v7 =	vadd.f32 v7, v11  }
0x1cf: {  	v10 =	vadd.f32 v12, v10;
	v11 =	vld [tilespmem:s8+$0x60]  }
0x1d0: {  	[tilespmem:s13+$0x10] =	vst v7;
	v7 =	vld [tilespmem:s13+$0x20]  }
0x1d1: {  	v6 =	vadd.f32 v6, v8;
	v8 =	vld [tilespmem:s2+$0x20];
	[tilespmem:s8+$0x50] =	vst v10  }
0x1d2: {  	v10 =	vadd.f32 v13, v4;
	v12 =	vld [tilespmem:s12+$0x60]  }
0x1d3: {  	[tilespmem:s13+$0xFFFFFF90] =	vst v6;
	v13 =	vld [tilespmem:s13+$0xFFFFFFD0];
	v4 =	vmov v14  }
0x1d4: {  	v14 =	vld [tilespmem:s2+$0xFFFFFFA0];
	[tilespmem:s8+$0xFFFFFFC0] =	vst v10  }
0x1d5: {  	v10 =	vld [tilespmem:s12+$0xFFFFFFD0]  }
0x1d6: {  	v6 =	vld [tilespmem:s13+$0xFFFFFFE0];
	v7 =	vadd.f32 v8, v7  }
0x1d7: {  	v8 =	vadd.f32 v12, v11;
	v11 =	vld [tilespmem:s8+$0x70]  }
0x1d8: {  	[tilespmem:s13+$0x20] =	vst v7;
	v15 =	vld [tilespmem:s13+$0x30]  }
0x1d9: {  	v7 =	vadd.f32 v14, v9;
	v14 =	vld [tilespmem:s2+$0x30];
	[tilespmem:s8+$0x60] =	vst v8  }
0x1da: {  	v9 =	vadd.f32 v10, v3;
	v16 =	vld [tilespmem:s12+$0x70];
	v3 =	vmov v13  }
.Ltmp2:
0x1db: {  	[tilespmem:s13+$0xFFFFFFA0] =	vst v7;
	v8 =	vld [tilespmem:s10+$0xFFFFFFF0];
	s10 =	smov.u32 s12;
	s12 =	smov.u32 s2;
	(pc) =	sbr.rel @p0 .LBB2_7-.Ltmp2, $4  }
0x1dc: {  	v12 =	vld [tilespmem:s2+$0xFFFFFFB0];
	[tilespmem:s8+$0xFFFFFFD0] =	vst v9  }
0x1dd: {  	v9 =	vld [tilespmem:s10+$0xFFFFFFE0]  }
0x1de: {  	v7 =	vld [tilespmem:s13+$0xFFFFFFF0];
	v13 =	vadd.f32 v14, v15  }
0x1df: {  	s13 =	sadd.s32 $0x100, s13;
	v10 =	vld [tilespmem:s11+$0x40];
	v11 =	vadd.f32 v16, v11  }
0x1e0: {  	_ = 	snop  }
0x1e1: {  	v5 =	vadd.f32 v12, v5  }
0x1e2: {  	[tilespmem:s11+$0x30] =	vst v13  }
0x1e3: {  	v54 =	vld [tilespmem:s12+$0x40];
	[tilespmem:s11+$0xFFFFFFB0] =	vst v5  }
0x1e4: {  	v5 =	vld [tilespmem:s12+$0xFFFFFFC0];
	_ =	sdelay $0x3  }
0x1e5: {  	v10 =	vadd.f32 v54, v10  }
0x1e6: {  	v4 =	vadd.f32 v5, v4  }
0x1e7: {  	v55 =	vld [tilespmem:s11+$0x50];
	[tilespmem:s11+$0x40] =	vst v10  }
0x1e8: {  	v56 =	vld [tilespmem:s12+$0x50];
	[tilespmem:s11+$0xFFFFFFC0] =	vst v4  }
0x1e9: {  	v4 =	vld [tilespmem:s12+$0xFFFFFFD0];
	_ =	sdelay $0x3  }
0x1ea: {  	v5 =	vadd.f32 v56, v55  }
0x1eb: {  	v3 =	vadd.f32 v4, v3  }
0x1ec: {  	v57 =	vld [tilespmem:s11+$0x60];
	[tilespmem:s11+$0x50] =	vst v5  }
0x1ed: {  	v58 =	vld [tilespmem:s12+$0x60];
	[tilespmem:s11+$0xFFFFFFD0] =	vst v3  }
0x1ee: {  	v3 =	vld [tilespmem:s12+$0xFFFFFFE0];
	_ =	sdelay $0x2  }
0x1ef: {  	v1 =	vadd.f32 v9, v1  }
0x1f0: {  	v4 =	vadd.f32 v58, v57  }
0x1f1: {  	v59 =	vld [tilespmem:s11+$0x70];
	[tilespmem:s8+$0xFFFFFFE0] =	vst v1;
	v3 =	vadd.f32 v3, v6  }
0x1f2: {  	v61 =	vld [tilespmem:s10+$0xFFFFFFF0];
	[tilespmem:s11+$0x60] =	vst v4  }
0x1f3: {  	v60 =	vld [tilespmem:s12+$0x70];
	[tilespmem:s11+$0xFFFFFFE0] =	vst v3  }
0x1f4: {  	v3 =	vld [tilespmem:s12+$0xFFFFFFF0];
	_ =	sdelay $0x1  }
0x1f5: {  	v0 =	vadd.f32 v8, v0;
	s19 =	sadd.s32 $0x1, s19  }
0x1f6: {  	[tilespmem:s8+$0x70] =	vst v11;
	p0 =	sne.s32 s19, $0x29;
	v62 =	vadd.f32 v61, v2  }
.Ltmp3:
0x1f7: {  	[tilespmem:s7+$0xFFFFFFF0] =	vst v0;
	v1 =	vadd.f32 v60, v59;
	(pc) =	sbr.rel @p0 .LBB2_2-.Ltmp3, $4  }
0x1f8: {  	s0 =	sadd.s32 s5, s14;
	[tilespmem:s8+$0xFFFFFFF0] =	vst v62;
	v63 =	vadd.f32 v3, v7  }
0x1f9: {  	s0 =	sshll.u32 s0, $0x4;
	[tilespmem:s11+$0x70] =	vst v1  }
0x1fa: {  	s0 =	sadd.s32 s6, s0;
	[tilespmem:s11+$0xFFFFFFF0] =	vst v63  }
0x1fb: {  	[hbm4b:s0+s4] =	stream.linear.scatter [tilespmem:s21], [sflag:$0x9], $0x2800, $0x38;
	[tilespmem:$0x13F00] =	vst v63  }
0x1fc: {  	_ =	swait.ge [sflag:s23], $0x2800  }
0x1fd: {  	[sflag:s23] =	ssyncset.done $0x0  }
0x1fe: {  	[sflag:s23] =	ssyncadd.s32 $0xFFFFD800  }
0x1ff: {  	_ =	swait.ge [sflag:s24], $0x2800  }
0x200: {  	[sflag:s24] =	ssyncset.done $0x0  }
0x201: {  	s7 =	simm.s32 $0x4F80;
	[sflag:s24] =	ssyncadd.s32 $0xFFFFD800  }
0x202: {  	s12 =	simm.s32 $0x7780;
	v0 =	vld [tilespmem:s7+$0x0]  }
0x203: {  	v1 =	vld [tilespmem:s12+$0x0];
	_ =	sdelay $0x3  }
0x204: {  	v2 =	vld [tilespmem:s7+$0xFFFFFF80]  }
0x205: {  	v0 =	vadd.f32 v1, v0;
	v1 =	vld [tilespmem:s12+$0xFFFFFF80];
	_ =	sdelay $0x1  }
0x206: {  	[tilespmem:s7+$0x0] =	vst v0;
	v0 =	vld [tilespmem:s7+$0x10]  }
0x207: {  	v3 =	vld [tilespmem:s12+$0x10];
	_ =	sdelay $0x1  }
0x208: {  	v1 =	vadd.f32 v1, v2;
	_ =	sdelay $0x1  }
0x209: {  	v4 =	vld [tilespmem:s7+$0xFFFFFF90];
	[tilespmem:s7+$0xFFFFFF80] =	vst v1  }
0x20a: {  	v0 =	vadd.f32 v3, v0;
	v1 =	vld [tilespmem:s12+$0xFFFFFF90];
	_ =	sdelay $0x1  }
0x20b: {  	[tilespmem:s7+$0x10] =	vst v0;
	v0 =	vld [tilespmem:s7+$0x20]  }
0x20c: {  	v3 =	vld [tilespmem:s12+$0x20]  }
0x20d: {  	v5 =	vld [tilespmem:s7+$0xFFFFFFB0]  }
0x20e: {  	s8 =	simm.s32 $0x5080;
	v6 =	vld [tilespmem:s7+$0xFFFFFFD0];
	v1 =	vadd.f32 v1, v4  }
0x20f: {  	v7 =	vld [tilespmem:s8+$0x0]  }
0x210: {  	v2 =	vld [tilespmem:s7+$0xFFFFFFA0];
	[tilespmem:s7+$0xFFFFFF90] =	vst v1  }
0x211: {  	v0 =	vadd.f32 v3, v0;
	v1 =	vld [tilespmem:s12+$0xFFFFFFA0]  }
0x212: {  	v8 =	vld [tilespmem:s7+$0xFFFFFFE0]  }
0x213: {  	[tilespmem:s7+$0x20] =	vst v0;
	v0 =	vld [tilespmem:s7+$0x30]  }
0x214: {  	s10 =	simm.s32 $0x7880;
	v3 =	vld [tilespmem:s12+$0x30]  }
0x215: {  	v10 =	vld [tilespmem:s10+$0xFFFFFF80]  }
0x216: {  	v1 =	vadd.f32 v1, v2;
	v2 =	vld [tilespmem:s10+$0x0]  }
0x217: {  	v12 =	vld [tilespmem:s8+$0xFFFFFF90]  }
0x218: {  	s2 =	simm.s32 $0x7980;
	v13 =	vld [tilespmem:s8+$0xFFFFFFD0]  }
0x219: {  	v15 =	vld [tilespmem:s2+$0xFFFFFF80];
	v0 =	vadd.f32 v3, v0  }
0x21a: {  	[tilespmem:s7+$0xFFFFFFA0] =	vst v1;
	v1 =	vld [tilespmem:s7+$0x40]  }
0x21b: {  	[tilespmem:s7+$0x30] =	vst v0;
	v2 =	vadd.f32 v2, v7;
	v7 =	vld [tilespmem:s8+$0xFFFFFF80]  }
0x21c: {  	s11 =	simm.s32 $0x5180;
	v9 =	vld [tilespmem:s12+$0x40]  }
0x21d: {  	v16 =	vld [tilespmem:s11+$0xFFFFFF80]  }
0x21e: {  	v3 =	vld [tilespmem:s12+$0xFFFFFFB0]  }
0x21f: {  	v17 =	vld [tilespmem:s8+$0x50]  }
0x220: {  	[tilespmem:s8+$0x0] =	vst v2;
	v2 =	vld [tilespmem:s8+$0x10];
	v7 =	vadd.f32 v10, v7  }
0x221: {  	v11 =	vld [tilespmem:s10+$0x10];
	v1 =	vadd.f32 v9, v1  }
0x222: {  	v9 =	vld [tilespmem:s7+$0x50];
	[tilespmem:s8+$0xFFFFFF80] =	vst v7  }
0x223: {  	[tilespmem:s7+$0x40] =	vst v1;
	v1 =	vadd.f32 v3, v5;
	v5 =	vld [tilespmem:s10+$0xFFFFFF90]  }
0x224: {  	v3 =	vld [tilespmem:s12+$0x50]  }
0x225: {  	v60 =	vld [tilespmem:s11+$0xFFFFFFA0]  }
0x226: {  	v4 =	vld [tilespmem:s7+$0xFFFFFFC0];
	v2 =	vadd.f32 v11, v2;
	[tilespmem:s7+$0xFFFFFFB0] =	vst v1  }
0x227: {  	v1 =	vld [tilespmem:s12+$0xFFFFFFC0]  }
0x228: {  	[tilespmem:s8+$0x10] =	vst v2;
	v2 =	vld [tilespmem:s8+$0x20]  }
0x229: {  	v5 =	vadd.f32 v5, v12;
	v3 =	vadd.f32 v3, v9;
	v9 =	vld [tilespmem:s10+$0x20]  }
0x22a: {  	v18 =	vld [tilespmem:s8+$0x60];
	v15 =	vadd.f32 v15, v16  }
0x22b: {  	v10 =	vld [tilespmem:s8+$0xFFFFFFA0];
	[tilespmem:s8+$0xFFFFFF90] =	vst v5  }
0x22c: {  	[tilespmem:s11+$0xFFFFFF80] =	vst v15;
	v1 =	vadd.f32 v1, v4;
	v4 =	vld [tilespmem:s10+$0xFFFFFFA0]  }
0x22d: {  	v15 =	vld [tilespmem:s2+$0xFFFFFF90]  }
0x22e: {  	v0 =	vld [tilespmem:s7+$0xFFFFFFF0];
	[tilespmem:s7+$0xFFFFFFC0] =	vst v1;
	v1 =	vadd.f32 v9, v2  }
0x22f: {  	v7 =	vld [tilespmem:s8+$0xFFFFFFB0]  }
0x230: {  	v5 =	vld [tilespmem:s8+$0x30];
	[tilespmem:s8+$0x20] =	vst v1  }
0x231: {  	v4 =	vadd.f32 v4, v10;
	v10 =	vld [tilespmem:s10+$0x30]  }
0x232: {  	v2 =	vld [tilespmem:s12+$0xFFFFFFD0]  }
0x233: {  	v11 =	vld [tilespmem:s7+$0x60]  }
0x234: {  	v12 =	vld [tilespmem:s8+$0xFFFFFFC0];
	[tilespmem:s7+$0x50] =	vst v3  }
0x235: {  	v3 =	vld [tilespmem:s12+$0x60]  }
0x236: {  	[tilespmem:s8+$0xFFFFFFA0] =	vst v4;
	v4 =	vld [tilespmem:s11+$0x0];
	v5 =	vadd.f32 v10, v5  }
0x237: {  	v2 =	vadd.f32 v2, v6;
	v6 =	vld [tilespmem:s2+$0x0]  }
0x238: {  	v10 =	vld [tilespmem:s8+$0x40];
	[tilespmem:s8+$0x30] =	vst v5  }
0x239: {  	v5 =	vld [tilespmem:s10+$0x40]  }
0x23a: {  	v9 =	vld [tilespmem:s7+$0x70];
	v3 =	vadd.f32 v3, v11  }
0x23b: {  	v1 =	vld [tilespmem:s8+$0xFFFFFFE0]  }
0x23c: {  	[tilespmem:s7+$0x60] =	vst v3;
	v3 =	vld [tilespmem:s10+$0xFFFFFFB0];
	v4 =	vadd.f32 v6, v4  }
0x23d: {  	v6 =	vld [tilespmem:s11+$0xFFFFFF90]  }
0x23e: {  	[tilespmem:s11+$0x0] =	vst v4;
	v4 =	vld [tilespmem:s11+$0x10];
	v5 =	vadd.f32 v5, v10  }
0x23f: {  	v10 =	vld [tilespmem:s2+$0x10]  }
0x240: {  	v11 =	vld [tilespmem:s12+$0x70];
	[tilespmem:s8+$0x40] =	vst v5  }
0x241: {  	v3 =	vadd.f32 v3, v7;
	v7 =	vld [tilespmem:s10+$0x50]  }
0x242: {  	[tilespmem:s7+$0xFFFFFFD0] =	vst v2;
	v2 =	vld [tilespmem:s8+$0xFFFFFFF0]  }
0x243: {  	v14 =	vld [tilespmem:s12+$0xFFFFFFE0];
	[tilespmem:s8+$0xFFFFFFB0] =	vst v3;
	v6 =	vadd.f32 v15, v6  }
0x244: {  	v3 =	vadd.f32 v10, v4;
	v10 =	vld [tilespmem:s10+$0xFFFFFFC0]  }
0x245: {  	[tilespmem:s11+$0xFFFFFF90] =	vst v6;
	v6 =	vld [tilespmem:s11+$0xFFFFFFE0]  }
0x246: {  	v5 =	vld [tilespmem:s11+$0xFFFFFFB0];
	[tilespmem:s11+$0x10] =	vst v3;
	v3 =	vadd.f32 v7, v17  }
0x247: {  	v7 =	vld [tilespmem:s11+$0x20]  }
0x248: {  	v15 =	vld [tilespmem:s2+$0x20];
	[tilespmem:s8+$0x50] =	vst v3  }
0x249: {  	v10 =	vadd.f32 v10, v12;
	v12 =	vld [tilespmem:s10+$0x60]  }
0x24a: {  	v61 =	vld [tilespmem:s2+$0xFFFFFFA0]  }
0x24b: {  	v4 =	vld [tilespmem:s11+$0xFFFFFFC0];
	[tilespmem:s8+$0xFFFFFFC0] =	vst v10  }
0x24c: {  	v10 =	vld [tilespmem:s10+$0xFFFFFFD0]  }
0x24d: {  	v3 =	vld [tilespmem:s11+$0xFFFFFFD0];
	v7 =	vadd.f32 v15, v7  }
0x24e: {  	v15 =	vld [tilespmem:s8+$0x70];
	v12 =	vadd.f32 v12, v18  }
0x24f: {  	[tilespmem:s11+$0x20] =	vst v7;
	v7 =	vadd.f32 v14, v8;
	v14 =	vld [tilespmem:s11+$0x30]  }
0x250: {  	v8 =	vadd.f32 v61, v60;
	v62 =	vld [tilespmem:s2+$0x30];
	[tilespmem:s8+$0x60] =	vst v12  }
0x251: {  	[tilespmem:s7+$0xFFFFFFE0] =	vst v7;
	v7 =	vadd.f32 v10, v13;
	v63 =	vld [tilespmem:s10+$0x70]  }
0x252: {  	[tilespmem:s11+$0xFFFFFFA0] =	vst v8;
	v8 =	vld [tilespmem:s12+$0xFFFFFFF0]  }
0x253: {  	v12 =	vld [tilespmem:s2+$0xFFFFFFB0];
	[tilespmem:s8+$0xFFFFFFD0] =	vst v7  }
0x254: {  	v10 =	vadd.f32 v11, v9;
	v9 =	vld [tilespmem:s10+$0xFFFFFFE0]  }
0x255: {  	v7 =	vld [tilespmem:s11+$0xFFFFFFF0];
	v13 =	vadd.f32 v62, v14  }
0x256: {  	s0 =	simm.s32 $0x4;
	s13 =	simm.s32 $0x5280;
	s12 =	simm.s32 $0x7980;
	[tilespmem:s7+$0x70] =	vst v10;
	v10 =	vld [tilespmem:s11+$0x40];
	v11 =	vadd.f32 v63, v15  }
.LBB2_10:
0x257: {  	v14 =	vld [tilespmem:s13+$0x0];
	[tilespmem:s11+$0x30] =	vst v13;
	s2 =	sadd.s32 $0x100, s2;
	v8 =	vadd.f32 v8, v0;
	v0 =	vmov v2  }
0x258: {  	v13 =	vld [tilespmem:s2+$0x0];
	v12 =	vadd.f32 v12, v5;
	[tilespmem:s8+$0x70] =	vst v11  }
0x259: {  	s0 =	sadd.s32 $0x2, s0;
	v5 =	vld [tilespmem:s12+$0x40];
	v9 =	vadd.f32 v9, v1;
	[tilespmem:s7+$0xFFFFFFF0] =	vst v8;
	v1 =	vmov v6;
	s7 =	smov.u32 s8;
	s8 =	smov.u32 s11  }
0x25a: {  	p0 =	slt.u32 s0, $0x4E;
	s11 =	smov.u32 s13;
	v6 =	vld [tilespmem:s2+$0xFFFFFF80];
	[tilespmem:s8+$0xFFFFFFB0] =	vst v12;
	v2 =	vmov v7  }
0x25b: {  	v7 =	vld [tilespmem:s13+$0xFFFFFF80];
	[tilespmem:s7+$0xFFFFFFE0] =	vst v9  }
0x25c: {  	v8 =	vld [tilespmem:s13+$0xFFFFFF90]  }
0x25d: {  	v9 =	vld [tilespmem:s13+$0xFFFFFFA0];
	v11 =	vadd.f32 v13, v14  }
0x25e: {  	v5 =	vadd.f32 v5, v10;
	v10 =	vld [tilespmem:s8+$0x50]  }
0x25f: {  	[tilespmem:s13+$0x0] =	vst v11;
	v11 =	vld [tilespmem:s13+$0x10]  }
0x260: {  	v6 =	vadd.f32 v6, v7;
	v7 =	vld [tilespmem:s2+$0x10];
	[tilespmem:s8+$0x40] =	vst v5  }
0x261: {  	v12 =	vld [tilespmem:s12+$0x50]  }
0x262: {  	[tilespmem:s13+$0xFFFFFF80] =	vst v6;
	v5 =	vld [tilespmem:s13+$0xFFFFFFB0]  }
0x263: {  	v6 =	vld [tilespmem:s2+$0xFFFFFF90]  }
0x264: {  	v13 =	vld [tilespmem:s12+$0xFFFFFFC0]  }
0x265: {  	v14 =	vld [tilespmem:s13+$0xFFFFFFC0];
	v7 =	vadd.f32 v7, v11  }
0x266: {  	v10 =	vadd.f32 v12, v10;
	v11 =	vld [tilespmem:s8+$0x60]  }
0x267: {  	[tilespmem:s13+$0x10] =	vst v7;
	v7 =	vld [tilespmem:s13+$0x20]  }
0x268: {  	v6 =	vadd.f32 v6, v8;
	v8 =	vld [tilespmem:s2+$0x20];
	[tilespmem:s8+$0x50] =	vst v10  }
0x269: {  	v10 =	vadd.f32 v13, v4;
	v12 =	vld [tilespmem:s12+$0x60]  }
0x26a: {  	[tilespmem:s13+$0xFFFFFF90] =	vst v6;
	v13 =	vld [tilespmem:s13+$0xFFFFFFD0];
	v4 =	vmov v14  }
0x26b: {  	v14 =	vld [tilespmem:s2+$0xFFFFFFA0];
	[tilespmem:s8+$0xFFFFFFC0] =	vst v10  }
0x26c: {  	v10 =	vld [tilespmem:s12+$0xFFFFFFD0]  }
0x26d: {  	v6 =	vld [tilespmem:s13+$0xFFFFFFE0];
	v7 =	vadd.f32 v8, v7  }
0x26e: {  	v8 =	vadd.f32 v12, v11;
	v11 =	vld [tilespmem:s8+$0x70]  }
0x26f: {  	[tilespmem:s13+$0x20] =	vst v7;
	v15 =	vld [tilespmem:s13+$0x30]  }
0x270: {  	v7 =	vadd.f32 v14, v9;
	v14 =	vld [tilespmem:s2+$0x30];
	[tilespmem:s8+$0x60] =	vst v8  }
0x271: {  	v9 =	vadd.f32 v10, v3;
	v16 =	vld [tilespmem:s12+$0x70];
	v3 =	vmov v13  }
.Ltmp4:
0x272: {  	[tilespmem:s13+$0xFFFFFFA0] =	vst v7;
	v8 =	vld [tilespmem:s10+$0xFFFFFFF0];
	s10 =	smov.u32 s12;
	s12 =	smov.u32 s2;
	(pc) =	sbr.rel @p0 .LBB2_10-.Ltmp4, $4  }
0x273: {  	v12 =	vld [tilespmem:s2+$0xFFFFFFB0];
	[tilespmem:s8+$0xFFFFFFD0] =	vst v9  }
0x274: {  	v9 =	vld [tilespmem:s10+$0xFFFFFFE0]  }
0x275: {  	v7 =	vld [tilespmem:s13+$0xFFFFFFF0];
	v13 =	vadd.f32 v14, v15  }
0x276: {  	s13 =	sadd.s32 $0x100, s13;
	v10 =	vld [tilespmem:s11+$0x40];
	v11 =	vadd.f32 v16, v11  }
0x277: {  	_ = 	snop  }
0x278: {  	[tilespmem:s11+$0x30] =	vst v13;
	v5 =	vadd.f32 v12, v5  }
0x279: {  	v12 =	vld [tilespmem:s12+$0x40]  }
0x27a: {  	[tilespmem:s11+$0xFFFFFFB0] =	vst v5  }
0x27b: {  	v5 =	vld [tilespmem:s12+$0xFFFFFFC0];
	_ =	sdelay $0x2  }
0x27c: {  	v10 =	vadd.f32 v12, v10;
	_ =	sdelay $0x1  }
0x27d: {  	v12 =	vld [tilespmem:s11+$0x50];
	[tilespmem:s11+$0x40] =	vst v10;
	v4 =	vadd.f32 v5, v4  }
0x27e: {  	v5 =	vld [tilespmem:s12+$0x50]  }
0x27f: {  	[tilespmem:s11+$0xFFFFFFC0] =	vst v4  }
0x280: {  	v4 =	vld [tilespmem:s12+$0xFFFFFFD0];
	_ =	sdelay $0x2  }
0x281: {  	v5 =	vadd.f32 v5, v12;
	_ =	sdelay $0x1  }
0x282: {  	v10 =	vld [tilespmem:s11+$0x60];
	[tilespmem:s11+$0x50] =	vst v5;
	v3 =	vadd.f32 v4, v3  }
0x283: {  	v4 =	vld [tilespmem:s12+$0x60]  }
0x284: {  	[tilespmem:s11+$0xFFFFFFD0] =	vst v3  }
0x285: {  	v3 =	vld [tilespmem:s12+$0xFFFFFFE0];
	_ =	sdelay $0x2  }
0x286: {  	v4 =	vadd.f32 v4, v10  }
0x287: {  	v1 =	vadd.f32 v9, v1  }
0x288: {  	v5 =	vld [tilespmem:s11+$0x70];
	[tilespmem:s11+$0x60] =	vst v4;
	v3 =	vadd.f32 v3, v6  }
0x289: {  	[tilespmem:s8+$0xFFFFFFE0] =	vst v1;
	v1 =	vld [tilespmem:s12+$0x70]  }
0x28a: {  	v4 =	vld [tilespmem:s10+$0xFFFFFFF0];
	[tilespmem:s11+$0xFFFFFFE0] =	vst v3  }
0x28b: {  	v3 =	vld [tilespmem:s12+$0xFFFFFFF0];
	_ =	sdelay $0x1  }
0x28c: {  	v0 =	vadd.f32 v8, v0  }
0x28d: {  	[tilespmem:s8+$0x70] =	vst v11;
	v1 =	vadd.f32 v1, v5  }
0x28e: {  	[tilespmem:s7+$0xFFFFFFF0] =	vst v0;
	v0 =	vadd.f32 v4, v2  }
0x28f: {  	[tilespmem:s11+$0x70] =	vst v1;
	v1 =	vadd.f32 v3, v7  }
0x290: {  	[tilespmem:s8+$0xFFFFFFF0] =	vst v0  }
0x291: {  	[tilespmem:s11+$0xFFFFFFF0] =	vst v1  }
0x292: {  	s14 =	simm.s32 $0xA;
	s0 =	rddreg [dreg:$0x6]  }
0x293: {  	[hbm4b:s0+s4] =	stream.linear.scatter [tilespmem:s16], [sflag:$0xA], $0x2800, $0x38;
	[tilespmem:$0x13F00] =	vst v63  }
0x294: {  	_ =	swait.ge [sflag:s14], $0x2800  }
0x295: {  	[sflag:s14] =	ssyncset.done $0x0  }
0x296: {  	[sflag:s14] =	ssyncadd.s32 $0xFFFFD800  }
0x297: {  	_ =	swait.ge [sflag:s26], $0x2800  }
0x298: {  	[sflag:s26] =	ssyncset.done $0x0  }
0x299: {  	[sflag:s26] =	ssyncadd.s32 $0xFFFFD800  }
0x29a: {  	_ =	swait.ge [sflag:s28], $0x2800  }
0x29b: {  	[sflag:s28] =	ssyncset.done $0x0  }
0x29c: {  	s7 =	simm.s32 $0x9F80;
	[sflag:s28] =	ssyncadd.s32 $0xFFFFD800  }
0x29d: {  	s22 =	simm.s32 $0xC780;
	v0 =	vld [tilespmem:s7+$0x0]  }
0x29e: {  	v1 =	vld [tilespmem:s22+$0x0];
	_ =	sdelay $0x3  }
0x29f: {  	v2 =	vld [tilespmem:s7+$0xFFFFFF80]  }
0x2a0: {  	v0 =	vadd.f32 v1, v0;
	v1 =	vld [tilespmem:s22+$0xFFFFFF80];
	_ =	sdelay $0x1  }
0x2a1: {  	[tilespmem:s7+$0x0] =	vst v0;
	v0 =	vld [tilespmem:s7+$0x10]  }
0x2a2: {  	v3 =	vld [tilespmem:s22+$0x10];
	_ =	sdelay $0x1  }
0x2a3: {  	v1 =	vadd.f32 v1, v2;
	_ =	sdelay $0x1  }
0x2a4: {  	v4 =	vld [tilespmem:s7+$0xFFFFFF90];
	[tilespmem:s7+$0xFFFFFF80] =	vst v1  }
0x2a5: {  	v0 =	vadd.f32 v3, v0;
	v1 =	vld [tilespmem:s22+$0xFFFFFF90];
	_ =	sdelay $0x1  }
0x2a6: {  	[tilespmem:s7+$0x10] =	vst v0;
	v0 =	vld [tilespmem:s7+$0x20]  }
0x2a7: {  	v3 =	vld [tilespmem:s22+$0x20]  }
0x2a8: {  	v5 =	vld [tilespmem:s7+$0xFFFFFFB0]  }
0x2a9: {  	s8 =	simm.s32 $0xA080;
	v6 =	vld [tilespmem:s7+$0xFFFFFFD0];
	v1 =	vadd.f32 v1, v4  }
0x2aa: {  	v7 =	vld [tilespmem:s8+$0x0]  }
0x2ab: {  	v2 =	vld [tilespmem:s7+$0xFFFFFFA0];
	[tilespmem:s7+$0xFFFFFF90] =	vst v1  }
0x2ac: {  	v0 =	vadd.f32 v3, v0;
	v1 =	vld [tilespmem:s22+$0xFFFFFFA0]  }
0x2ad: {  	v8 =	vld [tilespmem:s7+$0xFFFFFFE0]  }
0x2ae: {  	[tilespmem:s7+$0x20] =	vst v0;
	v0 =	vld [tilespmem:s7+$0x30]  }
0x2af: {  	s10 =	simm.s32 $0xC880;
	v3 =	vld [tilespmem:s22+$0x30]  }
0x2b0: {  	v10 =	vld [tilespmem:s10+$0xFFFFFF80]  }
0x2b1: {  	v1 =	vadd.f32 v1, v2;
	v2 =	vld [tilespmem:s10+$0x0]  }
0x2b2: {  	v12 =	vld [tilespmem:s8+$0xFFFFFF90]  }
0x2b3: {  	s2 =	simm.s32 $0xC980;
	v13 =	vld [tilespmem:s8+$0xFFFFFFD0]  }
0x2b4: {  	v15 =	vld [tilespmem:s2+$0xFFFFFF80];
	v0 =	vadd.f32 v3, v0  }
0x2b5: {  	[tilespmem:s7+$0xFFFFFFA0] =	vst v1;
	v1 =	vld [tilespmem:s7+$0x40]  }
0x2b6: {  	[tilespmem:s7+$0x30] =	vst v0;
	v2 =	vadd.f32 v2, v7;
	v7 =	vld [tilespmem:s8+$0xFFFFFF80]  }
0x2b7: {  	s11 =	simm.s32 $0xA180;
	v9 =	vld [tilespmem:s22+$0x40]  }
0x2b8: {  	v16 =	vld [tilespmem:s11+$0xFFFFFF80]  }
0x2b9: {  	v3 =	vld [tilespmem:s22+$0xFFFFFFB0]  }
0x2ba: {  	v17 =	vld [tilespmem:s8+$0x50]  }
0x2bb: {  	[tilespmem:s8+$0x0] =	vst v2;
	v2 =	vld [tilespmem:s8+$0x10];
	v7 =	vadd.f32 v10, v7  }
0x2bc: {  	v11 =	vld [tilespmem:s10+$0x10];
	v1 =	vadd.f32 v9, v1  }
0x2bd: {  	v9 =	vld [tilespmem:s7+$0x50];
	[tilespmem:s8+$0xFFFFFF80] =	vst v7  }
0x2be: {  	[tilespmem:s7+$0x40] =	vst v1;
	v1 =	vadd.f32 v3, v5;
	v5 =	vld [tilespmem:s10+$0xFFFFFF90]  }
0x2bf: {  	v3 =	vld [tilespmem:s22+$0x50]  }
0x2c0: {  	v60 =	vld [tilespmem:s11+$0xFFFFFFA0]  }
0x2c1: {  	v4 =	vld [tilespmem:s7+$0xFFFFFFC0];
	v2 =	vadd.f32 v11, v2;
	[tilespmem:s7+$0xFFFFFFB0] =	vst v1  }
0x2c2: {  	v1 =	vld [tilespmem:s22+$0xFFFFFFC0]  }
0x2c3: {  	[tilespmem:s8+$0x10] =	vst v2;
	v2 =	vld [tilespmem:s8+$0x20]  }
0x2c4: {  	v5 =	vadd.f32 v5, v12;
	v3 =	vadd.f32 v3, v9;
	v9 =	vld [tilespmem:s10+$0x20]  }
0x2c5: {  	v18 =	vld [tilespmem:s8+$0x60];
	v15 =	vadd.f32 v15, v16  }
0x2c6: {  	v10 =	vld [tilespmem:s8+$0xFFFFFFA0];
	[tilespmem:s8+$0xFFFFFF90] =	vst v5  }
0x2c7: {  	[tilespmem:s11+$0xFFFFFF80] =	vst v15;
	v1 =	vadd.f32 v1, v4;
	v4 =	vld [tilespmem:s10+$0xFFFFFFA0]  }
0x2c8: {  	v15 =	vld [tilespmem:s2+$0xFFFFFF90]  }
0x2c9: {  	v0 =	vld [tilespmem:s7+$0xFFFFFFF0];
	[tilespmem:s7+$0xFFFFFFC0] =	vst v1;
	v1 =	vadd.f32 v9, v2  }
0x2ca: {  	v7 =	vld [tilespmem:s8+$0xFFFFFFB0]  }
0x2cb: {  	v5 =	vld [tilespmem:s8+$0x30];
	[tilespmem:s8+$0x20] =	vst v1  }
0x2cc: {  	v4 =	vadd.f32 v4, v10;
	v10 =	vld [tilespmem:s10+$0x30]  }
0x2cd: {  	v2 =	vld [tilespmem:s22+$0xFFFFFFD0]  }
0x2ce: {  	v11 =	vld [tilespmem:s7+$0x60]  }
0x2cf: {  	v12 =	vld [tilespmem:s8+$0xFFFFFFC0];
	[tilespmem:s7+$0x50] =	vst v3  }
0x2d0: {  	v3 =	vld [tilespmem:s22+$0x60]  }
0x2d1: {  	[tilespmem:s8+$0xFFFFFFA0] =	vst v4;
	v4 =	vld [tilespmem:s11+$0x0];
	v5 =	vadd.f32 v10, v5  }
0x2d2: {  	v2 =	vadd.f32 v2, v6;
	v6 =	vld [tilespmem:s2+$0x0]  }
0x2d3: {  	v10 =	vld [tilespmem:s8+$0x40];
	[tilespmem:s8+$0x30] =	vst v5  }
0x2d4: {  	v5 =	vld [tilespmem:s10+$0x40]  }
0x2d5: {  	v9 =	vld [tilespmem:s7+$0x70];
	v3 =	vadd.f32 v3, v11  }
0x2d6: {  	v1 =	vld [tilespmem:s8+$0xFFFFFFE0]  }
0x2d7: {  	[tilespmem:s7+$0x60] =	vst v3;
	v3 =	vld [tilespmem:s10+$0xFFFFFFB0];
	v4 =	vadd.f32 v6, v4  }
0x2d8: {  	v6 =	vld [tilespmem:s11+$0xFFFFFF90]  }
0x2d9: {  	[tilespmem:s11+$0x0] =	vst v4;
	v4 =	vld [tilespmem:s11+$0x10];
	v5 =	vadd.f32 v5, v10  }
0x2da: {  	v10 =	vld [tilespmem:s2+$0x10]  }
0x2db: {  	v11 =	vld [tilespmem:s22+$0x70];
	[tilespmem:s8+$0x40] =	vst v5  }
0x2dc: {  	v3 =	vadd.f32 v3, v7;
	v7 =	vld [tilespmem:s10+$0x50]  }
0x2dd: {  	[tilespmem:s7+$0xFFFFFFD0] =	vst v2;
	v2 =	vld [tilespmem:s8+$0xFFFFFFF0]  }
0x2de: {  	v14 =	vld [tilespmem:s22+$0xFFFFFFE0];
	[tilespmem:s8+$0xFFFFFFB0] =	vst v3;
	v6 =	vadd.f32 v15, v6  }
0x2df: {  	v3 =	vadd.f32 v10, v4;
	v10 =	vld [tilespmem:s10+$0xFFFFFFC0]  }
0x2e0: {  	[tilespmem:s11+$0xFFFFFF90] =	vst v6;
	v6 =	vld [tilespmem:s11+$0xFFFFFFE0]  }
0x2e1: {  	v5 =	vld [tilespmem:s11+$0xFFFFFFB0];
	[tilespmem:s11+$0x10] =	vst v3;
	v3 =	vadd.f32 v7, v17  }
0x2e2: {  	v7 =	vld [tilespmem:s11+$0x20]  }
0x2e3: {  	v15 =	vld [tilespmem:s2+$0x20];
	[tilespmem:s8+$0x50] =	vst v3  }
0x2e4: {  	v10 =	vadd.f32 v10, v12;
	v12 =	vld [tilespmem:s10+$0x60]  }
0x2e5: {  	v61 =	vld [tilespmem:s2+$0xFFFFFFA0]  }
0x2e6: {  	v4 =	vld [tilespmem:s11+$0xFFFFFFC0];
	[tilespmem:s8+$0xFFFFFFC0] =	vst v10  }
0x2e7: {  	v10 =	vld [tilespmem:s10+$0xFFFFFFD0]  }
0x2e8: {  	v3 =	vld [tilespmem:s11+$0xFFFFFFD0];
	v7 =	vadd.f32 v15, v7  }
0x2e9: {  	v15 =	vld [tilespmem:s8+$0x70];
	v12 =	vadd.f32 v12, v18  }
0x2ea: {  	[tilespmem:s11+$0x20] =	vst v7;
	v7 =	vadd.f32 v14, v8;
	v14 =	vld [tilespmem:s11+$0x30]  }
0x2eb: {  	v8 =	vadd.f32 v61, v60;
	v62 =	vld [tilespmem:s2+$0x30];
	[tilespmem:s8+$0x60] =	vst v12  }
0x2ec: {  	[tilespmem:s7+$0xFFFFFFE0] =	vst v7;
	v7 =	vadd.f32 v10, v13;
	v63 =	vld [tilespmem:s10+$0x70]  }
0x2ed: {  	[tilespmem:s11+$0xFFFFFFA0] =	vst v8;
	v8 =	vld [tilespmem:s22+$0xFFFFFFF0]  }
0x2ee: {  	v12 =	vld [tilespmem:s2+$0xFFFFFFB0];
	[tilespmem:s8+$0xFFFFFFD0] =	vst v7  }
0x2ef: {  	v10 =	vadd.f32 v11, v9;
	v9 =	vld [tilespmem:s10+$0xFFFFFFE0]  }
0x2f0: {  	v7 =	vld [tilespmem:s11+$0xFFFFFFF0];
	v13 =	vadd.f32 v62, v14  }
0x2f1: {  	s13 =	simm.s32 $0xA280;
	s12 =	simm.s32 $0xC980;
	s0 =	simm.s32 $0x4;
	[tilespmem:s7+$0x70] =	vst v10;
	v10 =	vld [tilespmem:s11+$0x40];
	v11 =	vadd.f32 v63, v15  }
.LBB2_12:
0x2f2: {  	v14 =	vld [tilespmem:s13+$0x0];
	[tilespmem:s11+$0x30] =	vst v13;
	s2 =	sadd.s32 $0x100, s2;
	v8 =	vadd.f32 v8, v0;
	v0 =	vmov v2  }
0x2f3: {  	v13 =	vld [tilespmem:s2+$0x0];
	v12 =	vadd.f32 v12, v5;
	[tilespmem:s8+$0x70] =	vst v11  }
0x2f4: {  	s0 =	sadd.s32 $0x2, s0;
	v5 =	vld [tilespmem:s12+$0x40];
	v9 =	vadd.f32 v9, v1;
	[tilespmem:s7+$0xFFFFFFF0] =	vst v8;
	v1 =	vmov v6;
	s7 =	smov.u32 s8;
	s8 =	smov.u32 s11  }
0x2f5: {  	p0 =	slt.u32 s0, $0x4E;
	s11 =	smov.u32 s13;
	v6 =	vld [tilespmem:s2+$0xFFFFFF80];
	[tilespmem:s8+$0xFFFFFFB0] =	vst v12;
	v2 =	vmov v7  }
0x2f6: {  	v7 =	vld [tilespmem:s13+$0xFFFFFF80];
	[tilespmem:s7+$0xFFFFFFE0] =	vst v9  }
0x2f7: {  	v8 =	vld [tilespmem:s13+$0xFFFFFF90]  }
0x2f8: {  	v9 =	vld [tilespmem:s13+$0xFFFFFFA0];
	v11 =	vadd.f32 v13, v14  }
0x2f9: {  	v5 =	vadd.f32 v5, v10;
	v10 =	vld [tilespmem:s8+$0x50]  }
0x2fa: {  	[tilespmem:s13+$0x0] =	vst v11;
	v11 =	vld [tilespmem:s13+$0x10]  }
0x2fb: {  	v6 =	vadd.f32 v6, v7;
	v7 =	vld [tilespmem:s2+$0x10];
	[tilespmem:s8+$0x40] =	vst v5  }
0x2fc: {  	v12 =	vld [tilespmem:s12+$0x50]  }
0x2fd: {  	[tilespmem:s13+$0xFFFFFF80] =	vst v6;
	v5 =	vld [tilespmem:s13+$0xFFFFFFB0]  }
0x2fe: {  	v6 =	vld [tilespmem:s2+$0xFFFFFF90]  }
0x2ff: {  	v13 =	vld [tilespmem:s12+$0xFFFFFFC0]  }
0x300: {  	v14 =	vld [tilespmem:s13+$0xFFFFFFC0];
	v7 =	vadd.f32 v7, v11  }
0x301: {  	v10 =	vadd.f32 v12, v10;
	v11 =	vld [tilespmem:s8+$0x60]  }
0x302: {  	[tilespmem:s13+$0x10] =	vst v7;
	v7 =	vld [tilespmem:s13+$0x20]  }
0x303: {  	v6 =	vadd.f32 v6, v8;
	v8 =	vld [tilespmem:s2+$0x20];
	[tilespmem:s8+$0x50] =	vst v10  }
0x304: {  	v10 =	vadd.f32 v13, v4;
	v12 =	vld [tilespmem:s12+$0x60]  }
0x305: {  	[tilespmem:s13+$0xFFFFFF90] =	vst v6;
	v13 =	vld [tilespmem:s13+$0xFFFFFFD0];
	v4 =	vmov v14  }
0x306: {  	v14 =	vld [tilespmem:s2+$0xFFFFFFA0];
	[tilespmem:s8+$0xFFFFFFC0] =	vst v10  }
0x307: {  	v10 =	vld [tilespmem:s12+$0xFFFFFFD0]  }
0x308: {  	v6 =	vld [tilespmem:s13+$0xFFFFFFE0];
	v7 =	vadd.f32 v8, v7  }
0x309: {  	v8 =	vadd.f32 v12, v11;
	v11 =	vld [tilespmem:s8+$0x70]  }
0x30a: {  	[tilespmem:s13+$0x20] =	vst v7;
	v15 =	vld [tilespmem:s13+$0x30]  }
0x30b: {  	v7 =	vadd.f32 v14, v9;
	v14 =	vld [tilespmem:s2+$0x30];
	[tilespmem:s8+$0x60] =	vst v8  }
0x30c: {  	v9 =	vadd.f32 v10, v3;
	v16 =	vld [tilespmem:s12+$0x70];
	v3 =	vmov v13  }
.Ltmp5:
0x30d: {  	[tilespmem:s13+$0xFFFFFFA0] =	vst v7;
	v8 =	vld [tilespmem:s10+$0xFFFFFFF0];
	s10 =	smov.u32 s12;
	s12 =	smov.u32 s2;
	(pc) =	sbr.rel @p0 .LBB2_12-.Ltmp5, $4  }
0x30e: {  	v12 =	vld [tilespmem:s2+$0xFFFFFFB0];
	[tilespmem:s8+$0xFFFFFFD0] =	vst v9  }
0x30f: {  	v9 =	vld [tilespmem:s10+$0xFFFFFFE0]  }
0x310: {  	v7 =	vld [tilespmem:s13+$0xFFFFFFF0];
	v13 =	vadd.f32 v14, v15  }
0x311: {  	s13 =	sadd.s32 $0x100, s13;
	v10 =	vld [tilespmem:s11+$0x40];
	v11 =	vadd.f32 v16, v11  }
0x312: {  	_ = 	snop  }
0x313: {  	v5 =	vadd.f32 v12, v5  }
0x314: {  	[tilespmem:s11+$0x30] =	vst v13  }
0x315: {  	v54 =	vld [tilespmem:s12+$0x40];
	[tilespmem:s11+$0xFFFFFFB0] =	vst v5  }
0x316: {  	v5 =	vld [tilespmem:s12+$0xFFFFFFC0];
	_ =	sdelay $0x3  }
0x317: {  	v10 =	vadd.f32 v54, v10  }
0x318: {  	v4 =	vadd.f32 v5, v4  }
0x319: {  	v55 =	vld [tilespmem:s11+$0x50];
	[tilespmem:s11+$0x40] =	vst v10  }
0x31a: {  	v56 =	vld [tilespmem:s12+$0x50];
	[tilespmem:s11+$0xFFFFFFC0] =	vst v4  }
0x31b: {  	v4 =	vld [tilespmem:s12+$0xFFFFFFD0];
	_ =	sdelay $0x3  }
0x31c: {  	v5 =	vadd.f32 v56, v55  }
0x31d: {  	v3 =	vadd.f32 v4, v3  }
0x31e: {  	v57 =	vld [tilespmem:s11+$0x60];
	[tilespmem:s11+$0x50] =	vst v5  }
0x31f: {  	v58 =	vld [tilespmem:s12+$0x60];
	[tilespmem:s11+$0xFFFFFFD0] =	vst v3  }
0x320: {  	v3 =	vld [tilespmem:s12+$0xFFFFFFE0];
	_ =	sdelay $0x2  }
0x321: {  	v1 =	vadd.f32 v9, v1  }
0x322: {  	v4 =	vadd.f32 v58, v57  }
0x323: {  	v59 =	vld [tilespmem:s11+$0x70];
	[tilespmem:s8+$0xFFFFFFE0] =	vst v1;
	v3 =	vadd.f32 v3, v6  }
0x324: {  	v61 =	vld [tilespmem:s10+$0xFFFFFFF0];
	[tilespmem:s11+$0x60] =	vst v4  }
0x325: {  	v60 =	vld [tilespmem:s12+$0x70];
	[tilespmem:s11+$0xFFFFFFE0] =	vst v3  }
0x326: {  	v3 =	vld [tilespmem:s12+$0xFFFFFFF0];
	_ =	sdelay $0x1  }
0x327: {  	v0 =	vadd.f32 v8, v0  }
0x328: {  	[tilespmem:s8+$0x70] =	vst v11;
	v62 =	vadd.f32 v61, v2  }
0x329: {  	[tilespmem:s7+$0xFFFFFFF0] =	vst v0;
	v1 =	vadd.f32 v60, v59  }
0x32a: {  	[tilespmem:s8+$0xFFFFFFF0] =	vst v62;
	v63 =	vadd.f32 v3, v7  }
0x32b: {  	[tilespmem:s11+$0x70] =	vst v1  }
0x32c: {  	[tilespmem:s11+$0xFFFFFFF0] =	vst v63  }
0x32d: {  	s0 =	rddreg [dreg:$0x7]  }
0x32e: {  	[hbm4b:s0+s4] =	stream.linear.scatter [tilespmem:s18], [sflag:$0xA], $0x2800, $0x38;
	[tilespmem:$0x13F00] =	vst v63  }
0x32f: {  	_ =	swait.ge [sflag:s14], $0x2800  }
0x330: {  	[sflag:s14] =	ssyncset.done $0x0  }
0x331: {  	s2 =	simm.s32 $0x9;
	[sflag:s14] =	ssyncadd.s32 $0xFFFFD800  }
0x332: {  	_ =	swait.ge [sflag:s2], $0x2800  }
0x333: {  	s19 =	rddreg [dreg:$0x9]  }
0x334: {  	s22 =	rddreg [dreg:$0x8];
	s7 =	sadd.s32 $0x1, s19  }
0x335: {  	p0 =	sne.s32 s7, s22  }
.Ltmp6:
0x336: {  	_ = 	snop;
	(pc) =	sbr.rel @p0 .LBB2_1-.Ltmp6, $3  }
0x337: {  	_ =	sdelay $0x1  }
0x338: {  	[sflag:s2] =	ssyncset.done $0x0  }
0x339: {  	[sflag:s2] =	ssyncadd.s32 $0xFFFFD800  }
0x33a: {  	_ =	sfence.sel $0x180000  }
0x33b: {  	[bflag:$0x0] =	sbarrier.arrive $0xFFFF  }
0x33c: {  	_ =	strace $0x90000047  }
0x33d: {  	s0 =	stileid.u32;
	[bflag:$0x2] =	sbarrier.arrive $0xFFFF  }
0x33e: {  	p0 =	sne.s32 s0, $0x0;
	s0 =	rddreg [dreg:$0x3]  }
0x33f: {  	s0 =	sadd.s32 @!p0 $0x100000, s0  }
0x340: {  	[sflag:s0] =	ssyncadd.tile.s32 @!p0 $0x1;
	_ =	shalt  }
.Lfunc_end2:
_tile_overlayer_lowered:
.L_overlay_start_2:
0x341: {  	(tag) =	ssettag $0x2  }
0x342: {  	s0 =	rddreg [dreg:$0x0];
	s2 =	stileid.u32  }
0x343: {  	s1 =	rddreg [dreg:$0x1];
	p0 =	sne.s32 s2, $0x0  }
0x344: {  	s3 =	rddreg [dreg:$0x2];
	[bflag:$0x3] =	sbarrier.arrive $0xFFFF;
	s2 =	simm.s32 @!p0 $0x1C0A  }
0x345: {  	[timem:s3], [sflag:s2] =	dma.local @!p0 [hbm:s0], s1  }
0x346: {  	s0 =	simm.s32 @!p0 $0xA  }
0x347: {  	_ =	swait.ge @!p0 [sflag:s0], s1  }
0x348: {  	s1 =	ssub.s32 @!p0 $0x0, s1;
	[sflag:s0] =	ssyncset.done @!p0 $0x0  }
0x349: {  	[sflag:s0] =	ssyncadd.s32 @!p0 s1  }
0x34a: {  	[bflag:$0x3] =	sbarrier.arrive $0xFFFF  }
0x34b: {  	_ =	shalt  }

</sc_bundles>
